<compile_context>
chip_gen: v7x
topology: tpu7x:2x2x1
jax: 0.10.2.dev20260603
libtpu: 0.0.44.dev20260713+nightly
codegen_flags: <defaults>
</compile_context>

<pallas_src>
import functools

import jax
import jax.numpy as jnp
from jax import lax
from jax.experimental import pallas as pl
from jax.experimental.pallas import tpu as pltpu
from jax.experimental.pallas import tpu_sc as plsc

E = 8
K = 2
H = 1024
I = 2048
T = 2048
S = T * K
BT = 256
BI = 512
NI = I // BI
NTS = S // BT

NWK = NTS + E - 1

NC = 2
NS = 16
NW = NC * NS
TOK_W = T // NW
CC = 32



def _route_body(lg_ref, p0_ref, p1_ref, g0b_ref, g1b_ref, off_ref, cnt_ref,
                we_ref, wts_ref, wlo_ref, wln_ref):
    logits = lg_ref[...]
    probs = jax.nn.softmax(logits, axis=-1)
    iota = lax.broadcasted_iota(jnp.int32, (T, E), 1)
    m0 = jnp.max(probs, axis=-1, keepdims=True)
    i0 = jnp.min(jnp.where(probs == m0, iota, E), axis=-1, keepdims=True)
    pm = jnp.where(iota == i0, -jnp.inf, probs)
    m1 = jnp.max(pm, axis=-1, keepdims=True)
    i1 = jnp.min(jnp.where(pm == m1, iota, E), axis=-1, keepdims=True)
    den = m0 + m1
    g0 = m0 / den
    g1 = m1 / den

    oh0 = iota == i0
    oh1 = iota == i1
    oh0f = oh0.astype(jnp.float32)
    oh1f = oh1.astype(jnp.float32)
    rr = lax.broadcasted_iota(jnp.int32, (T, T), 0)
    cc = lax.broadcasted_iota(jnp.int32, (T, T), 1)
    tril = (rr > cc).astype(jnp.float32)
    hi = lax.Precision.HIGHEST
    rank0m = jnp.dot(tril, oh0f, preferred_element_type=jnp.float32,
                     precision=hi)
    rank1m = jnp.dot(tril, oh1f, preferred_element_type=jnp.float32,
                     precision=hi)
    rank0 = jnp.sum(jnp.where(oh0, rank0m, 0.0), axis=-1).astype(jnp.int32)
    rank1 = jnp.sum(jnp.where(oh1, rank1m, 0.0), axis=-1).astype(jnp.int32)
    cnt0 = jnp.sum(oh0f, axis=0).astype(jnp.int32)
    cnt1 = jnp.sum(oh1f, axis=0).astype(jnp.int32)
    cnt = cnt0 + cnt1
    er = lax.broadcasted_iota(jnp.int32, (E, E), 0)
    ec = lax.broadcasted_iota(jnp.int32, (E, E), 1)
    cntb = jnp.broadcast_to(cnt.reshape(E, 1), (E, E))
    off = jnp.sum(jnp.where(er < ec, cntb, 0), axis=0)
    offb = jnp.broadcast_to(off.reshape(1, E), (T, E))
    cnt0b = jnp.broadcast_to(cnt0.reshape(1, E), (T, E))
    off_tok0 = jnp.sum(jnp.where(oh0, offb, 0), axis=-1)
    off_tok1 = jnp.sum(jnp.where(oh1, offb, 0), axis=-1)
    cnt0_tok1 = jnp.sum(jnp.where(oh1, cnt0b, 0), axis=-1)

    p0_ref[...] = off_tok0 + rank0
    p1_ref[...] = off_tok1 + cnt0_tok1 + rank1
    g0b_ref[...] = jnp.broadcast_to(g0, (T, 16))
    g1b_ref[...] = jnp.broadcast_to(g1, (T, 16))
    off_ref[...] = off
    cnt_ref[...] = cnt

    tsi = lax.broadcasted_iota(jnp.int32, (E, NTS), 1)
    seg_lo = jnp.broadcast_to(off.reshape(E, 1), (E, NTS))
    seg_hi = seg_lo + jnp.broadcast_to(cnt.reshape(E, 1), (E, NTS))
    t_lo = tsi * BT
    t_hi = t_lo + BT
    ov_lo = jnp.maximum(seg_lo, t_lo)
    ov_hi = jnp.minimum(seg_hi, t_hi)
    ov_len = jnp.maximum(ov_hi - ov_lo, 0)
    nz = (ov_len > 0).astype(jnp.int32)
    rowsum = jnp.sum(nz, axis=-1)
    rs_b = jnp.broadcast_to(rowsum.reshape(E, 1), (E, E))
    rowpref = jnp.sum(jnp.where(er < ec, rs_b, 0), axis=0)
    tt_r = lax.broadcasted_iota(jnp.int32, (NTS, NTS), 0)
    tt_c = lax.broadcasted_iota(jnp.int32, (NTS, NTS), 1)
    ltri = (tt_r < tt_c).astype(jnp.float32)
    colpref = jnp.dot(nz.astype(jnp.float32), ltri,
                      preferred_element_type=jnp.float32).astype(jnp.int32)
    itemidx = jnp.broadcast_to(rowpref.reshape(E, 1), (E, NTS)) + colpref

    wiota = lax.broadcasted_iota(jnp.int32, (NWK, NTS), 0)
    we = jnp.zeros((NWK,), jnp.int32)
    wts = jnp.zeros((NWK,), jnp.int32)
    wlo = jnp.zeros((NWK,), jnp.int32)
    wln = jnp.zeros((NWK,), jnp.int32)
    tsrow = lax.broadcasted_iota(jnp.int32, (NWK, NTS), 1)
    for e in range(E):
        match = jnp.logical_and(
            jnp.broadcast_to(itemidx[e].reshape(1, NTS), (NWK, NTS)) == wiota,
            jnp.broadcast_to(nz[e].reshape(1, NTS), (NWK, NTS)) > 0)
        we = we + jnp.sum(jnp.where(match, e, 0), axis=-1)
        wts = wts + jnp.sum(jnp.where(match, tsrow, 0), axis=-1)
        wlo = wlo + jnp.sum(
            jnp.where(match,
                      jnp.broadcast_to(ov_lo[e].reshape(1, NTS), (NWK, NTS)),
                      0), axis=-1)
        wln = wln + jnp.sum(
            jnp.where(match,
                      jnp.broadcast_to(ov_len[e].reshape(1, NTS), (NWK, NTS)),
                      0), axis=-1)
    comp = jnp.where(wln > 0, we * NTS + wts, -1)
    wi_r = lax.broadcasted_iota(jnp.int32, (NWK, NWK), 0)
    wi_c = lax.broadcasted_iota(jnp.int32, (NWK, NWK), 1)
    comp_b = jnp.broadcast_to(comp.reshape(1, NWK), (NWK, NWK))
    runmax = jnp.max(jnp.where(wi_c <= wi_r, comp_b, -1), axis=-1)
    runmax = jnp.maximum(runmax, 0)
    we_ref[...] = runmax // NTS
    wts_ref[...] = runmax % NTS
    wlo_ref[...] = wlo
    wln_ref[...] = wln


def _route(router_logits):
    return pl.pallas_call(
        _route_body,
        out_shape=(
            jax.ShapeDtypeStruct((T,), jnp.int32),
            jax.ShapeDtypeStruct((T,), jnp.int32),
            jax.ShapeDtypeStruct((T, 16), jnp.float32),
            jax.ShapeDtypeStruct((T, 16), jnp.float32),
            jax.ShapeDtypeStruct((E,), jnp.int32),
            jax.ShapeDtypeStruct((E,), jnp.int32),
            jax.ShapeDtypeStruct((NWK,), jnp.int32),
            jax.ShapeDtypeStruct((NWK,), jnp.int32),
            jax.ShapeDtypeStruct((NWK,), jnp.int32),
            jax.ShapeDtypeStruct((NWK,), jnp.int32),
        ),
    )(router_logits)



@functools.lru_cache(maxsize=None)
def _make_dispatch():
    @functools.partial(
        pl.kernel,
        out_type=jax.ShapeDtypeStruct((S, H), jnp.float32),
        mesh=plsc.VectorSubcoreMesh(core_axis_name="c", subcore_axis_name="s"),
        scratch_types=[
            pltpu.VMEM((TOK_W,), jnp.int32),
            pltpu.VMEM((TOK_W,), jnp.int32),
            pltpu.VMEM((TOK_W, H), jnp.float32),
            pltpu.SemaphoreType.DMA,
        ],
    )
    def _dispatch(x_hbm, p0_hbm, p1_hbm, xs_hbm, idx0_v, idx1_v, rows_v, sem):
        wid = lax.axis_index("s") * NC + lax.axis_index("c")
        base = wid * TOK_W
        pltpu.sync_copy(p0_hbm.at[pl.ds(base, TOK_W)], idx0_v)
        pltpu.sync_copy(p1_hbm.at[pl.ds(base, TOK_W)], idx1_v)
        pltpu.sync_copy(x_hbm.at[pl.ds(base, TOK_W)], rows_v)
        pltpu.async_copy(rows_v, xs_hbm.at[idx0_v], sem).wait()
        pltpu.async_copy(rows_v, xs_hbm.at[idx1_v], sem).wait()

    return _dispatch



def _expert_body(we_ref, wts_ref, wlo_ref, wln_ref,
                 xs_ref, wg_ref, wu_ref, wd_ref, ys_ref):
    i = pl.program_id(0)
    w = pl.program_id(1)
    ts = wts_ref[w]
    lo = wlo_ref[w]
    ln = wln_ref[w]
    start = ts * BT
    is_init = jnp.logical_and(i == 0,
                              jnp.logical_and(lo == start, ln > 0))

    @pl.when(ln > 0)
    def _():
        rows = pl.ds(start, BT)
        xt = xs_ref[rows, :]
        g = jnp.dot(xt, wg_ref[0], preferred_element_type=jnp.float32)
        u = jnp.dot(xt, wu_ref[0], preferred_element_type=jnp.float32)
        act = g * jax.nn.sigmoid(g) * u
        y = jnp.dot(act, wd_ref[0], preferred_element_type=jnp.float32)
        rid = start + lax.broadcasted_iota(jnp.int32, (BT, 1), 0)
        valid = jnp.logical_and(rid >= lo, rid < lo + ln)
        yv = jnp.where(valid, y, 0.0)

        @pl.when(is_init)
        def _():
            ys_ref[rows, :] = yv

        @pl.when(jnp.logical_not(is_init))
        def _():
            ys_ref[rows, :] += yv


def _experts(xs, w_gate_up, w_down, we, wts, wlo, wln):
    grid_spec = pltpu.PrefetchScalarGridSpec(
        num_scalar_prefetch=4,
        grid=(NI, NWK),
        in_specs=[
            pl.BlockSpec((S, H), lambda i, w, we, wts, wlo, wln: (0, 0)),
            pl.BlockSpec((1, H, BI),
                         lambda i, w, we, wts, wlo, wln: (we[w], 0, i)),
            pl.BlockSpec((1, H, BI),
                         lambda i, w, we, wts, wlo, wln: (we[w], 0, NI + i)),
            pl.BlockSpec((1, BI, H),
                         lambda i, w, we, wts, wlo, wln: (we[w], i, 0)),
        ],
        out_specs=pl.BlockSpec((S, H), lambda i, w, we, wts, wlo, wln: (0, 0)),
    )
    return pl.pallas_call(
        _expert_body,
        grid_spec=grid_spec,
        out_shape=jax.ShapeDtypeStruct((S, H), jnp.float32),
        compiler_params=pltpu.CompilerParams(
            dimension_semantics=("arbitrary", "arbitrary"),
        ),
    )(we, wts, wlo, wln, xs, w_gate_up, w_gate_up, w_down)



@functools.lru_cache(maxsize=None)
def _make_combine():
    @functools.partial(
        pl.kernel,
        out_type=jax.ShapeDtypeStruct((T, H), jnp.float32),
        mesh=plsc.VectorSubcoreMesh(core_axis_name="c", subcore_axis_name="s"),
        scratch_types=[
            pltpu.VMEM((CC,), jnp.int32),
            pltpu.VMEM((CC,), jnp.int32),
            pltpu.VMEM((CC, 16), jnp.float32),
            pltpu.VMEM((CC, 16), jnp.float32),
            pltpu.VMEM((CC, H), jnp.float32),
            pltpu.VMEM((CC, H), jnp.float32),
            pltpu.SemaphoreType.DMA,
        ],
    )
    def _combine(ys_hbm, p0_hbm, p1_hbm, g0b_hbm, g1b_hbm, out_hbm,
                 idx0_v, idx1_v, g0_v, g1_v, rows0_v, rows1_v, sem):
        wid = lax.axis_index("s") * NC + lax.axis_index("c")
        for half in range(TOK_W // CC):
            b = wid * TOK_W + half * CC
            pltpu.sync_copy(p0_hbm.at[pl.ds(b, CC)], idx0_v)
            pltpu.sync_copy(p1_hbm.at[pl.ds(b, CC)], idx1_v)
            pltpu.sync_copy(g0b_hbm.at[pl.ds(b, CC)], g0_v)
            pltpu.sync_copy(g1b_hbm.at[pl.ds(b, CC)], g1_v)
            pltpu.async_copy(ys_hbm.at[idx0_v], rows0_v, sem).wait()
            pltpu.async_copy(ys_hbm.at[idx1_v], rows1_v, sem).wait()

            def row_body(r, _):
                gv0 = g0_v[r, :]
                gv1 = g1_v[r, :]
                for c in range(H // 16):
                    sl = pl.ds(c * 16, 16)
                    rows0_v[r, sl] = gv0 * rows0_v[r, sl] + gv1 * rows1_v[r, sl]
                return 0

            lax.fori_loop(0, CC, row_body, 0)
            pltpu.sync_copy(rows0_v, out_hbm.at[pl.ds(b, CC)])

    return _combine



@jax.jit
def kernel(x, router_logits, w_gate_up, w_down):
    p0, p1, g0b, g1b, off, cnt, we, wts, wlo, wln = _route(router_logits)
    xs = _make_dispatch()(x, p0, p1)
    ys = _experts(xs, w_gate_up, w_down, we, wts, wlo, wln)
    return _make_combine()(ys, p0, p1, g0b, g1b)

# --- scband reference (transcript-rebuilt; emitter-appended) ---
"""Pipeline reference for scband-mo-e-58377195487404 (READ-ONLY COPY).

The authoritative reference and input builder live on the scoring server;
editing this copy changes nothing except your own understanding.
"""

import jax, jax.numpy as jnp
import numpy as np

NUM_EXPERTS = 8
TOP_K = 2
HIDDEN = 1024
INTER = 2048
TOKENS = 2048


def setup_inputs(seed: int = 0) -> dict:
    key = jax.random.key(seed)
    k1, k2, k3, k4 = jax.random.split(key, 4)
    x = jax.random.normal(k1, (TOKENS, HIDDEN), dtype=jnp.float32)
    router_logits = jax.random.normal(k2, (TOKENS, NUM_EXPERTS), dtype=jnp.float32)
    # fused gate+up projection per expert: [E, H, 2*INTER]; down projection: [E, INTER, H]
    w_gate_up = jax.random.normal(k3, (NUM_EXPERTS, HIDDEN, 2 * INTER), dtype=jnp.float32) * 0.02
    w_down = jax.random.normal(k4, (NUM_EXPERTS, INTER, HIDDEN), dtype=jnp.float32) * 0.02
    return {"x": x, "router_logits": router_logits, "w_gate_up": w_gate_up, "w_down": w_down}


def reference(x, router_logits, w_gate_up, w_down):
    # Routing: renormalized top-k softmax (RenormalizeMoeRoutingMethod)
    probs = jax.nn.softmax(router_logits.astype(jnp.float32), axis=-1)
    topk_vals, topk_idx = jax.lax.top_k(probs, TOP_K)
    topk_vals = topk_vals / jnp.sum(topk_vals, axis=-1, keepdims=True)
    # dense gate matrix [T, E] via scatter of top-k weights (one-hot combine)
    one_hot = jax.nn.one_hot(topk_idx, NUM_EXPERTS, dtype=x.dtype)  # [T, K, E]
    gates = jnp.sum(one_hot * topk_vals[..., None].astype(x.dtype), axis=1)  # [T, E]
    # Expert computation: fused SwiGLU FFN per expert, combined with routing gates.
    # Mathematically identical to routed dispatch/combine (gate == 0 for unrouted tokens).
    out = jnp.zeros_like(x)
    for e in range(NUM_EXPERTS):
        gu = x @ w_gate_up[e]  # [T, 2*INTER]
        g, u = jnp.split(gu, 2, axis=-1)
        act = jax.nn.silu(g) * u  # SwiGLU
        y_e = act @ w_down[e]  # [T, H]
        out = out + gates[:, e:e + 1] * y_e
    return out

if __name__ == "__main__":
    import jax
    _d = setup_inputs()
    print(jax.jit(kernel)(*tuple(_d.values())))

</pallas_src>

<mosaic_0001>
#map = affine_map<(d0, d1) -> (0, 0)>
#map1 = affine_map<(d0, d1) -> (0)>
module attributes {stable_mosaic.version = 14 : i64} {
  func.func @_dispatch(%arg0: i32, %arg1: i32, %arg2: memref<2048x1024xf32, #tpu.memory_space<hbm>>, %arg3: memref<2048xi32, #tpu.memory_space<hbm>>, %arg4: memref<2048xi32, #tpu.memory_space<hbm>>, %arg5: memref<4096x1024xf32, #tpu.memory_space<hbm>>, %arg6: memref<64xi32, #tpu.memory_space<vmem>>, %arg7: memref<64xi32, #tpu.memory_space<vmem>>, %arg8: memref<64x1024xf32, #tpu.memory_space<vmem>>, %arg9: memref<!tpu.dma_semaphore, #tpu.memory_space<semaphore_mem>>) attributes {dimension_semantics = [#tpu.dimension_semantics<core_parallel>, #tpu.dimension_semantics<subcore_parallel>], iteration_bounds = array<i64: 2, 16>, scalar_prefetch = 0 : i64, scratch_operands = 4 : i64, tpu.core_type = #tpu.core_type<sc_vector_subcore>, window_params = [{transform_indices = #map}, {transform_indices = #map1}, {transform_indices = #map1}, {transform_indices = #map}]} {
    %mul3A = arith.constant 2 : i32
    %mul3A_0 = arith.muli %arg1, %mul3A : i32
    %add3A = arith.addi %mul3A_0, %arg0 : i32
    %mul3A_1 = arith.constant 64 : i32
    %mul3A_2 = arith.muli %add3A, %mul3A_1 : i32
    "tpu.region"() ({
      %run_scoped3A = tpu.sem_alloc : memref<!tpu.dma_semaphore, #tpu.memory_space<semaphore_mem>>
      %dma_start3A_13 = tpu.memref_slice %arg3[%mul3A_2] : memref<2048xi32, #tpu.memory_space<hbm>> -> memref<64xi32, #tpu.memory_space<hbm>>
      %dma_start3A_14 = tpu.memref_slice %arg3[%mul3A_2] : memref<2048xi32, #tpu.memory_space<hbm>> -> memref<64xi32, #tpu.memory_space<hbm>>
      tpu.enqueue_dma source(%dma_start3A_14 : memref<64xi32, #tpu.memory_space<hbm>>) target(%arg6 : memref<64xi32, #tpu.memory_space<vmem>>) target_semaphore(%run_scoped3A : memref<!tpu.dma_semaphore, #tpu.memory_space<semaphore_mem>>)
      %dma_wait3A_15 = tpu.memref_slice %arg3[%mul3A_2] : memref<2048xi32, #tpu.memory_space<hbm>> -> memref<64xi32, #tpu.memory_space<hbm>>
      %dma_wait3A_16 = tpu.memref_slice %arg3[%mul3A_2] : memref<2048xi32, #tpu.memory_space<hbm>> -> memref<64xi32, #tpu.memory_space<hbm>>
      tpu.wait_dma2 semaphore(%run_scoped3A : memref<!tpu.dma_semaphore, #tpu.memory_space<semaphore_mem>>) src(%dma_wait3A_16 : memref<64xi32, #tpu.memory_space<hbm>>) dst(%arg6 : memref<64xi32, #tpu.memory_space<vmem>>)
      tpu.yield
    }) : () -> ()
    "tpu.region"() ({
      %run_scoped3A = tpu.sem_alloc : memref<!tpu.dma_semaphore, #tpu.memory_space<semaphore_mem>>
      %dma_start3A_13 = tpu.memref_slice %arg4[%mul3A_2] : memref<2048xi32, #tpu.memory_space<hbm>> -> memref<64xi32, #tpu.memory_space<hbm>>
      %dma_start3A_14 = tpu.memref_slice %arg4[%mul3A_2] : memref<2048xi32, #tpu.memory_space<hbm>> -> memref<64xi32, #tpu.memory_space<hbm>>
      tpu.enqueue_dma source(%dma_start3A_14 : memref<64xi32, #tpu.memory_space<hbm>>) target(%arg7 : memref<64xi32, #tpu.memory_space<vmem>>) target_semaphore(%run_scoped3A : memref<!tpu.dma_semaphore, #tpu.memory_space<semaphore_mem>>)
      %dma_wait3A_15 = tpu.memref_slice %arg4[%mul3A_2] : memref<2048xi32, #tpu.memory_space<hbm>> -> memref<64xi32, #tpu.memory_space<hbm>>
      %dma_wait3A_16 = tpu.memref_slice %arg4[%mul3A_2] : memref<2048xi32, #tpu.memory_space<hbm>> -> memref<64xi32, #tpu.memory_space<hbm>>
      tpu.wait_dma2 semaphore(%run_scoped3A : memref<!tpu.dma_semaphore, #tpu.memory_space<semaphore_mem>>) src(%dma_wait3A_16 : memref<64xi32, #tpu.memory_space<hbm>>) dst(%arg7 : memref<64xi32, #tpu.memory_space<vmem>>)
      tpu.yield
    }) : () -> ()
    "tpu.region"() ({
      %run_scoped3A = tpu.sem_alloc : memref<!tpu.dma_semaphore, #tpu.memory_space<semaphore_mem>>
      %dma_start3A_13 = arith.constant 0 : i32
      %dma_start3A_14 = tpu.memref_slice %arg2[%mul3A_2, %dma_start3A_13] : memref<2048x1024xf32, #tpu.memory_space<hbm>> -> memref<64x1024xf32, #tpu.memory_space<hbm>>
      %dma_start3A_15 = arith.constant 0 : i32
      %dma_start3A_16 = tpu.memref_slice %arg2[%mul3A_2, %dma_start3A_15] : memref<2048x1024xf32, #tpu.memory_space<hbm>> -> memref<64x1024xf32, #tpu.memory_space<hbm>>
      tpu.enqueue_dma source(%dma_start3A_16 : memref<64x1024xf32, #tpu.memory_space<hbm>>) target(%arg8 : memref<64x1024xf32, #tpu.memory_space<vmem>>) target_semaphore(%run_scoped3A : memref<!tpu.dma_semaphore, #tpu.memory_space<semaphore_mem>>)
      %dma_wait3A_17 = arith.constant 0 : i32
      %dma_wait3A_18 = tpu.memref_slice %arg2[%mul3A_2, %dma_wait3A_17] : memref<2048x1024xf32, #tpu.memory_space<hbm>> -> memref<64x1024xf32, #tpu.memory_space<hbm>>
      %dma_wait3A_19 = arith.constant 0 : i32
      %dma_wait3A_20 = tpu.memref_slice %arg2[%mul3A_2, %dma_wait3A_19] : memref<2048x1024xf32, #tpu.memory_space<hbm>> -> memref<64x1024xf32, #tpu.memory_space<hbm>>
      tpu.wait_dma2 semaphore(%run_scoped3A : memref<!tpu.dma_semaphore, #tpu.memory_space<semaphore_mem>>) src(%dma_wait3A_20 : memref<64x1024xf32, #tpu.memory_space<hbm>>) dst(%arg8 : memref<64x1024xf32, #tpu.memory_space<vmem>>)
      tpu.yield
    }) : () -> ()
    %dma_start3A = arith.constant 0 : i32
    %dma_start3A_3 = arith.constant 0 : i32
    %dma_start3A_4 = tpu.memref_slice %arg5[%dma_start3A, %dma_start3A_3] : memref<4096x1024xf32, #tpu.memory_space<hbm>> -> memref<4096x1024xf32, #tpu.memory_space<hbm>>
    tpu.enqueue_indirect_dma source(%arg8 : memref<64x1024xf32, #tpu.memory_space<vmem>>) target(%dma_start3A_4 : memref<4096x1024xf32, #tpu.memory_space<hbm>>) offsets(%arg6 : memref<64xi32, #tpu.memory_space<vmem>>) semaphore(%arg9 : memref<!tpu.dma_semaphore, #tpu.memory_space<semaphore_mem>>)
    %dma_wait3A = arith.constant 0 : i32
    %dma_wait3A_5 = arith.constant 0 : i32
    %dma_wait3A_6 = tpu.memref_slice %arg5[%dma_wait3A, %dma_wait3A_5] : memref<4096x1024xf32, #tpu.memory_space<hbm>> -> memref<4096x1024xf32, #tpu.memory_space<hbm>>
    tpu.wait_indirect_dma semaphore(%arg9 : memref<!tpu.dma_semaphore, #tpu.memory_space<semaphore_mem>>) src(%arg8 : memref<64x1024xf32, #tpu.memory_space<vmem>>) dst(%dma_wait3A_6 : memref<4096x1024xf32, #tpu.memory_space<hbm>>)
    %dma_start3A_7 = arith.constant 0 : i32
    %dma_start3A_8 = arith.constant 0 : i32
    %dma_start3A_9 = tpu.memref_slice %arg5[%dma_start3A_7, %dma_start3A_8] : memref<4096x1024xf32, #tpu.memory_space<hbm>> -> memref<4096x1024xf32, #tpu.memory_space<hbm>>
    tpu.enqueue_indirect_dma source(%arg8 : memref<64x1024xf32, #tpu.memory_space<vmem>>) target(%dma_start3A_9 : memref<4096x1024xf32, #tpu.memory_space<hbm>>) offsets(%arg7 : memref<64xi32, #tpu.memory_space<vmem>>) semaphore(%arg9 : memref<!tpu.dma_semaphore, #tpu.memory_space<semaphore_mem>>)
    %dma_wait3A_10 = arith.constant 0 : i32
    %dma_wait3A_11 = arith.constant 0 : i32
    %dma_wait3A_12 = tpu.memref_slice %arg5[%dma_wait3A_10, %dma_wait3A_11] : memref<4096x1024xf32, #tpu.memory_space<hbm>> -> memref<4096x1024xf32, #tpu.memory_space<hbm>>
    tpu.wait_indirect_dma semaphore(%arg9 : memref<!tpu.dma_semaphore, #tpu.memory_space<semaphore_mem>>) src(%arg8 : memref<64x1024xf32, #tpu.memory_space<vmem>>) dst(%dma_wait3A_12 : memref<4096x1024xf32, #tpu.memory_space<hbm>>)
    return
  }
}

#map = affine_map<(d0, d1) -> (0, 0)>
#map1 = affine_map<(d0, d1) -> (0)>
module attributes {stable_mosaic.version = 14 : i64} {
  func.func @_combine(%arg0: i32, %arg1: i32, %arg2: memref<4096x1024xf32, #tpu.memory_space<hbm>>, %arg3: memref<2048xi32, #tpu.memory_space<hbm>>, %arg4: memref<2048xi32, #tpu.memory_space<hbm>>, %arg5: memref<2048x16xf32, #tpu.memory_space<hbm>>, %arg6: memref<2048x16xf32, #tpu.memory_space<hbm>>, %arg7: memref<2048x1024xf32, #tpu.memory_space<hbm>>, %arg8: memref<32xi32, #tpu.memory_space<vmem>>, %arg9: memref<32xi32, #tpu.memory_space<vmem>>, %arg10: memref<32x16xf32, #tpu.memory_space<vmem>>, %arg11: memref<32x16xf32, #tpu.memory_space<vmem>>, %arg12: memref<32x1024xf32, #tpu.memory_space<vmem>>, %arg13: memref<32x1024xf32, #tpu.memory_space<vmem>>, %arg14: memref<!tpu.dma_semaphore, #tpu.memory_space<semaphore_mem>>) attributes {dimension_semantics = [#tpu.dimension_semantics<core_parallel>, #tpu.dimension_semantics<subcore_parallel>], iteration_bounds = array<i64: 2, 16>, scalar_prefetch = 0 : i64, scratch_operands = 7 : i64, tpu.core_type = #tpu.core_type<sc_vector_subcore>, window_params = [{transform_indices = #map}, {transform_indices = #map1}, {transform_indices = #map1}, {transform_indices = #map}, {transform_indices = #map}, {transform_indices = #map}]} {
    %mul3A = arith.constant 2 : i32
    %mul3A_0 = arith.muli %arg1, %mul3A : i32
    %add3A = arith.addi %mul3A_0, %arg0 : i32
    %mul3A_1 = arith.constant 64 : i32
    %mul3A_2 = arith.muli %add3A, %mul3A_1 : i32
    %add3A_3 = arith.constant 0 : i32
    %add3A_4 = arith.addi %mul3A_2, %add3A_3 : i32
    "tpu.region"() ({
      %run_scoped3A = tpu.sem_alloc : memref<!tpu.dma_semaphore, #tpu.memory_space<semaphore_mem>>
      %dma_start3A_44 = tpu.memref_slice %arg3[%add3A_4] : memref<2048xi32, #tpu.memory_space<hbm>> -> memref<32xi32, #tpu.memory_space<hbm>>
      %dma_start3A_45 = tpu.memref_slice %arg3[%add3A_4] : memref<2048xi32, #tpu.memory_space<hbm>> -> memref<32xi32, #tpu.memory_space<hbm>>
      tpu.enqueue_dma source(%dma_start3A_45 : memref<32xi32, #tpu.memory_space<hbm>>) target(%arg8 : memref<32xi32, #tpu.memory_space<vmem>>) target_semaphore(%run_scoped3A : memref<!tpu.dma_semaphore, #tpu.memory_space<semaphore_mem>>)
      %dma_wait3A_46 = tpu.memref_slice %arg3[%add3A_4] : memref<2048xi32, #tpu.memory_space<hbm>> -> memref<32xi32, #tpu.memory_space<hbm>>
      %dma_wait3A_47 = tpu.memref_slice %arg3[%add3A_4] : memref<2048xi32, #tpu.memory_space<hbm>> -> memref<32xi32, #tpu.memory_space<hbm>>
      tpu.wait_dma2 semaphore(%run_scoped3A : memref<!tpu.dma_semaphore, #tpu.memory_space<semaphore_mem>>) src(%dma_wait3A_47 : memref<32xi32, #tpu.memory_space<hbm>>) dst(%arg8 : memref<32xi32, #tpu.memory_space<vmem>>)
      tpu.yield
    }) : () -> ()
    "tpu.region"() ({
      %run_scoped3A = tpu.sem_alloc : memref<!tpu.dma_semaphore, #tpu.memory_space<semaphore_mem>>
      %dma_start3A_44 = tpu.memref_slice %arg4[%add3A_4] : memref<2048xi32, #tpu.memory_space<hbm>> -> memref<32xi32, #tpu.memory_space<hbm>>
      %dma_start3A_45 = tpu.memref_slice %arg4[%add3A_4] : memref<2048xi32, #tpu.memory_space<hbm>> -> memref<32xi32, #tpu.memory_space<hbm>>
      tpu.enqueue_dma source(%dma_start3A_45 : memref<32xi32, #tpu.memory_space<hbm>>) target(%arg9 : memref<32xi32, #tpu.memory_space<vmem>>) target_semaphore(%run_scoped3A : memref<!tpu.dma_semaphore, #tpu.memory_space<semaphore_mem>>)
      %dma_wait3A_46 = tpu.memref_slice %arg4[%add3A_4] : memref<2048xi32, #tpu.memory_space<hbm>> -> memref<32xi32, #tpu.memory_space<hbm>>
      %dma_wait3A_47 = tpu.memref_slice %arg4[%add3A_4] : memref<2048xi32, #tpu.memory_space<hbm>> -> memref<32xi32, #tpu.memory_space<hbm>>
      tpu.wait_dma2 semaphore(%run_scoped3A : memref<!tpu.dma_semaphore, #tpu.memory_space<semaphore_mem>>) src(%dma_wait3A_47 : memref<32xi32, #tpu.memory_space<hbm>>) dst(%arg9 : memref<32xi32, #tpu.memory_space<vmem>>)
      tpu.yield
    }) : () -> ()
    "tpu.region"() ({
      %run_scoped3A = tpu.sem_alloc : memref<!tpu.dma_semaphore, #tpu.memory_space<semaphore_mem>>
      %dma_start3A_44 = arith.constant 0 : i32
      %dma_start3A_45 = tpu.memref_slice %arg5[%add3A_4, %dma_start3A_44] : memref<2048x16xf32, #tpu.memory_space<hbm>> -> memref<32x16xf32, #tpu.memory_space<hbm>>
      %dma_start3A_46 = arith.constant 0 : i32
      %dma_start3A_47 = tpu.memref_slice %arg5[%add3A_4, %dma_start3A_46] : memref<2048x16xf32, #tpu.memory_space<hbm>> -> memref<32x16xf32, #tpu.memory_space<hbm>>
      tpu.enqueue_dma source(%dma_start3A_47 : memref<32x16xf32, #tpu.memory_space<hbm>>) target(%arg10 : memref<32x16xf32, #tpu.memory_space<vmem>>) target_semaphore(%run_scoped3A : memref<!tpu.dma_semaphore, #tpu.memory_space<semaphore_mem>>)
      %dma_wait3A_48 = arith.constant 0 : i32
      %dma_wait3A_49 = tpu.memref_slice %arg5[%add3A_4, %dma_wait3A_48] : memref<2048x16xf32, #tpu.memory_space<hbm>> -> memref<32x16xf32, #tpu.memory_space<hbm>>
      %dma_wait3A_50 = arith.constant 0 : i32
      %dma_wait3A_51 = tpu.memref_slice %arg5[%add3A_4, %dma_wait3A_50] : memref<2048x16xf32, #tpu.memory_space<hbm>> -> memref<32x16xf32, #tpu.memory_space<hbm>>
      tpu.wait_dma2 semaphore(%run_scoped3A : memref<!tpu.dma_semaphore, #tpu.memory_space<semaphore_mem>>) src(%dma_wait3A_51 : memref<32x16xf32, #tpu.memory_space<hbm>>) dst(%arg10 : memref<32x16xf32, #tpu.memory_space<vmem>>)
      tpu.yield
    }) : () -> ()
    "tpu.region"() ({
      %run_scoped3A = tpu.sem_alloc : memref<!tpu.dma_semaphore, #tpu.memory_space<semaphore_mem>>
      %dma_start3A_44 = arith.constant 0 : i32
      %dma_start3A_45 = tpu.memref_slice %arg6[%add3A_4, %dma_start3A_44] : memref<2048x16xf32, #tpu.memory_space<hbm>> -> memref<32x16xf32, #tpu.memory_space<hbm>>
      %dma_start3A_46 = arith.constant 0 : i32
      %dma_start3A_47 = tpu.memref_slice %arg6[%add3A_4, %dma_start3A_46] : memref<2048x16xf32, #tpu.memory_space<hbm>> -> memref<32x16xf32, #tpu.memory_space<hbm>>
      tpu.enqueue_dma source(%dma_start3A_47 : memref<32x16xf32, #tpu.memory_space<hbm>>) target(%arg11 : memref<32x16xf32, #tpu.memory_space<vmem>>) target_semaphore(%run_scoped3A : memref<!tpu.dma_semaphore, #tpu.memory_space<semaphore_mem>>)
      %dma_wait3A_48 = arith.constant 0 : i32
      %dma_wait3A_49 = tpu.memref_slice %arg6[%add3A_4, %dma_wait3A_48] : memref<2048x16xf32, #tpu.memory_space<hbm>> -> memref<32x16xf32, #tpu.memory_space<hbm>>
      %dma_wait3A_50 = arith.constant 0 : i32
      %dma_wait3A_51 = tpu.memref_slice %arg6[%add3A_4, %dma_wait3A_50] : memref<2048x16xf32, #tpu.memory_space<hbm>> -> memref<32x16xf32, #tpu.memory_space<hbm>>
      tpu.wait_dma2 semaphore(%run_scoped3A : memref<!tpu.dma_semaphore, #tpu.memory_space<semaphore_mem>>) src(%dma_wait3A_51 : memref<32x16xf32, #tpu.memory_space<hbm>>) dst(%arg11 : memref<32x16xf32, #tpu.memory_space<vmem>>)
      tpu.yield
    }) : () -> ()
    %dma_start3A = arith.constant 0 : i32
    %dma_start3A_5 = arith.constant 0 : i32
    %dma_start3A_6 = tpu.memref_slice %arg2[%dma_start3A, %dma_start3A_5] : memref<4096x1024xf32, #tpu.memory_space<hbm>> -> memref<4096x1024xf32, #tpu.memory_space<hbm>>
    tpu.enqueue_indirect_dma source(%dma_start3A_6 : memref<4096x1024xf32, #tpu.memory_space<hbm>>) target(%arg12 : memref<32x1024xf32, #tpu.memory_space<vmem>>) offsets(%arg8 : memref<32xi32, #tpu.memory_space<vmem>>) semaphore(%arg14 : memref<!tpu.dma_semaphore, #tpu.memory_space<semaphore_mem>>)
    %dma_wait3A = arith.constant 0 : i32
    %dma_wait3A_7 = arith.constant 0 : i32
    %dma_wait3A_8 = tpu.memref_slice %arg2[%dma_wait3A, %dma_wait3A_7] : memref<4096x1024xf32, #tpu.memory_space<hbm>> -> memref<4096x1024xf32, #tpu.memory_space<hbm>>
    tpu.wait_indirect_dma semaphore(%arg14 : memref<!tpu.dma_semaphore, #tpu.memory_space<semaphore_mem>>) src(%dma_wait3A_8 : memref<4096x1024xf32, #tpu.memory_space<hbm>>) dst(%arg12 : memref<32x1024xf32, #tpu.memory_space<vmem>>)
    %dma_start3A_9 = arith.constant 0 : i32
    %dma_start3A_10 = arith.constant 0 : i32
    %dma_start3A_11 = tpu.memref_slice %arg2[%dma_start3A_9, %dma_start3A_10] : memref<4096x1024xf32, #tpu.memory_space<hbm>> -> memref<4096x1024xf32, #tpu.memory_space<hbm>>
    tpu.enqueue_indirect_dma source(%dma_start3A_11 : memref<4096x1024xf32, #tpu.memory_space<hbm>>) target(%arg13 : memref<32x1024xf32, #tpu.memory_space<vmem>>) offsets(%arg9 : memref<32xi32, #tpu.memory_space<vmem>>) semaphore(%arg14 : memref<!tpu.dma_semaphore, #tpu.memory_space<semaphore_mem>>)
    %dma_wait3A_12 = arith.constant 0 : i32
    %dma_wait3A_13 = arith.constant 0 : i32
    %dma_wait3A_14 = tpu.memref_slice %arg2[%dma_wait3A_12, %dma_wait3A_13] : memref<4096x1024xf32, #tpu.memory_space<hbm>> -> memref<4096x1024xf32, #tpu.memory_space<hbm>>
    tpu.wait_indirect_dma semaphore(%arg14 : memref<!tpu.dma_semaphore, #tpu.memory_space<semaphore_mem>>) src(%dma_wait3A_14 : memref<4096x1024xf32, #tpu.memory_space<hbm>>) dst(%arg13 : memref<32x1024xf32, #tpu.memory_space<vmem>>)
    %scan3A = arith.constant 0 : i32
    %scan3A_15 = arith.constant 0 : i32
    %scan3A_16 = arith.constant 32 : i32
    %scan3A_17 = arith.addi %scan3A_15, %scan3A_16 : i32
    %scan3A_18 = arith.constant 1 : i32
    %scan3A_19 = scf.for %scan3A_44 = %scan3A_15 to %scan3A_17 step %scan3A_18 iter_args(%scan3A_45 = %scan3A) -> (i32)  : i32 {
      %get3A = arith.index_cast %scan3A_44 : i32 to index
      %get3A_46 = arith.constant 0 : index
      %get3A_47 = tpu.vector_load %arg10[%get3A, %get3A_46] {strides = array<i32>} : memref<32x16xf32, #tpu.memory_space<vmem>>, vector<1x16xf32>,
      %get3A_48 = vector.shape_cast %get3A_47 : vector<1x16xf32> to vector<16xf32>
      %get3A_49 = arith.index_cast %scan3A_44 : i32 to index
      %get3A_50 = arith.constant 0 : index
      %get3A_51 = tpu.vector_load %arg11[%get3A_49, %get3A_50] {strides = array<i32>} : memref<32x16xf32, #tpu.memory_space<vmem>>, vector<1x16xf32>,
      %get3A_52 = vector.shape_cast %get3A_51 : vector<1x16xf32> to vector<16xf32>
      %get3A_53 = arith.index_cast %scan3A_44 : i32 to index
      %get3A_54 = arith.constant 0 : index
      %get3A_55 = tpu.vector_load %arg12[%get3A_53, %get3A_54] {strides = array<i32>} : memref<32x1024xf32, #tpu.memory_space<vmem>>, vector<1x16xf32>,
      %get3A_56 = vector.shape_cast %get3A_55 : vector<1x16xf32> to vector<16xf32>
      %mul3A_57 = arith.mulf %get3A_48, %get3A_56 : vector<16xf32>
      %get3A_58 = arith.index_cast %scan3A_44 : i32 to index
      %get3A_59 = arith.constant 0 : index
      %get3A_60 = tpu.vector_load %arg13[%get3A_58, %get3A_59] {strides = array<i32>} : memref<32x1024xf32, #tpu.memory_space<vmem>>, vector<1x16xf32>,
      %get3A_61 = vector.shape_cast %get3A_60 : vector<1x16xf32> to vector<16xf32>
      %mul3A_62 = arith.mulf %get3A_52, %get3A_61 : vector<16xf32>
      %add3A_63 = arith.addf %mul3A_57, %mul3A_62 : vector<16xf32>
      %swap3A = arith.index_cast %scan3A_44 : i32 to index
      %swap3A_64 = arith.constant 0 : index
      %swap3A_65 = tpu.vector_load %arg12[%swap3A, %swap3A_64] {strides = array<i32>} : memref<32x1024xf32, #tpu.memory_space<vmem>>, vector<1x16xf32>,
      %swap3A_66 = vector.shape_cast %swap3A_65 : vector<1x16xf32> to vector<16xf32>
      %swap3A_67 = vector.shape_cast %add3A_63 : vector<16xf32> to vector<1x16xf32>
      tpu.vector_store %arg12[%swap3A, %swap3A_64], %swap3A_67 {strides = array<i32>} : memref<32x1024xf32, #tpu.memory_space<vmem>>, vector<1x16xf32>,
      %get3A_68 = arith.index_cast %scan3A_44 : i32 to index
      %get3A_69 = arith.constant 16 : index
      %get3A_70 = tpu.vector_load %arg12[%get3A_68, %get3A_69] {strides = array<i32>} : memref<32x1024xf32, #tpu.memory_space<vmem>>, vector<1x16xf32>,
      %get3A_71 = vector.shape_cast %get3A_70 : vector<1x16xf32> to vector<16xf32>
      %mul3A_72 = arith.mulf %get3A_48, %get3A_71 : vector<16xf32>
      %get3A_73 = arith.index_cast %scan3A_44 : i32 to index
      %get3A_74 = arith.constant 16 : index
      %get3A_75 = tpu.vector_load %arg13[%get3A_73, %get3A_74] {strides = array<i32>} : memref<32x1024xf32, #tpu.memory_space<vmem>>, vector<1x16xf32>,
      %get3A_76 = vector.shape_cast %get3A_75 : vector<1x16xf32> to vector<16xf32>
      %mul3A_77 = arith.mulf %get3A_52, %get3A_76 : vector<16xf32>
      %add3A_78 = arith.addf %mul3A_72, %mul3A_77 : vector<16xf32>
      %swap3A_79 = arith.index_cast %scan3A_44 : i32 to index
      %swap3A_80 = arith.constant 16 : index
      %swap3A_81 = tpu.vector_load %arg12[%swap3A_79, %swap3A_80] {strides = array<i32>} : memref<32x1024xf32, #tpu.memory_space<vmem>>, vector<1x16xf32>,
      %swap3A_82 = vector.shape_cast %swap3A_81 : vector<1x16xf32> to vector<16xf32>
      %swap3A_83 = vector.shape_cast %add3A_78 : vector<16xf32> to vector<1x16xf32>
      tpu.vector_store %arg12[%swap3A_79, %swap3A_80], %swap3A_83 {strides = array<i32>} : memref<32x1024xf32, #tpu.memory_space<vmem>>, vector<1x16xf32>,
      %get3A_84 = arith.index_cast %scan3A_44 : i32 to index
      %get3A_85 = arith.constant 32 : index
      %get3A_86 = tpu.vector_load %arg12[%get3A_84, %get3A_85] {strides = array<i32>} : memref<32x1024xf32, #tpu.memory_space<vmem>>, vector<1x16xf32>,
      %get3A_87 = vector.shape_cast %get3A_86 : vector<1x16xf32> to vector<16xf32>
      %mul3A_88 = arith.mulf %get3A_48, %get3A_87 : vector<16xf32>
      %get3A_89 = arith.index_cast %scan3A_44 : i32 to index
      %get3A_90 = arith.constant 32 : index
      %get3A_91 = tpu.vector_load %arg13[%get3A_89, %get3A_90] {strides = array<i32>} : memref<32x1024xf32, #tpu.memory_space<vmem>>, vector<1x16xf32>,
      %get3A_92 = vector.shape_cast %get3A_91 : vector<1x16xf32> to vector<16xf32>
      %mul3A_93 = arith.mulf %get3A_52, %get3A_92 : vector<16xf32>
      %add3A_94 = arith.addf %mul3A_88, %mul3A_93 : vector<16xf32>
      %swap3A_95 = arith.index_cast %scan3A_44 : i32 to index
      %swap3A_96 = arith.constant 32 : index
      %swap3A_97 = tpu.vector_load %arg12[%swap3A_95, %swap3A_96] {strides = array<i32>} : memref<32x1024xf32, #tpu.memory_space<vmem>>, vector<1x16xf32>,
      %swap3A_98 = vector.shape_cast %swap3A_97 : vector<1x16xf32> to vector<16xf32>
      %swap3A_99 = vector.shape_cast %add3A_94 : vector<16xf32> to vector<1x16xf32>
      tpu.vector_store %arg12[%swap3A_95, %swap3A_96], %swap3A_99 {strides = array<i32>} : memref<32x1024xf32, #tpu.memory_space<vmem>>, vector<1x16xf32>,
      %get3A_100 = arith.index_cast %scan3A_44 : i32 to index
      %get3A_101 = arith.constant 48 : index
      %get3A_102 = tpu.vector_load %arg12[%get3A_100, %get3A_101] {strides = array<i32>} : memref<32x1024xf32, #tpu.memory_space<vmem>>, vector<1x16xf32>,
      %get3A_103 = vector.shape_cast %get3A_102 : vector<1x16xf32> to vector<16xf32>
      %mul3A_104 = arith.mulf %get3A_48, %get3A_103 : vector<16xf32>
      %get3A_105 = arith.index_cast %scan3A_44 : i32 to index
      %get3A_106 = arith.constant 48 : index
      %get3A_107 = tpu.vector_load %arg13[%get3A_105, %get3A_106] {strides = array<i32>} : memref<32x1024xf32, #tpu.memory_space<vmem>>, vector<1x16xf32>,
      %get3A_108 = vector.shape_cast %get3A_107 : vector<1x16xf32> to vector<16xf32>
      %mul3A_109 = arith.mulf %get3A_52, %get3A_108 : vector<16xf32>
      %add3A_110 = arith.addf %mul3A_104, %mul3A_109 : vector<16xf32>
      %swap3A_111 = arith.index_cast %scan3A_44 : i32 to index
      %swap3A_112 = arith.constant 48 : index
      %swap3A_113 = tpu.vector_load %arg12[%swap3A_111, %swap3A_112] {strides = array<i32>} : memref<32x1024xf32, #tpu.memory_space<vmem>>, vector<1x16xf32>,
      %swap3A_114 = vector.shape_cast %swap3A_113 : vector<1x16xf32> to vector<16xf32>
      %swap3A_115 = vector.shape_cast %add3A_110 : vector<16xf32> to vector<1x16xf32>
      tpu.vector_store %arg12[%swap3A_111, %swap3A_112], %swap3A_115 {strides = array<i32>} : memref<32x1024xf32, #tpu.memory_space<vmem>>, vector<1x16xf32>,
      %get3A_116 = arith.index_cast %scan3A_44 : i32 to index
      %get3A_117 = arith.constant 64 : index
      %get3A_118 = tpu.vector_load %arg12[%get3A_116, %get3A_117] {strides = array<i32>} : memref<32x1024xf32, #tpu.memory_space<vmem>>, vector<1x16xf32>,
      %get3A_119 = vector.shape_cast %get3A_118 : vector<1x16xf32> to vector<16xf32>
      %mul3A_120 = arith.mulf %get3A_48, %get3A_119 : vector<16xf32>
      %get3A_121 = arith.index_cast %scan3A_44 : i32 to index
      %get3A_122 = arith.constant 64 : index
      %get3A_123 = tpu.vector_load %arg13[%get3A_121, %get3A_122] {strides = array<i32>} : memref<32x1024xf32, #tpu.memory_space<vmem>>, vector<1x16xf32>,
      %get3A_124 = vector.shape_cast %get3A_123 : vector<1x16xf32> to vector<16xf32>
      %mul3A_125 = arith.mulf %get3A_52, %get3A_124 : vector<16xf32>
      %add3A_126 = arith.addf %mul3A_120, %mul3A_125 : vector<16xf32>
      %swap3A_127 = arith.index_cast %scan3A_44 : i32 to index
      %swap3A_128 = arith.constant 64 : index
      %swap3A_129 = tpu.vector_load %arg12[%swap3A_127, %swap3A_128] {strides = array<i32>} : memref<32x1024xf32, #tpu.memory_space<vmem>>, vector<1x16xf32>,
      %swap3A_130 = vector.shape_cast %swap3A_129 : vector<1x16xf32> to vector<16xf32>
      %swap3A_131 = vector.shape_cast %add3A_126 : vector<16xf32> to vector<1x16xf32>
      tpu.vector_store %arg12[%swap3A_127, %swap3A_128], %swap3A_131 {strides = array<i32>} : memref<32x1024xf32, #tpu.memory_space<vmem>>, vector<1x16xf32>,
      %get3A_132 = arith.index_cast %scan3A_44 : i32 to index
      %get3A_133 = arith.constant 80 : index
      %get3A_134 = tpu.vector_load %arg12[%get3A_132, %get3A_133] {strides = array<i32>} : memref<32x1024xf32, #tpu.memory_space<vmem>>, vector<1x16xf32>,
      %get3A_135 = vector.shape_cast %get3A_134 : vector<1x16xf32> to vector<16xf32>
      %mul3A_136 = arith.mulf %get3A_48, %get3A_135 : vector<16xf32>
      %get3A_137 = arith.index_cast %scan3A_44 : i32 to index
      %get3A_138 = arith.constant 80 : index
      %get3A_139 = tpu.vector_load %arg13[%get3A_137, %get3A_138] {strides = array<i32>} : memref<32x1024xf32, #tpu.memory_space<vmem>>, vector<1x16xf32>,
      %get3A_140 = vector.shape_cast %get3A_139 : vector<1x16xf32> to vector<16xf32>
      %mul3A_141 = arith.mulf %get3A_52, %get3A_140 : vector<16xf32>
      %add3A_142 = arith.addf %mul3A_136, %mul3A_141 : vector<16xf32>
      %swap3A_143 = arith.index_cast %scan3A_44 : i32 to index
      %swap3A_144 = arith.constant 80 : index
      %swap3A_145 = tpu.vector_load %arg12[%swap3A_143, %swap3A_144] {strides = array<i32>} : memref<32x1024xf32, #tpu.memory_space<vmem>>, vector<1x16xf32>,
      %swap3A_146 = vector.shape_cast %swap3A_145 : vector<1x16xf32> to vector<16xf32>
      %swap3A_147 = vector.shape_cast %add3A_142 : vector<16xf32> to vector<1x16xf32>
      tpu.vector_store %arg12[%swap3A_143, %swap3A_144], %swap3A_147 {strides = array<i32>} : memref<32x1024xf32, #tpu.memory_space<vmem>>, vector<1x16xf32>,
      %get3A_148 = arith.index_cast %scan3A_44 : i32 to index
      %get3A_149 = arith.constant 96 : index
      %get3A_150 = tpu.vector_load %arg12[%get3A_148, %get3A_149] {strides = array<i32>} : memref<32x1024xf32, #tpu.memory_space<vmem>>, vector<1x16xf32>,
      %get3A_151 = vector.shape_cast %get3A_150 : vector<1x16xf32> to vector<16xf32>
      %mul3A_152 = arith.mulf %get3A_48, %get3A_151 : vector<16xf32>
      %get3A_153 = arith.index_cast %scan3A_44 : i32 to index
      %get3A_154 = arith.constant 96 : index
      %get3A_155 = tpu.vector_load %arg13[%get3A_153, %get3A_154] {strides = array<i32>} : memref<32x1024xf32, #tpu.memory_space<vmem>>, vector<1x16xf32>,
      %get3A_156 = vector.shape_cast %get3A_155 : vector<1x16xf32> to vector<16xf32>
      %mul3A_157 = arith.mulf %get3A_52, %get3A_156 : vector<16xf32>
      %add3A_158 = arith.addf %mul3A_152, %mul3A_157 : vector<16xf32>
      %swap3A_159 = arith.index_cast %scan3A_44 : i32 to index
      %swap3A_160 = arith.constant 96 : index
      %swap3A_161 = tpu.vector_load %arg12[%swap3A_159, %swap3A_160] {strides = array<i32>} : memref<32x1024xf32, #tpu.memory_space<vmem>>, vector<1x16xf32>,
      %swap3A_162 = vector.shape_cast %swap3A_161 : vector<1x16xf32> to vector<16xf32>
      %swap3A_163 = vector.shape_cast %add3A_158 : vector<16xf32> to vector<1x16xf32>
      tpu.vector_store %arg12[%swap3A_159, %swap3A_160], %swap3A_163 {strides = array<i32>} : memref<32x1024xf32, #tpu.memory_space<vmem>>, vector<1x16xf32>,
      %get3A_164 = arith.index_cast %scan3A_44 : i32 to index
      %get3A_165 = arith.constant 112 : index
      %get3A_166 = tpu.vector_load %arg12[%get3A_164, %get3A_165] {strides = array<i32>} : memref<32x1024xf32, #tpu.memory_space<vmem>>, vector<1x16xf32>,
      %get3A_167 = vector.shape_cast %get3A_166 : vector<1x16xf32> to vector<16xf32>
      %mul3A_168 = arith.mulf %get3A_48, %get3A_167 : vector<16xf32>
      %get3A_169 = arith.index_cast %scan3A_44 : i32 to index
      %get3A_170 = arith.constant 112 : index
      %get3A_171 = tpu.vector_load %arg13[%get3A_169, %get3A_170] {strides = array<i32>} : memref<32x1024xf32, #tpu.memory_space<vmem>>, vector<1x16xf32>,
      %get3A_172 = vector.shape_cast %get3A_171 : vector<1x16xf32> to vector<16xf32>
      %mul3A_173 = arith.mulf %get3A_52, %get3A_172 : vector<16xf32>
      %add3A_174 = arith.addf %mul3A_168, %mul3A_173 : vector<16xf32>
      %swap3A_175 = arith.index_cast %scan3A_44 : i32 to index
      %swap3A_176 = arith.constant 112 : index
      %swap3A_177 = tpu.vector_load %arg12[%swap3A_175, %swap3A_176] {strides = array<i32>} : memref<32x1024xf32, #tpu.memory_space<vmem>>, vector<1x16xf32>,
      %swap3A_178 = vector.shape_cast %swap3A_177 : vector<1x16xf32> to vector<16xf32>
      %swap3A_179 = vector.shape_cast %add3A_174 : vector<16xf32> to vector<1x16xf32>
      tpu.vector_store %arg12[%swap3A_175, %swap3A_176], %swap3A_179 {strides = array<i32>} : memref<32x1024xf32, #tpu.memory_space<vmem>>, vector<1x16xf32>,
      %get3A_180 = arith.index_cast %scan3A_44 : i32 to index
      %get3A_181 = arith.constant 128 : index
      %get3A_182 = tpu.vector_load %arg12[%get3A_180, %get3A_181] {strides = array<i32>} : memref<32x1024xf32, #tpu.memory_space<vmem>>, vector<1x16xf32>,
      %get3A_183 = vector.shape_cast %get3A_182 : vector<1x16xf32> to vector<16xf32>
      %mul3A_184 = arith.mulf %get3A_48, %get3A_183 : vector<16xf32>
      %get3A_185 = arith.index_cast %scan3A_44 : i32 to index
      %get3A_186 = arith.constant 128 : index
      %get3A_187 = tpu.vector_load %arg13[%get3A_185, %get3A_186] {strides = array<i32>} : memref<32x1024xf32, #tpu.memory_space<vmem>>, vector<1x16xf32>,
      %get3A_188 = vector.shape_cast %get3A_187 : vector<1x16xf32> to vector<16xf32>
      %mul3A_189 = arith.mulf %get3A_52, %get3A_188 : vector<16xf32>
      %add3A_190 = arith.addf %mul3A_184, %mul3A_189 : vector<16xf32>
      %swap3A_191 = arith.index_cast %scan3A_44 : i32 to index
      %swap3A_192 = arith.constant 128 : index
      %swap3A_193 = tpu.vector_load %arg12[%swap3A_191, %swap3A_192] {strides = array<i32>} : memref<32x1024xf32, #tpu.memory_space<vmem>>, vector<1x16xf32>,
      %swap3A_194 = vector.shape_cast %swap3A_193 : vector<1x16xf32> to vector<16xf32>
      %swap3A_195 = vector.shape_cast %add3A_190 : vector<16xf32> to vector<1x16xf32>
      tpu.vector_store %arg12[%swap3A_191, %swap3A_192], %swap3A_195 {strides = array<i32>} : memref<32x1024xf32, #tpu.memory_space<vmem>>, vector<1x16xf32>,
      %get3A_196 = arith.index_cast %scan3A_44 : i32 to index
      %get3A_197 = arith.constant 144 : index
      %get3A_198 = tpu.vector_load %arg12[%get3A_196, %get3A_197] {strides = array<i32>} : memref<32x1024xf32, #tpu.memory_space<vmem>>, vector<1x16xf32>,
      %get3A_199 = vector.shape_cast %get3A_198 : vector<1x16xf32> to vector<16xf32>
      %mul3A_200 = arith.mulf %get3A_48, %get3A_199 : vector<16xf32>
      %get3A_201 = arith.index_cast %scan3A_44 : i32 to index
      %get3A_202 = arith.constant 144 : index
      %get3A_203 = tpu.vector_load %arg13[%get3A_201, %get3A_202] {strides = array<i32>} : memref<32x1024xf32, #tpu.memory_space<vmem>>, vector<1x16xf32>,
      %get3A_204 = vector.shape_cast %get3A_203 : vector<1x16xf32> to vector<16xf32>
      %mul3A_205 = arith.mulf %get3A_52, %get3A_204 : vector<16xf32>
      %add3A_206 = arith.addf %mul3A_200, %mul3A_205 : vector<16xf32>
      %swap3A_207 = arith.index_cast %scan3A_44 : i32 to index
      %swap3A_208 = arith.constant 144 : index
      %swap3A_209 = tpu.vector_load %arg12[%swap3A_207, %swap3A_208] {strides = array<i32>} : memref<32x1024xf32, #tpu.memory_space<vmem>>, vector<1x16xf32>,
      %swap3A_210 = vector.shape_cast %swap3A_209 : vector<1x16xf32> to vector<16xf32>
      %swap3A_211 = vector.shape_cast %add3A_206 : vector<16xf32> to vector<1x16xf32>
      tpu.vector_store %arg12[%swap3A_207, %swap3A_208], %swap3A_211 {strides = array<i32>} : memref<32x1024xf32, #tpu.memory_space<vmem>>, vector<1x16xf32>,
      %get3A_212 = arith.index_cast %scan3A_44 : i32 to index
      %get3A_213 = arith.constant 160 : index
      %get3A_214 = tpu.vector_load %arg12[%get3A_212, %get3A_213] {strides = array<i32>} : memref<32x1024xf32, #tpu.memory_space<vmem>>, vector<1x16xf32>,
      %get3A_215 = vector.shape_cast %get3A_214 : vector<1x16xf32> to vector<16xf32>
      %mul3A_216 = arith.mulf %get3A_48, %get3A_215 : vector<16xf32>
      %get3A_217 = arith.index_cast %scan3A_44 : i32 to index
      %get3A_218 = arith.constant 160 : index
      %get3A_219 = tpu.vector_load %arg13[%get3A_217, %get3A_218] {strides = array<i32>} : memref<32x1024xf32, #tpu.memory_space<vmem>>, vector<1x16xf32>,
      %get3A_220 = vector.shape_cast %get3A_219 : vector<1x16xf32> to vector<16xf32>
      %mul3A_221 = arith.mulf %get3A_52, %get3A_220 : vector<16xf32>
      %add3A_222 = arith.addf %mul3A_216, %mul3A_221 : vector<16xf32>
      %swap3A_223 = arith.index_cast %scan3A_44 : i32 to index
      %swap3A_224 = arith.constant 160 : index
      %swap3A_225 = tpu.vector_load %arg12[%swap3A_223, %swap3A_224] {strides = array<i32>} : memref<32x1024xf32, #tpu.memory_space<vmem>>, vector<1x16xf32>,
      %swap3A_226 = vector.shape_cast %swap3A_225 : vector<1x16xf32> to vector<16xf32>
      %swap3A_227 = vector.shape_cast %add3A_222 : vector<16xf32> to vector<1x16xf32>
      tpu.vector_store %arg12[%swap3A_223, %swap3A_224], %swap3A_227 {strides = array<i32>} : memref<32x1024xf32, #tpu.memory_space<vmem>>, vector<1x16xf32>,
      %get3A_228 = arith.index_cast %scan3A_44 : i32 to index
      %get3A_229 = arith.constant 176 : index
      %get3A_230 = tpu.vector_load %arg12[%get3A_228, %get3A_229] {strides = array<i32>} : memref<32x1024xf32, #tpu.memory_space<vmem>>, vector<1x16xf32>,
      %get3A_231 = vector.shape_cast %get3A_230 : vector<1x16xf32> to vector<16xf32>
      %mul3A_232 = arith.mulf %get3A_48, %get3A_231 : vector<16xf32>
      %get3A_233 = arith.index_cast %scan3A_44 : i32 to index
      %get3A_234 = arith.constant 176 : index
      %get3A_235 = tpu.vector_load %arg13[%get3A_233, %get3A_234] {strides = array<i32>} : memref<32x1024xf32, #tpu.memory_space<vmem>>, vector<1x16xf32>,
      %get3A_236 = vector.shape_cast %get3A_235 : vector<1x16xf32> to vector<16xf32>
      %mul3A_237 = arith.mulf %get3A_52, %get3A_236 : vector<16xf32>
      %add3A_238 = arith.addf %mul3A_232, %mul3A_237 : vector<16xf32>
      %swap3A_239 = arith.index_cast %scan3A_44 : i32 to index
      %swap3A_240 = arith.constant 176 : index
      %swap3A_241 = tpu.vector_load %arg12[%swap3A_239, %swap3A_240] {strides = array<i32>} : memref<32x1024xf32, #tpu.memory_space<vmem>>, vector<1x16xf32>,
      %swap3A_242 = vector.shape_cast %swap3A_241 : vector<1x16xf32> to vector<16xf32>
      %swap3A_243 = vector.shape_cast %add3A_238 : vector<16xf32> to vector<1x16xf32>
      tpu.vector_store %arg12[%swap3A_239, %swap3A_240], %swap3A_243 {strides = array<i32>} : memref<32x1024xf32, #tpu.memory_space<vmem>>, vector<1x16xf32>,
      %get3A_244 = arith.index_cast %scan3A_44 : i32 to index
      %get3A_245 = arith.constant 192 : index
      %get3A_246 = tpu.vector_load %arg12[%get3A_244, %get3A_245] {strides = array<i32>} : memref<32x1024xf32, #tpu.memory_space<vmem>>, vector<1x16xf32>,
      %get3A_247 = vector.shape_cast %get3A_246 : vector<1x16xf32> to vector<16xf32>
      %mul3A_248 = arith.mulf %get3A_48, %get3A_247 : vector<16xf32>
      %get3A_249 = arith.index_cast %scan3A_44 : i32 to index
      %get3A_250 = arith.constant 192 : index
      %get3A_251 = tpu.vector_load %arg13[%get3A_249, %get3A_250] {strides = array<i32>} : memref<32x1024xf32, #tpu.memory_space<vmem>>, vector<1x16xf32>,
      %get3A_252 = vector.shape_cast %get3A_251 : vector<1x16xf32> to vector<16xf32>
      %mul3A_253 = arith.mulf %get3A_52, %get3A_252 : vector<16xf32>
      %add3A_254 = arith.addf %mul3A_248, %mul3A_253 : vector<16xf32>
      %swap3A_255 = arith.index_cast %scan3A_44 : i32 to index
      %swap3A_256 = arith.constant 192 : index
      %swap3A_257 = tpu.vector_load %arg12[%swap3A_255, %swap3A_256] {strides = array<i32>} : memref<32x1024xf32, #tpu.memory_space<vmem>>, vector<1x16xf32>,
      %swap3A_258 = vector.shape_cast %swap3A_257 : vector<1x16xf32> to vector<16xf32>
      %swap3A_259 = vector.shape_cast %add3A_254 : vector<16xf32> to vector<1x16xf32>
      tpu.vector_store %arg12[%swap3A_255, %swap3A_256], %swap3A_259 {strides = array<i32>} : memref<32x1024xf32, #tpu.memory_space<vmem>>, vector<1x16xf32>,
      %get3A_260 = arith.index_cast %scan3A_44 : i32 to index
      %get3A_261 = arith.constant 208 : index
      %get3A_262 = tpu.vector_load %arg12[%get3A_260, %get3A_261] {strides = array<i32>} : memref<32x1024xf32, #tpu.memory_space<vmem>>, vector<1x16xf32>,
      %get3A_263 = vector.shape_cast %get3A_262 : vector<1x16xf32> to vector<16xf32>
      %mul3A_264 = arith.mulf %get3A_48, %get3A_263 : vector<16xf32>
      %get3A_265 = arith.index_cast %scan3A_44 : i32 to index
      %get3A_266 = arith.constant 208 : index
      %get3A_267 = tpu.vector_load %arg13[%get3A_265, %get3A_266] {strides = array<i32>} : memref<32x1024xf32, #tpu.memory_space<vmem>>, vector<1x16xf32>,
      %get3A_268 = vector.shape_cast %get3A_267 : vector<1x16xf32> to vector<16xf32>
      %mul3A_269 = arith.mulf %get3A_52, %get3A_268 : vector<16xf32>
      %add3A_270 = arith.addf %mul3A_264, %mul3A_269 : vector<16xf32>
      %swap3A_271 = arith.index_cast %scan3A_44 : i32 to index
      %swap3A_272 = arith.constant 208 : index
      %swap3A_273 = tpu.vector_load %arg12[%swap3A_271, %swap3A_272] {strides = array<i32>} : memref<32x1024xf32, #tpu.memory_space<vmem>>, vector<1x16xf32>,
      %swap3A_274 = vector.shape_cast %swap3A_273 : vector<1x16xf32> to vector<16xf32>
      %swap3A_275 = vector.shape_cast %add3A_270 : vector<16xf32> to vector<1x16xf32>
      tpu.vector_store %arg12[%swap3A_271, %swap3A_272], %swap3A_275 {strides = array<i32>} : memref<32x1024xf32, #tpu.memory_space<vmem>>, vector<1x16xf32>,
      %get3A_276 = arith.index_cast %scan3A_44 : i32 to index
      %get3A_277 = arith.constant 224 : index
      %get3A_278 = tpu.vector_load %arg12[%get3A_276, %get3A_277] {strides = array<i32>} : memref<32x1024xf32, #tpu.memory_space<vmem>>, vector<1x16xf32>,
      %get3A_279 = vector.shape_cast %get3A_278 : vector<1x16xf32> to vector<16xf32>
      %mul3A_280 = arith.mulf %get3A_48, %get3A_279 : vector<16xf32>
      %get3A_281 = arith.index_cast %scan3A_44 : i32 to index
      %get3A_282 = arith.constant 224 : index
      %get3A_283 = tpu.vector_load %arg13[%get3A_281, %get3A_282] {strides = array<i32>} : memref<32x1024xf32, #tpu.memory_space<vmem>>, vector<1x16xf32>,
      %get3A_284 = vector.shape_cast %get3A_283 : vector<1x16xf32> to vector<16xf32>
      %mul3A_285 = arith.mulf %get3A_52, %get3A_284 : vector<16xf32>
      %add3A_286 = arith.addf %mul3A_280, %mul3A_285 : vector<16xf32>
      %swap3A_287 = arith.index_cast %scan3A_44 : i32 to index
      %swap3A_288 = arith.constant 224 : index
      %swap3A_289 = tpu.vector_load %arg12[%swap3A_287, %swap3A_288] {strides = array<i32>} : memref<32x1024xf32, #tpu.memory_space<vmem>>, vector<1x16xf32>,
      %swap3A_290 = vector.shape_cast %swap3A_289 : vector<1x16xf32> to vector<16xf32>
      %swap3A_291 = vector.shape_cast %add3A_286 : vector<16xf32> to vector<1x16xf32>
      tpu.vector_store %arg12[%swap3A_287, %swap3A_288], %swap3A_291 {strides = array<i32>} : memref<32x1024xf32, #tpu.memory_space<vmem>>, vector<1x16xf32>,
      %get3A_292 = arith.index_cast %scan3A_44 : i32 to index
      %get3A_293 = arith.constant 240 : index
      %get3A_294 = tpu.vector_load %arg12[%get3A_292, %get3A_293] {strides = array<i32>} : memref<32x1024xf32, #tpu.memory_space<vmem>>, vector<1x16xf32>,
      %get3A_295 = vector.shape_cast %get3A_294 : vector<1x16xf32> to vector<16xf32>
      %mul3A_296 = arith.mulf %get3A_48, %get3A_295 : vector<16xf32>
      %get3A_297 = arith.index_cast %scan3A_44 : i32 to index
      %get3A_298 = arith.constant 240 : index
      %get3A_299 = tpu.vector_load %arg13[%get3A_297, %get3A_298] {strides = array<i32>} : memref<32x1024xf32, #tpu.memory_space<vmem>>, vector<1x16xf32>,
      %get3A_300 = vector.shape_cast %get3A_299 : vector<1x16xf32> to vector<16xf32>
      %mul3A_301 = arith.mulf %get3A_52, %get3A_300 : vector<16xf32>
      %add3A_302 = arith.addf %mul3A_296, %mul3A_301 : vector<16xf32>
      %swap3A_303 = arith.index_cast %scan3A_44 : i32 to index
      %swap3A_304 = arith.constant 240 : index
      %swap3A_305 = tpu.vector_load %arg12[%swap3A_303, %swap3A_304] {strides = array<i32>} : memref<32x1024xf32, #tpu.memory_space<vmem>>, vector<1x16xf32>,
      %swap3A_306 = vector.shape_cast %swap3A_305 : vector<1x16xf32> to vector<16xf32>
      %swap3A_307 = vector.shape_cast %add3A_302 : vector<16xf32> to vector<1x16xf32>
      tpu.vector_store %arg12[%swap3A_303, %swap3A_304], %swap3A_307 {strides = array<i32>} : memref<32x1024xf32, #tpu.memory_space<vmem>>, vector<1x16xf32>,
      %get3A_308 = arith.index_cast %scan3A_44 : i32 to index
      %get3A_309 = arith.constant 256 : index
      %get3A_310 = tpu.vector_load %arg12[%get3A_308, %get3A_309] {strides = array<i32>} : memref<32x1024xf32, #tpu.memory_space<vmem>>, vector<1x16xf32>,
      %get3A_311 = vector.shape_cast %get3A_310 : vector<1x16xf32> to vector<16xf32>
      %mul3A_312 = arith.mulf %get3A_48, %get3A_311 : vector<16xf32>
      %get3A_313 = arith.index_cast %scan3A_44 : i32 to index
      %get3A_314 = arith.constant 256 : index
      %get3A_315 = tpu.vector_load %arg13[%get3A_313, %get3A_314] {strides = array<i32>} : memref<32x1024xf32, #tpu.memory_space<vmem>>, vector<1x16xf32>,
      %get3A_316 = vector.shape_cast %get3A_315 : vector<1x16xf32> to vector<16xf32>
      %mul3A_317 = arith.mulf %get3A_52, %get3A_316 : vector<16xf32>
      %add3A_318 = arith.addf %mul3A_312, %mul3A_317 : vector<16xf32>
      %swap3A_319 = arith.index_cast %scan3A_44 : i32 to index
      %swap3A_320 = arith.constant 256 : index
      %swap3A_321 = tpu.vector_load %arg12[%swap3A_319, %swap3A_320] {strides = array<i32>} : memref<32x1024xf32, #tpu.memory_space<vmem>>, vector<1x16xf32>,
      %swap3A_322 = vector.shape_cast %swap3A_321 : vector<1x16xf32> to vector<16xf32>
      %swap3A_323 = vector.shape_cast %add3A_318 : vector<16xf32> to vector<1x16xf32>
      tpu.vector_store %arg12[%swap3A_319, %swap3A_320], %swap3A_323 {strides = array<i32>} : memref<32x1024xf32, #tpu.memory_space<vmem>>, vector<1x16xf32>,
      %get3A_324 = arith.index_cast %scan3A_44 : i32 to index
      %get3A_325 = arith.constant 272 : index
      %get3A_326 = tpu.vector_load %arg12[%get3A_324, %get3A_325] {strides = array<i32>} : memref<32x1024xf32, #tpu.memory_space<vmem>>, vector<1x16xf32>,
      %get3A_327 = vector.shape_cast %get3A_326 : vector<1x16xf32> to vector<16xf32>
      %mul3A_328 = arith.mulf %get3A_48, %get3A_327 : vector<16xf32>
      %get3A_329 = arith.index_cast %scan3A_44 : i32 to index
      %get3A_330 = arith.constant 272 : index
      %get3A_331 = tpu.vector_load %arg13[%get3A_329, %get3A_330] {strides = array<i32>} : memref<32x1024xf32, #tpu.memory_space<vmem>>, vector<1x16xf32>,
      %get3A_332 = vector.shape_cast %get3A_331 : vector<1x16xf32> to vector<16xf32>
      %mul3A_333 = arith.mulf %get3A_52, %get3A_332 : vector<16xf32>
      %add3A_334 = arith.addf %mul3A_328, %mul3A_333 : vector<16xf32>
      %swap3A_335 = arith.index_cast %scan3A_44 : i32 to index
      %swap3A_336 = arith.constant 272 : index
      %swap3A_337 = tpu.vector_load %arg12[%swap3A_335, %swap3A_336] {strides = array<i32>} : memref<32x1024xf32, #tpu.memory_space<vmem>>, vector<1x16xf32>,
      %swap3A_338 = vector.shape_cast %swap3A_337 : vector<1x16xf32> to vector<16xf32>
      %swap3A_339 = vector.shape_cast %add3A_334 : vector<16xf32> to vector<1x16xf32>
      tpu.vector_store %arg12[%swap3A_335, %swap3A_336], %swap3A_339 {strides = array<i32>} : memref<32x1024xf32, #tpu.memory_space<vmem>>, vector<1x16xf32>,
      %get3A_340 = arith.index_cast %scan3A_44 : i32 to index
      %get3A_341 = arith.constant 288 : index
      %get3A_342 = tpu.vector_load %arg12[%get3A_340, %get3A_341] {strides = array<i32>} : memref<32x1024xf32, #tpu.memory_space<vmem>>, vector<1x16xf32>,
      %get3A_343 = vector.shape_cast %get3A_342 : vector<1x16xf32> to vector<16xf32>
      %mul3A_344 = arith.mulf %get3A_48, %get3A_343 : vector<16xf32>
      %get3A_345 = arith.index_cast %scan3A_44 : i32 to index
      %get3A_346 = arith.constant 288 : index
      %get3A_347 = tpu.vector_load %arg13[%get3A_345, %get3A_346] {strides = array<i32>} : memref<32x1024xf32, #tpu.memory_space<vmem>>, vector<1x16xf32>,
      %get3A_348 = vector.shape_cast %get3A_347 : vector<1x16xf32> to vector<16xf32>
      %mul3A_349 = arith.mulf %get3A_52, %get3A_348 : vector<16xf32>
      %add3A_350 = arith.addf %mul3A_344, %mul3A_349 : vector<16xf32>
      %swap3A_351 = arith.index_cast %scan3A_44 : i32 to index
      %swap3A_352 = arith.constant 288 : index
      %swap3A_353 = tpu.vector_load %arg12[%swap3A_351, %swap3A_352] {strides = array<i32>} : memref<32x1024xf32, #tpu.memory_space<vmem>>, vector<1x16xf32>,
      %swap3A_354 = vector.shape_cast %swap3A_353 : vector<1x16xf32> to vector<16xf32>
      %swap3A_355 = vector.shape_cast %add3A_350 : vector<16xf32> to vector<1x16xf32>
      tpu.vector_store %arg12[%swap3A_351, %swap3A_352], %swap3A_355 {strides = array<i32>} : memref<32x1024xf32, #tpu.memory_space<vmem>>, vector<1x16xf32>,
      %get3A_356 = arith.index_cast %scan3A_44 : i32 to index
      %get3A_357 = arith.constant 304 : index
      %get3A_358 = tpu.vector_load %arg12[%get3A_356, %get3A_357] {strides = array<i32>} : memref<32x1024xf32, #tpu.memory_space<vmem>>, vector<1x16xf32>,
      %get3A_359 = vector.shape_cast %get3A_358 : vector<1x16xf32> to vector<16xf32>
      %mul3A_360 = arith.mulf %get3A_48, %get3A_359 : vector<16xf32>
      %get3A_361 = arith.index_cast %scan3A_44 : i32 to index
      %get3A_362 = arith.constant 304 : index
      %get3A_363 = tpu.vector_load %arg13[%get3A_361, %get3A_362] {strides = array<i32>} : memref<32x1024xf32, #tpu.memory_space<vmem>>, vector<1x16xf32>,
      %get3A_364 = vector.shape_cast %get3A_363 : vector<1x16xf32> to vector<16xf32>
      %mul3A_365 = arith.mulf %get3A_52, %get3A_364 : vector<16xf32>
      %add3A_366 = arith.addf %mul3A_360, %mul3A_365 : vector<16xf32>
      %swap3A_367 = arith.index_cast %scan3A_44 : i32 to index
      %swap3A_368 = arith.constant 304 : index
      %swap3A_369 = tpu.vector_load %arg12[%swap3A_367, %swap3A_368] {strides = array<i32>} : memref<32x1024xf32, #tpu.memory_space<vmem>>, vector<1x16xf32>,
      %swap3A_370 = vector.shape_cast %swap3A_369 : vector<1x16xf32> to vector<16xf32>
      %swap3A_371 = vector.shape_cast %add3A_366 : vector<16xf32> to vector<1x16xf32>
      tpu.vector_store %arg12[%swap3A_367, %swap3A_368], %swap3A_371 {strides = array<i32>} : memref<32x1024xf32, #tpu.memory_space<vmem>>, vector<1x16xf32>,
      %get3A_372 = arith.index_cast %scan3A_44 : i32 to index
      %get3A_373 = arith.constant 320 : index
      %get3A_374 = tpu.vector_load %arg12[%get3A_372, %get3A_373] {strides = array<i32>} : memref<32x1024xf32, #tpu.memory_space<vmem>>, vector<1x16xf32>,
      %get3A_375 = vector.shape_cast %get3A_374 : vector<1x16xf32> to vector<16xf32>
      %mul3A_376 = arith.mulf %get3A_48, %get3A_375 : vector<16xf32>
      %get3A_377 = arith.index_cast %scan3A_44 : i32 to index
      %get3A_378 = arith.constant 320 : index
      %get3A_379 = tpu.vector_load %arg13[%get3A_377, %get3A_378] {strides = array<i32>} : memref<32x1024xf32, #tpu.memory_space<vmem>>, vector<1x16xf32>,
      %get3A_380 = vector.shape_cast %get3A_379 : vector<1x16xf32> to vector<16xf32>
      %mul3A_381 = arith.mulf %get3A_52, %get3A_380 : vector<16xf32>
      %add3A_382 = arith.addf %mul3A_376, %mul3A_381 : vector<16xf32>
      %swap3A_383 = arith.index_cast %scan3A_44 : i32 to index
      %swap3A_384 = arith.constant 320 : index
      %swap3A_385 = tpu.vector_load %arg12[%swap3A_383, %swap3A_384] {strides = array<i32>} : memref<32x1024xf32, #tpu.memory_space<vmem>>, vector<1x16xf32>,
      %swap3A_386 = vector.shape_cast %swap3A_385 : vector<1x16xf32> to vector<16xf32>
      %swap3A_387 = vector.shape_cast %add3A_382 : vector<16xf32> to vector<1x16xf32>
      tpu.vector_store %arg12[%swap3A_383, %swap3A_384], %swap3A_387 {strides = array<i32>} : memref<32x1024xf32, #tpu.memory_space<vmem>>, vector<1x16xf32>,
      %get3A_388 = arith.index_cast %scan3A_44 : i32 to index
      %get3A_389 = arith.constant 336 : index
      %get3A_390 = tpu.vector_load %arg12[%get3A_388, %get3A_389] {strides = array<i32>} : memref<32x1024xf32, #tpu.memory_space<vmem>>, vector<1x16xf32>,
      %get3A_391 = vector.shape_cast %get3A_390 : vector<1x16xf32> to vector<16xf32>
      %mul3A_392 = arith.mulf %get3A_48, %get3A_391 : vector<16xf32>
      %get3A_393 = arith.index_cast %scan3A_44 : i32 to index
      %get3A_394 = arith.constant 336 : index
      %get3A_395 = tpu.vector_load %arg13[%get3A_393, %get3A_394] {strides = array<i32>} : memref<32x1024xf32, #tpu.memory_space<vmem>>, vector<1x16xf32>,
      %get3A_396 = vector.shape_cast %get3A_395 : vector<1x16xf32> to vector<16xf32>
      %mul3A_397 = arith.mulf %get3A_52, %get3A_396 : vector<16xf32>
      %add3A_398 = arith.addf %mul3A_392, %mul3A_397 : vector<16xf32>
      %swap3A_399 = arith.index_cast %scan3A_44 : i32 to index
      %swap3A_400 = arith.constant 336 : index
      %swap3A_401 = tpu.vector_load %arg12[%swap3A_399, %swap3A_400] {strides = array<i32>} : memref<32x1024xf32, #tpu.memory_space<vmem>>, vector<1x16xf32>,
      %swap3A_402 = vector.shape_cast %swap3A_401 : vector<1x16xf32> to vector<16xf32>
      %swap3A_403 = vector.shape_cast %add3A_398 : vector<16xf32> to vector<1x16xf32>
      tpu.vector_store %arg12[%swap3A_399, %swap3A_400], %swap3A_403 {strides = array<i32>} : memref<32x1024xf32, #tpu.memory_space<vmem>>, vector<1x16xf32>,
      %get3A_404 = arith.index_cast %scan3A_44 : i32 to index
      %get3A_405 = arith.constant 352 : index
      %get3A_406 = tpu.vector_load %arg12[%get3A_404, %get3A_405] {strides = array<i32>} : memref<32x1024xf32, #tpu.memory_space<vmem>>, vector<1x16xf32>,
      %get3A_407 = vector.shape_cast %get3A_406 : vector<1x16xf32> to vector<16xf32>
      %mul3A_408 = arith.mulf %get3A_48, %get3A_407 : vector<16xf32>
      %get3A_409 = arith.index_cast %scan3A_44 : i32 to index
      %get3A_410 = arith.constant 352 : index
      %get3A_411 = tpu.vector_load %arg13[%get3A_409, %get3A_410] {strides = array<i32>} : memref<32x1024xf32, #tpu.memory_space<vmem>>, vector<1x16xf32>,
      %get3A_412 = vector.shape_cast %get3A_411 : vector<1x16xf32> to vector<16xf32>
      %mul3A_413 = arith.mulf %get3A_52, %get3A_412 : vector<16xf32>
      %add3A_414 = arith.addf %mul3A_408, %mul3A_413 : vector<16xf32>
      %swap3A_415 = arith.index_cast %scan3A_44 : i32 to index
      %swap3A_416 = arith.constant 352 : index
      %swap3A_417 = tpu.vector_load %arg12[%swap3A_415, %swap3A_416] {strides = array<i32>} : memref<32x1024xf32, #tpu.memory_space<vmem>>, vector<1x16xf32>,
      %swap3A_418 = vector.shape_cast %swap3A_417 : vector<1x16xf32> to vector<16xf32>
      %swap3A_419 = vector.shape_cast %add3A_414 : vector<16xf32> to vector<1x16xf32>
      tpu.vector_store %arg12[%swap3A_415, %swap3A_416], %swap3A_419 {strides = array<i32>} : memref<32x1024xf32, #tpu.memory_space<vmem>>, vector<1x16xf32>,
      %get3A_420 = arith.index_cast %scan3A_44 : i32 to index
      %get3A_421 = arith.constant 368 : index
      %get3A_422 = tpu.vector_load %arg12[%get3A_420, %get3A_421] {strides = array<i32>} : memref<32x1024xf32, #tpu.memory_space<vmem>>, vector<1x16xf32>,
      %get3A_423 = vector.shape_cast %get3A_422 : vector<1x16xf32> to vector<16xf32>
      %mul3A_424 = arith.mulf %get3A_48, %get3A_423 : vector<16xf32>
      %get3A_425 = arith.index_cast %scan3A_44 : i32 to index
      %get3A_426 = arith.constant 368 : index
      %get3A_427 = tpu.vector_load %arg13[%get3A_425, %get3A_426] {strides = array<i32>} : memref<32x1024xf32, #tpu.memory_space<vmem>>, vector<1x16xf32>,
      %get3A_428 = vector.shape_cast %get3A_427 : vector<1x16xf32> to vector<16xf32>
      %mul3A_429 = arith.mulf %get3A_52, %get3A_428 : vector<16xf32>
      %add3A_430 = arith.addf %mul3A_424, %mul3A_429 : vector<16xf32>
      %swap3A_431 = arith.index_cast %scan3A_44 : i32 to index
      %swap3A_432 = arith.constant 368 : index
      %swap3A_433 = tpu.vector_load %arg12[%swap3A_431, %swap3A_432] {strides = array<i32>} : memref<32x1024xf32, #tpu.memory_space<vmem>>, vector<1x16xf32>,
      %swap3A_434 = vector.shape_cast %swap3A_433 : vector<1x16xf32> to vector<16xf32>
      %swap3A_435 = vector.shape_cast %add3A_430 : vector<16xf32> to vector<1x16xf32>
      tpu.vector_store %arg12[%swap3A_431, %swap3A_432], %swap3A_435 {strides = array<i32>} : memref<32x1024xf32, #tpu.memory_space<vmem>>, vector<1x16xf32>,
      %get3A_436 = arith.index_cast %scan3A_44 : i32 to index
      %get3A_437 = arith.constant 384 : index
      %get3A_438 = tpu.vector_load %arg12[%get3A_436, %get3A_437] {strides = array<i32>} : memref<32x1024xf32, #tpu.memory_space<vmem>>, vector<1x16xf32>,
      %get3A_439 = vector.shape_cast %get3A_438 : vector<1x16xf32> to vector<16xf32>
      %mul3A_440 = arith.mulf %get3A_48, %get3A_439 : vector<16xf32>
      %get3A_441 = arith.index_cast %scan3A_44 : i32 to index
      %get3A_442 = arith.constant 384 : index
      %get3A_443 = tpu.vector_load %arg13[%get3A_441, %get3A_442] {strides = array<i32>} : memref<32x1024xf32, #tpu.memory_space<vmem>>, vector<1x16xf32>,
      %get3A_444 = vector.shape_cast %get3A_443 : vector<1x16xf32> to vector<16xf32>
      %mul3A_445 = arith.mulf %get3A_52, %get3A_444 : vector<16xf32>
      %add3A_446 = arith.addf %mul3A_440, %mul3A_445 : vector<16xf32>
      %swap3A_447 = arith.index_cast %scan3A_44 : i32 to index
      %swap3A_448 = arith.constant 384 : index
      %swap3A_449 = tpu.vector_load %arg12[%swap3A_447, %swap3A_448] {strides = array<i32>} : memref<32x1024xf32, #tpu.memory_space<vmem>>, vector<1x16xf32>,
      %swap3A_450 = vector.shape_cast %swap3A_449 : vector<1x16xf32> to vector<16xf32>
      %swap3A_451 = vector.shape_cast %add3A_446 : vector<16xf32> to vector<1x16xf32>
      tpu.vector_store %arg12[%swap3A_447, %swap3A_448], %swap3A_451 {strides = array<i32>} : memref<32x1024xf32, #tpu.memory_space<vmem>>, vector<1x16xf32>,
      %get3A_452 = arith.index_cast %scan3A_44 : i32 to index
      %get3A_453 = arith.constant 400 : index
      %get3A_454 = tpu.vector_load %arg12[%get3A_452, %get3A_453] {strides = array<i32>} : memref<32x1024xf32, #tpu.memory_space<vmem>>, vector<1x16xf32>,
      %get3A_455 = vector.shape_cast %get3A_454 : vector<1x16xf32> to vector<16xf32>
      %mul3A_456 = arith.mulf %get3A_48, %get3A_455 : vector<16xf32>
      %get3A_457 = arith.index_cast %scan3A_44 : i32 to index
      %get3A_458 = arith.constant 400 : index
      %get3A_459 = tpu.vector_load %arg13[%get3A_457, %get3A_458] {strides = array<i32>} : memref<32x1024xf32, #tpu.memory_space<vmem>>, vector<1x16xf32>,
      %get3A_460 = vector.shape_cast %get3A_459 : vector<1x16xf32> to vector<16xf32>
      %mul3A_461 = arith.mulf %get3A_52, %get3A_460 : vector<16xf32>
      %add3A_462 = arith.addf %mul3A_456, %mul3A_461 : vector<16xf32>
      %swap3A_463 = arith.index_cast %scan3A_44 : i32 to index
      %swap3A_464 = arith.constant 400 : index
      %swap3A_465 = tpu.vector_load %arg12[%swap3A_463, %swap3A_464] {strides = array<i32>} : memref<32x1024xf32, #tpu.memory_space<vmem>>, vector<1x16xf32>,
      %swap3A_466 = vector.shape_cast %swap3A_465 : vector<1x16xf32> to vector<16xf32>
      %swap3A_467 = vector.shape_cast %add3A_462 : vector<16xf32> to vector<1x16xf32>
      tpu.vector_store %arg12[%swap3A_463, %swap3A_464], %swap3A_467 {strides = array<i32>} : memref<32x1024xf32, #tpu.memory_space<vmem>>, vector<1x16xf32>,
      %get3A_468 = arith.index_cast %scan3A_44 : i32 to index
      %get3A_469 = arith.constant 416 : index
      %get3A_470 = tpu.vector_load %arg12[%get3A_468, %get3A_469] {strides = array<i32>} : memref<32x1024xf32, #tpu.memory_space<vmem>>, vector<1x16xf32>,
      %get3A_471 = vector.shape_cast %get3A_470 : vector<1x16xf32> to vector<16xf32>
      %mul3A_472 = arith.mulf %get3A_48, %get3A_471 : vector<16xf32>
      %get3A_473 = arith.index_cast %scan3A_44 : i32 to index
      %get3A_474 = arith.constant 416 : index
      %get3A_475 = tpu.vector_load %arg13[%get3A_473, %get3A_474] {strides = array<i32>} : memref<32x1024xf32, #tpu.memory_space<vmem>>, vector<1x16xf32>,
      %get3A_476 = vector.shape_cast %get3A_475 : vector<1x16xf32> to vector<16xf32>
      %mul3A_477 = arith.mulf %get3A_52, %get3A_476 : vector<16xf32>
      %add3A_478 = arith.addf %mul3A_472, %mul3A_477 : vector<16xf32>
      %swap3A_479 = arith.index_cast %scan3A_44 : i32 to index
      %swap3A_480 = arith.constant 416 : index
      %swap3A_481 = tpu.vector_load %arg12[%swap3A_479, %swap3A_480] {strides = array<i32>} : memref<32x1024xf32, #tpu.memory_space<vmem>>, vector<1x16xf32>,
      %swap3A_482 = vector.shape_cast %swap3A_481 : vector<1x16xf32> to vector<16xf32>
      %swap3A_483 = vector.shape_cast %add3A_478 : vector<16xf32> to vector<1x16xf32>
      tpu.vector_store %arg12[%swap3A_479, %swap3A_480], %swap3A_483 {strides = array<i32>} : memref<32x1024xf32, #tpu.memory_space<vmem>>, vector<1x16xf32>,
      %get3A_484 = arith.index_cast %scan3A_44 : i32 to index
      %get3A_485 = arith.constant 432 : index
      %get3A_486 = tpu.vector_load %arg12[%get3A_484, %get3A_485] {strides = array<i32>} : memref<32x1024xf32, #tpu.memory_space<vmem>>, vector<1x16xf32>,
      %get3A_487 = vector.shape_cast %get3A_486 : vector<1x16xf32> to vector<16xf32>
      %mul3A_488 = arith.mulf %get3A_48, %get3A_487 : vector<16xf32>
      %get3A_489 = arith.index_cast %scan3A_44 : i32 to index
      %get3A_490 = arith.constant 432 : index
      %get3A_491 = tpu.vector_load %arg13[%get3A_489, %get3A_490] {strides = array<i32>} : memref<32x1024xf32, #tpu.memory_space<vmem>>, vector<1x16xf32>,
      %get3A_492 = vector.shape_cast %get3A_491 : vector<1x16xf32> to vector<16xf32>
      %mul3A_493 = arith.mulf %get3A_52, %get3A_492 : vector<16xf32>
      %add3A_494 = arith.addf %mul3A_488, %mul3A_493 : vector<16xf32>
      %swap3A_495 = arith.index_cast %scan3A_44 : i32 to index
      %swap3A_496 = arith.constant 432 : index
      %swap3A_497 = tpu.vector_load %arg12[%swap3A_495, %swap3A_496] {strides = array<i32>} : memref<32x1024xf32, #tpu.memory_space<vmem>>, vector<1x16xf32>,
      %swap3A_498 = vector.shape_cast %swap3A_497 : vector<1x16xf32> to vector<16xf32>
      %swap3A_499 = vector.shape_cast %add3A_494 : vector<16xf32> to vector<1x16xf32>
      tpu.vector_store %arg12[%swap3A_495, %swap3A_496], %swap3A_499 {strides = array<i32>} : memref<32x1024xf32, #tpu.memory_space<vmem>>, vector<1x16xf32>,
      %get3A_500 = arith.index_cast %scan3A_44 : i32 to index
      %get3A_501 = arith.constant 448 : index
      %get3A_502 = tpu.vector_load %arg12[%get3A_500, %get3A_501] {strides = array<i32>} : memref<32x1024xf32, #tpu.memory_space<vmem>>, vector<1x16xf32>,
      %get3A_503 = vector.shape_cast %get3A_502 : vector<1x16xf32> to vector<16xf32>
      %mul3A_504 = arith.mulf %get3A_48, %get3A_503 : vector<16xf32>
      %get3A_505 = arith.index_cast %scan3A_44 : i32 to index
      %get3A_506 = arith.constant 448 : index
      %get3A_507 = tpu.vector_load %arg13[%get3A_505, %get3A_506] {strides = array<i32>} : memref<32x1024xf32, #tpu.memory_space<vmem>>, vector<1x16xf32>,
      %get3A_508 = vector.shape_cast %get3A_507 : vector<1x16xf32> to vector<16xf32>
      %mul3A_509 = arith.mulf %get3A_52, %get3A_508 : vector<16xf32>
      %add3A_510 = arith.addf %mul3A_504, %mul3A_509 : vector<16xf32>
      %swap3A_511 = arith.index_cast %scan3A_44 : i32 to index
      %swap3A_512 = arith.constant 448 : index
      %swap3A_513 = tpu.vector_load %arg12[%swap3A_511, %swap3A_512] {strides = array<i32>} : memref<32x1024xf32, #tpu.memory_space<vmem>>, vector<1x16xf32>,
      %swap3A_514 = vector.shape_cast %swap3A_513 : vector<1x16xf32> to vector<16xf32>
      %swap3A_515 = vector.shape_cast %add3A_510 : vector<16xf32> to vector<1x16xf32>
      tpu.vector_store %arg12[%swap3A_511, %swap3A_512], %swap3A_515 {strides = array<i32>} : memref<32x1024xf32, #tpu.memory_space<vmem>>, vector<1x16xf32>,
      %get3A_516 = arith.index_cast %scan3A_44 : i32 to index
      %get3A_517 = arith.constant 464 : index
      %get3A_518 = tpu.vector_load %arg12[%get3A_516, %get3A_517] {strides = array<i32>} : memref<32x1024xf32, #tpu.memory_space<vmem>>, vector<1x16xf32>,
      %get3A_519 = vector.shape_cast %get3A_518 : vector<1x16xf32> to vector<16xf32>
      %mul3A_520 = arith.mulf %get3A_48, %get3A_519 : vector<16xf32>
      %get3A_521 = arith.index_cast %scan3A_44 : i32 to index
      %get3A_522 = arith.constant 464 : index
      %get3A_523 = tpu.vector_load %arg13[%get3A_521, %get3A_522] {strides = array<i32>} : memref<32x1024xf32, #tpu.memory_space<vmem>>, vector<1x16xf32>,
      %get3A_524 = vector.shape_cast %get3A_523 : vector<1x16xf32> to vector<16xf32>
      %mul3A_525 = arith.mulf %get3A_52, %get3A_524 : vector<16xf32>
      %add3A_526 = arith.addf %mul3A_520, %mul3A_525 : vector<16xf32>
      %swap3A_527 = arith.index_cast %scan3A_44 : i32 to index
      %swap3A_528 = arith.constant 464 : index
      %swap3A_529 = tpu.vector_load %arg12[%swap3A_527, %swap3A_528] {strides = array<i32>} : memref<32x1024xf32, #tpu.memory_space<vmem>>, vector<1x16xf32>,
      %swap3A_530 = vector.shape_cast %swap3A_529 : vector<1x16xf32> to vector<16xf32>
      %swap3A_531 = vector.shape_cast %add3A_526 : vector<16xf32> to vector<1x16xf32>
      tpu.vector_store %arg12[%swap3A_527, %swap3A_528], %swap3A_531 {strides = array<i32>} : memref<32x1024xf32, #tpu.memory_space<vmem>>, vector<1x16xf32>,
      %get3A_532 = arith.index_cast %scan3A_44 : i32 to index
      %get3A_533 = arith.constant 480 : index
      %get3A_534 = tpu.vector_load %arg12[%get3A_532, %get3A_533] {strides = array<i32>} : memref<32x1024xf32, #tpu.memory_space<vmem>>, vector<1x16xf32>,
      %get3A_535 = vector.shape_cast %get3A_534 : vector<1x16xf32> to vector<16xf32>
      %mul3A_536 = arith.mulf %get3A_48, %get3A_535 : vector<16xf32>
      %get3A_537 = arith.index_cast %scan3A_44 : i32 to index
      %get3A_538 = arith.constant 480 : index
      %get3A_539 = tpu.vector_load %arg13[%get3A_537, %get3A_538] {strides = array<i32>} : memref<32x1024xf32, #tpu.memory_space<vmem>>, vector<1x16xf32>,
      %get3A_540 = vector.shape_cast %get3A_539 : vector<1x16xf32> to vector<16xf32>
      %mul3A_541 = arith.mulf %get3A_52, %get3A_540 : vector<16xf32>
      %add3A_542 = arith.addf %mul3A_536, %mul3A_541 : vector<16xf32>
      %swap3A_543 = arith.index_cast %scan3A_44 : i32 to index
      %swap3A_544 = arith.constant 480 : index
      %swap3A_545 = tpu.vector_load %arg12[%swap3A_543, %swap3A_544] {strides = array<i32>} : memref<32x1024xf32, #tpu.memory_space<vmem>>, vector<1x16xf32>,
      %swap3A_546 = vector.shape_cast %swap3A_545 : vector<1x16xf32> to vector<16xf32>
      %swap3A_547 = vector.shape_cast %add3A_542 : vector<16xf32> to vector<1x16xf32>
      tpu.vector_store %arg12[%swap3A_543, %swap3A_544], %swap3A_547 {strides = array<i32>} : memref<32x1024xf32, #tpu.memory_space<vmem>>, vector<1x16xf32>,
      %get3A_548 = arith.index_cast %scan3A_44 : i32 to index
      %get3A_549 = arith.constant 496 : index
      %get3A_550 = tpu.vector_load %arg12[%get3A_548, %get3A_549] {strides = array<i32>} : memref<32x1024xf32, #tpu.memory_space<vmem>>, vector<1x16xf32>,
      %get3A_551 = vector.shape_cast %get3A_550 : vector<1x16xf32> to vector<16xf32>
      %mul3A_552 = arith.mulf %get3A_48, %get3A_551 : vector<16xf32>
      %get3A_553 = arith.index_cast %scan3A_44 : i32 to index
      %get3A_554 = arith.constant 496 : index
      %get3A_555 = tpu.vector_load %arg13[%get3A_553, %get3A_554] {strides = array<i32>} : memref<32x1024xf32, #tpu.memory_space<vmem>>, vector<1x16xf32>,
      %get3A_556 = vector.shape_cast %get3A_555 : vector<1x16xf32> to vector<16xf32>
      %mul3A_557 = arith.mulf %get3A_52, %get3A_556 : vector<16xf32>
      %add3A_558 = arith.addf %mul3A_552, %mul3A_557 : vector<16xf32>
      %swap3A_559 = arith.index_cast %scan3A_44 : i32 to index
      %swap3A_560 = arith.constant 496 : index
      %swap3A_561 = tpu.vector_load %arg12[%swap3A_559, %swap3A_560] {strides = array<i32>} : memref<32x1024xf32, #tpu.memory_space<vmem>>, vector<1x16xf32>,
      %swap3A_562 = vector.shape_cast %swap3A_561 : vector<1x16xf32> to vector<16xf32>
      %swap3A_563 = vector.shape_cast %add3A_558 : vector<16xf32> to vector<1x16xf32>
      tpu.vector_store %arg12[%swap3A_559, %swap3A_560], %swap3A_563 {strides = array<i32>} : memref<32x1024xf32, #tpu.memory_space<vmem>>, vector<1x16xf32>,
      %get3A_564 = arith.index_cast %scan3A_44 : i32 to index
      %get3A_565 = arith.constant 512 : index
      %get3A_566 = tpu.vector_load %arg12[%get3A_564, %get3A_565] {strides = array<i32>} : memref<32x1024xf32, #tpu.memory_space<vmem>>, vector<1x16xf32>,
      %get3A_567 = vector.shape_cast %get3A_566 : vector<1x16xf32> to vector<16xf32>
      %mul3A_568 = arith.mulf %get3A_48, %get3A_567 : vector<16xf32>
      %get3A_569 = arith.index_cast %scan3A_44 : i32 to index
      %get3A_570 = arith.constant 512 : index
      %get3A_571 = tpu.vector_load %arg13[%get3A_569, %get3A_570] {strides = array<i32>} : memref<32x1024xf32, #tpu.memory_space<vmem>>, vector<1x16xf32>,
      %get3A_572 = vector.shape_cast %get3A_571 : vector<1x16xf32> to vector<16xf32>
      %mul3A_573 = arith.mulf %get3A_52, %get3A_572 : vector<16xf32>
      %add3A_574 = arith.addf %mul3A_568, %mul3A_573 : vector<16xf32>
      %swap3A_575 = arith.index_cast %scan3A_44 : i32 to index
      %swap3A_576 = arith.constant 512 : index
      %swap3A_577 = tpu.vector_load %arg12[%swap3A_575, %swap3A_576] {strides = array<i32>} : memref<32x1024xf32, #tpu.memory_space<vmem>>, vector<1x16xf32>,
      %swap3A_578 = vector.shape_cast %swap3A_577 : vector<1x16xf32> to vector<16xf32>
      %swap3A_579 = vector.shape_cast %add3A_574 : vector<16xf32> to vector<1x16xf32>
      tpu.vector_store %arg12[%swap3A_575, %swap3A_576], %swap3A_579 {strides = array<i32>} : memref<32x1024xf32, #tpu.memory_space<vmem>>, vector<1x16xf32>,
      %get3A_580 = arith.index_cast %scan3A_44 : i32 to index
      %get3A_581 = arith.constant 528 : index
      %get3A_582 = tpu.vector_load %arg12[%get3A_580, %get3A_581] {strides = array<i32>} : memref<32x1024xf32, #tpu.memory_space<vmem>>, vector<1x16xf32>,
      %get3A_583 = vector.shape_cast %get3A_582 : vector<1x16xf32> to vector<16xf32>
      %mul3A_584 = arith.mulf %get3A_48, %get3A_583 : vector<16xf32>
      %get3A_585 = arith.index_cast %scan3A_44 : i32 to index
      %get3A_586 = arith.constant 528 : index
      %get3A_587 = tpu.vector_load %arg13[%get3A_585, %get3A_586] {strides = array<i32>} : memref<32x1024xf32, #tpu.memory_space<vmem>>, vector<1x16xf32>,
      %get3A_588 = vector.shape_cast %get3A_587 : vector<1x16xf32> to vector<16xf32>
      %mul3A_589 = arith.mulf %get3A_52, %get3A_588 : vector<16xf32>
      %add3A_590 = arith.addf %mul3A_584, %mul3A_589 : vector<16xf32>
      %swap3A_591 = arith.index_cast %scan3A_44 : i32 to index
      %swap3A_592 = arith.constant 528 : index
      %swap3A_593 = tpu.vector_load %arg12[%swap3A_591, %swap3A_592] {strides = array<i32>} : memref<32x1024xf32, #tpu.memory_space<vmem>>, vector<1x16xf32>,
      %swap3A_594 = vector.shape_cast %swap3A_593 : vector<1x16xf32> to vector<16xf32>
      %swap3A_595 = vector.shape_cast %add3A_590 : vector<16xf32> to vector<1x16xf32>
      tpu.vector_store %arg12[%swap3A_591, %swap3A_592], %swap3A_595 {strides = array<i32>} : memref<32x1024xf32, #tpu.memory_space<vmem>>, vector<1x16xf32>,
      %get3A_596 = arith.index_cast %scan3A_44 : i32 to index
      %get3A_597 = arith.constant 544 : index
      %get3A_598 = tpu.vector_load %arg12[%get3A_596, %get3A_597] {strides = array<i32>} : memref<32x1024xf32, #tpu.memory_space<vmem>>, vector<1x16xf32>,
      %get3A_599 = vector.shape_cast %get3A_598 : vector<1x16xf32> to vector<16xf32>
      %mul3A_600 = arith.mulf %get3A_48, %get3A_599 : vector<16xf32>
      %get3A_601 = arith.index_cast %scan3A_44 : i32 to index
      %get3A_602 = arith.constant 544 : index
      %get3A_603 = tpu.vector_load %arg13[%get3A_601, %get3A_602] {strides = array<i32>} : memref<32x1024xf32, #tpu.memory_space<vmem>>, vector<1x16xf32>,
      %get3A_604 = vector.shape_cast %get3A_603 : vector<1x16xf32> to vector<16xf32>
      %mul3A_605 = arith.mulf %get3A_52, %get3A_604 : vector<16xf32>
      %add3A_606 = arith.addf %mul3A_600, %mul3A_605 : vector<16xf32>
      %swap3A_607 = arith.index_cast %scan3A_44 : i32 to index
      %swap3A_608 = arith.constant 544 : index
      %swap3A_609 = tpu.vector_load %arg12[%swap3A_607, %swap3A_608] {strides = array<i32>} : memref<32x1024xf32, #tpu.memory_space<vmem>>, vector<1x16xf32>,
      %swap3A_610 = vector.shape_cast %swap3A_609 : vector<1x16xf32> to vector<16xf32>
      %swap3A_611 = vector.shape_cast %add3A_606 : vector<16xf32> to vector<1x16xf32>
      tpu.vector_store %arg12[%swap3A_607, %swap3A_608], %swap3A_611 {strides = array<i32>} : memref<32x1024xf32, #tpu.memory_space<vmem>>, vector<1x16xf32>,
      %get3A_612 = arith.index_cast %scan3A_44 : i32 to index
      %get3A_613 = arith.constant 560 : index
      %get3A_614 = tpu.vector_load %arg12[%get3A_612, %get3A_613] {strides = array<i32>} : memref<32x1024xf32, #tpu.memory_space<vmem>>, vector<1x16xf32>,
      %get3A_615 = vector.shape_cast %get3A_614 : vector<1x16xf32> to vector<16xf32>
      %mul3A_616 = arith.mulf %get3A_48, %get3A_615 : vector<16xf32>
      %get3A_617 = arith.index_cast %scan3A_44 : i32 to index
      %get3A_618 = arith.constant 560 : index
      %get3A_619 = tpu.vector_load %arg13[%get3A_617, %get3A_618] {strides = array<i32>} : memref<32x1024xf32, #tpu.memory_space<vmem>>, vector<1x16xf32>,
      %get3A_620 = vector.shape_cast %get3A_619 : vector<1x16xf32> to vector<16xf32>
      %mul3A_621 = arith.mulf %get3A_52, %get3A_620 : vector<16xf32>
      %add3A_622 = arith.addf %mul3A_616, %mul3A_621 : vector<16xf32>
      %swap3A_623 = arith.index_cast %scan3A_44 : i32 to index
      %swap3A_624 = arith.constant 560 : index
      %swap3A_625 = tpu.vector_load %arg12[%swap3A_623, %swap3A_624] {strides = array<i32>} : memref<32x1024xf32, #tpu.memory_space<vmem>>, vector<1x16xf32>,
      %swap3A_626 = vector.shape_cast %swap3A_625 : vector<1x16xf32> to vector<16xf32>
      %swap3A_627 = vector.shape_cast %add3A_622 : vector<16xf32> to vector<1x16xf32>
      tpu.vector_store %arg12[%swap3A_623, %swap3A_624], %swap3A_627 {strides = array<i32>} : memref<32x1024xf32, #tpu.memory_space<vmem>>, vector<1x16xf32>,
      %get3A_628 = arith.index_cast %scan3A_44 : i32 to index
      %get3A_629 = arith.constant 576 : index
      %get3A_630 = tpu.vector_load %arg12[%get3A_628, %get3A_629] {strides = array<i32>} : memref<32x1024xf32, #tpu.memory_space<vmem>>, vector<1x16xf32>,
      %get3A_631 = vector.shape_cast %get3A_630 : vector<1x16xf32> to vector<16xf32>
      %mul3A_632 = arith.mulf %get3A_48, %get3A_631 : vector<16xf32>
      %get3A_633 = arith.index_cast %scan3A_44 : i32 to index
      %get3A_634 = arith.constant 576 : index
      %get3A_635 = tpu.vector_load %arg13[%get3A_633, %get3A_634] {strides = array<i32>} : memref<32x1024xf32, #tpu.memory_space<vmem>>, vector<1x16xf32>,
      %get3A_636 = vector.shape_cast %get3A_635 : vector<1x16xf32> to vector<16xf32>
      %mul3A_637 = arith.mulf %get3A_52, %get3A_636 : vector<16xf32>
      %add3A_638 = arith.addf %mul3A_632, %mul3A_637 : vector<16xf32>
      %swap3A_639 = arith.index_cast %scan3A_44 : i32 to index
      %swap3A_640 = arith.constant 576 : index
      %swap3A_641 = tpu.vector_load %arg12[%swap3A_639, %swap3A_640] {strides = array<i32>} : memref<32x1024xf32, #tpu.memory_space<vmem>>, vector<1x16xf32>,
      %swap3A_642 = vector.shape_cast %swap3A_641 : vector<1x16xf32> to vector<16xf32>
      %swap3A_643 = vector.shape_cast %add3A_638 : vector<16xf32> to vector<1x16xf32>
      tpu.vector_store %arg12[%swap3A_639, %swap3A_640], %swap3A_643 {strides = array<i32>} : memref<32x1024xf32, #tpu.memory_space<vmem>>, vector<1x16xf32>,
      %get3A_644 = arith.index_cast %scan3A_44 : i32 to index
      %get3A_645 = arith.constant 592 : index
      %get3A_646 = tpu.vector_load %arg12[%get3A_644, %get3A_645] {strides = array<i32>} : memref<32x1024xf32, #tpu.memory_space<vmem>>, vector<1x16xf32>,
      %get3A_647 = vector.shape_cast %get3A_646 : vector<1x16xf32> to vector<16xf32>
      %mul3A_648 = arith.mulf %get3A_48, %get3A_647 : vector<16xf32>
      %get3A_649 = arith.index_cast %scan3A_44 : i32 to index
      %get3A_650 = arith.constant 592 : index
      %get3A_651 = tpu.vector_load %arg13[%get3A_649, %get3A_650] {strides = array<i32>} : memref<32x1024xf32, #tpu.memory_space<vmem>>, vector<1x16xf32>,
      %get3A_652 = vector.shape_cast %get3A_651 : vector<1x16xf32> to vector<16xf32>
      %mul3A_653 = arith.mulf %get3A_52, %get3A_652 : vector<16xf32>
      %add3A_654 = arith.addf %mul3A_648, %mul3A_653 : vector<16xf32>
      %swap3A_655 = arith.index_cast %scan3A_44 : i32 to index
      %swap3A_656 = arith.constant 592 : index
      %swap3A_657 = tpu.vector_load %arg12[%swap3A_655, %swap3A_656] {strides = array<i32>} : memref<32x1024xf32, #tpu.memory_space<vmem>>, vector<1x16xf32>,
      %swap3A_658 = vector.shape_cast %swap3A_657 : vector<1x16xf32> to vector<16xf32>
      %swap3A_659 = vector.shape_cast %add3A_654 : vector<16xf32> to vector<1x16xf32>
      tpu.vector_store %arg12[%swap3A_655, %swap3A_656], %swap3A_659 {strides = array<i32>} : memref<32x1024xf32, #tpu.memory_space<vmem>>, vector<1x16xf32>,
      %get3A_660 = arith.index_cast %scan3A_44 : i32 to index
      %get3A_661 = arith.constant 608 : index
      %get3A_662 = tpu.vector_load %arg12[%get3A_660, %get3A_661] {strides = array<i32>} : memref<32x1024xf32, #tpu.memory_space<vmem>>, vector<1x16xf32>,
      %get3A_663 = vector.shape_cast %get3A_662 : vector<1x16xf32> to vector<16xf32>
      %mul3A_664 = arith.mulf %get3A_48, %get3A_663 : vector<16xf32>
      %get3A_665 = arith.index_cast %scan3A_44 : i32 to index
      %get3A_666 = arith.constant 608 : index
      %get3A_667 = tpu.vector_load %arg13[%get3A_665, %get3A_666] {strides = array<i32>} : memref<32x1024xf32, #tpu.memory_space<vmem>>, vector<1x16xf32>,
      %get3A_668 = vector.shape_cast %get3A_667 : vector<1x16xf32> to vector<16xf32>
      %mul3A_669 = arith.mulf %get3A_52, %get3A_668 : vector<16xf32>
      %add3A_670 = arith.addf %mul3A_664, %mul3A_669 : vector<16xf32>
      %swap3A_671 = arith.index_cast %scan3A_44 : i32 to index
      %swap3A_672 = arith.constant 608 : index
      %swap3A_673 = tpu.vector_load %arg12[%swap3A_671, %swap3A_672] {strides = array<i32>} : memref<32x1024xf32, #tpu.memory_space<vmem>>, vector<1x16xf32>,
      %swap3A_674 = vector.shape_cast %swap3A_673 : vector<1x16xf32> to vector<16xf32>
      %swap3A_675 = vector.shape_cast %add3A_670 : vector<16xf32> to vector<1x16xf32>
      tpu.vector_store %arg12[%swap3A_671, %swap3A_672], %swap3A_675 {strides = array<i32>} : memref<32x1024xf32, #tpu.memory_space<vmem>>, vector<1x16xf32>,
      %get3A_676 = arith.index_cast %scan3A_44 : i32 to index
      %get3A_677 = arith.constant 624 : index
      %get3A_678 = tpu.vector_load %arg12[%get3A_676, %get3A_677] {strides = array<i32>} : memref<32x1024xf32, #tpu.memory_space<vmem>>, vector<1x16xf32>,
      %get3A_679 = vector.shape_cast %get3A_678 : vector<1x16xf32> to vector<16xf32>
      %mul3A_680 = arith.mulf %get3A_48, %get3A_679 : vector<16xf32>
      %get3A_681 = arith.index_cast %scan3A_44 : i32 to index
      %get3A_682 = arith.constant 624 : index
      %get3A_683 = tpu.vector_load %arg13[%get3A_681, %get3A_682] {strides = array<i32>} : memref<32x1024xf32, #tpu.memory_space<vmem>>, vector<1x16xf32>,
      %get3A_684 = vector.shape_cast %get3A_683 : vector<1x16xf32> to vector<16xf32>
      %mul3A_685 = arith.mulf %get3A_52, %get3A_684 : vector<16xf32>
      %add3A_686 = arith.addf %mul3A_680, %mul3A_685 : vector<16xf32>
      %swap3A_687 = arith.index_cast %scan3A_44 : i32 to index
      %swap3A_688 = arith.constant 624 : index
      %swap3A_689 = tpu.vector_load %arg12[%swap3A_687, %swap3A_688] {strides = array<i32>} : memref<32x1024xf32, #tpu.memory_space<vmem>>, vector<1x16xf32>,
      %swap3A_690 = vector.shape_cast %swap3A_689 : vector<1x16xf32> to vector<16xf32>
      %swap3A_691 = vector.shape_cast %add3A_686 : vector<16xf32> to vector<1x16xf32>
      tpu.vector_store %arg12[%swap3A_687, %swap3A_688], %swap3A_691 {strides = array<i32>} : memref<32x1024xf32, #tpu.memory_space<vmem>>, vector<1x16xf32>,
      %get3A_692 = arith.index_cast %scan3A_44 : i32 to index
      %get3A_693 = arith.constant 640 : index
      %get3A_694 = tpu.vector_load %arg12[%get3A_692, %get3A_693] {strides = array<i32>} : memref<32x1024xf32, #tpu.memory_space<vmem>>, vector<1x16xf32>,
      %get3A_695 = vector.shape_cast %get3A_694 : vector<1x16xf32> to vector<16xf32>
      %mul3A_696 = arith.mulf %get3A_48, %get3A_695 : vector<16xf32>
      %get3A_697 = arith.index_cast %scan3A_44 : i32 to index
      %get3A_698 = arith.constant 640 : index
      %get3A_699 = tpu.vector_load %arg13[%get3A_697, %get3A_698] {strides = array<i32>} : memref<32x1024xf32, #tpu.memory_space<vmem>>, vector<1x16xf32>,
      %get3A_700 = vector.shape_cast %get3A_699 : vector<1x16xf32> to vector<16xf32>
      %mul3A_701 = arith.mulf %get3A_52, %get3A_700 : vector<16xf32>
      %add3A_702 = arith.addf %mul3A_696, %mul3A_701 : vector<16xf32>
      %swap3A_703 = arith.index_cast %scan3A_44 : i32 to index
      %swap3A_704 = arith.constant 640 : index
      %swap3A_705 = tpu.vector_load %arg12[%swap3A_703, %swap3A_704] {strides = array<i32>} : memref<32x1024xf32, #tpu.memory_space<vmem>>, vector<1x16xf32>,
      %swap3A_706 = vector.shape_cast %swap3A_705 : vector<1x16xf32> to vector<16xf32>
      %swap3A_707 = vector.shape_cast %add3A_702 : vector<16xf32> to vector<1x16xf32>
      tpu.vector_store %arg12[%swap3A_703, %swap3A_704], %swap3A_707 {strides = array<i32>} : memref<32x1024xf32, #tpu.memory_space<vmem>>, vector<1x16xf32>,
      %get3A_708 = arith.index_cast %scan3A_44 : i32 to index
      %get3A_709 = arith.constant 656 : index
      %get3A_710 = tpu.vector_load %arg12[%get3A_708, %get3A_709] {strides = array<i32>} : memref<32x1024xf32, #tpu.memory_space<vmem>>, vector<1x16xf32>,
      %get3A_711 = vector.shape_cast %get3A_710 : vector<1x16xf32> to vector<16xf32>
      %mul3A_712 = arith.mulf %get3A_48, %get3A_711 : vector<16xf32>
      %get3A_713 = arith.index_cast %scan3A_44 : i32 to index
      %get3A_714 = arith.constant 656 : index
      %get3A_715 = tpu.vector_load %arg13[%get3A_713, %get3A_714] {strides = array<i32>} : memref<32x1024xf32, #tpu.memory_space<vmem>>, vector<1x16xf32>,
      %get3A_716 = vector.shape_cast %get3A_715 : vector<1x16xf32> to vector<16xf32>
      %mul3A_717 = arith.mulf %get3A_52, %get3A_716 : vector<16xf32>
      %add3A_718 = arith.addf %mul3A_712, %mul3A_717 : vector<16xf32>
      %swap3A_719 = arith.index_cast %scan3A_44 : i32 to index
      %swap3A_720 = arith.constant 656 : index
      %swap3A_721 = tpu.vector_load %arg12[%swap3A_719, %swap3A_720] {strides = array<i32>} : memref<32x1024xf32, #tpu.memory_space<vmem>>, vector<1x16xf32>,
      %swap3A_722 = vector.shape_cast %swap3A_721 : vector<1x16xf32> to vector<16xf32>
      %swap3A_723 = vector.shape_cast %add3A_718 : vector<16xf32> to vector<1x16xf32>
      tpu.vector_store %arg12[%swap3A_719, %swap3A_720], %swap3A_723 {strides = array<i32>} : memref<32x1024xf32, #tpu.memory_space<vmem>>, vector<1x16xf32>,
      %get3A_724 = arith.index_cast %scan3A_44 : i32 to index
      %get3A_725 = arith.constant 672 : index
      %get3A_726 = tpu.vector_load %arg12[%get3A_724, %get3A_725] {strides = array<i32>} : memref<32x1024xf32, #tpu.memory_space<vmem>>, vector<1x16xf32>,
      %get3A_727 = vector.shape_cast %get3A_726 : vector<1x16xf32> to vector<16xf32>
      %mul3A_728 = arith.mulf %get3A_48, %get3A_727 : vector<16xf32>
      %get3A_729 = arith.index_cast %scan3A_44 : i32 to index
      %get3A_730 = arith.constant 672 : index
      %get3A_731 = tpu.vector_load %arg13[%get3A_729, %get3A_730] {strides = array<i32>} : memref<32x1024xf32, #tpu.memory_space<vmem>>, vector<1x16xf32>,
      %get3A_732 = vector.shape_cast %get3A_731 : vector<1x16xf32> to vector<16xf32>
      %mul3A_733 = arith.mulf %get3A_52, %get3A_732 : vector<16xf32>
      %add3A_734 = arith.addf %mul3A_728, %mul3A_733 : vector<16xf32>
      %swap3A_735 = arith.index_cast %scan3A_44 : i32 to index
      %swap3A_736 = arith.constant 672 : index
      %swap3A_737 = tpu.vector_load %arg12[%swap3A_735, %swap3A_736] {strides = array<i32>} : memref<32x1024xf32, #tpu.memory_space<vmem>>, vector<1x16xf32>,
      %swap3A_738 = vector.shape_cast %swap3A_737 : vector<1x16xf32> to vector<16xf32>
      %swap3A_739 = vector.shape_cast %add3A_734 : vector<16xf32> to vector<1x16xf32>
      tpu.vector_store %arg12[%swap3A_735, %swap3A_736], %swap3A_739 {strides = array<i32>} : memref<32x1024xf32, #tpu.memory_space<vmem>>, vector<1x16xf32>,
      %get3A_740 = arith.index_cast %scan3A_44 : i32 to index
      %get3A_741 = arith.constant 688 : index
      %get3A_742 = tpu.vector_load %arg12[%get3A_740, %get3A_741] {strides = array<i32>} : memref<32x1024xf32, #tpu.memory_space<vmem>>, vector<1x16xf32>,
      %get3A_743 = vector.shape_cast %get3A_742 : vector<1x16xf32> to vector<16xf32>
      %mul3A_744 = arith.mulf %get3A_48, %get3A_743 : vector<16xf32>
      %get3A_745 = arith.index_cast %scan3A_44 : i32 to index
      %get3A_746 = arith.constant 688 : index
      %get3A_747 = tpu.vector_load %arg13[%get3A_745, %get3A_746] {strides = array<i32>} : memref<32x1024xf32, #tpu.memory_space<vmem>>, vector<1x16xf32>,
      %get3A_748 = vector.shape_cast %get3A_747 : vector<1x16xf32> to vector<16xf32>
      %mul3A_749 = arith.mulf %get3A_52, %get3A_748 : vector<16xf32>
      %add3A_750 = arith.addf %mul3A_744, %mul3A_749 : vector<16xf32>
      %swap3A_751 = arith.index_cast %scan3A_44 : i32 to index
      %swap3A_752 = arith.constant 688 : index
      %swap3A_753 = tpu.vector_load %arg12[%swap3A_751, %swap3A_752] {strides = array<i32>} : memref<32x1024xf32, #tpu.memory_space<vmem>>, vector<1x16xf32>,
      %swap3A_754 = vector.shape_cast %swap3A_753 : vector<1x16xf32> to vector<16xf32>
      %swap3A_755 = vector.shape_cast %add3A_750 : vector<16xf32> to vector<1x16xf32>
      tpu.vector_store %arg12[%swap3A_751, %swap3A_752], %swap3A_755 {strides = array<i32>} : memref<32x1024xf32, #tpu.memory_space<vmem>>, vector<1x16xf32>,
      %get3A_756 = arith.index_cast %scan3A_44 : i32 to index
      %get3A_757 = arith.constant 704 : index
      %get3A_758 = tpu.vector_load %arg12[%get3A_756, %get3A_757] {strides = array<i32>} : memref<32x1024xf32, #tpu.memory_space<vmem>>, vector<1x16xf32>,
      %get3A_759 = vector.shape_cast %get3A_758 : vector<1x16xf32> to vector<16xf32>
      %mul3A_760 = arith.mulf %get3A_48, %get3A_759 : vector<16xf32>
      %get3A_761 = arith.index_cast %scan3A_44 : i32 to index
      %get3A_762 = arith.constant 704 : index
      %get3A_763 = tpu.vector_load %arg13[%get3A_761, %get3A_762] {strides = array<i32>} : memref<32x1024xf32, #tpu.memory_space<vmem>>, vector<1x16xf32>,
      %get3A_764 = vector.shape_cast %get3A_763 : vector<1x16xf32> to vector<16xf32>
      %mul3A_765 = arith.mulf %get3A_52, %get3A_764 : vector<16xf32>
      %add3A_766 = arith.addf %mul3A_760, %mul3A_765 : vector<16xf32>
      %swap3A_767 = arith.index_cast %scan3A_44 : i32 to index
      %swap3A_768 = arith.constant 704 : index
      %swap3A_769 = tpu.vector_load %arg12[%swap3A_767, %swap3A_768] {strides = array<i32>} : memref<32x1024xf32, #tpu.memory_space<vmem>>, vector<1x16xf32>,
      %swap3A_770 = vector.shape_cast %swap3A_769 : vector<1x16xf32> to vector<16xf32>
      %swap3A_771 = vector.shape_cast %add3A_766 : vector<16xf32> to vector<1x16xf32>
      tpu.vector_store %arg12[%swap3A_767, %swap3A_768], %swap3A_771 {strides = array<i32>} : memref<32x1024xf32, #tpu.memory_space<vmem>>, vector<1x16xf32>,
      %get3A_772 = arith.index_cast %scan3A_44 : i32 to index
      %get3A_773 = arith.constant 720 : index
      %get3A_774 = tpu.vector_load %arg12[%get3A_772, %get3A_773] {strides = array<i32>} : memref<32x1024xf32, #tpu.memory_space<vmem>>, vector<1x16xf32>,
      %get3A_775 = vector.shape_cast %get3A_774 : vector<1x16xf32> to vector<16xf32>
      %mul3A_776 = arith.mulf %get3A_48, %get3A_775 : vector<16xf32>
      %get3A_777 = arith.index_cast %scan3A_44 : i32 to index
      %get3A_778 = arith.constant 720 : index
      %get3A_779 = tpu.vector_load %arg13[%get3A_777, %get3A_778] {strides = array<i32>} : memref<32x1024xf32, #tpu.memory_space<vmem>>, vector<1x16xf32>,
      %get3A_780 = vector.shape_cast %get3A_779 : vector<1x16xf32> to vector<16xf32>
      %mul3A_781 = arith.mulf %get3A_52, %get3A_780 : vector<16xf32>
      %add3A_782 = arith.addf %mul3A_776, %mul3A_781 : vector<16xf32>
      %swap3A_783 = arith.index_cast %scan3A_44 : i32 to index
      %swap3A_784 = arith.constant 720 : index
      %swap3A_785 = tpu.vector_load %arg12[%swap3A_783, %swap3A_784] {strides = array<i32>} : memref<32x1024xf32, #tpu.memory_space<vmem>>, vector<1x16xf32>,
      %swap3A_786 = vector.shape_cast %swap3A_785 : vector<1x16xf32> to vector<16xf32>
      %swap3A_787 = vector.shape_cast %add3A_782 : vector<16xf32> to vector<1x16xf32>
      tpu.vector_store %arg12[%swap3A_783, %swap3A_784], %swap3A_787 {strides = array<i32>} : memref<32x1024xf32, #tpu.memory_space<vmem>>, vector<1x16xf32>,
      %get3A_788 = arith.index_cast %scan3A_44 : i32 to index
      %get3A_789 = arith.constant 736 : index
      %get3A_790 = tpu.vector_load %arg12[%get3A_788, %get3A_789] {strides = array<i32>} : memref<32x1024xf32, #tpu.memory_space<vmem>>, vector<1x16xf32>,
      %get3A_791 = vector.shape_cast %get3A_790 : vector<1x16xf32> to vector<16xf32>
      %mul3A_792 = arith.mulf %get3A_48, %get3A_791 : vector<16xf32>
      %get3A_793 = arith.index_cast %scan3A_44 : i32 to index
      %get3A_794 = arith.constant 736 : index
      %get3A_795 = tpu.vector_load %arg13[%get3A_793, %get3A_794] {strides = array<i32>} : memref<32x1024xf32, #tpu.memory_space<vmem>>, vector<1x16xf32>,
      %get3A_796 = vector.shape_cast %get3A_795 : vector<1x16xf32> to vector<16xf32>
      %mul3A_797 = arith.mulf %get3A_52, %get3A_796 : vector<16xf32>
      %add3A_798 = arith.addf %mul3A_792, %mul3A_797 : vector<16xf32>
      %swap3A_799 = arith.index_cast %scan3A_44 : i32 to index
      %swap3A_800 = arith.constant 736 : index
      %swap3A_801 = tpu.vector_load %arg12[%swap3A_799, %swap3A_800] {strides = array<i32>} : memref<32x1024xf32, #tpu.memory_space<vmem>>, vector<1x16xf32>,
      %swap3A_802 = vector.shape_cast %swap3A_801 : vector<1x16xf32> to vector<16xf32>
      %swap3A_803 = vector.shape_cast %add3A_798 : vector<16xf32> to vector<1x16xf32>
      tpu.vector_store %arg12[%swap3A_799, %swap3A_800], %swap3A_803 {strides = array<i32>} : memref<32x1024xf32, #tpu.memory_space<vmem>>, vector<1x16xf32>,
      %get3A_804 = arith.index_cast %scan3A_44 : i32 to index
      %get3A_805 = arith.constant 752 : index
      %get3A_806 = tpu.vector_load %arg12[%get3A_804, %get3A_805] {strides = array<i32>} : memref<32x1024xf32, #tpu.memory_space<vmem>>, vector<1x16xf32>,
      %get3A_807 = vector.shape_cast %get3A_806 : vector<1x16xf32> to vector<16xf32>
      %mul3A_808 = arith.mulf %get3A_48, %get3A_807 : vector<16xf32>
      %get3A_809 = arith.index_cast %scan3A_44 : i32 to index
      %get3A_810 = arith.constant 752 : index
      %get3A_811 = tpu.vector_load %arg13[%get3A_809, %get3A_810] {strides = array<i32>} : memref<32x1024xf32, #tpu.memory_space<vmem>>, vector<1x16xf32>,
      %get3A_812 = vector.shape_cast %get3A_811 : vector<1x16xf32> to vector<16xf32>
      %mul3A_813 = arith.mulf %get3A_52, %get3A_812 : vector<16xf32>
      %add3A_814 = arith.addf %mul3A_808, %mul3A_813 : vector<16xf32>
      %swap3A_815 = arith.index_cast %scan3A_44 : i32 to index
      %swap3A_816 = arith.constant 752 : index
      %swap3A_817 = tpu.vector_load %arg12[%swap3A_815, %swap3A_816] {strides = array<i32>} : memref<32x1024xf32, #tpu.memory_space<vmem>>, vector<1x16xf32>,
      %swap3A_818 = vector.shape_cast %swap3A_817 : vector<1x16xf32> to vector<16xf32>
      %swap3A_819 = vector.shape_cast %add3A_814 : vector<16xf32> to vector<1x16xf32>
      tpu.vector_store %arg12[%swap3A_815, %swap3A_816], %swap3A_819 {strides = array<i32>} : memref<32x1024xf32, #tpu.memory_space<vmem>>, vector<1x16xf32>,
      %get3A_820 = arith.index_cast %scan3A_44 : i32 to index
      %get3A_821 = arith.constant 768 : index
      %get3A_822 = tpu.vector_load %arg12[%get3A_820, %get3A_821] {strides = array<i32>} : memref<32x1024xf32, #tpu.memory_space<vmem>>, vector<1x16xf32>,
      %get3A_823 = vector.shape_cast %get3A_822 : vector<1x16xf32> to vector<16xf32>
      %mul3A_824 = arith.mulf %get3A_48, %get3A_823 : vector<16xf32>
      %get3A_825 = arith.index_cast %scan3A_44 : i32 to index
      %get3A_826 = arith.constant 768 : index
      %get3A_827 = tpu.vector_load %arg13[%get3A_825, %get3A_826] {strides = array<i32>} : memref<32x1024xf32, #tpu.memory_space<vmem>>, vector<1x16xf32>,
      %get3A_828 = vector.shape_cast %get3A_827 : vector<1x16xf32> to vector<16xf32>
      %mul3A_829 = arith.mulf %get3A_52, %get3A_828 : vector<16xf32>
      %add3A_830 = arith.addf %mul3A_824, %mul3A_829 : vector<16xf32>
      %swap3A_831 = arith.index_cast %scan3A_44 : i32 to index
      %swap3A_832 = arith.constant 768 : index
      %swap3A_833 = tpu.vector_load %arg12[%swap3A_831, %swap3A_832] {strides = array<i32>} : memref<32x1024xf32, #tpu.memory_space<vmem>>, vector<1x16xf32>,
      %swap3A_834 = vector.shape_cast %swap3A_833 : vector<1x16xf32> to vector<16xf32>
      %swap3A_835 = vector.shape_cast %add3A_830 : vector<16xf32> to vector<1x16xf32>
      tpu.vector_store %arg12[%swap3A_831, %swap3A_832], %swap3A_835 {strides = array<i32>} : memref<32x1024xf32, #tpu.memory_space<vmem>>, vector<1x16xf32>,
      %get3A_836 = arith.index_cast %scan3A_44 : i32 to index
      %get3A_837 = arith.constant 784 : index
      %get3A_838 = tpu.vector_load %arg12[%get3A_836, %get3A_837] {strides = array<i32>} : memref<32x1024xf32, #tpu.memory_space<vmem>>, vector<1x16xf32>,
      %get3A_839 = vector.shape_cast %get3A_838 : vector<1x16xf32> to vector<16xf32>
      %mul3A_840 = arith.mulf %get3A_48, %get3A_839 : vector<16xf32>
      %get3A_841 = arith.index_cast %scan3A_44 : i32 to index
      %get3A_842 = arith.constant 784 : index
      %get3A_843 = tpu.vector_load %arg13[%get3A_841, %get3A_842] {strides = array<i32>} : memref<32x1024xf32, #tpu.memory_space<vmem>>, vector<1x16xf32>,
      %get3A_844 = vector.shape_cast %get3A_843 : vector<1x16xf32> to vector<16xf32>
      %mul3A_845 = arith.mulf %get3A_52, %get3A_844 : vector<16xf32>
      %add3A_846 = arith.addf %mul3A_840, %mul3A_845 : vector<16xf32>
      %swap3A_847 = arith.index_cast %scan3A_44 : i32 to index
      %swap3A_848 = arith.constant 784 : index
      %swap3A_849 = tpu.vector_load %arg12[%swap3A_847, %swap3A_848] {strides = array<i32>} : memref<32x1024xf32, #tpu.memory_space<vmem>>, vector<1x16xf32>,
      %swap3A_850 = vector.shape_cast %swap3A_849 : vector<1x16xf32> to vector<16xf32>
      %swap3A_851 = vector.shape_cast %add3A_846 : vector<16xf32> to vector<1x16xf32>
      tpu.vector_store %arg12[%swap3A_847, %swap3A_848], %swap3A_851 {strides = array<i32>} : memref<32x1024xf32, #tpu.memory_space<vmem>>, vector<1x16xf32>,
      %get3A_852 = arith.index_cast %scan3A_44 : i32 to index
      %get3A_853 = arith.constant 800 : index
      %get3A_854 = tpu.vector_load %arg12[%get3A_852, %get3A_853] {strides = array<i32>} : memref<32x1024xf32, #tpu.memory_space<vmem>>, vector<1x16xf32>,
      %get3A_855 = vector.shape_cast %get3A_854 : vector<1x16xf32> to vector<16xf32>
      %mul3A_856 = arith.mulf %get3A_48, %get3A_855 : vector<16xf32>
      %get3A_857 = arith.index_cast %scan3A_44 : i32 to index
      %get3A_858 = arith.constant 800 : index
      %get3A_859 = tpu.vector_load %arg13[%get3A_857, %get3A_858] {strides = array<i32>} : memref<32x1024xf32, #tpu.memory_space<vmem>>, vector<1x16xf32>,
      %get3A_860 = vector.shape_cast %get3A_859 : vector<1x16xf32> to vector<16xf32>
      %mul3A_861 = arith.mulf %get3A_52, %get3A_860 : vector<16xf32>
      %add3A_862 = arith.addf %mul3A_856, %mul3A_861 : vector<16xf32>
      %swap3A_863 = arith.index_cast %scan3A_44 : i32 to index
      %swap3A_864 = arith.constant 800 : index
      %swap3A_865 = tpu.vector_load %arg12[%swap3A_863, %swap3A_864] {strides = array<i32>} : memref<32x1024xf32, #tpu.memory_space<vmem>>, vector<1x16xf32>,
      %swap3A_866 = vector.shape_cast %swap3A_865 : vector<1x16xf32> to vector<16xf32>
      %swap3A_867 = vector.shape_cast %add3A_862 : vector<16xf32> to vector<1x16xf32>
      tpu.vector_store %arg12[%swap3A_863, %swap3A_864], %swap3A_867 {strides = array<i32>} : memref<32x1024xf32, #tpu.memory_space<vmem>>, vector<1x16xf32>,
      %get3A_868 = arith.index_cast %scan3A_44 : i32 to index
      %get3A_869 = arith.constant 816 : index
      %get3A_870 = tpu.vector_load %arg12[%get3A_868, %get3A_869] {strides = array<i32>} : memref<32x1024xf32, #tpu.memory_space<vmem>>, vector<1x16xf32>,
      %get3A_871 = vector.shape_cast %get3A_870 : vector<1x16xf32> to vector<16xf32>
      %mul3A_872 = arith.mulf %get3A_48, %get3A_871 : vector<16xf32>
      %get3A_873 = arith.index_cast %scan3A_44 : i32 to index
      %get3A_874 = arith.constant 816 : index
      %get3A_875 = tpu.vector_load %arg13[%get3A_873, %get3A_874] {strides = array<i32>} : memref<32x1024xf32, #tpu.memory_space<vmem>>, vector<1x16xf32>,
      %get3A_876 = vector.shape_cast %get3A_875 : vector<1x16xf32> to vector<16xf32>
      %mul3A_877 = arith.mulf %get3A_52, %get3A_876 : vector<16xf32>
      %add3A_878 = arith.addf %mul3A_872, %mul3A_877 : vector<16xf32>
      %swap3A_879 = arith.index_cast %scan3A_44 : i32 to index
      %swap3A_880 = arith.constant 816 : index
      %swap3A_881 = tpu.vector_load %arg12[%swap3A_879, %swap3A_880] {strides = array<i32>} : memref<32x1024xf32, #tpu.memory_space<vmem>>, vector<1x16xf32>,
      %swap3A_882 = vector.shape_cast %swap3A_881 : vector<1x16xf32> to vector<16xf32>
      %swap3A_883 = vector.shape_cast %add3A_878 : vector<16xf32> to vector<1x16xf32>
      tpu.vector_store %arg12[%swap3A_879, %swap3A_880], %swap3A_883 {strides = array<i32>} : memref<32x1024xf32, #tpu.memory_space<vmem>>, vector<1x16xf32>,
      %get3A_884 = arith.index_cast %scan3A_44 : i32 to index
      %get3A_885 = arith.constant 832 : index
      %get3A_886 = tpu.vector_load %arg12[%get3A_884, %get3A_885] {strides = array<i32>} : memref<32x1024xf32, #tpu.memory_space<vmem>>, vector<1x16xf32>,
      %get3A_887 = vector.shape_cast %get3A_886 : vector<1x16xf32> to vector<16xf32>
      %mul3A_888 = arith.mulf %get3A_48, %get3A_887 : vector<16xf32>
      %get3A_889 = arith.index_cast %scan3A_44 : i32 to index
      %get3A_890 = arith.constant 832 : index
      %get3A_891 = tpu.vector_load %arg13[%get3A_889, %get3A_890] {strides = array<i32>} : memref<32x1024xf32, #tpu.memory_space<vmem>>, vector<1x16xf32>,
      %get3A_892 = vector.shape_cast %get3A_891 : vector<1x16xf32> to vector<16xf32>
      %mul3A_893 = arith.mulf %get3A_52, %get3A_892 : vector<16xf32>
      %add3A_894 = arith.addf %mul3A_888, %mul3A_893 : vector<16xf32>
      %swap3A_895 = arith.index_cast %scan3A_44 : i32 to index
      %swap3A_896 = arith.constant 832 : index
      %swap3A_897 = tpu.vector_load %arg12[%swap3A_895, %swap3A_896] {strides = array<i32>} : memref<32x1024xf32, #tpu.memory_space<vmem>>, vector<1x16xf32>,
      %swap3A_898 = vector.shape_cast %swap3A_897 : vector<1x16xf32> to vector<16xf32>
      %swap3A_899 = vector.shape_cast %add3A_894 : vector<16xf32> to vector<1x16xf32>
      tpu.vector_store %arg12[%swap3A_895, %swap3A_896], %swap3A_899 {strides = array<i32>} : memref<32x1024xf32, #tpu.memory_space<vmem>>, vector<1x16xf32>,
      %get3A_900 = arith.index_cast %scan3A_44 : i32 to index
      %get3A_901 = arith.constant 848 : index
      %get3A_902 = tpu.vector_load %arg12[%get3A_900, %get3A_901] {strides = array<i32>} : memref<32x1024xf32, #tpu.memory_space<vmem>>, vector<1x16xf32>,
      %get3A_903 = vector.shape_cast %get3A_902 : vector<1x16xf32> to vector<16xf32>
      %mul3A_904 = arith.mulf %get3A_48, %get3A_903 : vector<16xf32>
      %get3A_905 = arith.index_cast %scan3A_44 : i32 to index
      %get3A_906 = arith.constant 848 : index
      %get3A_907 = tpu.vector_load %arg13[%get3A_905, %get3A_906] {strides = array<i32>} : memref<32x1024xf32, #tpu.memory_space<vmem>>, vector<1x16xf32>,
      %get3A_908 = vector.shape_cast %get3A_907 : vector<1x16xf32> to vector<16xf32>
      %mul3A_909 = arith.mulf %get3A_52, %get3A_908 : vector<16xf32>
      %add3A_910 = arith.addf %mul3A_904, %mul3A_909 : vector<16xf32>
      %swap3A_911 = arith.index_cast %scan3A_44 : i32 to index
      %swap3A_912 = arith.constant 848 : index
      %swap3A_913 = tpu.vector_load %arg12[%swap3A_911, %swap3A_912] {strides = array<i32>} : memref<32x1024xf32, #tpu.memory_space<vmem>>, vector<1x16xf32>,
      %swap3A_914 = vector.shape_cast %swap3A_913 : vector<1x16xf32> to vector<16xf32>
      %swap3A_915 = vector.shape_cast %add3A_910 : vector<16xf32> to vector<1x16xf32>
      tpu.vector_store %arg12[%swap3A_911, %swap3A_912], %swap3A_915 {strides = array<i32>} : memref<32x1024xf32, #tpu.memory_space<vmem>>, vector<1x16xf32>,
      %get3A_916 = arith.index_cast %scan3A_44 : i32 to index
      %get3A_917 = arith.constant 864 : index
      %get3A_918 = tpu.vector_load %arg12[%get3A_916, %get3A_917] {strides = array<i32>} : memref<32x1024xf32, #tpu.memory_space<vmem>>, vector<1x16xf32>,
      %get3A_919 = vector.shape_cast %get3A_918 : vector<1x16xf32> to vector<16xf32>
      %mul3A_920 = arith.mulf %get3A_48, %get3A_919 : vector<16xf32>
      %get3A_921 = arith.index_cast %scan3A_44 : i32 to index
      %get3A_922 = arith.constant 864 : index
      %get3A_923 = tpu.vector_load %arg13[%get3A_921, %get3A_922] {strides = array<i32>} : memref<32x1024xf32, #tpu.memory_space<vmem>>, vector<1x16xf32>,
      %get3A_924 = vector.shape_cast %get3A_923 : vector<1x16xf32> to vector<16xf32>
      %mul3A_925 = arith.mulf %get3A_52, %get3A_924 : vector<16xf32>
      %add3A_926 = arith.addf %mul3A_920, %mul3A_925 : vector<16xf32>
      %swap3A_927 = arith.index_cast %scan3A_44 : i32 to index
      %swap3A_928 = arith.constant 864 : index
      %swap3A_929 = tpu.vector_load %arg12[%swap3A_927, %swap3A_928] {strides = array<i32>} : memref<32x1024xf32, #tpu.memory_space<vmem>>, vector<1x16xf32>,
      %swap3A_930 = vector.shape_cast %swap3A_929 : vector<1x16xf32> to vector<16xf32>
      %swap3A_931 = vector.shape_cast %add3A_926 : vector<16xf32> to vector<1x16xf32>
      tpu.vector_store %arg12[%swap3A_927, %swap3A_928], %swap3A_931 {strides = array<i32>} : memref<32x1024xf32, #tpu.memory_space<vmem>>, vector<1x16xf32>,
      %get3A_932 = arith.index_cast %scan3A_44 : i32 to index
      %get3A_933 = arith.constant 880 : index
      %get3A_934 = tpu.vector_load %arg12[%get3A_932, %get3A_933] {strides = array<i32>} : memref<32x1024xf32, #tpu.memory_space<vmem>>, vector<1x16xf32>,
      %get3A_935 = vector.shape_cast %get3A_934 : vector<1x16xf32> to vector<16xf32>
      %mul3A_936 = arith.mulf %get3A_48, %get3A_935 : vector<16xf32>
      %get3A_937 = arith.index_cast %scan3A_44 : i32 to index
      %get3A_938 = arith.constant 880 : index
      %get3A_939 = tpu.vector_load %arg13[%get3A_937, %get3A_938] {strides = array<i32>} : memref<32x1024xf32, #tpu.memory_space<vmem>>, vector<1x16xf32>,
      %get3A_940 = vector.shape_cast %get3A_939 : vector<1x16xf32> to vector<16xf32>
      %mul3A_941 = arith.mulf %get3A_52, %get3A_940 : vector<16xf32>
      %add3A_942 = arith.addf %mul3A_936, %mul3A_941 : vector<16xf32>
      %swap3A_943 = arith.index_cast %scan3A_44 : i32 to index
      %swap3A_944 = arith.constant 880 : index
      %swap3A_945 = tpu.vector_load %arg12[%swap3A_943, %swap3A_944] {strides = array<i32>} : memref<32x1024xf32, #tpu.memory_space<vmem>>, vector<1x16xf32>,
      %swap3A_946 = vector.shape_cast %swap3A_945 : vector<1x16xf32> to vector<16xf32>
      %swap3A_947 = vector.shape_cast %add3A_942 : vector<16xf32> to vector<1x16xf32>
      tpu.vector_store %arg12[%swap3A_943, %swap3A_944], %swap3A_947 {strides = array<i32>} : memref<32x1024xf32, #tpu.memory_space<vmem>>, vector<1x16xf32>,
      %get3A_948 = arith.index_cast %scan3A_44 : i32 to index
      %get3A_949 = arith.constant 896 : index
      %get3A_950 = tpu.vector_load %arg12[%get3A_948, %get3A_949] {strides = array<i32>} : memref<32x1024xf32, #tpu.memory_space<vmem>>, vector<1x16xf32>,
      %get3A_951 = vector.shape_cast %get3A_950 : vector<1x16xf32> to vector<16xf32>
      %mul3A_952 = arith.mulf %get3A_48, %get3A_951 : vector<16xf32>
      %get3A_953 = arith.index_cast %scan3A_44 : i32 to index
      %get3A_954 = arith.constant 896 : index
      %get3A_955 = tpu.vector_load %arg13[%get3A_953, %get3A_954] {strides = array<i32>} : memref<32x1024xf32, #tpu.memory_space<vmem>>, vector<1x16xf32>,
      %get3A_956 = vector.shape_cast %get3A_955 : vector<1x16xf32> to vector<16xf32>
      %mul3A_957 = arith.mulf %get3A_52, %get3A_956 : vector<16xf32>
      %add3A_958 = arith.addf %mul3A_952, %mul3A_957 : vector<16xf32>
      %swap3A_959 = arith.index_cast %scan3A_44 : i32 to index
      %swap3A_960 = arith.constant 896 : index
      %swap3A_961 = tpu.vector_load %arg12[%swap3A_959, %swap3A_960] {strides = array<i32>} : memref<32x1024xf32, #tpu.memory_space<vmem>>, vector<1x16xf32>,
      %swap3A_962 = vector.shape_cast %swap3A_961 : vector<1x16xf32> to vector<16xf32>
      %swap3A_963 = vector.shape_cast %add3A_958 : vector<16xf32> to vector<1x16xf32>
      tpu.vector_store %arg12[%swap3A_959, %swap3A_960], %swap3A_963 {strides = array<i32>} : memref<32x1024xf32, #tpu.memory_space<vmem>>, vector<1x16xf32>,
      %get3A_964 = arith.index_cast %scan3A_44 : i32 to index
      %get3A_965 = arith.constant 912 : index
      %get3A_966 = tpu.vector_load %arg12[%get3A_964, %get3A_965] {strides = array<i32>} : memref<32x1024xf32, #tpu.memory_space<vmem>>, vector<1x16xf32>,
      %get3A_967 = vector.shape_cast %get3A_966 : vector<1x16xf32> to vector<16xf32>
      %mul3A_968 = arith.mulf %get3A_48, %get3A_967 : vector<16xf32>
      %get3A_969 = arith.index_cast %scan3A_44 : i32 to index
      %get3A_970 = arith.constant 912 : index
      %get3A_971 = tpu.vector_load %arg13[%get3A_969, %get3A_970] {strides = array<i32>} : memref<32x1024xf32, #tpu.memory_space<vmem>>, vector<1x16xf32>,
      %get3A_972 = vector.shape_cast %get3A_971 : vector<1x16xf32> to vector<16xf32>
      %mul3A_973 = arith.mulf %get3A_52, %get3A_972 : vector<16xf32>
      %add3A_974 = arith.addf %mul3A_968, %mul3A_973 : vector<16xf32>
      %swap3A_975 = arith.index_cast %scan3A_44 : i32 to index
      %swap3A_976 = arith.constant 912 : index
      %swap3A_977 = tpu.vector_load %arg12[%swap3A_975, %swap3A_976] {strides = array<i32>} : memref<32x1024xf32, #tpu.memory_space<vmem>>, vector<1x16xf32>,
      %swap3A_978 = vector.shape_cast %swap3A_977 : vector<1x16xf32> to vector<16xf32>
      %swap3A_979 = vector.shape_cast %add3A_974 : vector<16xf32> to vector<1x16xf32>
      tpu.vector_store %arg12[%swap3A_975, %swap3A_976], %swap3A_979 {strides = array<i32>} : memref<32x1024xf32, #tpu.memory_space<vmem>>, vector<1x16xf32>,
      %get3A_980 = arith.index_cast %scan3A_44 : i32 to index
      %get3A_981 = arith.constant 928 : index
      %get3A_982 = tpu.vector_load %arg12[%get3A_980, %get3A_981] {strides = array<i32>} : memref<32x1024xf32, #tpu.memory_space<vmem>>, vector<1x16xf32>,
      %get3A_983 = vector.shape_cast %get3A_982 : vector<1x16xf32> to vector<16xf32>
      %mul3A_984 = arith.mulf %get3A_48, %get3A_983 : vector<16xf32>
      %get3A_985 = arith.index_cast %scan3A_44 : i32 to index
      %get3A_986 = arith.constant 928 : index
      %get3A_987 = tpu.vector_load %arg13[%get3A_985, %get3A_986] {strides = array<i32>} : memref<32x1024xf32, #tpu.memory_space<vmem>>, vector<1x16xf32>,
      %get3A_988 = vector.shape_cast %get3A_987 : vector<1x16xf32> to vector<16xf32>
      %mul3A_989 = arith.mulf %get3A_52, %get3A_988 : vector<16xf32>
      %add3A_990 = arith.addf %mul3A_984, %mul3A_989 : vector<16xf32>
      %swap3A_991 = arith.index_cast %scan3A_44 : i32 to index
      %swap3A_992 = arith.constant 928 : index
      %swap3A_993 = tpu.vector_load %arg12[%swap3A_991, %swap3A_992] {strides = array<i32>} : memref<32x1024xf32, #tpu.memory_space<vmem>>, vector<1x16xf32>,
      %swap3A_994 = vector.shape_cast %swap3A_993 : vector<1x16xf32> to vector<16xf32>
      %swap3A_995 = vector.shape_cast %add3A_990 : vector<16xf32> to vector<1x16xf32>
      tpu.vector_store %arg12[%swap3A_991, %swap3A_992], %swap3A_995 {strides = array<i32>} : memref<32x1024xf32, #tpu.memory_space<vmem>>, vector<1x16xf32>,
      %get3A_996 = arith.index_cast %scan3A_44 : i32 to index
      %get3A_997 = arith.constant 944 : index
      %get3A_998 = tpu.vector_load %arg12[%get3A_996, %get3A_997] {strides = array<i32>} : memref<32x1024xf32, #tpu.memory_space<vmem>>, vector<1x16xf32>,
      %get3A_999 = vector.shape_cast %get3A_998 : vector<1x16xf32> to vector<16xf32>
      %mul3A_1000 = arith.mulf %get3A_48, %get3A_999 : vector<16xf32>
      %get3A_1001 = arith.index_cast %scan3A_44 : i32 to index
      %get3A_1002 = arith.constant 944 : index
      %get3A_1003 = tpu.vector_load %arg13[%get3A_1001, %get3A_1002] {strides = array<i32>} : memref<32x1024xf32, #tpu.memory_space<vmem>>, vector<1x16xf32>,
      %get3A_1004 = vector.shape_cast %get3A_1003 : vector<1x16xf32> to vector<16xf32>
      %mul3A_1005 = arith.mulf %get3A_52, %get3A_1004 : vector<16xf32>
      %add3A_1006 = arith.addf %mul3A_1000, %mul3A_1005 : vector<16xf32>
      %swap3A_1007 = arith.index_cast %scan3A_44 : i32 to index
      %swap3A_1008 = arith.constant 944 : index
      %swap3A_1009 = tpu.vector_load %arg12[%swap3A_1007, %swap3A_1008] {strides = array<i32>} : memref<32x1024xf32, #tpu.memory_space<vmem>>, vector<1x16xf32>,
      %swap3A_1010 = vector.shape_cast %swap3A_1009 : vector<1x16xf32> to vector<16xf32>
      %swap3A_1011 = vector.shape_cast %add3A_1006 : vector<16xf32> to vector<1x16xf32>
      tpu.vector_store %arg12[%swap3A_1007, %swap3A_1008], %swap3A_1011 {strides = array<i32>} : memref<32x1024xf32, #tpu.memory_space<vmem>>, vector<1x16xf32>,
      %get3A_1012 = arith.index_cast %scan3A_44 : i32 to index
      %get3A_1013 = arith.constant 960 : index
      %get3A_1014 = tpu.vector_load %arg12[%get3A_1012, %get3A_1013] {strides = array<i32>} : memref<32x1024xf32, #tpu.memory_space<vmem>>, vector<1x16xf32>,
      %get3A_1015 = vector.shape_cast %get3A_1014 : vector<1x16xf32> to vector<16xf32>
      %mul3A_1016 = arith.mulf %get3A_48, %get3A_1015 : vector<16xf32>
      %get3A_1017 = arith.index_cast %scan3A_44 : i32 to index
      %get3A_1018 = arith.constant 960 : index
      %get3A_1019 = tpu.vector_load %arg13[%get3A_1017, %get3A_1018] {strides = array<i32>} : memref<32x1024xf32, #tpu.memory_space<vmem>>, vector<1x16xf32>,
      %get3A_1020 = vector.shape_cast %get3A_1019 : vector<1x16xf32> to vector<16xf32>
      %mul3A_1021 = arith.mulf %get3A_52, %get3A_1020 : vector<16xf32>
      %add3A_1022 = arith.addf %mul3A_1016, %mul3A_1021 : vector<16xf32>
      %swap3A_1023 = arith.index_cast %scan3A_44 : i32 to index
      %swap3A_1024 = arith.constant 960 : index
      %swap3A_1025 = tpu.vector_load %arg12[%swap3A_1023, %swap3A_1024] {strides = array<i32>} : memref<32x1024xf32, #tpu.memory_space<vmem>>, vector<1x16xf32>,
      %swap3A_1026 = vector.shape_cast %swap3A_1025 : vector<1x16xf32> to vector<16xf32>
      %swap3A_1027 = vector.shape_cast %add3A_1022 : vector<16xf32> to vector<1x16xf32>
      tpu.vector_store %arg12[%swap3A_1023, %swap3A_1024], %swap3A_1027 {strides = array<i32>} : memref<32x1024xf32, #tpu.memory_space<vmem>>, vector<1x16xf32>,
      %get3A_1028 = arith.index_cast %scan3A_44 : i32 to index
      %get3A_1029 = arith.constant 976 : index
      %get3A_1030 = tpu.vector_load %arg12[%get3A_1028, %get3A_1029] {strides = array<i32>} : memref<32x1024xf32, #tpu.memory_space<vmem>>, vector<1x16xf32>,
      %get3A_1031 = vector.shape_cast %get3A_1030 : vector<1x16xf32> to vector<16xf32>
      %mul3A_1032 = arith.mulf %get3A_48, %get3A_1031 : vector<16xf32>
      %get3A_1033 = arith.index_cast %scan3A_44 : i32 to index
      %get3A_1034 = arith.constant 976 : index
      %get3A_1035 = tpu.vector_load %arg13[%get3A_1033, %get3A_1034] {strides = array<i32>} : memref<32x1024xf32, #tpu.memory_space<vmem>>, vector<1x16xf32>,
      %get3A_1036 = vector.shape_cast %get3A_1035 : vector<1x16xf32> to vector<16xf32>
      %mul3A_1037 = arith.mulf %get3A_52, %get3A_1036 : vector<16xf32>
      %add3A_1038 = arith.addf %mul3A_1032, %mul3A_1037 : vector<16xf32>
      %swap3A_1039 = arith.index_cast %scan3A_44 : i32 to index
      %swap3A_1040 = arith.constant 976 : index
      %swap3A_1041 = tpu.vector_load %arg12[%swap3A_1039, %swap3A_1040] {strides = array<i32>} : memref<32x1024xf32, #tpu.memory_space<vmem>>, vector<1x16xf32>,
      %swap3A_1042 = vector.shape_cast %swap3A_1041 : vector<1x16xf32> to vector<16xf32>
      %swap3A_1043 = vector.shape_cast %add3A_1038 : vector<16xf32> to vector<1x16xf32>
      tpu.vector_store %arg12[%swap3A_1039, %swap3A_1040], %swap3A_1043 {strides = array<i32>} : memref<32x1024xf32, #tpu.memory_space<vmem>>, vector<1x16xf32>,
      %get3A_1044 = arith.index_cast %scan3A_44 : i32 to index
      %get3A_1045 = arith.constant 992 : index
      %get3A_1046 = tpu.vector_load %arg12[%get3A_1044, %get3A_1045] {strides = array<i32>} : memref<32x1024xf32, #tpu.memory_space<vmem>>, vector<1x16xf32>,
      %get3A_1047 = vector.shape_cast %get3A_1046 : vector<1x16xf32> to vector<16xf32>
      %mul3A_1048 = arith.mulf %get3A_48, %get3A_1047 : vector<16xf32>
      %get3A_1049 = arith.index_cast %scan3A_44 : i32 to index
      %get3A_1050 = arith.constant 992 : index
      %get3A_1051 = tpu.vector_load %arg13[%get3A_1049, %get3A_1050] {strides = array<i32>} : memref<32x1024xf32, #tpu.memory_space<vmem>>, vector<1x16xf32>,
      %get3A_1052 = vector.shape_cast %get3A_1051 : vector<1x16xf32> to vector<16xf32>
      %mul3A_1053 = arith.mulf %get3A_52, %get3A_1052 : vector<16xf32>
      %add3A_1054 = arith.addf %mul3A_1048, %mul3A_1053 : vector<16xf32>
      %swap3A_1055 = arith.index_cast %scan3A_44 : i32 to index
      %swap3A_1056 = arith.constant 992 : index
      %swap3A_1057 = tpu.vector_load %arg12[%swap3A_1055, %swap3A_1056] {strides = array<i32>} : memref<32x1024xf32, #tpu.memory_space<vmem>>, vector<1x16xf32>,
      %swap3A_1058 = vector.shape_cast %swap3A_1057 : vector<1x16xf32> to vector<16xf32>
      %swap3A_1059 = vector.shape_cast %add3A_1054 : vector<16xf32> to vector<1x16xf32>
      tpu.vector_store %arg12[%swap3A_1055, %swap3A_1056], %swap3A_1059 {strides = array<i32>} : memref<32x1024xf32, #tpu.memory_space<vmem>>, vector<1x16xf32>,
      %get3A_1060 = arith.index_cast %scan3A_44 : i32 to index
      %get3A_1061 = arith.constant 1008 : index
      %get3A_1062 = tpu.vector_load %arg12[%get3A_1060, %get3A_1061] {strides = array<i32>} : memref<32x1024xf32, #tpu.memory_space<vmem>>, vector<1x16xf32>,
      %get3A_1063 = vector.shape_cast %get3A_1062 : vector<1x16xf32> to vector<16xf32>
      %mul3A_1064 = arith.mulf %get3A_48, %get3A_1063 : vector<16xf32>
      %get3A_1065 = arith.index_cast %scan3A_44 : i32 to index
      %get3A_1066 = arith.constant 1008 : index
      %get3A_1067 = tpu.vector_load %arg13[%get3A_1065, %get3A_1066] {strides = array<i32>} : memref<32x1024xf32, #tpu.memory_space<vmem>>, vector<1x16xf32>,
      %get3A_1068 = vector.shape_cast %get3A_1067 : vector<1x16xf32> to vector<16xf32>
      %mul3A_1069 = arith.mulf %get3A_52, %get3A_1068 : vector<16xf32>
      %add3A_1070 = arith.addf %mul3A_1064, %mul3A_1069 : vector<16xf32>
      %swap3A_1071 = arith.index_cast %scan3A_44 : i32 to index
      %swap3A_1072 = arith.constant 1008 : index
      %swap3A_1073 = tpu.vector_load %arg12[%swap3A_1071, %swap3A_1072] {strides = array<i32>} : memref<32x1024xf32, #tpu.memory_space<vmem>>, vector<1x16xf32>,
      %swap3A_1074 = vector.shape_cast %swap3A_1073 : vector<1x16xf32> to vector<16xf32>
      %swap3A_1075 = vector.shape_cast %add3A_1070 : vector<16xf32> to vector<1x16xf32>
      tpu.vector_store %arg12[%swap3A_1071, %swap3A_1072], %swap3A_1075 {strides = array<i32>} : memref<32x1024xf32, #tpu.memory_space<vmem>>, vector<1x16xf32>,
      %scan3A_1076 = arith.constant 0 : i32
      scf.yield %scan3A_1076 : i32
    }
    %scan3A_20 = arith.constant 32 : i32
    "tpu.region"() ({
      %run_scoped3A = tpu.sem_alloc : memref<!tpu.dma_semaphore, #tpu.memory_space<semaphore_mem>>
      %dma_start3A_44 = arith.constant 0 : i32
      %dma_start3A_45 = tpu.memref_slice %arg7[%add3A_4, %dma_start3A_44] : memref<2048x1024xf32, #tpu.memory_space<hbm>> -> memref<32x1024xf32, #tpu.memory_space<hbm>>
      %dma_start3A_46 = arith.constant 0 : i32
      %dma_start3A_47 = tpu.memref_slice %arg7[%add3A_4, %dma_start3A_46] : memref<2048x1024xf32, #tpu.memory_space<hbm>> -> memref<32x1024xf32, #tpu.memory_space<hbm>>
      tpu.enqueue_dma source(%arg12 : memref<32x1024xf32, #tpu.memory_space<vmem>>) target(%dma_start3A_47 : memref<32x1024xf32, #tpu.memory_space<hbm>>) target_semaphore(%run_scoped3A : memref<!tpu.dma_semaphore, #tpu.memory_space<semaphore_mem>>)
      %dma_wait3A_48 = arith.constant 0 : i32
      %dma_wait3A_49 = tpu.memref_slice %arg7[%add3A_4, %dma_wait3A_48] : memref<2048x1024xf32, #tpu.memory_space<hbm>> -> memref<32x1024xf32, #tpu.memory_space<hbm>>
      %dma_wait3A_50 = arith.constant 0 : i32
      %dma_wait3A_51 = tpu.memref_slice %arg7[%add3A_4, %dma_wait3A_50] : memref<2048x1024xf32, #tpu.memory_space<hbm>> -> memref<32x1024xf32, #tpu.memory_space<hbm>>
      tpu.wait_dma2 semaphore(%run_scoped3A : memref<!tpu.dma_semaphore, #tpu.memory_space<semaphore_mem>>) src(%arg12 : memref<32x1024xf32, #tpu.memory_space<vmem>>) dst(%dma_wait3A_51 : memref<32x1024xf32, #tpu.memory_space<hbm>>)
      tpu.yield
    }) : () -> ()
    %mul3A_21 = arith.constant 64 : i32
    %mul3A_22 = arith.muli %add3A, %mul3A_21 : i32
    %add3A_23 = arith.constant 32 : i32
    %add3A_24 = arith.addi %mul3A_22, %add3A_23 : i32
    "tpu.region"() ({
      %run_scoped3A = tpu.sem_alloc : memref<!tpu.dma_semaphore, #tpu.memory_space<semaphore_mem>>
      %dma_start3A_44 = tpu.memref_slice %arg3[%add3A_24] : memref<2048xi32, #tpu.memory_space<hbm>> -> memref<32xi32, #tpu.memory_space<hbm>>
      %dma_start3A_45 = tpu.memref_slice %arg3[%add3A_24] : memref<2048xi32, #tpu.memory_space<hbm>> -> memref<32xi32, #tpu.memory_space<hbm>>
      tpu.enqueue_dma source(%dma_start3A_45 : memref<32xi32, #tpu.memory_space<hbm>>) target(%arg8 : memref<32xi32, #tpu.memory_space<vmem>>) target_semaphore(%run_scoped3A : memref<!tpu.dma_semaphore, #tpu.memory_space<semaphore_mem>>)
      %dma_wait3A_46 = tpu.memref_slice %arg3[%add3A_24] : memref<2048xi32, #tpu.memory_space<hbm>> -> memref<32xi32, #tpu.memory_space<hbm>>
      %dma_wait3A_47 = tpu.memref_slice %arg3[%add3A_24] : memref<2048xi32, #tpu.memory_space<hbm>> -> memref<32xi32, #tpu.memory_space<hbm>>
      tpu.wait_dma2 semaphore(%run_scoped3A : memref<!tpu.dma_semaphore, #tpu.memory_space<semaphore_mem>>) src(%dma_wait3A_47 : memref<32xi32, #tpu.memory_space<hbm>>) dst(%arg8 : memref<32xi32, #tpu.memory_space<vmem>>)
      tpu.yield
    }) : () -> ()
    "tpu.region"() ({
      %run_scoped3A = tpu.sem_alloc : memref<!tpu.dma_semaphore, #tpu.memory_space<semaphore_mem>>
      %dma_start3A_44 = tpu.memref_slice %arg4[%add3A_24] : memref<2048xi32, #tpu.memory_space<hbm>> -> memref<32xi32, #tpu.memory_space<hbm>>
      %dma_start3A_45 = tpu.memref_slice %arg4[%add3A_24] : memref<2048xi32, #tpu.memory_space<hbm>> -> memref<32xi32, #tpu.memory_space<hbm>>
      tpu.enqueue_dma source(%dma_start3A_45 : memref<32xi32, #tpu.memory_space<hbm>>) target(%arg9 : memref<32xi32, #tpu.memory_space<vmem>>) target_semaphore(%run_scoped3A : memref<!tpu.dma_semaphore, #tpu.memory_space<semaphore_mem>>)
      %dma_wait3A_46 = tpu.memref_slice %arg4[%add3A_24] : memref<2048xi32, #tpu.memory_space<hbm>> -> memref<32xi32, #tpu.memory_space<hbm>>
      %dma_wait3A_47 = tpu.memref_slice %arg4[%add3A_24] : memref<2048xi32, #tpu.memory_space<hbm>> -> memref<32xi32, #tpu.memory_space<hbm>>
      tpu.wait_dma2 semaphore(%run_scoped3A : memref<!tpu.dma_semaphore, #tpu.memory_space<semaphore_mem>>) src(%dma_wait3A_47 : memref<32xi32, #tpu.memory_space<hbm>>) dst(%arg9 : memref<32xi32, #tpu.memory_space<vmem>>)
      tpu.yield
    }) : () -> ()
    "tpu.region"() ({
      %run_scoped3A = tpu.sem_alloc : memref<!tpu.dma_semaphore, #tpu.memory_space<semaphore_mem>>
      %dma_start3A_44 = arith.constant 0 : i32
      %dma_start3A_45 = tpu.memref_slice %arg5[%add3A_24, %dma_start3A_44] : memref<2048x16xf32, #tpu.memory_space<hbm>> -> memref<32x16xf32, #tpu.memory_space<hbm>>
      %dma_start3A_46 = arith.constant 0 : i32
      %dma_start3A_47 = tpu.memref_slice %arg5[%add3A_24, %dma_start3A_46] : memref<2048x16xf32, #tpu.memory_space<hbm>> -> memref<32x16xf32, #tpu.memory_space<hbm>>
      tpu.enqueue_dma source(%dma_start3A_47 : memref<32x16xf32, #tpu.memory_space<hbm>>) target(%arg10 : memref<32x16xf32, #tpu.memory_space<vmem>>) target_semaphore(%run_scoped3A : memref<!tpu.dma_semaphore, #tpu.memory_space<semaphore_mem>>)
      %dma_wait3A_48 = arith.constant 0 : i32
      %dma_wait3A_49 = tpu.memref_slice %arg5[%add3A_24, %dma_wait3A_48] : memref<2048x16xf32, #tpu.memory_space<hbm>> -> memref<32x16xf32, #tpu.memory_space<hbm>>
      %dma_wait3A_50 = arith.constant 0 : i32
      %dma_wait3A_51 = tpu.memref_slice %arg5[%add3A_24, %dma_wait3A_50] : memref<2048x16xf32, #tpu.memory_space<hbm>> -> memref<32x16xf32, #tpu.memory_space<hbm>>
      tpu.wait_dma2 semaphore(%run_scoped3A : memref<!tpu.dma_semaphore, #tpu.memory_space<semaphore_mem>>) src(%dma_wait3A_51 : memref<32x16xf32, #tpu.memory_space<hbm>>) dst(%arg10 : memref<32x16xf32, #tpu.memory_space<vmem>>)
      tpu.yield
    }) : () -> ()
    "tpu.region"() ({
      %run_scoped3A = tpu.sem_alloc : memref<!tpu.dma_semaphore, #tpu.memory_space<semaphore_mem>>
      %dma_start3A_44 = arith.constant 0 : i32
      %dma_start3A_45 = tpu.memref_slice %arg6[%add3A_24, %dma_start3A_44] : memref<2048x16xf32, #tpu.memory_space<hbm>> -> memref<32x16xf32, #tpu.memory_space<hbm>>
      %dma_start3A_46 = arith.constant 0 : i32
      %dma_start3A_47 = tpu.memref_slice %arg6[%add3A_24, %dma_start3A_46] : memref<2048x16xf32, #tpu.memory_space<hbm>> -> memref<32x16xf32, #tpu.memory_space<hbm>>
      tpu.enqueue_dma source(%dma_start3A_47 : memref<32x16xf32, #tpu.memory_space<hbm>>) target(%arg11 : memref<32x16xf32, #tpu.memory_space<vmem>>) target_semaphore(%run_scoped3A : memref<!tpu.dma_semaphore, #tpu.memory_space<semaphore_mem>>)
      %dma_wait3A_48 = arith.constant 0 : i32
      %dma_wait3A_49 = tpu.memref_slice %arg6[%add3A_24, %dma_wait3A_48] : memref<2048x16xf32, #tpu.memory_space<hbm>> -> memref<32x16xf32, #tpu.memory_space<hbm>>
      %dma_wait3A_50 = arith.constant 0 : i32
      %dma_wait3A_51 = tpu.memref_slice %arg6[%add3A_24, %dma_wait3A_50] : memref<2048x16xf32, #tpu.memory_space<hbm>> -> memref<32x16xf32, #tpu.memory_space<hbm>>
      tpu.wait_dma2 semaphore(%run_scoped3A : memref<!tpu.dma_semaphore, #tpu.memory_space<semaphore_mem>>) src(%dma_wait3A_51 : memref<32x16xf32, #tpu.memory_space<hbm>>) dst(%arg11 : memref<32x16xf32, #tpu.memory_space<vmem>>)
      tpu.yield
    }) : () -> ()
    %dma_start3A_25 = arith.constant 0 : i32
    %dma_start3A_26 = arith.constant 0 : i32
    %dma_start3A_27 = tpu.memref_slice %arg2[%dma_start3A_25, %dma_start3A_26] : memref<4096x1024xf32, #tpu.memory_space<hbm>> -> memref<4096x1024xf32, #tpu.memory_space<hbm>>
    tpu.enqueue_indirect_dma source(%dma_start3A_27 : memref<4096x1024xf32, #tpu.memory_space<hbm>>) target(%arg12 : memref<32x1024xf32, #tpu.memory_space<vmem>>) offsets(%arg8 : memref<32xi32, #tpu.memory_space<vmem>>) semaphore(%arg14 : memref<!tpu.dma_semaphore, #tpu.memory_space<semaphore_mem>>)
    %dma_wait3A_28 = arith.constant 0 : i32
    %dma_wait3A_29 = arith.constant 0 : i32
    %dma_wait3A_30 = tpu.memref_slice %arg2[%dma_wait3A_28, %dma_wait3A_29] : memref<4096x1024xf32, #tpu.memory_space<hbm>> -> memref<4096x1024xf32, #tpu.memory_space<hbm>>
    tpu.wait_indirect_dma semaphore(%arg14 : memref<!tpu.dma_semaphore, #tpu.memory_space<semaphore_mem>>) src(%dma_wait3A_30 : memref<4096x1024xf32, #tpu.memory_space<hbm>>) dst(%arg12 : memref<32x1024xf32, #tpu.memory_space<vmem>>)
    %dma_start3A_31 = arith.constant 0 : i32
    %dma_start3A_32 = arith.constant 0 : i32
    %dma_start3A_33 = tpu.memref_slice %arg2[%dma_start3A_31, %dma_start3A_32] : memref<4096x1024xf32, #tpu.memory_space<hbm>> -> memref<4096x1024xf32, #tpu.memory_space<hbm>>
    tpu.enqueue_indirect_dma source(%dma_start3A_33 : memref<4096x1024xf32, #tpu.memory_space<hbm>>) target(%arg13 : memref<32x1024xf32, #tpu.memory_space<vmem>>) offsets(%arg9 : memref<32xi32, #tpu.memory_space<vmem>>) semaphore(%arg14 : memref<!tpu.dma_semaphore, #tpu.memory_space<semaphore_mem>>)
    %dma_wait3A_34 = arith.constant 0 : i32
    %dma_wait3A_35 = arith.constant 0 : i32
    %dma_wait3A_36 = tpu.memref_slice %arg2[%dma_wait3A_34, %dma_wait3A_35] : memref<4096x1024xf32, #tpu.memory_space<hbm>> -> memref<4096x1024xf32, #tpu.memory_space<hbm>>
    tpu.wait_indirect_dma semaphore(%arg14 : memref<!tpu.dma_semaphore, #tpu.memory_space<semaphore_mem>>) src(%dma_wait3A_36 : memref<4096x1024xf32, #tpu.memory_space<hbm>>) dst(%arg13 : memref<32x1024xf32, #tpu.memory_space<vmem>>)
    %scan3A_37 = arith.constant 0 : i32
    %scan3A_38 = arith.constant 0 : i32
    %scan3A_39 = arith.constant 32 : i32
    %scan3A_40 = arith.addi %scan3A_38, %scan3A_39 : i32
    %scan3A_41 = arith.constant 1 : i32
    %scan3A_42 = scf.for %scan3A_44 = %scan3A_38 to %scan3A_40 step %scan3A_41 iter_args(%scan3A_45 = %scan3A_37) -> (i32)  : i32 {
      %get3A = arith.index_cast %scan3A_44 : i32 to index
      %get3A_46 = arith.constant 0 : index
      %get3A_47 = tpu.vector_load %arg10[%get3A, %get3A_46] {strides = array<i32>} : memref<32x16xf32, #tpu.memory_space<vmem>>, vector<1x16xf32>,
      %get3A_48 = vector.shape_cast %get3A_47 : vector<1x16xf32> to vector<16xf32>
      %get3A_49 = arith.index_cast %scan3A_44 : i32 to index
      %get3A_50 = arith.constant 0 : index
      %get3A_51 = tpu.vector_load %arg11[%get3A_49, %get3A_50] {strides = array<i32>} : memref<32x16xf32, #tpu.memory_space<vmem>>, vector<1x16xf32>,
      %get3A_52 = vector.shape_cast %get3A_51 : vector<1x16xf32> to vector<16xf32>
      %get3A_53 = arith.index_cast %scan3A_44 : i32 to index
      %get3A_54 = arith.constant 0 : index
      %get3A_55 = tpu.vector_load %arg12[%get3A_53, %get3A_54] {strides = array<i32>} : memref<32x1024xf32, #tpu.memory_space<vmem>>, vector<1x16xf32>,
      %get3A_56 = vector.shape_cast %get3A_55 : vector<1x16xf32> to vector<16xf32>
      %mul3A_57 = arith.mulf %get3A_48, %get3A_56 : vector<16xf32>
      %get3A_58 = arith.index_cast %scan3A_44 : i32 to index
      %get3A_59 = arith.constant 0 : index
      %get3A_60 = tpu.vector_load %arg13[%get3A_58, %get3A_59] {strides = array<i32>} : memref<32x1024xf32, #tpu.memory_space<vmem>>, vector<1x16xf32>,
      %get3A_61 = vector.shape_cast %get3A_60 : vector<1x16xf32> to vector<16xf32>
      %mul3A_62 = arith.mulf %get3A_52, %get3A_61 : vector<16xf32>
      %add3A_63 = arith.addf %mul3A_57, %mul3A_62 : vector<16xf32>
      %swap3A = arith.index_cast %scan3A_44 : i32 to index
      %swap3A_64 = arith.constant 0 : index
      %swap3A_65 = tpu.vector_load %arg12[%swap3A, %swap3A_64] {strides = array<i32>} : memref<32x1024xf32, #tpu.memory_space<vmem>>, vector<1x16xf32>,
      %swap3A_66 = vector.shape_cast %swap3A_65 : vector<1x16xf32> to vector<16xf32>
      %swap3A_67 = vector.shape_cast %add3A_63 : vector<16xf32> to vector<1x16xf32>
      tpu.vector_store %arg12[%swap3A, %swap3A_64], %swap3A_67 {strides = array<i32>} : memref<32x1024xf32, #tpu.memory_space<vmem>>, vector<1x16xf32>,
      %get3A_68 = arith.index_cast %scan3A_44 : i32 to index
      %get3A_69 = arith.constant 16 : index
      %get3A_70 = tpu.vector_load %arg12[%get3A_68, %get3A_69] {strides = array<i32>} : memref<32x1024xf32, #tpu.memory_space<vmem>>, vector<1x16xf32>,
      %get3A_71 = vector.shape_cast %get3A_70 : vector<1x16xf32> to vector<16xf32>
      %mul3A_72 = arith.mulf %get3A_48, %get3A_71 : vector<16xf32>
      %get3A_73 = arith.index_cast %scan3A_44 : i32 to index
      %get3A_74 = arith.constant 16 : index
      %get3A_75 = tpu.vector_load %arg13[%get3A_73, %get3A_74] {strides = array<i32>} : memref<32x1024xf32, #tpu.memory_space<vmem>>, vector<1x16xf32>,
      %get3A_76 = vector.shape_cast %get3A_75 : vector<1x16xf32> to vector<16xf32>
      %mul3A_77 = arith.mulf %get3A_52, %get3A_76 : vector<16xf32>
      %add3A_78 = arith.addf %mul3A_72, %mul3A_77 : vector<16xf32>
      %swap3A_79 = arith.index_cast %scan3A_44 : i32 to index
      %swap3A_80 = arith.constant 16 : index
      %swap3A_81 = tpu.vector_load %arg12[%swap3A_79, %swap3A_80] {strides = array<i32>} : memref<32x1024xf32, #tpu.memory_space<vmem>>, vector<1x16xf32>,
      %swap3A_82 = vector.shape_cast %swap3A_81 : vector<1x16xf32> to vector<16xf32>
      %swap3A_83 = vector.shape_cast %add3A_78 : vector<16xf32> to vector<1x16xf32>
      tpu.vector_store %arg12[%swap3A_79, %swap3A_80], %swap3A_83 {strides = array<i32>} : memref<32x1024xf32, #tpu.memory_space<vmem>>, vector<1x16xf32>,
      %get3A_84 = arith.index_cast %scan3A_44 : i32 to index
      %get3A_85 = arith.constant 32 : index
      %get3A_86 = tpu.vector_load %arg12[%get3A_84, %get3A_85] {strides = array<i32>} : memref<32x1024xf32, #tpu.memory_space<vmem>>, vector<1x16xf32>,
      %get3A_87 = vector.shape_cast %get3A_86 : vector<1x16xf32> to vector<16xf32>
      %mul3A_88 = arith.mulf %get3A_48, %get3A_87 : vector<16xf32>
      %get3A_89 = arith.index_cast %scan3A_44 : i32 to index
      %get3A_90 = arith.constant 32 : index
      %get3A_91 = tpu.vector_load %arg13[%get3A_89, %get3A_90] {strides = array<i32>} : memref<32x1024xf32, #tpu.memory_space<vmem>>, vector<1x16xf32>,
      %get3A_92 = vector.shape_cast %get3A_91 : vector<1x16xf32> to vector<16xf32>
      %mul3A_93 = arith.mulf %get3A_52, %get3A_92 : vector<16xf32>
      %add3A_94 = arith.addf %mul3A_88, %mul3A_93 : vector<16xf32>
      %swap3A_95 = arith.index_cast %scan3A_44 : i32 to index
      %swap3A_96 = arith.constant 32 : index
      %swap3A_97 = tpu.vector_load %arg12[%swap3A_95, %swap3A_96] {strides = array<i32>} : memref<32x1024xf32, #tpu.memory_space<vmem>>, vector<1x16xf32>,
      %swap3A_98 = vector.shape_cast %swap3A_97 : vector<1x16xf32> to vector<16xf32>
      %swap3A_99 = vector.shape_cast %add3A_94 : vector<16xf32> to vector<1x16xf32>
      tpu.vector_store %arg12[%swap3A_95, %swap3A_96], %swap3A_99 {strides = array<i32>} : memref<32x1024xf32, #tpu.memory_space<vmem>>, vector<1x16xf32>,
      %get3A_100 = arith.index_cast %scan3A_44 : i32 to index
      %get3A_101 = arith.constant 48 : index
      %get3A_102 = tpu.vector_load %arg12[%get3A_100, %get3A_101] {strides = array<i32>} : memref<32x1024xf32, #tpu.memory_space<vmem>>, vector<1x16xf32>,
      %get3A_103 = vector.shape_cast %get3A_102 : vector<1x16xf32> to vector<16xf32>
      %mul3A_104 = arith.mulf %get3A_48, %get3A_103 : vector<16xf32>
      %get3A_105 = arith.index_cast %scan3A_44 : i32 to index
      %get3A_106 = arith.constant 48 : index
      %get3A_107 = tpu.vector_load %arg13[%get3A_105, %get3A_106] {strides = array<i32>} : memref<32x1024xf32, #tpu.memory_space<vmem>>, vector<1x16xf32>,
      %get3A_108 = vector.shape_cast %get3A_107 : vector<1x16xf32> to vector<16xf32>
      %mul3A_109 = arith.mulf %get3A_52, %get3A_108 : vector<16xf32>
      %add3A_110 = arith.addf %mul3A_104, %mul3A_109 : vector<16xf32>
      %swap3A_111 = arith.index_cast %scan3A_44 : i32 to index
      %swap3A_112 = arith.constant 48 : index
      %swap3A_113 = tpu.vector_load %arg12[%swap3A_111, %swap3A_112] {strides = array<i32>} : memref<32x1024xf32, #tpu.memory_space<vmem>>, vector<1x16xf32>,
      %swap3A_114 = vector.shape_cast %swap3A_113 : vector<1x16xf32> to vector<16xf32>
      %swap3A_115 = vector.shape_cast %add3A_110 : vector<16xf32> to vector<1x16xf32>
      tpu.vector_store %arg12[%swap3A_111, %swap3A_112], %swap3A_115 {strides = array<i32>} : memref<32x1024xf32, #tpu.memory_space<vmem>>, vector<1x16xf32>,
      %get3A_116 = arith.index_cast %scan3A_44 : i32 to index
      %get3A_117 = arith.constant 64 : index
      %get3A_118 = tpu.vector_load %arg12[%get3A_116, %get3A_117] {strides = array<i32>} : memref<32x1024xf32, #tpu.memory_space<vmem>>, vector<1x16xf32>,
      %get3A_119 = vector.shape_cast %get3A_118 : vector<1x16xf32> to vector<16xf32>
      %mul3A_120 = arith.mulf %get3A_48, %get3A_119 : vector<16xf32>
      %get3A_121 = arith.index_cast %scan3A_44 : i32 to index
      %get3A_122 = arith.constant 64 : index
      %get3A_123 = tpu.vector_load %arg13[%get3A_121, %get3A_122] {strides = array<i32>} : memref<32x1024xf32, #tpu.memory_space<vmem>>, vector<1x16xf32>,
      %get3A_124 = vector.shape_cast %get3A_123 : vector<1x16xf32> to vector<16xf32>
      %mul3A_125 = arith.mulf %get3A_52, %get3A_124 : vector<16xf32>
      %add3A_126 = arith.addf %mul3A_120, %mul3A_125 : vector<16xf32>
      %swap3A_127 = arith.index_cast %scan3A_44 : i32 to index
      %swap3A_128 = arith.constant 64 : index
      %swap3A_129 = tpu.vector_load %arg12[%swap3A_127, %swap3A_128] {strides = array<i32>} : memref<32x1024xf32, #tpu.memory_space<vmem>>, vector<1x16xf32>,
      %swap3A_130 = vector.shape_cast %swap3A_129 : vector<1x16xf32> to vector<16xf32>
      %swap3A_131 = vector.shape_cast %add3A_126 : vector<16xf32> to vector<1x16xf32>
      tpu.vector_store %arg12[%swap3A_127, %swap3A_128], %swap3A_131 {strides = array<i32>} : memref<32x1024xf32, #tpu.memory_space<vmem>>, vector<1x16xf32>,
      %get3A_132 = arith.index_cast %scan3A_44 : i32 to index
      %get3A_133 = arith.constant 80 : index
      %get3A_134 = tpu.vector_load %arg12[%get3A_132, %get3A_133] {strides = array<i32>} : memref<32x1024xf32, #tpu.memory_space<vmem>>, vector<1x16xf32>,
      %get3A_135 = vector.shape_cast %get3A_134 : vector<1x16xf32> to vector<16xf32>
      %mul3A_136 = arith.mulf %get3A_48, %get3A_135 : vector<16xf32>
      %get3A_137 = arith.index_cast %scan3A_44 : i32 to index
      %get3A_138 = arith.constant 80 : index
      %get3A_139 = tpu.vector_load %arg13[%get3A_137, %get3A_138] {strides = array<i32>} : memref<32x1024xf32, #tpu.memory_space<vmem>>, vector<1x16xf32>,
      %get3A_140 = vector.shape_cast %get3A_139 : vector<1x16xf32> to vector<16xf32>
      %mul3A_141 = arith.mulf %get3A_52, %get3A_140 : vector<16xf32>
      %add3A_142 = arith.addf %mul3A_136, %mul3A_141 : vector<16xf32>
      %swap3A_143 = arith.index_cast %scan3A_44 : i32 to index
      %swap3A_144 = arith.constant 80 : index
      %swap3A_145 = tpu.vector_load %arg12[%swap3A_143, %swap3A_144] {strides = array<i32>} : memref<32x1024xf32, #tpu.memory_space<vmem>>, vector<1x16xf32>,
      %swap3A_146 = vector.shape_cast %swap3A_145 : vector<1x16xf32> to vector<16xf32>
      %swap3A_147 = vector.shape_cast %add3A_142 : vector<16xf32> to vector<1x16xf32>
      tpu.vector_store %arg12[%swap3A_143, %swap3A_144], %swap3A_147 {strides = array<i32>} : memref<32x1024xf32, #tpu.memory_space<vmem>>, vector<1x16xf32>,
      %get3A_148 = arith.index_cast %scan3A_44 : i32 to index
      %get3A_149 = arith.constant 96 : index
      %get3A_150 = tpu.vector_load %arg12[%get3A_148, %get3A_149] {strides = array<i32>} : memref<32x1024xf32, #tpu.memory_space<vmem>>, vector<1x16xf32>,
      %get3A_151 = vector.shape_cast %get3A_150 : vector<1x16xf32> to vector<16xf32>
      %mul3A_152 = arith.mulf %get3A_48, %get3A_151 : vector<16xf32>
      %get3A_153 = arith.index_cast %scan3A_44 : i32 to index
      %get3A_154 = arith.constant 96 : index
      %get3A_155 = tpu.vector_load %arg13[%get3A_153, %get3A_154] {strides = array<i32>} : memref<32x1024xf32, #tpu.memory_space<vmem>>, vector<1x16xf32>,
      %get3A_156 = vector.shape_cast %get3A_155 : vector<1x16xf32> to vector<16xf32>
      %mul3A_157 = arith.mulf %get3A_52, %get3A_156 : vector<16xf32>
      %add3A_158 = arith.addf %mul3A_152, %mul3A_157 : vector<16xf32>
      %swap3A_159 = arith.index_cast %scan3A_44 : i32 to index
      %swap3A_160 = arith.constant 96 : index
      %swap3A_161 = tpu.vector_load %arg12[%swap3A_159, %swap3A_160] {strides = array<i32>} : memref<32x1024xf32, #tpu.memory_space<vmem>>, vector<1x16xf32>,
      %swap3A_162 = vector.shape_cast %swap3A_161 : vector<1x16xf32> to vector<16xf32>
      %swap3A_163 = vector.shape_cast %add3A_158 : vector<16xf32> to vector<1x16xf32>
      tpu.vector_store %arg12[%swap3A_159, %swap3A_160], %swap3A_163 {strides = array<i32>} : memref<32x1024xf32, #tpu.memory_space<vmem>>, vector<1x16xf32>,
      %get3A_164 = arith.index_cast %scan3A_44 : i32 to index
      %get3A_165 = arith.constant 112 : index
      %get3A_166 = tpu.vector_load %arg12[%get3A_164, %get3A_165] {strides = array<i32>} : memref<32x1024xf32, #tpu.memory_space<vmem>>, vector<1x16xf32>,
      %get3A_167 = vector.shape_cast %get3A_166 : vector<1x16xf32> to vector<16xf32>
      %mul3A_168 = arith.mulf %get3A_48, %get3A_167 : vector<16xf32>
      %get3A_169 = arith.index_cast %scan3A_44 : i32 to index
      %get3A_170 = arith.constant 112 : index
      %get3A_171 = tpu.vector_load %arg13[%get3A_169, %get3A_170] {strides = array<i32>} : memref<32x1024xf32, #tpu.memory_space<vmem>>, vector<1x16xf32>,
      %get3A_172 = vector.shape_cast %get3A_171 : vector<1x16xf32> to vector<16xf32>
      %mul3A_173 = arith.mulf %get3A_52, %get3A_172 : vector<16xf32>
      %add3A_174 = arith.addf %mul3A_168, %mul3A_173 : vector<16xf32>
      %swap3A_175 = arith.index_cast %scan3A_44 : i32 to index
      %swap3A_176 = arith.constant 112 : index
      %swap3A_177 = tpu.vector_load %arg12[%swap3A_175, %swap3A_176] {strides = array<i32>} : memref<32x1024xf32, #tpu.memory_space<vmem>>, vector<1x16xf32>,
      %swap3A_178 = vector.shape_cast %swap3A_177 : vector<1x16xf32> to vector<16xf32>
      %swap3A_179 = vector.shape_cast %add3A_174 : vector<16xf32> to vector<1x16xf32>
      tpu.vector_store %arg12[%swap3A_175, %swap3A_176], %swap3A_179 {strides = array<i32>} : memref<32x1024xf32, #tpu.memory_space<vmem>>, vector<1x16xf32>,
      %get3A_180 = arith.index_cast %scan3A_44 : i32 to index
      %get3A_181 = arith.constant 128 : index
      %get3A_182 = tpu.vector_load %arg12[%get3A_180, %get3A_181] {strides = array<i32>} : memref<32x1024xf32, #tpu.memory_space<vmem>>, vector<1x16xf32>,
      %get3A_183 = vector.shape_cast %get3A_182 : vector<1x16xf32> to vector<16xf32>
      %mul3A_184 = arith.mulf %get3A_48, %get3A_183 : vector<16xf32>
      %get3A_185 = arith.index_cast %scan3A_44 : i32 to index
      %get3A_186 = arith.constant 128 : index
      %get3A_187 = tpu.vector_load %arg13[%get3A_185, %get3A_186] {strides = array<i32>} : memref<32x1024xf32, #tpu.memory_space<vmem>>, vector<1x16xf32>,
      %get3A_188 = vector.shape_cast %get3A_187 : vector<1x16xf32> to vector<16xf32>
      %mul3A_189 = arith.mulf %get3A_52, %get3A_188 : vector<16xf32>
      %add3A_190 = arith.addf %mul3A_184, %mul3A_189 : vector<16xf32>
      %swap3A_191 = arith.index_cast %scan3A_44 : i32 to index
      %swap3A_192 = arith.constant 128 : index
      %swap3A_193 = tpu.vector_load %arg12[%swap3A_191, %swap3A_192] {strides = array<i32>} : memref<32x1024xf32, #tpu.memory_space<vmem>>, vector<1x16xf32>,
      %swap3A_194 = vector.shape_cast %swap3A_193 : vector<1x16xf32> to vector<16xf32>
      %swap3A_195 = vector.shape_cast %add3A_190 : vector<16xf32> to vector<1x16xf32>
      tpu.vector_store %arg12[%swap3A_191, %swap3A_192], %swap3A_195 {strides = array<i32>} : memref<32x1024xf32, #tpu.memory_space<vmem>>, vector<1x16xf32>,
      %get3A_196 = arith.index_cast %scan3A_44 : i32 to index
      %get3A_197 = arith.constant 144 : index
      %get3A_198 = tpu.vector_load %arg12[%get3A_196, %get3A_197] {strides = array<i32>} : memref<32x1024xf32, #tpu.memory_space<vmem>>, vector<1x16xf32>,
      %get3A_199 = vector.shape_cast %get3A_198 : vector<1x16xf32> to vector<16xf32>
      %mul3A_200 = arith.mulf %get3A_48, %get3A_199 : vector<16xf32>
      %get3A_201 = arith.index_cast %scan3A_44 : i32 to index
      %get3A_202 = arith.constant 144 : index
      %get3A_203 = tpu.vector_load %arg13[%get3A_201, %get3A_202] {strides = array<i32>} : memref<32x1024xf32, #tpu.memory_space<vmem>>, vector<1x16xf32>,
      %get3A_204 = vector.shape_cast %get3A_203 : vector<1x16xf32> to vector<16xf32>
      %mul3A_205 = arith.mulf %get3A_52, %get3A_204 : vector<16xf32>
      %add3A_206 = arith.addf %mul3A_200, %mul3A_205 : vector<16xf32>
      %swap3A_207 = arith.index_cast %scan3A_44 : i32 to index
      %swap3A_208 = arith.constant 144 : index
      %swap3A_209 = tpu.vector_load %arg12[%swap3A_207, %swap3A_208] {strides = array<i32>} : memref<32x1024xf32, #tpu.memory_space<vmem>>, vector<1x16xf32>,
      %swap3A_210 = vector.shape_cast %swap3A_209 : vector<1x16xf32> to vector<16xf32>
      %swap3A_211 = vector.shape_cast %add3A_206 : vector<16xf32> to vector<1x16xf32>
      tpu.vector_store %arg12[%swap3A_207, %swap3A_208], %swap3A_211 {strides = array<i32>} : memref<32x1024xf32, #tpu.memory_space<vmem>>, vector<1x16xf32>,
      %get3A_212 = arith.index_cast %scan3A_44 : i32 to index
      %get3A_213 = arith.constant 160 : index
      %get3A_214 = tpu.vector_load %arg12[%get3A_212, %get3A_213] {strides = array<i32>} : memref<32x1024xf32, #tpu.memory_space<vmem>>, vector<1x16xf32>,
      %get3A_215 = vector.shape_cast %get3A_214 : vector<1x16xf32> to vector<16xf32>
      %mul3A_216 = arith.mulf %get3A_48, %get3A_215 : vector<16xf32>
      %get3A_217 = arith.index_cast %scan3A_44 : i32 to index
      %get3A_218 = arith.constant 160 : index
      %get3A_219 = tpu.vector_load %arg13[%get3A_217, %get3A_218] {strides = array<i32>} : memref<32x1024xf32, #tpu.memory_space<vmem>>, vector<1x16xf32>,
      %get3A_220 = vector.shape_cast %get3A_219 : vector<1x16xf32> to vector<16xf32>
      %mul3A_221 = arith.mulf %get3A_52, %get3A_220 : vector<16xf32>
      %add3A_222 = arith.addf %mul3A_216, %mul3A_221 : vector<16xf32>
      %swap3A_223 = arith.index_cast %scan3A_44 : i32 to index
      %swap3A_224 = arith.constant 160 : index
      %swap3A_225 = tpu.vector_load %arg12[%swap3A_223, %swap3A_224] {strides = array<i32>} : memref<32x1024xf32, #tpu.memory_space<vmem>>, vector<1x16xf32>,
      %swap3A_226 = vector.shape_cast %swap3A_225 : vector<1x16xf32> to vector<16xf32>
      %swap3A_227 = vector.shape_cast %add3A_222 : vector<16xf32> to vector<1x16xf32>
      tpu.vector_store %arg12[%swap3A_223, %swap3A_224], %swap3A_227 {strides = array<i32>} : memref<32x1024xf32, #tpu.memory_space<vmem>>, vector<1x16xf32>,
      %get3A_228 = arith.index_cast %scan3A_44 : i32 to index
      %get3A_229 = arith.constant 176 : index
      %get3A_230 = tpu.vector_load %arg12[%get3A_228, %get3A_229] {strides = array<i32>} : memref<32x1024xf32, #tpu.memory_space<vmem>>, vector<1x16xf32>,
      %get3A_231 = vector.shape_cast %get3A_230 : vector<1x16xf32> to vector<16xf32>
      %mul3A_232 = arith.mulf %get3A_48, %get3A_231 : vector<16xf32>
      %get3A_233 = arith.index_cast %scan3A_44 : i32 to index
      %get3A_234 = arith.constant 176 : index
      %get3A_235 = tpu.vector_load %arg13[%get3A_233, %get3A_234] {strides = array<i32>} : memref<32x1024xf32, #tpu.memory_space<vmem>>, vector<1x16xf32>,
      %get3A_236 = vector.shape_cast %get3A_235 : vector<1x16xf32> to vector<16xf32>
      %mul3A_237 = arith.mulf %get3A_52, %get3A_236 : vector<16xf32>
      %add3A_238 = arith.addf %mul3A_232, %mul3A_237 : vector<16xf32>
      %swap3A_239 = arith.index_cast %scan3A_44 : i32 to index
      %swap3A_240 = arith.constant 176 : index
      %swap3A_241 = tpu.vector_load %arg12[%swap3A_239, %swap3A_240] {strides = array<i32>} : memref<32x1024xf32, #tpu.memory_space<vmem>>, vector<1x16xf32>,
      %swap3A_242 = vector.shape_cast %swap3A_241 : vector<1x16xf32> to vector<16xf32>
      %swap3A_243 = vector.shape_cast %add3A_238 : vector<16xf32> to vector<1x16xf32>
      tpu.vector_store %arg12[%swap3A_239, %swap3A_240], %swap3A_243 {strides = array<i32>} : memref<32x1024xf32, #tpu.memory_space<vmem>>, vector<1x16xf32>,
      %get3A_244 = arith.index_cast %scan3A_44 : i32 to index
      %get3A_245 = arith.constant 192 : index
      %get3A_246 = tpu.vector_load %arg12[%get3A_244, %get3A_245] {strides = array<i32>} : memref<32x1024xf32, #tpu.memory_space<vmem>>, vector<1x16xf32>,
      %get3A_247 = vector.shape_cast %get3A_246 : vector<1x16xf32> to vector<16xf32>
      %mul3A_248 = arith.mulf %get3A_48, %get3A_247 : vector<16xf32>
      %get3A_249 = arith.index_cast %scan3A_44 : i32 to index
      %get3A_250 = arith.constant 192 : index
      %get3A_251 = tpu.vector_load %arg13[%get3A_249, %get3A_250] {strides = array<i32>} : memref<32x1024xf32, #tpu.memory_space<vmem>>, vector<1x16xf32>,
      %get3A_252 = vector.shape_cast %get3A_251 : vector<1x16xf32> to vector<16xf32>
      %mul3A_253 = arith.mulf %get3A_52, %get3A_252 : vector<16xf32>
      %add3A_254 = arith.addf %mul3A_248, %mul3A_253 : vector<16xf32>
      %swap3A_255 = arith.index_cast %scan3A_44 : i32 to index
      %swap3A_256 = arith.constant 192 : index
      %swap3A_257 = tpu.vector_load %arg12[%swap3A_255, %swap3A_256] {strides = array<i32>} : memref<32x1024xf32, #tpu.memory_space<vmem>>, vector<1x16xf32>,
      %swap3A_258 = vector.shape_cast %swap3A_257 : vector<1x16xf32> to vector<16xf32>
      %swap3A_259 = vector.shape_cast %add3A_254 : vector<16xf32> to vector<1x16xf32>
      tpu.vector_store %arg12[%swap3A_255, %swap3A_256], %swap3A_259 {strides = array<i32>} : memref<32x1024xf32, #tpu.memory_space<vmem>>, vector<1x16xf32>,
      %get3A_260 = arith.index_cast %scan3A_44 : i32 to index
      %get3A_261 = arith.constant 208 : index
      %get3A_262 = tpu.vector_load %arg12[%get3A_260, %get3A_261] {strides = array<i32>} : memref<32x1024xf32, #tpu.memory_space<vmem>>, vector<1x16xf32>,
      %get3A_263 = vector.shape_cast %get3A_262 : vector<1x16xf32> to vector<16xf32>
      %mul3A_264 = arith.mulf %get3A_48, %get3A_263 : vector<16xf32>
      %get3A_265 = arith.index_cast %scan3A_44 : i32 to index
      %get3A_266 = arith.constant 208 : index
      %get3A_267 = tpu.vector_load %arg13[%get3A_265, %get3A_266] {strides = array<i32>} : memref<32x1024xf32, #tpu.memory_space<vmem>>, vector<1x16xf32>,
      %get3A_268 = vector.shape_cast %get3A_267 : vector<1x16xf32> to vector<16xf32>
      %mul3A_269 = arith.mulf %get3A_52, %get3A_268 : vector<16xf32>
      %add3A_270 = arith.addf %mul3A_264, %mul3A_269 : vector<16xf32>
      %swap3A_271 = arith.index_cast %scan3A_44 : i32 to index
      %swap3A_272 = arith.constant 208 : index
      %swap3A_273 = tpu.vector_load %arg12[%swap3A_271, %swap3A_272] {strides = array<i32>} : memref<32x1024xf32, #tpu.memory_space<vmem>>, vector<1x16xf32>,
      %swap3A_274 = vector.shape_cast %swap3A_273 : vector<1x16xf32> to vector<16xf32>
      %swap3A_275 = vector.shape_cast %add3A_270 : vector<16xf32> to vector<1x16xf32>
      tpu.vector_store %arg12[%swap3A_271, %swap3A_272], %swap3A_275 {strides = array<i32>} : memref<32x1024xf32, #tpu.memory_space<vmem>>, vector<1x16xf32>,
      %get3A_276 = arith.index_cast %scan3A_44 : i32 to index
      %get3A_277 = arith.constant 224 : index
      %get3A_278 = tpu.vector_load %arg12[%get3A_276, %get3A_277] {strides = array<i32>} : memref<32x1024xf32, #tpu.memory_space<vmem>>, vector<1x16xf32>,
      %get3A_279 = vector.shape_cast %get3A_278 : vector<1x16xf32> to vector<16xf32>
      %mul3A_280 = arith.mulf %get3A_48, %get3A_279 : vector<16xf32>
      %get3A_281 = arith.index_cast %scan3A_44 : i32 to index
      %get3A_282 = arith.constant 224 : index
      %get3A_283 = tpu.vector_load %arg13[%get3A_281, %get3A_282] {strides = array<i32>} : memref<32x1024xf32, #tpu.memory_space<vmem>>, vector<1x16xf32>,
      %get3A_284 = vector.shape_cast %get3A_283 : vector<1x16xf32> to vector<16xf32>
      %mul3A_285 = arith.mulf %get3A_52, %get3A_284 : vector<16xf32>
      %add3A_286 = arith.addf %mul3A_280, %mul3A_285 : vector<16xf32>
      %swap3A_287 = arith.index_cast %scan3A_44 : i32 to index
      %swap3A_288 = arith.constant 224 : index
      %swap3A_289 = tpu.vector_load %arg12[%swap3A_287, %swap3A_288] {strides = array<i32>} : memref<32x1024xf32, #tpu.memory_space<vmem>>, vector<1x16xf32>,
      %swap3A_290 = vector.shape_cast %swap3A_289 : vector<1x16xf32> to vector<16xf32>
      %swap3A_291 = vector.shape_cast %add3A_286 : vector<16xf32> to vector<1x16xf32>
      tpu.vector_store %arg12[%swap3A_287, %swap3A_288], %swap3A_291 {strides = array<i32>} : memref<32x1024xf32, #tpu.memory_space<vmem>>, vector<1x16xf32>,
      %get3A_292 = arith.index_cast %scan3A_44 : i32 to index
      %get3A_293 = arith.constant 240 : index
      %get3A_294 = tpu.vector_load %arg12[%get3A_292, %get3A_293] {strides = array<i32>} : memref<32x1024xf32, #tpu.memory_space<vmem>>, vector<1x16xf32>,
      %get3A_295 = vector.shape_cast %get3A_294 : vector<1x16xf32> to vector<16xf32>
      %mul3A_296 = arith.mulf %get3A_48, %get3A_295 : vector<16xf32>
      %get3A_297 = arith.index_cast %scan3A_44 : i32 to index
      %get3A_298 = arith.constant 240 : index
      %get3A_299 = tpu.vector_load %arg13[%get3A_297, %get3A_298] {strides = array<i32>} : memref<32x1024xf32, #tpu.memory_space<vmem>>, vector<1x16xf32>,
      %get3A_300 = vector.shape_cast %get3A_299 : vector<1x16xf32> to vector<16xf32>
      %mul3A_301 = arith.mulf %get3A_52, %get3A_300 : vector<16xf32>
      %add3A_302 = arith.addf %mul3A_296, %mul3A_301 : vector<16xf32>
      %swap3A_303 = arith.index_cast %scan3A_44 : i32 to index
      %swap3A_304 = arith.constant 240 : index
      %swap3A_305 = tpu.vector_load %arg12[%swap3A_303, %swap3A_304] {strides = array<i32>} : memref<32x1024xf32, #tpu.memory_space<vmem>>, vector<1x16xf32>,
      %swap3A_306 = vector.shape_cast %swap3A_305 : vector<1x16xf32> to vector<16xf32>
      %swap3A_307 = vector.shape_cast %add3A_302 : vector<16xf32> to vector<1x16xf32>
      tpu.vector_store %arg12[%swap3A_303, %swap3A_304], %swap3A_307 {strides = array<i32>} : memref<32x1024xf32, #tpu.memory_space<vmem>>, vector<1x16xf32>,
      %get3A_308 = arith.index_cast %scan3A_44 : i32 to index
      %get3A_309 = arith.constant 256 : index
      %get3A_310 = tpu.vector_load %arg12[%get3A_308, %get3A_309] {strides = array<i32>} : memref<32x1024xf32, #tpu.memory_space<vmem>>, vector<1x16xf32>,
      %get3A_311 = vector.shape_cast %get3A_310 : vector<1x16xf32> to vector<16xf32>
      %mul3A_312 = arith.mulf %get3A_48, %get3A_311 : vector<16xf32>
      %get3A_313 = arith.index_cast %scan3A_44 : i32 to index
      %get3A_314 = arith.constant 256 : index
      %get3A_315 = tpu.vector_load %arg13[%get3A_313, %get3A_314] {strides = array<i32>} : memref<32x1024xf32, #tpu.memory_space<vmem>>, vector<1x16xf32>,
      %get3A_316 = vector.shape_cast %get3A_315 : vector<1x16xf32> to vector<16xf32>
      %mul3A_317 = arith.mulf %get3A_52, %get3A_316 : vector<16xf32>
      %add3A_318 = arith.addf %mul3A_312, %mul3A_317 : vector<16xf32>
      %swap3A_319 = arith.index_cast %scan3A_44 : i32 to index
      %swap3A_320 = arith.constant 256 : index
      %swap3A_321 = tpu.vector_load %arg12[%swap3A_319, %swap3A_320] {strides = array<i32>} : memref<32x1024xf32, #tpu.memory_space<vmem>>, vector<1x16xf32>,
      %swap3A_322 = vector.shape_cast %swap3A_321 : vector<1x16xf32> to vector<16xf32>
      %swap3A_323 = vector.shape_cast %add3A_318 : vector<16xf32> to vector<1x16xf32>
      tpu.vector_store %arg12[%swap3A_319, %swap3A_320], %swap3A_323 {strides = array<i32>} : memref<32x1024xf32, #tpu.memory_space<vmem>>, vector<1x16xf32>,
      %get3A_324 = arith.index_cast %scan3A_44 : i32 to index
      %get3A_325 = arith.constant 272 : index
      %get3A_326 = tpu.vector_load %arg12[%get3A_324, %get3A_325] {strides = array<i32>} : memref<32x1024xf32, #tpu.memory_space<vmem>>, vector<1x16xf32>,
      %get3A_327 = vector.shape_cast %get3A_326 : vector<1x16xf32> to vector<16xf32>
      %mul3A_328 = arith.mulf %get3A_48, %get3A_327 : vector<16xf32>
      %get3A_329 = arith.index_cast %scan3A_44 : i32 to index
      %get3A_330 = arith.constant 272 : index
      %get3A_331 = tpu.vector_load %arg13[%get3A_329, %get3A_330] {strides = array<i32>} : memref<32x1024xf32, #tpu.memory_space<vmem>>, vector<1x16xf32>,
      %get3A_332 = vector.shape_cast %get3A_331 : vector<1x16xf32> to vector<16xf32>
      %mul3A_333 = arith.mulf %get3A_52, %get3A_332 : vector<16xf32>
      %add3A_334 = arith.addf %mul3A_328, %mul3A_333 : vector<16xf32>
      %swap3A_335 = arith.index_cast %scan3A_44 : i32 to index
      %swap3A_336 = arith.constant 272 : index
      %swap3A_337 = tpu.vector_load %arg12[%swap3A_335, %swap3A_336] {strides = array<i32>} : memref<32x1024xf32, #tpu.memory_space<vmem>>, vector<1x16xf32>,
      %swap3A_338 = vector.shape_cast %swap3A_337 : vector<1x16xf32> to vector<16xf32>
      %swap3A_339 = vector.shape_cast %add3A_334 : vector<16xf32> to vector<1x16xf32>
      tpu.vector_store %arg12[%swap3A_335, %swap3A_336], %swap3A_339 {strides = array<i32>} : memref<32x1024xf32, #tpu.memory_space<vmem>>, vector<1x16xf32>,
      %get3A_340 = arith.index_cast %scan3A_44 : i32 to index
      %get3A_341 = arith.constant 288 : index
      %get3A_342 = tpu.vector_load %arg12[%get3A_340, %get3A_341] {strides = array<i32>} : memref<32x1024xf32, #tpu.memory_space<vmem>>, vector<1x16xf32>,
      %get3A_343 = vector.shape_cast %get3A_342 : vector<1x16xf32> to vector<16xf32>
      %mul3A_344 = arith.mulf %get3A_48, %get3A_343 : vector<16xf32>
      %get3A_345 = arith.index_cast %scan3A_44 : i32 to index
      %get3A_346 = arith.constant 288 : index
      %get3A_347 = tpu.vector_load %arg13[%get3A_345, %get3A_346] {strides = array<i32>} : memref<32x1024xf32, #tpu.memory_space<vmem>>, vector<1x16xf32>,
      %get3A_348 = vector.shape_cast %get3A_347 : vector<1x16xf32> to vector<16xf32>
      %mul3A_349 = arith.mulf %get3A_52, %get3A_348 : vector<16xf32>
      %add3A_350 = arith.addf %mul3A_344, %mul3A_349 : vector<16xf32>
      %swap3A_351 = arith.index_cast %scan3A_44 : i32 to index
      %swap3A_352 = arith.constant 288 : index
      %swap3A_353 = tpu.vector_load %arg12[%swap3A_351, %swap3A_352] {strides = array<i32>} : memref<32x1024xf32, #tpu.memory_space<vmem>>, vector<1x16xf32>,
      %swap3A_354 = vector.shape_cast %swap3A_353 : vector<1x16xf32> to vector<16xf32>
      %swap3A_355 = vector.shape_cast %add3A_350 : vector<16xf32> to vector<1x16xf32>
      tpu.vector_store %arg12[%swap3A_351, %swap3A_352], %swap3A_355 {strides = array<i32>} : memref<32x1024xf32, #tpu.memory_space<vmem>>, vector<1x16xf32>,
      %get3A_356 = arith.index_cast %scan3A_44 : i32 to index
      %get3A_357 = arith.constant 304 : index
      %get3A_358 = tpu.vector_load %arg12[%get3A_356, %get3A_357] {strides = array<i32>} : memref<32x1024xf32, #tpu.memory_space<vmem>>, vector<1x16xf32>,
      %get3A_359 = vector.shape_cast %get3A_358 : vector<1x16xf32> to vector<16xf32>
      %mul3A_360 = arith.mulf %get3A_48, %get3A_359 : vector<16xf32>
      %get3A_361 = arith.index_cast %scan3A_44 : i32 to index
      %get3A_362 = arith.constant 304 : index
      %get3A_363 = tpu.vector_load %arg13[%get3A_361, %get3A_362] {strides = array<i32>} : memref<32x1024xf32, #tpu.memory_space<vmem>>, vector<1x16xf32>,
      %get3A_364 = vector.shape_cast %get3A_363 : vector<1x16xf32> to vector<16xf32>
      %mul3A_365 = arith.mulf %get3A_52, %get3A_364 : vector<16xf32>
      %add3A_366 = arith.addf %mul3A_360, %mul3A_365 : vector<16xf32>
      %swap3A_367 = arith.index_cast %scan3A_44 : i32 to index
      %swap3A_368 = arith.constant 304 : index
      %swap3A_369 = tpu.vector_load %arg12[%swap3A_367, %swap3A_368] {strides = array<i32>} : memref<32x1024xf32, #tpu.memory_space<vmem>>, vector<1x16xf32>,
      %swap3A_370 = vector.shape_cast %swap3A_369 : vector<1x16xf32> to vector<16xf32>
      %swap3A_371 = vector.shape_cast %add3A_366 : vector<16xf32> to vector<1x16xf32>
      tpu.vector_store %arg12[%swap3A_367, %swap3A_368], %swap3A_371 {strides = array<i32>} : memref<32x1024xf32, #tpu.memory_space<vmem>>, vector<1x16xf32>,
      %get3A_372 = arith.index_cast %scan3A_44 : i32 to index
      %get3A_373 = arith.constant 320 : index
      %get3A_374 = tpu.vector_load %arg12[%get3A_372, %get3A_373] {strides = array<i32>} : memref<32x1024xf32, #tpu.memory_space<vmem>>, vector<1x16xf32>,
      %get3A_375 = vector.shape_cast %get3A_374 : vector<1x16xf32> to vector<16xf32>
      %mul3A_376 = arith.mulf %get3A_48, %get3A_375 : vector<16xf32>
      %get3A_377 = arith.index_cast %scan3A_44 : i32 to index
      %get3A_378 = arith.constant 320 : index
      %get3A_379 = tpu.vector_load %arg13[%get3A_377, %get3A_378] {strides = array<i32>} : memref<32x1024xf32, #tpu.memory_space<vmem>>, vector<1x16xf32>,
      %get3A_380 = vector.shape_cast %get3A_379 : vector<1x16xf32> to vector<16xf32>
      %mul3A_381 = arith.mulf %get3A_52, %get3A_380 : vector<16xf32>
      %add3A_382 = arith.addf %mul3A_376, %mul3A_381 : vector<16xf32>
      %swap3A_383 = arith.index_cast %scan3A_44 : i32 to index
      %swap3A_384 = arith.constant 320 : index
      %swap3A_385 = tpu.vector_load %arg12[%swap3A_383, %swap3A_384] {strides = array<i32>} : memref<32x1024xf32, #tpu.memory_space<vmem>>, vector<1x16xf32>,
      %swap3A_386 = vector.shape_cast %swap3A_385 : vector<1x16xf32> to vector<16xf32>
      %swap3A_387 = vector.shape_cast %add3A_382 : vector<16xf32> to vector<1x16xf32>
      tpu.vector_store %arg12[%swap3A_383, %swap3A_384], %swap3A_387 {strides = array<i32>} : memref<32x1024xf32, #tpu.memory_space<vmem>>, vector<1x16xf32>,
      %get3A_388 = arith.index_cast %scan3A_44 : i32 to index
      %get3A_389 = arith.constant 336 : index
      %get3A_390 = tpu.vector_load %arg12[%get3A_388, %get3A_389] {strides = array<i32>} : memref<32x1024xf32, #tpu.memory_space<vmem>>, vector<1x16xf32>,
      %get3A_391 = vector.shape_cast %get3A_390 : vector<1x16xf32> to vector<16xf32>
      %mul3A_392 = arith.mulf %get3A_48, %get3A_391 : vector<16xf32>
      %get3A_393 = arith.index_cast %scan3A_44 : i32 to index
      %get3A_394 = arith.constant 336 : index
      %get3A_395 = tpu.vector_load %arg13[%get3A_393, %get3A_394] {strides = array<i32>} : memref<32x1024xf32, #tpu.memory_space<vmem>>, vector<1x16xf32>,
      %get3A_396 = vector.shape_cast %get3A_395 : vector<1x16xf32> to vector<16xf32>
      %mul3A_397 = arith.mulf %get3A_52, %get3A_396 : vector<16xf32>
      %add3A_398 = arith.addf %mul3A_392, %mul3A_397 : vector<16xf32>
      %swap3A_399 = arith.index_cast %scan3A_44 : i32 to index
      %swap3A_400 = arith.constant 336 : index
      %swap3A_401 = tpu.vector_load %arg12[%swap3A_399, %swap3A_400] {strides = array<i32>} : memref<32x1024xf32, #tpu.memory_space<vmem>>, vector<1x16xf32>,
      %swap3A_402 = vector.shape_cast %swap3A_401 : vector<1x16xf32> to vector<16xf32>
      %swap3A_403 = vector.shape_cast %add3A_398 : vector<16xf32> to vector<1x16xf32>
      tpu.vector_store %arg12[%swap3A_399, %swap3A_400], %swap3A_403 {strides = array<i32>} : memref<32x1024xf32, #tpu.memory_space<vmem>>, vector<1x16xf32>,
      %get3A_404 = arith.index_cast %scan3A_44 : i32 to index
      %get3A_405 = arith.constant 352 : index
      %get3A_406 = tpu.vector_load %arg12[%get3A_404, %get3A_405] {strides = array<i32>} : memref<32x1024xf32, #tpu.memory_space<vmem>>, vector<1x16xf32>,
      %get3A_407 = vector.shape_cast %get3A_406 : vector<1x16xf32> to vector<16xf32>
      %mul3A_408 = arith.mulf %get3A_48, %get3A_407 : vector<16xf32>
      %get3A_409 = arith.index_cast %scan3A_44 : i32 to index
      %get3A_410 = arith.constant 352 : index
      %get3A_411 = tpu.vector_load %arg13[%get3A_409, %get3A_410] {strides = array<i32>} : memref<32x1024xf32, #tpu.memory_space<vmem>>, vector<1x16xf32>,
      %get3A_412 = vector.shape_cast %get3A_411 : vector<1x16xf32> to vector<16xf32>
      %mul3A_413 = arith.mulf %get3A_52, %get3A_412 : vector<16xf32>
      %add3A_414 = arith.addf %mul3A_408, %mul3A_413 : vector<16xf32>
      %swap3A_415 = arith.index_cast %scan3A_44 : i32 to index
      %swap3A_416 = arith.constant 352 : index
      %swap3A_417 = tpu.vector_load %arg12[%swap3A_415, %swap3A_416] {strides = array<i32>} : memref<32x1024xf32, #tpu.memory_space<vmem>>, vector<1x16xf32>,
      %swap3A_418 = vector.shape_cast %swap3A_417 : vector<1x16xf32> to vector<16xf32>
      %swap3A_419 = vector.shape_cast %add3A_414 : vector<16xf32> to vector<1x16xf32>
      tpu.vector_store %arg12[%swap3A_415, %swap3A_416], %swap3A_419 {strides = array<i32>} : memref<32x1024xf32, #tpu.memory_space<vmem>>, vector<1x16xf32>,
      %get3A_420 = arith.index_cast %scan3A_44 : i32 to index
      %get3A_421 = arith.constant 368 : index
      %get3A_422 = tpu.vector_load %arg12[%get3A_420, %get3A_421] {strides = array<i32>} : memref<32x1024xf32, #tpu.memory_space<vmem>>, vector<1x16xf32>,
      %get3A_423 = vector.shape_cast %get3A_422 : vector<1x16xf32> to vector<16xf32>
      %mul3A_424 = arith.mulf %get3A_48, %get3A_423 : vector<16xf32>
      %get3A_425 = arith.index_cast %scan3A_44 : i32 to index
      %get3A_426 = arith.constant 368 : index
      %get3A_427 = tpu.vector_load %arg13[%get3A_425, %get3A_426] {strides = array<i32>} : memref<32x1024xf32, #tpu.memory_space<vmem>>, vector<1x16xf32>,
      %get3A_428 = vector.shape_cast %get3A_427 : vector<1x16xf32> to vector<16xf32>
      %mul3A_429 = arith.mulf %get3A_52, %get3A_428 : vector<16xf32>
      %add3A_430 = arith.addf %mul3A_424, %mul3A_429 : vector<16xf32>
      %swap3A_431 = arith.index_cast %scan3A_44 : i32 to index
      %swap3A_432 = arith.constant 368 : index
      %swap3A_433 = tpu.vector_load %arg12[%swap3A_431, %swap3A_432] {strides = array<i32>} : memref<32x1024xf32, #tpu.memory_space<vmem>>, vector<1x16xf32>,
      %swap3A_434 = vector.shape_cast %swap3A_433 : vector<1x16xf32> to vector<16xf32>
      %swap3A_435 = vector.shape_cast %add3A_430 : vector<16xf32> to vector<1x16xf32>
      tpu.vector_store %arg12[%swap3A_431, %swap3A_432], %swap3A_435 {strides = array<i32>} : memref<32x1024xf32, #tpu.memory_space<vmem>>, vector<1x16xf32>,
      %get3A_436 = arith.index_cast %scan3A_44 : i32 to index
      %get3A_437 = arith.constant 384 : index
      %get3A_438 = tpu.vector_load %arg12[%get3A_436, %get3A_437] {strides = array<i32>} : memref<32x1024xf32, #tpu.memory_space<vmem>>, vector<1x16xf32>,
      %get3A_439 = vector.shape_cast %get3A_438 : vector<1x16xf32> to vector<16xf32>
      %mul3A_440 = arith.mulf %get3A_48, %get3A_439 : vector<16xf32>
      %get3A_441 = arith.index_cast %scan3A_44 : i32 to index
      %get3A_442 = arith.constant 384 : index
      %get3A_443 = tpu.vector_load %arg13[%get3A_441, %get3A_442] {strides = array<i32>} : memref<32x1024xf32, #tpu.memory_space<vmem>>, vector<1x16xf32>,
      %get3A_444 = vector.shape_cast %get3A_443 : vector<1x16xf32> to vector<16xf32>
      %mul3A_445 = arith.mulf %get3A_52, %get3A_444 : vector<16xf32>
      %add3A_446 = arith.addf %mul3A_440, %mul3A_445 : vector<16xf32>
      %swap3A_447 = arith.index_cast %scan3A_44 : i32 to index
      %swap3A_448 = arith.constant 384 : index
      %swap3A_449 = tpu.vector_load %arg12[%swap3A_447, %swap3A_448] {strides = array<i32>} : memref<32x1024xf32, #tpu.memory_space<vmem>>, vector<1x16xf32>,
      %swap3A_450 = vector.shape_cast %swap3A_449 : vector<1x16xf32> to vector<16xf32>
      %swap3A_451 = vector.shape_cast %add3A_446 : vector<16xf32> to vector<1x16xf32>
      tpu.vector_store %arg12[%swap3A_447, %swap3A_448], %swap3A_451 {strides = array<i32>} : memref<32x1024xf32, #tpu.memory_space<vmem>>, vector<1x16xf32>,
      %get3A_452 = arith.index_cast %scan3A_44 : i32 to index
      %get3A_453 = arith.constant 400 : index
      %get3A_454 = tpu.vector_load %arg12[%get3A_452, %get3A_453] {strides = array<i32>} : memref<32x1024xf32, #tpu.memory_space<vmem>>, vector<1x16xf32>,
      %get3A_455 = vector.shape_cast %get3A_454 : vector<1x16xf32> to vector<16xf32>
      %mul3A_456 = arith.mulf %get3A_48, %get3A_455 : vector<16xf32>
      %get3A_457 = arith.index_cast %scan3A_44 : i32 to index
      %get3A_458 = arith.constant 400 : index
      %get3A_459 = tpu.vector_load %arg13[%get3A_457, %get3A_458] {strides = array<i32>} : memref<32x1024xf32, #tpu.memory_space<vmem>>, vector<1x16xf32>,
      %get3A_460 = vector.shape_cast %get3A_459 : vector<1x16xf32> to vector<16xf32>
      %mul3A_461 = arith.mulf %get3A_52, %get3A_460 : vector<16xf32>
      %add3A_462 = arith.addf %mul3A_456, %mul3A_461 : vector<16xf32>
      %swap3A_463 = arith.index_cast %scan3A_44 : i32 to index
      %swap3A_464 = arith.constant 400 : index
      %swap3A_465 = tpu.vector_load %arg12[%swap3A_463, %swap3A_464] {strides = array<i32>} : memref<32x1024xf32, #tpu.memory_space<vmem>>, vector<1x16xf32>,
      %swap3A_466 = vector.shape_cast %swap3A_465 : vector<1x16xf32> to vector<16xf32>
      %swap3A_467 = vector.shape_cast %add3A_462 : vector<16xf32> to vector<1x16xf32>
      tpu.vector_store %arg12[%swap3A_463, %swap3A_464], %swap3A_467 {strides = array<i32>} : memref<32x1024xf32, #tpu.memory_space<vmem>>, vector<1x16xf32>,
      %get3A_468 = arith.index_cast %scan3A_44 : i32 to index
      %get3A_469 = arith.constant 416 : index
      %get3A_470 = tpu.vector_load %arg12[%get3A_468, %get3A_469] {strides = array<i32>} : memref<32x1024xf32, #tpu.memory_space<vmem>>, vector<1x16xf32>,
      %get3A_471 = vector.shape_cast %get3A_470 : vector<1x16xf32> to vector<16xf32>
      %mul3A_472 = arith.mulf %get3A_48, %get3A_471 : vector<16xf32>
      %get3A_473 = arith.index_cast %scan3A_44 : i32 to index
      %get3A_474 = arith.constant 416 : index
      %get3A_475 = tpu.vector_load %arg13[%get3A_473, %get3A_474] {strides = array<i32>} : memref<32x1024xf32, #tpu.memory_space<vmem>>, vector<1x16xf32>,
      %get3A_476 = vector.shape_cast %get3A_475 : vector<1x16xf32> to vector<16xf32>
      %mul3A_477 = arith.mulf %get3A_52, %get3A_476 : vector<16xf32>
      %add3A_478 = arith.addf %mul3A_472, %mul3A_477 : vector<16xf32>
      %swap3A_479 = arith.index_cast %scan3A_44 : i32 to index
      %swap3A_480 = arith.constant 416 : index
      %swap3A_481 = tpu.vector_load %arg12[%swap3A_479, %swap3A_480] {strides = array<i32>} : memref<32x1024xf32, #tpu.memory_space<vmem>>, vector<1x16xf32>,
      %swap3A_482 = vector.shape_cast %swap3A_481 : vector<1x16xf32> to vector<16xf32>
      %swap3A_483 = vector.shape_cast %add3A_478 : vector<16xf32> to vector<1x16xf32>
      tpu.vector_store %arg12[%swap3A_479, %swap3A_480], %swap3A_483 {strides = array<i32>} : memref<32x1024xf32, #tpu.memory_space<vmem>>, vector<1x16xf32>,
      %get3A_484 = arith.index_cast %scan3A_44 : i32 to index
      %get3A_485 = arith.constant 432 : index
      %get3A_486 = tpu.vector_load %arg12[%get3A_484, %get3A_485] {strides = array<i32>} : memref<32x1024xf32, #tpu.memory_space<vmem>>, vector<1x16xf32>,
      %get3A_487 = vector.shape_cast %get3A_486 : vector<1x16xf32> to vector<16xf32>
      %mul3A_488 = arith.mulf %get3A_48, %get3A_487 : vector<16xf32>
      %get3A_489 = arith.index_cast %scan3A_44 : i32 to index
      %get3A_490 = arith.constant 432 : index
      %get3A_491 = tpu.vector_load %arg13[%get3A_489, %get3A_490] {strides = array<i32>} : memref<32x1024xf32, #tpu.memory_space<vmem>>, vector<1x16xf32>,
      %get3A_492 = vector.shape_cast %get3A_491 : vector<1x16xf32> to vector<16xf32>
      %mul3A_493 = arith.mulf %get3A_52, %get3A_492 : vector<16xf32>
      %add3A_494 = arith.addf %mul3A_488, %mul3A_493 : vector<16xf32>
      %swap3A_495 = arith.index_cast %scan3A_44 : i32 to index
      %swap3A_496 = arith.constant 432 : index
      %swap3A_497 = tpu.vector_load %arg12[%swap3A_495, %swap3A_496] {strides = array<i32>} : memref<32x1024xf32, #tpu.memory_space<vmem>>, vector<1x16xf32>,
      %swap3A_498 = vector.shape_cast %swap3A_497 : vector<1x16xf32> to vector<16xf32>
      %swap3A_499 = vector.shape_cast %add3A_494 : vector<16xf32> to vector<1x16xf32>
      tpu.vector_store %arg12[%swap3A_495, %swap3A_496], %swap3A_499 {strides = array<i32>} : memref<32x1024xf32, #tpu.memory_space<vmem>>, vector<1x16xf32>,
      %get3A_500 = arith.index_cast %scan3A_44 : i32 to index
      %get3A_501 = arith.constant 448 : index
      %get3A_502 = tpu.vector_load %arg12[%get3A_500, %get3A_501] {strides = array<i32>} : memref<32x1024xf32, #tpu.memory_space<vmem>>, vector<1x16xf32>,
      %get3A_503 = vector.shape_cast %get3A_502 : vector<1x16xf32> to vector<16xf32>
      %mul3A_504 = arith.mulf %get3A_48, %get3A_503 : vector<16xf32>
      %get3A_505 = arith.index_cast %scan3A_44 : i32 to index
      %get3A_506 = arith.constant 448 : index
      %get3A_507 = tpu.vector_load %arg13[%get3A_505, %get3A_506] {strides = array<i32>} : memref<32x1024xf32, #tpu.memory_space<vmem>>, vector<1x16xf32>,
      %get3A_508 = vector.shape_cast %get3A_507 : vector<1x16xf32> to vector<16xf32>
      %mul3A_509 = arith.mulf %get3A_52, %get3A_508 : vector<16xf32>
      %add3A_510 = arith.addf %mul3A_504, %mul3A_509 : vector<16xf32>
      %swap3A_511 = arith.index_cast %scan3A_44 : i32 to index
      %swap3A_512 = arith.constant 448 : index
      %swap3A_513 = tpu.vector_load %arg12[%swap3A_511, %swap3A_512] {strides = array<i32>} : memref<32x1024xf32, #tpu.memory_space<vmem>>, vector<1x16xf32>,
      %swap3A_514 = vector.shape_cast %swap3A_513 : vector<1x16xf32> to vector<16xf32>
      %swap3A_515 = vector.shape_cast %add3A_510 : vector<16xf32> to vector<1x16xf32>
      tpu.vector_store %arg12[%swap3A_511, %swap3A_512], %swap3A_515 {strides = array<i32>} : memref<32x1024xf32, #tpu.memory_space<vmem>>, vector<1x16xf32>,
      %get3A_516 = arith.index_cast %scan3A_44 : i32 to index
      %get3A_517 = arith.constant 464 : index
      %get3A_518 = tpu.vector_load %arg12[%get3A_516, %get3A_517] {strides = array<i32>} : memref<32x1024xf32, #tpu.memory_space<vmem>>, vector<1x16xf32>,
      %get3A_519 = vector.shape_cast %get3A_518 : vector<1x16xf32> to vector<16xf32>
      %mul3A_520 = arith.mulf %get3A_48, %get3A_519 : vector<16xf32>
      %get3A_521 = arith.index_cast %scan3A_44 : i32 to index
      %get3A_522 = arith.constant 464 : index
      %get3A_523 = tpu.vector_load %arg13[%get3A_521, %get3A_522] {strides = array<i32>} : memref<32x1024xf32, #tpu.memory_space<vmem>>, vector<1x16xf32>,
      %get3A_524 = vector.shape_cast %get3A_523 : vector<1x16xf32> to vector<16xf32>
      %mul3A_525 = arith.mulf %get3A_52, %get3A_524 : vector<16xf32>
      %add3A_526 = arith.addf %mul3A_520, %mul3A_525 : vector<16xf32>
      %swap3A_527 = arith.index_cast %scan3A_44 : i32 to index
      %swap3A_528 = arith.constant 464 : index
      %swap3A_529 = tpu.vector_load %arg12[%swap3A_527, %swap3A_528] {strides = array<i32>} : memref<32x1024xf32, #tpu.memory_space<vmem>>, vector<1x16xf32>,
      %swap3A_530 = vector.shape_cast %swap3A_529 : vector<1x16xf32> to vector<16xf32>
      %swap3A_531 = vector.shape_cast %add3A_526 : vector<16xf32> to vector<1x16xf32>
      tpu.vector_store %arg12[%swap3A_527, %swap3A_528], %swap3A_531 {strides = array<i32>} : memref<32x1024xf32, #tpu.memory_space<vmem>>, vector<1x16xf32>,
      %get3A_532 = arith.index_cast %scan3A_44 : i32 to index
      %get3A_533 = arith.constant 480 : index
      %get3A_534 = tpu.vector_load %arg12[%get3A_532, %get3A_533] {strides = array<i32>} : memref<32x1024xf32, #tpu.memory_space<vmem>>, vector<1x16xf32>,
      %get3A_535 = vector.shape_cast %get3A_534 : vector<1x16xf32> to vector<16xf32>
      %mul3A_536 = arith.mulf %get3A_48, %get3A_535 : vector<16xf32>
      %get3A_537 = arith.index_cast %scan3A_44 : i32 to index
      %get3A_538 = arith.constant 480 : index
      %get3A_539 = tpu.vector_load %arg13[%get3A_537, %get3A_538] {strides = array<i32>} : memref<32x1024xf32, #tpu.memory_space<vmem>>, vector<1x16xf32>,
      %get3A_540 = vector.shape_cast %get3A_539 : vector<1x16xf32> to vector<16xf32>
      %mul3A_541 = arith.mulf %get3A_52, %get3A_540 : vector<16xf32>
      %add3A_542 = arith.addf %mul3A_536, %mul3A_541 : vector<16xf32>
      %swap3A_543 = arith.index_cast %scan3A_44 : i32 to index
      %swap3A_544 = arith.constant 480 : index
      %swap3A_545 = tpu.vector_load %arg12[%swap3A_543, %swap3A_544] {strides = array<i32>} : memref<32x1024xf32, #tpu.memory_space<vmem>>, vector<1x16xf32>,
      %swap3A_546 = vector.shape_cast %swap3A_545 : vector<1x16xf32> to vector<16xf32>
      %swap3A_547 = vector.shape_cast %add3A_542 : vector<16xf32> to vector<1x16xf32>
      tpu.vector_store %arg12[%swap3A_543, %swap3A_544], %swap3A_547 {strides = array<i32>} : memref<32x1024xf32, #tpu.memory_space<vmem>>, vector<1x16xf32>,
      %get3A_548 = arith.index_cast %scan3A_44 : i32 to index
      %get3A_549 = arith.constant 496 : index
      %get3A_550 = tpu.vector_load %arg12[%get3A_548, %get3A_549] {strides = array<i32>} : memref<32x1024xf32, #tpu.memory_space<vmem>>, vector<1x16xf32>,
      %get3A_551 = vector.shape_cast %get3A_550 : vector<1x16xf32> to vector<16xf32>
      %mul3A_552 = arith.mulf %get3A_48, %get3A_551 : vector<16xf32>
      %get3A_553 = arith.index_cast %scan3A_44 : i32 to index
      %get3A_554 = arith.constant 496 : index
      %get3A_555 = tpu.vector_load %arg13[%get3A_553, %get3A_554] {strides = array<i32>} : memref<32x1024xf32, #tpu.memory_space<vmem>>, vector<1x16xf32>,
      %get3A_556 = vector.shape_cast %get3A_555 : vector<1x16xf32> to vector<16xf32>
      %mul3A_557 = arith.mulf %get3A_52, %get3A_556 : vector<16xf32>
      %add3A_558 = arith.addf %mul3A_552, %mul3A_557 : vector<16xf32>
      %swap3A_559 = arith.index_cast %scan3A_44 : i32 to index
      %swap3A_560 = arith.constant 496 : index
      %swap3A_561 = tpu.vector_load %arg12[%swap3A_559, %swap3A_560] {strides = array<i32>} : memref<32x1024xf32, #tpu.memory_space<vmem>>, vector<1x16xf32>,
      %swap3A_562 = vector.shape_cast %swap3A_561 : vector<1x16xf32> to vector<16xf32>
      %swap3A_563 = vector.shape_cast %add3A_558 : vector<16xf32> to vector<1x16xf32>
      tpu.vector_store %arg12[%swap3A_559, %swap3A_560], %swap3A_563 {strides = array<i32>} : memref<32x1024xf32, #tpu.memory_space<vmem>>, vector<1x16xf32>,
      %get3A_564 = arith.index_cast %scan3A_44 : i32 to index
      %get3A_565 = arith.constant 512 : index
      %get3A_566 = tpu.vector_load %arg12[%get3A_564, %get3A_565] {strides = array<i32>} : memref<32x1024xf32, #tpu.memory_space<vmem>>, vector<1x16xf32>,
      %get3A_567 = vector.shape_cast %get3A_566 : vector<1x16xf32> to vector<16xf32>
      %mul3A_568 = arith.mulf %get3A_48, %get3A_567 : vector<16xf32>
      %get3A_569 = arith.index_cast %scan3A_44 : i32 to index
      %get3A_570 = arith.constant 512 : index
      %get3A_571 = tpu.vector_load %arg13[%get3A_569, %get3A_570] {strides = array<i32>} : memref<32x1024xf32, #tpu.memory_space<vmem>>, vector<1x16xf32>,
      %get3A_572 = vector.shape_cast %get3A_571 : vector<1x16xf32> to vector<16xf32>
      %mul3A_573 = arith.mulf %get3A_52, %get3A_572 : vector<16xf32>
      %add3A_574 = arith.addf %mul3A_568, %mul3A_573 : vector<16xf32>
      %swap3A_575 = arith.index_cast %scan3A_44 : i32 to index
      %swap3A_576 = arith.constant 512 : index
      %swap3A_577 = tpu.vector_load %arg12[%swap3A_575, %swap3A_576] {strides = array<i32>} : memref<32x1024xf32, #tpu.memory_space<vmem>>, vector<1x16xf32>,
      %swap3A_578 = vector.shape_cast %swap3A_577 : vector<1x16xf32> to vector<16xf32>
      %swap3A_579 = vector.shape_cast %add3A_574 : vector<16xf32> to vector<1x16xf32>
      tpu.vector_store %arg12[%swap3A_575, %swap3A_576], %swap3A_579 {strides = array<i32>} : memref<32x1024xf32, #tpu.memory_space<vmem>>, vector<1x16xf32>,
      %get3A_580 = arith.index_cast %scan3A_44 : i32 to index
      %get3A_581 = arith.constant 528 : index
      %get3A_582 = tpu.vector_load %arg12[%get3A_580, %get3A_581] {strides = array<i32>} : memref<32x1024xf32, #tpu.memory_space<vmem>>, vector<1x16xf32>,
      %get3A_583 = vector.shape_cast %get3A_582 : vector<1x16xf32> to vector<16xf32>
      %mul3A_584 = arith.mulf %get3A_48, %get3A_583 : vector<16xf32>
      %get3A_585 = arith.index_cast %scan3A_44 : i32 to index
      %get3A_586 = arith.constant 528 : index
      %get3A_587 = tpu.vector_load %arg13[%get3A_585, %get3A_586] {strides = array<i32>} : memref<32x1024xf32, #tpu.memory_space<vmem>>, vector<1x16xf32>,
      %get3A_588 = vector.shape_cast %get3A_587 : vector<1x16xf32> to vector<16xf32>
      %mul3A_589 = arith.mulf %get3A_52, %get3A_588 : vector<16xf32>
      %add3A_590 = arith.addf %mul3A_584, %mul3A_589 : vector<16xf32>
      %swap3A_591 = arith.index_cast %scan3A_44 : i32 to index
      %swap3A_592 = arith.constant 528 : index
      %swap3A_593 = tpu.vector_load %arg12[%swap3A_591, %swap3A_592] {strides = array<i32>} : memref<32x1024xf32, #tpu.memory_space<vmem>>, vector<1x16xf32>,
      %swap3A_594 = vector.shape_cast %swap3A_593 : vector<1x16xf32> to vector<16xf32>
      %swap3A_595 = vector.shape_cast %add3A_590 : vector<16xf32> to vector<1x16xf32>
      tpu.vector_store %arg12[%swap3A_591, %swap3A_592], %swap3A_595 {strides = array<i32>} : memref<32x1024xf32, #tpu.memory_space<vmem>>, vector<1x16xf32>,
      %get3A_596 = arith.index_cast %scan3A_44 : i32 to index
      %get3A_597 = arith.constant 544 : index
      %get3A_598 = tpu.vector_load %arg12[%get3A_596, %get3A_597] {strides = array<i32>} : memref<32x1024xf32, #tpu.memory_space<vmem>>, vector<1x16xf32>,
      %get3A_599 = vector.shape_cast %get3A_598 : vector<1x16xf32> to vector<16xf32>
      %mul3A_600 = arith.mulf %get3A_48, %get3A_599 : vector<16xf32>
      %get3A_601 = arith.index_cast %scan3A_44 : i32 to index
      %get3A_602 = arith.constant 544 : index
      %get3A_603 = tpu.vector_load %arg13[%get3A_601, %get3A_602] {strides = array<i32>} : memref<32x1024xf32, #tpu.memory_space<vmem>>, vector<1x16xf32>,
      %get3A_604 = vector.shape_cast %get3A_603 : vector<1x16xf32> to vector<16xf32>
      %mul3A_605 = arith.mulf %get3A_52, %get3A_604 : vector<16xf32>
      %add3A_606 = arith.addf %mul3A_600, %mul3A_605 : vector<16xf32>
      %swap3A_607 = arith.index_cast %scan3A_44 : i32 to index
      %swap3A_608 = arith.constant 544 : index
      %swap3A_609 = tpu.vector_load %arg12[%swap3A_607, %swap3A_608] {strides = array<i32>} : memref<32x1024xf32, #tpu.memory_space<vmem>>, vector<1x16xf32>,
      %swap3A_610 = vector.shape_cast %swap3A_609 : vector<1x16xf32> to vector<16xf32>
      %swap3A_611 = vector.shape_cast %add3A_606 : vector<16xf32> to vector<1x16xf32>
      tpu.vector_store %arg12[%swap3A_607, %swap3A_608], %swap3A_611 {strides = array<i32>} : memref<32x1024xf32, #tpu.memory_space<vmem>>, vector<1x16xf32>,
      %get3A_612 = arith.index_cast %scan3A_44 : i32 to index
      %get3A_613 = arith.constant 560 : index
      %get3A_614 = tpu.vector_load %arg12[%get3A_612, %get3A_613] {strides = array<i32>} : memref<32x1024xf32, #tpu.memory_space<vmem>>, vector<1x16xf32>,
      %get3A_615 = vector.shape_cast %get3A_614 : vector<1x16xf32> to vector<16xf32>
      %mul3A_616 = arith.mulf %get3A_48, %get3A_615 : vector<16xf32>
      %get3A_617 = arith.index_cast %scan3A_44 : i32 to index
      %get3A_618 = arith.constant 560 : index
      %get3A_619 = tpu.vector_load %arg13[%get3A_617, %get3A_618] {strides = array<i32>} : memref<32x1024xf32, #tpu.memory_space<vmem>>, vector<1x16xf32>,
      %get3A_620 = vector.shape_cast %get3A_619 : vector<1x16xf32> to vector<16xf32>
      %mul3A_621 = arith.mulf %get3A_52, %get3A_620 : vector<16xf32>
      %add3A_622 = arith.addf %mul3A_616, %mul3A_621 : vector<16xf32>
      %swap3A_623 = arith.index_cast %scan3A_44 : i32 to index
      %swap3A_624 = arith.constant 560 : index
      %swap3A_625 = tpu.vector_load %arg12[%swap3A_623, %swap3A_624] {strides = array<i32>} : memref<32x1024xf32, #tpu.memory_space<vmem>>, vector<1x16xf32>,
      %swap3A_626 = vector.shape_cast %swap3A_625 : vector<1x16xf32> to vector<16xf32>
      %swap3A_627 = vector.shape_cast %add3A_622 : vector<16xf32> to vector<1x16xf32>
      tpu.vector_store %arg12[%swap3A_623, %swap3A_624], %swap3A_627 {strides = array<i32>} : memref<32x1024xf32, #tpu.memory_space<vmem>>, vector<1x16xf32>,
      %get3A_628 = arith.index_cast %scan3A_44 : i32 to index
      %get3A_629 = arith.constant 576 : index
      %get3A_630 = tpu.vector_load %arg12[%get3A_628, %get3A_629] {strides = array<i32>} : memref<32x1024xf32, #tpu.memory_space<vmem>>, vector<1x16xf32>,
      %get3A_631 = vector.shape_cast %get3A_630 : vector<1x16xf32> to vector<16xf32>
      %mul3A_632 = arith.mulf %get3A_48, %get3A_631 : vector<16xf32>
      %get3A_633 = arith.index_cast %scan3A_44 : i32 to index
      %get3A_634 = arith.constant 576 : index
      %get3A_635 = tpu.vector_load %arg13[%get3A_633, %get3A_634] {strides = array<i32>} : memref<32x1024xf32, #tpu.memory_space<vmem>>, vector<1x16xf32>,
      %get3A_636 = vector.shape_cast %get3A_635 : vector<1x16xf32> to vector<16xf32>
      %mul3A_637 = arith.mulf %get3A_52, %get3A_636 : vector<16xf32>
      %add3A_638 = arith.addf %mul3A_632, %mul3A_637 : vector<16xf32>
      %swap3A_639 = arith.index_cast %scan3A_44 : i32 to index
      %swap3A_640 = arith.constant 576 : index
      %swap3A_641 = tpu.vector_load %arg12[%swap3A_639, %swap3A_640] {strides = array<i32>} : memref<32x1024xf32, #tpu.memory_space<vmem>>, vector<1x16xf32>,
      %swap3A_642 = vector.shape_cast %swap3A_641 : vector<1x16xf32> to vector<16xf32>
      %swap3A_643 = vector.shape_cast %add3A_638 : vector<16xf32> to vector<1x16xf32>
      tpu.vector_store %arg12[%swap3A_639, %swap3A_640], %swap3A_643 {strides = array<i32>} : memref<32x1024xf32, #tpu.memory_space<vmem>>, vector<1x16xf32>,
      %get3A_644 = arith.index_cast %scan3A_44 : i32 to index
      %get3A_645 = arith.constant 592 : index
      %get3A_646 = tpu.vector_load %arg12[%get3A_644, %get3A_645] {strides = array<i32>} : memref<32x1024xf32, #tpu.memory_space<vmem>>, vector<1x16xf32>,
      %get3A_647 = vector.shape_cast %get3A_646 : vector<1x16xf32> to vector<16xf32>
      %mul3A_648 = arith.mulf %get3A_48, %get3A_647 : vector<16xf32>
      %get3A_649 = arith.index_cast %scan3A_44 : i32 to index
      %get3A_650 = arith.constant 592 : index
      %get3A_651 = tpu.vector_load %arg13[%get3A_649, %get3A_650] {strides = array<i32>} : memref<32x1024xf32, #tpu.memory_space<vmem>>, vector<1x16xf32>,
      %get3A_652 = vector.shape_cast %get3A_651 : vector<1x16xf32> to vector<16xf32>
      %mul3A_653 = arith.mulf %get3A_52, %get3A_652 : vector<16xf32>
      %add3A_654 = arith.addf %mul3A_648, %mul3A_653 : vector<16xf32>
      %swap3A_655 = arith.index_cast %scan3A_44 : i32 to index
      %swap3A_656 = arith.constant 592 : index
      %swap3A_657 = tpu.vector_load %arg12[%swap3A_655, %swap3A_656] {strides = array<i32>} : memref<32x1024xf32, #tpu.memory_space<vmem>>, vector<1x16xf32>,
      %swap3A_658 = vector.shape_cast %swap3A_657 : vector<1x16xf32> to vector<16xf32>
      %swap3A_659 = vector.shape_cast %add3A_654 : vector<16xf32> to vector<1x16xf32>
      tpu.vector_store %arg12[%swap3A_655, %swap3A_656], %swap3A_659 {strides = array<i32>} : memref<32x1024xf32, #tpu.memory_space<vmem>>, vector<1x16xf32>,
      %get3A_660 = arith.index_cast %scan3A_44 : i32 to index
      %get3A_661 = arith.constant 608 : index
      %get3A_662 = tpu.vector_load %arg12[%get3A_660, %get3A_661] {strides = array<i32>} : memref<32x1024xf32, #tpu.memory_space<vmem>>, vector<1x16xf32>,
      %get3A_663 = vector.shape_cast %get3A_662 : vector<1x16xf32> to vector<16xf32>
      %mul3A_664 = arith.mulf %get3A_48, %get3A_663 : vector<16xf32>
      %get3A_665 = arith.index_cast %scan3A_44 : i32 to index
      %get3A_666 = arith.constant 608 : index
      %get3A_667 = tpu.vector_load %arg13[%get3A_665, %get3A_666] {strides = array<i32>} : memref<32x1024xf32, #tpu.memory_space<vmem>>, vector<1x16xf32>,
      %get3A_668 = vector.shape_cast %get3A_667 : vector<1x16xf32> to vector<16xf32>
      %mul3A_669 = arith.mulf %get3A_52, %get3A_668 : vector<16xf32>
      %add3A_670 = arith.addf %mul3A_664, %mul3A_669 : vector<16xf32>
      %swap3A_671 = arith.index_cast %scan3A_44 : i32 to index
      %swap3A_672 = arith.constant 608 : index
      %swap3A_673 = tpu.vector_load %arg12[%swap3A_671, %swap3A_672] {strides = array<i32>} : memref<32x1024xf32, #tpu.memory_space<vmem>>, vector<1x16xf32>,
      %swap3A_674 = vector.shape_cast %swap3A_673 : vector<1x16xf32> to vector<16xf32>
      %swap3A_675 = vector.shape_cast %add3A_670 : vector<16xf32> to vector<1x16xf32>
      tpu.vector_store %arg12[%swap3A_671, %swap3A_672], %swap3A_675 {strides = array<i32>} : memref<32x1024xf32, #tpu.memory_space<vmem>>, vector<1x16xf32>,
      %get3A_676 = arith.index_cast %scan3A_44 : i32 to index
      %get3A_677 = arith.constant 624 : index
      %get3A_678 = tpu.vector_load %arg12[%get3A_676, %get3A_677] {strides = array<i32>} : memref<32x1024xf32, #tpu.memory_space<vmem>>, vector<1x16xf32>,
      %get3A_679 = vector.shape_cast %get3A_678 : vector<1x16xf32> to vector<16xf32>
      %mul3A_680 = arith.mulf %get3A_48, %get3A_679 : vector<16xf32>
      %get3A_681 = arith.index_cast %scan3A_44 : i32 to index
      %get3A_682 = arith.constant 624 : index
      %get3A_683 = tpu.vector_load %arg13[%get3A_681, %get3A_682] {strides = array<i32>} : memref<32x1024xf32, #tpu.memory_space<vmem>>, vector<1x16xf32>,
      %get3A_684 = vector.shape_cast %get3A_683 : vector<1x16xf32> to vector<16xf32>
      %mul3A_685 = arith.mulf %get3A_52, %get3A_684 : vector<16xf32>
      %add3A_686 = arith.addf %mul3A_680, %mul3A_685 : vector<16xf32>
      %swap3A_687 = arith.index_cast %scan3A_44 : i32 to index
      %swap3A_688 = arith.constant 624 : index
      %swap3A_689 = tpu.vector_load %arg12[%swap3A_687, %swap3A_688] {strides = array<i32>} : memref<32x1024xf32, #tpu.memory_space<vmem>>, vector<1x16xf32>,
      %swap3A_690 = vector.shape_cast %swap3A_689 : vector<1x16xf32> to vector<16xf32>
      %swap3A_691 = vector.shape_cast %add3A_686 : vector<16xf32> to vector<1x16xf32>
      tpu.vector_store %arg12[%swap3A_687, %swap3A_688], %swap3A_691 {strides = array<i32>} : memref<32x1024xf32, #tpu.memory_space<vmem>>, vector<1x16xf32>,
      %get3A_692 = arith.index_cast %scan3A_44 : i32 to index
      %get3A_693 = arith.constant 640 : index
      %get3A_694 = tpu.vector_load %arg12[%get3A_692, %get3A_693] {strides = array<i32>} : memref<32x1024xf32, #tpu.memory_space<vmem>>, vector<1x16xf32>,
      %get3A_695 = vector.shape_cast %get3A_694 : vector<1x16xf32> to vector<16xf32>
      %mul3A_696 = arith.mulf %get3A_48, %get3A_695 : vector<16xf32>
      %get3A_697 = arith.index_cast %scan3A_44 : i32 to index
      %get3A_698 = arith.constant 640 : index
      %get3A_699 = tpu.vector_load %arg13[%get3A_697, %get3A_698] {strides = array<i32>} : memref<32x1024xf32, #tpu.memory_space<vmem>>, vector<1x16xf32>,
      %get3A_700 = vector.shape_cast %get3A_699 : vector<1x16xf32> to vector<16xf32>
      %mul3A_701 = arith.mulf %get3A_52, %get3A_700 : vector<16xf32>
      %add3A_702 = arith.addf %mul3A_696, %mul3A_701 : vector<16xf32>
      %swap3A_703 = arith.index_cast %scan3A_44 : i32 to index
      %swap3A_704 = arith.constant 640 : index
      %swap3A_705 = tpu.vector_load %arg12[%swap3A_703, %swap3A_704] {strides = array<i32>} : memref<32x1024xf32, #tpu.memory_space<vmem>>, vector<1x16xf32>,
      %swap3A_706 = vector.shape_cast %swap3A_705 : vector<1x16xf32> to vector<16xf32>
      %swap3A_707 = vector.shape_cast %add3A_702 : vector<16xf32> to vector<1x16xf32>
      tpu.vector_store %arg12[%swap3A_703, %swap3A_704], %swap3A_707 {strides = array<i32>} : memref<32x1024xf32, #tpu.memory_space<vmem>>, vector<1x16xf32>,
      %get3A_708 = arith.index_cast %scan3A_44 : i32 to index
      %get3A_709 = arith.constant 656 : index
      %get3A_710 = tpu.vector_load %arg12[%get3A_708, %get3A_709] {strides = array<i32>} : memref<32x1024xf32, #tpu.memory_space<vmem>>, vector<1x16xf32>,
      %get3A_711 = vector.shape_cast %get3A_710 : vector<1x16xf32> to vector<16xf32>
      %mul3A_712 = arith.mulf %get3A_48, %get3A_711 : vector<16xf32>
      %get3A_713 = arith.index_cast %scan3A_44 : i32 to index
      %get3A_714 = arith.constant 656 : index
      %get3A_715 = tpu.vector_load %arg13[%get3A_713, %get3A_714] {strides = array<i32>} : memref<32x1024xf32, #tpu.memory_space<vmem>>, vector<1x16xf32>,
      %get3A_716 = vector.shape_cast %get3A_715 : vector<1x16xf32> to vector<16xf32>
      %mul3A_717 = arith.mulf %get3A_52, %get3A_716 : vector<16xf32>
      %add3A_718 = arith.addf %mul3A_712, %mul3A_717 : vector<16xf32>
      %swap3A_719 = arith.index_cast %scan3A_44 : i32 to index
      %swap3A_720 = arith.constant 656 : index
      %swap3A_721 = tpu.vector_load %arg12[%swap3A_719, %swap3A_720] {strides = array<i32>} : memref<32x1024xf32, #tpu.memory_space<vmem>>, vector<1x16xf32>,
      %swap3A_722 = vector.shape_cast %swap3A_721 : vector<1x16xf32> to vector<16xf32>
      %swap3A_723 = vector.shape_cast %add3A_718 : vector<16xf32> to vector<1x16xf32>
      tpu.vector_store %arg12[%swap3A_719, %swap3A_720], %swap3A_723 {strides = array<i32>} : memref<32x1024xf32, #tpu.memory_space<vmem>>, vector<1x16xf32>,
      %get3A_724 = arith.index_cast %scan3A_44 : i32 to index
      %get3A_725 = arith.constant 672 : index
      %get3A_726 = tpu.vector_load %arg12[%get3A_724, %get3A_725] {strides = array<i32>} : memref<32x1024xf32, #tpu.memory_space<vmem>>, vector<1x16xf32>,
      %get3A_727 = vector.shape_cast %get3A_726 : vector<1x16xf32> to vector<16xf32>
      %mul3A_728 = arith.mulf %get3A_48, %get3A_727 : vector<16xf32>
      %get3A_729 = arith.index_cast %scan3A_44 : i32 to index
      %get3A_730 = arith.constant 672 : index
      %get3A_731 = tpu.vector_load %arg13[%get3A_729, %get3A_730] {strides = array<i32>} : memref<32x1024xf32, #tpu.memory_space<vmem>>, vector<1x16xf32>,
      %get3A_732 = vector.shape_cast %get3A_731 : vector<1x16xf32> to vector<16xf32>
      %mul3A_733 = arith.mulf %get3A_52, %get3A_732 : vector<16xf32>
      %add3A_734 = arith.addf %mul3A_728, %mul3A_733 : vector<16xf32>
      %swap3A_735 = arith.index_cast %scan3A_44 : i32 to index
      %swap3A_736 = arith.constant 672 : index
      %swap3A_737 = tpu.vector_load %arg12[%swap3A_735, %swap3A_736] {strides = array<i32>} : memref<32x1024xf32, #tpu.memory_space<vmem>>, vector<1x16xf32>,
      %swap3A_738 = vector.shape_cast %swap3A_737 : vector<1x16xf32> to vector<16xf32>
      %swap3A_739 = vector.shape_cast %add3A_734 : vector<16xf32> to vector<1x16xf32>
      tpu.vector_store %arg12[%swap3A_735, %swap3A_736], %swap3A_739 {strides = array<i32>} : memref<32x1024xf32, #tpu.memory_space<vmem>>, vector<1x16xf32>,
      %get3A_740 = arith.index_cast %scan3A_44 : i32 to index
      %get3A_741 = arith.constant 688 : index
      %get3A_742 = tpu.vector_load %arg12[%get3A_740, %get3A_741] {strides = array<i32>} : memref<32x1024xf32, #tpu.memory_space<vmem>>, vector<1x16xf32>,
      %get3A_743 = vector.shape_cast %get3A_742 : vector<1x16xf32> to vector<16xf32>
      %mul3A_744 = arith.mulf %get3A_48, %get3A_743 : vector<16xf32>
      %get3A_745 = arith.index_cast %scan3A_44 : i32 to index
      %get3A_746 = arith.constant 688 : index
      %get3A_747 = tpu.vector_load %arg13[%get3A_745, %get3A_746] {strides = array<i32>} : memref<32x1024xf32, #tpu.memory_space<vmem>>, vector<1x16xf32>,
      %get3A_748 = vector.shape_cast %get3A_747 : vector<1x16xf32> to vector<16xf32>
      %mul3A_749 = arith.mulf %get3A_52, %get3A_748 : vector<16xf32>
      %add3A_750 = arith.addf %mul3A_744, %mul3A_749 : vector<16xf32>
      %swap3A_751 = arith.index_cast %scan3A_44 : i32 to index
      %swap3A_752 = arith.constant 688 : index
      %swap3A_753 = tpu.vector_load %arg12[%swap3A_751, %swap3A_752] {strides = array<i32>} : memref<32x1024xf32, #tpu.memory_space<vmem>>, vector<1x16xf32>,
      %swap3A_754 = vector.shape_cast %swap3A_753 : vector<1x16xf32> to vector<16xf32>
      %swap3A_755 = vector.shape_cast %add3A_750 : vector<16xf32> to vector<1x16xf32>
      tpu.vector_store %arg12[%swap3A_751, %swap3A_752], %swap3A_755 {strides = array<i32>} : memref<32x1024xf32, #tpu.memory_space<vmem>>, vector<1x16xf32>,
      %get3A_756 = arith.index_cast %scan3A_44 : i32 to index
      %get3A_757 = arith.constant 704 : index
      %get3A_758 = tpu.vector_load %arg12[%get3A_756, %get3A_757] {strides = array<i32>} : memref<32x1024xf32, #tpu.memory_space<vmem>>, vector<1x16xf32>,
      %get3A_759 = vector.shape_cast %get3A_758 : vector<1x16xf32> to vector<16xf32>
      %mul3A_760 = arith.mulf %get3A_48, %get3A_759 : vector<16xf32>
      %get3A_761 = arith.index_cast %scan3A_44 : i32 to index
      %get3A_762 = arith.constant 704 : index
      %get3A_763 = tpu.vector_load %arg13[%get3A_761, %get3A_762] {strides = array<i32>} : memref<32x1024xf32, #tpu.memory_space<vmem>>, vector<1x16xf32>,
      %get3A_764 = vector.shape_cast %get3A_763 : vector<1x16xf32> to vector<16xf32>
      %mul3A_765 = arith.mulf %get3A_52, %get3A_764 : vector<16xf32>
      %add3A_766 = arith.addf %mul3A_760, %mul3A_765 : vector<16xf32>
      %swap3A_767 = arith.index_cast %scan3A_44 : i32 to index
      %swap3A_768 = arith.constant 704 : index
      %swap3A_769 = tpu.vector_load %arg12[%swap3A_767, %swap3A_768] {strides = array<i32>} : memref<32x1024xf32, #tpu.memory_space<vmem>>, vector<1x16xf32>,
      %swap3A_770 = vector.shape_cast %swap3A_769 : vector<1x16xf32> to vector<16xf32>
      %swap3A_771 = vector.shape_cast %add3A_766 : vector<16xf32> to vector<1x16xf32>
      tpu.vector_store %arg12[%swap3A_767, %swap3A_768], %swap3A_771 {strides = array<i32>} : memref<32x1024xf32, #tpu.memory_space<vmem>>, vector<1x16xf32>,
      %get3A_772 = arith.index_cast %scan3A_44 : i32 to index
      %get3A_773 = arith.constant 720 : index
      %get3A_774 = tpu.vector_load %arg12[%get3A_772, %get3A_773] {strides = array<i32>} : memref<32x1024xf32, #tpu.memory_space<vmem>>, vector<1x16xf32>,
      %get3A_775 = vector.shape_cast %get3A_774 : vector<1x16xf32> to vector<16xf32>
      %mul3A_776 = arith.mulf %get3A_48, %get3A_775 : vector<16xf32>
      %get3A_777 = arith.index_cast %scan3A_44 : i32 to index
      %get3A_778 = arith.constant 720 : index
      %get3A_779 = tpu.vector_load %arg13[%get3A_777, %get3A_778] {strides = array<i32>} : memref<32x1024xf32, #tpu.memory_space<vmem>>, vector<1x16xf32>,
      %get3A_780 = vector.shape_cast %get3A_779 : vector<1x16xf32> to vector<16xf32>
      %mul3A_781 = arith.mulf %get3A_52, %get3A_780 : vector<16xf32>
      %add3A_782 = arith.addf %mul3A_776, %mul3A_781 : vector<16xf32>
      %swap3A_783 = arith.index_cast %scan3A_44 : i32 to index
      %swap3A_784 = arith.constant 720 : index
      %swap3A_785 = tpu.vector_load %arg12[%swap3A_783, %swap3A_784] {strides = array<i32>} : memref<32x1024xf32, #tpu.memory_space<vmem>>, vector<1x16xf32>,
      %swap3A_786 = vector.shape_cast %swap3A_785 : vector<1x16xf32> to vector<16xf32>
      %swap3A_787 = vector.shape_cast %add3A_782 : vector<16xf32> to vector<1x16xf32>
      tpu.vector_store %arg12[%swap3A_783, %swap3A_784], %swap3A_787 {strides = array<i32>} : memref<32x1024xf32, #tpu.memory_space<vmem>>, vector<1x16xf32>,
      %get3A_788 = arith.index_cast %scan3A_44 : i32 to index
      %get3A_789 = arith.constant 736 : index
      %get3A_790 = tpu.vector_load %arg12[%get3A_788, %get3A_789] {strides = array<i32>} : memref<32x1024xf32, #tpu.memory_space<vmem>>, vector<1x16xf32>,
      %get3A_791 = vector.shape_cast %get3A_790 : vector<1x16xf32> to vector<16xf32>
      %mul3A_792 = arith.mulf %get3A_48, %get3A_791 : vector<16xf32>
      %get3A_793 = arith.index_cast %scan3A_44 : i32 to index
      %get3A_794 = arith.constant 736 : index
      %get3A_795 = tpu.vector_load %arg13[%get3A_793, %get3A_794] {strides = array<i32>} : memref<32x1024xf32, #tpu.memory_space<vmem>>, vector<1x16xf32>,
      %get3A_796 = vector.shape_cast %get3A_795 : vector<1x16xf32> to vector<16xf32>
      %mul3A_797 = arith.mulf %get3A_52, %get3A_796 : vector<16xf32>
      %add3A_798 = arith.addf %mul3A_792, %mul3A_797 : vector<16xf32>
      %swap3A_799 = arith.index_cast %scan3A_44 : i32 to index
      %swap3A_800 = arith.constant 736 : index
      %swap3A_801 = tpu.vector_load %arg12[%swap3A_799, %swap3A_800] {strides = array<i32>} : memref<32x1024xf32, #tpu.memory_space<vmem>>, vector<1x16xf32>,
      %swap3A_802 = vector.shape_cast %swap3A_801 : vector<1x16xf32> to vector<16xf32>
      %swap3A_803 = vector.shape_cast %add3A_798 : vector<16xf32> to vector<1x16xf32>
      tpu.vector_store %arg12[%swap3A_799, %swap3A_800], %swap3A_803 {strides = array<i32>} : memref<32x1024xf32, #tpu.memory_space<vmem>>, vector<1x16xf32>,
      %get3A_804 = arith.index_cast %scan3A_44 : i32 to index
      %get3A_805 = arith.constant 752 : index
      %get3A_806 = tpu.vector_load %arg12[%get3A_804, %get3A_805] {strides = array<i32>} : memref<32x1024xf32, #tpu.memory_space<vmem>>, vector<1x16xf32>,
      %get3A_807 = vector.shape_cast %get3A_806 : vector<1x16xf32> to vector<16xf32>
      %mul3A_808 = arith.mulf %get3A_48, %get3A_807 : vector<16xf32>
      %get3A_809 = arith.index_cast %scan3A_44 : i32 to index
      %get3A_810 = arith.constant 752 : index
      %get3A_811 = tpu.vector_load %arg13[%get3A_809, %get3A_810] {strides = array<i32>} : memref<32x1024xf32, #tpu.memory_space<vmem>>, vector<1x16xf32>,
      %get3A_812 = vector.shape_cast %get3A_811 : vector<1x16xf32> to vector<16xf32>
      %mul3A_813 = arith.mulf %get3A_52, %get3A_812 : vector<16xf32>
      %add3A_814 = arith.addf %mul3A_808, %mul3A_813 : vector<16xf32>
      %swap3A_815 = arith.index_cast %scan3A_44 : i32 to index
      %swap3A_816 = arith.constant 752 : index
      %swap3A_817 = tpu.vector_load %arg12[%swap3A_815, %swap3A_816] {strides = array<i32>} : memref<32x1024xf32, #tpu.memory_space<vmem>>, vector<1x16xf32>,
      %swap3A_818 = vector.shape_cast %swap3A_817 : vector<1x16xf32> to vector<16xf32>
      %swap3A_819 = vector.shape_cast %add3A_814 : vector<16xf32> to vector<1x16xf32>
      tpu.vector_store %arg12[%swap3A_815, %swap3A_816], %swap3A_819 {strides = array<i32>} : memref<32x1024xf32, #tpu.memory_space<vmem>>, vector<1x16xf32>,
      %get3A_820 = arith.index_cast %scan3A_44 : i32 to index
      %get3A_821 = arith.constant 768 : index
      %get3A_822 = tpu.vector_load %arg12[%get3A_820, %get3A_821] {strides = array<i32>} : memref<32x1024xf32, #tpu.memory_space<vmem>>, vector<1x16xf32>,
      %get3A_823 = vector.shape_cast %get3A_822 : vector<1x16xf32> to vector<16xf32>
      %mul3A_824 = arith.mulf %get3A_48, %get3A_823 : vector<16xf32>
      %get3A_825 = arith.index_cast %scan3A_44 : i32 to index
      %get3A_826 = arith.constant 768 : index
      %get3A_827 = tpu.vector_load %arg13[%get3A_825, %get3A_826] {strides = array<i32>} : memref<32x1024xf32, #tpu.memory_space<vmem>>, vector<1x16xf32>,
      %get3A_828 = vector.shape_cast %get3A_827 : vector<1x16xf32> to vector<16xf32>
      %mul3A_829 = arith.mulf %get3A_52, %get3A_828 : vector<16xf32>
      %add3A_830 = arith.addf %mul3A_824, %mul3A_829 : vector<16xf32>
      %swap3A_831 = arith.index_cast %scan3A_44 : i32 to index
      %swap3A_832 = arith.constant 768 : index
      %swap3A_833 = tpu.vector_load %arg12[%swap3A_831, %swap3A_832] {strides = array<i32>} : memref<32x1024xf32, #tpu.memory_space<vmem>>, vector<1x16xf32>,
      %swap3A_834 = vector.shape_cast %swap3A_833 : vector<1x16xf32> to vector<16xf32>
      %swap3A_835 = vector.shape_cast %add3A_830 : vector<16xf32> to vector<1x16xf32>
      tpu.vector_store %arg12[%swap3A_831, %swap3A_832], %swap3A_835 {strides = array<i32>} : memref<32x1024xf32, #tpu.memory_space<vmem>>, vector<1x16xf32>,
      %get3A_836 = arith.index_cast %scan3A_44 : i32 to index
      %get3A_837 = arith.constant 784 : index
      %get3A_838 = tpu.vector_load %arg12[%get3A_836, %get3A_837] {strides = array<i32>} : memref<32x1024xf32, #tpu.memory_space<vmem>>, vector<1x16xf32>,
      %get3A_839 = vector.shape_cast %get3A_838 : vector<1x16xf32> to vector<16xf32>
      %mul3A_840 = arith.mulf %get3A_48, %get3A_839 : vector<16xf32>
      %get3A_841 = arith.index_cast %scan3A_44 : i32 to index
      %get3A_842 = arith.constant 784 : index
      %get3A_843 = tpu.vector_load %arg13[%get3A_841, %get3A_842] {strides = array<i32>} : memref<32x1024xf32, #tpu.memory_space<vmem>>, vector<1x16xf32>,
      %get3A_844 = vector.shape_cast %get3A_843 : vector<1x16xf32> to vector<16xf32>
      %mul3A_845 = arith.mulf %get3A_52, %get3A_844 : vector<16xf32>
      %add3A_846 = arith.addf %mul3A_840, %mul3A_845 : vector<16xf32>
      %swap3A_847 = arith.index_cast %scan3A_44 : i32 to index
      %swap3A_848 = arith.constant 784 : index
      %swap3A_849 = tpu.vector_load %arg12[%swap3A_847, %swap3A_848] {strides = array<i32>} : memref<32x1024xf32, #tpu.memory_space<vmem>>, vector<1x16xf32>,
      %swap3A_850 = vector.shape_cast %swap3A_849 : vector<1x16xf32> to vector<16xf32>
      %swap3A_851 = vector.shape_cast %add3A_846 : vector<16xf32> to vector<1x16xf32>
      tpu.vector_store %arg12[%swap3A_847, %swap3A_848], %swap3A_851 {strides = array<i32>} : memref<32x1024xf32, #tpu.memory_space<vmem>>, vector<1x16xf32>,
      %get3A_852 = arith.index_cast %scan3A_44 : i32 to index
      %get3A_853 = arith.constant 800 : index
      %get3A_854 = tpu.vector_load %arg12[%get3A_852, %get3A_853] {strides = array<i32>} : memref<32x1024xf32, #tpu.memory_space<vmem>>, vector<1x16xf32>,
      %get3A_855 = vector.shape_cast %get3A_854 : vector<1x16xf32> to vector<16xf32>
      %mul3A_856 = arith.mulf %get3A_48, %get3A_855 : vector<16xf32>
      %get3A_857 = arith.index_cast %scan3A_44 : i32 to index
      %get3A_858 = arith.constant 800 : index
      %get3A_859 = tpu.vector_load %arg13[%get3A_857, %get3A_858] {strides = array<i32>} : memref<32x1024xf32, #tpu.memory_space<vmem>>, vector<1x16xf32>,
      %get3A_860 = vector.shape_cast %get3A_859 : vector<1x16xf32> to vector<16xf32>
      %mul3A_861 = arith.mulf %get3A_52, %get3A_860 : vector<16xf32>
      %add3A_862 = arith.addf %mul3A_856, %mul3A_861 : vector<16xf32>
      %swap3A_863 = arith.index_cast %scan3A_44 : i32 to index
      %swap3A_864 = arith.constant 800 : index
      %swap3A_865 = tpu.vector_load %arg12[%swap3A_863, %swap3A_864] {strides = array<i32>} : memref<32x1024xf32, #tpu.memory_space<vmem>>, vector<1x16xf32>,
      %swap3A_866 = vector.shape_cast %swap3A_865 : vector<1x16xf32> to vector<16xf32>
      %swap3A_867 = vector.shape_cast %add3A_862 : vector<16xf32> to vector<1x16xf32>
      tpu.vector_store %arg12[%swap3A_863, %swap3A_864], %swap3A_867 {strides = array<i32>} : memref<32x1024xf32, #tpu.memory_space<vmem>>, vector<1x16xf32>,
      %get3A_868 = arith.index_cast %scan3A_44 : i32 to index
      %get3A_869 = arith.constant 816 : index
      %get3A_870 = tpu.vector_load %arg12[%get3A_868, %get3A_869] {strides = array<i32>} : memref<32x1024xf32, #tpu.memory_space<vmem>>, vector<1x16xf32>,
      %get3A_871 = vector.shape_cast %get3A_870 : vector<1x16xf32> to vector<16xf32>
      %mul3A_872 = arith.mulf %get3A_48, %get3A_871 : vector<16xf32>
      %get3A_873 = arith.index_cast %scan3A_44 : i32 to index
      %get3A_874 = arith.constant 816 : index
      %get3A_875 = tpu.vector_load %arg13[%get3A_873, %get3A_874] {strides = array<i32>} : memref<32x1024xf32, #tpu.memory_space<vmem>>, vector<1x16xf32>,
      %get3A_876 = vector.shape_cast %get3A_875 : vector<1x16xf32> to vector<16xf32>
      %mul3A_877 = arith.mulf %get3A_52, %get3A_876 : vector<16xf32>
      %add3A_878 = arith.addf %mul3A_872, %mul3A_877 : vector<16xf32>
      %swap3A_879 = arith.index_cast %scan3A_44 : i32 to index
      %swap3A_880 = arith.constant 816 : index
      %swap3A_881 = tpu.vector_load %arg12[%swap3A_879, %swap3A_880] {strides = array<i32>} : memref<32x1024xf32, #tpu.memory_space<vmem>>, vector<1x16xf32>,
      %swap3A_882 = vector.shape_cast %swap3A_881 : vector<1x16xf32> to vector<16xf32>
      %swap3A_883 = vector.shape_cast %add3A_878 : vector<16xf32> to vector<1x16xf32>
      tpu.vector_store %arg12[%swap3A_879, %swap3A_880], %swap3A_883 {strides = array<i32>} : memref<32x1024xf32, #tpu.memory_space<vmem>>, vector<1x16xf32>,
      %get3A_884 = arith.index_cast %scan3A_44 : i32 to index
      %get3A_885 = arith.constant 832 : index
      %get3A_886 = tpu.vector_load %arg12[%get3A_884, %get3A_885] {strides = array<i32>} : memref<32x1024xf32, #tpu.memory_space<vmem>>, vector<1x16xf32>,
      %get3A_887 = vector.shape_cast %get3A_886 : vector<1x16xf32> to vector<16xf32>
      %mul3A_888 = arith.mulf %get3A_48, %get3A_887 : vector<16xf32>
      %get3A_889 = arith.index_cast %scan3A_44 : i32 to index
      %get3A_890 = arith.constant 832 : index
      %get3A_891 = tpu.vector_load %arg13[%get3A_889, %get3A_890] {strides = array<i32>} : memref<32x1024xf32, #tpu.memory_space<vmem>>, vector<1x16xf32>,
      %get3A_892 = vector.shape_cast %get3A_891 : vector<1x16xf32> to vector<16xf32>
      %mul3A_893 = arith.mulf %get3A_52, %get3A_892 : vector<16xf32>
      %add3A_894 = arith.addf %mul3A_888, %mul3A_893 : vector<16xf32>
      %swap3A_895 = arith.index_cast %scan3A_44 : i32 to index
      %swap3A_896 = arith.constant 832 : index
      %swap3A_897 = tpu.vector_load %arg12[%swap3A_895, %swap3A_896] {strides = array<i32>} : memref<32x1024xf32, #tpu.memory_space<vmem>>, vector<1x16xf32>,
      %swap3A_898 = vector.shape_cast %swap3A_897 : vector<1x16xf32> to vector<16xf32>
      %swap3A_899 = vector.shape_cast %add3A_894 : vector<16xf32> to vector<1x16xf32>
      tpu.vector_store %arg12[%swap3A_895, %swap3A_896], %swap3A_899 {strides = array<i32>} : memref<32x1024xf32, #tpu.memory_space<vmem>>, vector<1x16xf32>,
      %get3A_900 = arith.index_cast %scan3A_44 : i32 to index
      %get3A_901 = arith.constant 848 : index
      %get3A_902 = tpu.vector_load %arg12[%get3A_900, %get3A_901] {strides = array<i32>} : memref<32x1024xf32, #tpu.memory_space<vmem>>, vector<1x16xf32>,
      %get3A_903 = vector.shape_cast %get3A_902 : vector<1x16xf32> to vector<16xf32>
      %mul3A_904 = arith.mulf %get3A_48, %get3A_903 : vector<16xf32>
      %get3A_905 = arith.index_cast %scan3A_44 : i32 to index
      %get3A_906 = arith.constant 848 : index
      %get3A_907 = tpu.vector_load %arg13[%get3A_905, %get3A_906] {strides = array<i32>} : memref<32x1024xf32, #tpu.memory_space<vmem>>, vector<1x16xf32>,
      %get3A_908 = vector.shape_cast %get3A_907 : vector<1x16xf32> to vector<16xf32>
      %mul3A_909 = arith.mulf %get3A_52, %get3A_908 : vector<16xf32>
      %add3A_910 = arith.addf %mul3A_904, %mul3A_909 : vector<16xf32>
      %swap3A_911 = arith.index_cast %scan3A_44 : i32 to index
      %swap3A_912 = arith.constant 848 : index
      %swap3A_913 = tpu.vector_load %arg12[%swap3A_911, %swap3A_912] {strides = array<i32>} : memref<32x1024xf32, #tpu.memory_space<vmem>>, vector<1x16xf32>,
      %swap3A_914 = vector.shape_cast %swap3A_913 : vector<1x16xf32> to vector<16xf32>
      %swap3A_915 = vector.shape_cast %add3A_910 : vector<16xf32> to vector<1x16xf32>
      tpu.vector_store %arg12[%swap3A_911, %swap3A_912], %swap3A_915 {strides = array<i32>} : memref<32x1024xf32, #tpu.memory_space<vmem>>, vector<1x16xf32>,
      %get3A_916 = arith.index_cast %scan3A_44 : i32 to index
      %get3A_917 = arith.constant 864 : index
      %get3A_918 = tpu.vector_load %arg12[%get3A_916, %get3A_917] {strides = array<i32>} : memref<32x1024xf32, #tpu.memory_space<vmem>>, vector<1x16xf32>,
      %get3A_919 = vector.shape_cast %get3A_918 : vector<1x16xf32> to vector<16xf32>
      %mul3A_920 = arith.mulf %get3A_48, %get3A_919 : vector<16xf32>
      %get3A_921 = arith.index_cast %scan3A_44 : i32 to index
      %get3A_922 = arith.constant 864 : index
      %get3A_923 = tpu.vector_load %arg13[%get3A_921, %get3A_922] {strides = array<i32>} : memref<32x1024xf32, #tpu.memory_space<vmem>>, vector<1x16xf32>,
      %get3A_924 = vector.shape_cast %get3A_923 : vector<1x16xf32> to vector<16xf32>
      %mul3A_925 = arith.mulf %get3A_52, %get3A_924 : vector<16xf32>
      %add3A_926 = arith.addf %mul3A_920, %mul3A_925 : vector<16xf32>
      %swap3A_927 = arith.index_cast %scan3A_44 : i32 to index
      %swap3A_928 = arith.constant 864 : index
      %swap3A_929 = tpu.vector_load %arg12[%swap3A_927, %swap3A_928] {strides = array<i32>} : memref<32x1024xf32, #tpu.memory_space<vmem>>, vector<1x16xf32>,
      %swap3A_930 = vector.shape_cast %swap3A_929 : vector<1x16xf32> to vector<16xf32>
      %swap3A_931 = vector.shape_cast %add3A_926 : vector<16xf32> to vector<1x16xf32>
      tpu.vector_store %arg12[%swap3A_927, %swap3A_928], %swap3A_931 {strides = array<i32>} : memref<32x1024xf32, #tpu.memory_space<vmem>>, vector<1x16xf32>,
      %get3A_932 = arith.index_cast %scan3A_44 : i32 to index
      %get3A_933 = arith.constant 880 : index
      %get3A_934 = tpu.vector_load %arg12[%get3A_932, %get3A_933] {strides = array<i32>} : memref<32x1024xf32, #tpu.memory_space<vmem>>, vector<1x16xf32>,
      %get3A_935 = vector.shape_cast %get3A_934 : vector<1x16xf32> to vector<16xf32>
      %mul3A_936 = arith.mulf %get3A_48, %get3A_935 : vector<16xf32>
      %get3A_937 = arith.index_cast %scan3A_44 : i32 to index
      %get3A_938 = arith.constant 880 : index
      %get3A_939 = tpu.vector_load %arg13[%get3A_937, %get3A_938] {strides = array<i32>} : memref<32x1024xf32, #tpu.memory_space<vmem>>, vector<1x16xf32>,
      %get3A_940 = vector.shape_cast %get3A_939 : vector<1x16xf32> to vector<16xf32>
      %mul3A_941 = arith.mulf %get3A_52, %get3A_940 : vector<16xf32>
      %add3A_942 = arith.addf %mul3A_936, %mul3A_941 : vector<16xf32>
      %swap3A_943 = arith.index_cast %scan3A_44 : i32 to index
      %swap3A_944 = arith.constant 880 : index
      %swap3A_945 = tpu.vector_load %arg12[%swap3A_943, %swap3A_944] {strides = array<i32>} : memref<32x1024xf32, #tpu.memory_space<vmem>>, vector<1x16xf32>,
      %swap3A_946 = vector.shape_cast %swap3A_945 : vector<1x16xf32> to vector<16xf32>
      %swap3A_947 = vector.shape_cast %add3A_942 : vector<16xf32> to vector<1x16xf32>
      tpu.vector_store %arg12[%swap3A_943, %swap3A_944], %swap3A_947 {strides = array<i32>} : memref<32x1024xf32, #tpu.memory_space<vmem>>, vector<1x16xf32>,
      %get3A_948 = arith.index_cast %scan3A_44 : i32 to index
      %get3A_949 = arith.constant 896 : index
      %get3A_950 = tpu.vector_load %arg12[%get3A_948, %get3A_949] {strides = array<i32>} : memref<32x1024xf32, #tpu.memory_space<vmem>>, vector<1x16xf32>,
      %get3A_951 = vector.shape_cast %get3A_950 : vector<1x16xf32> to vector<16xf32>
      %mul3A_952 = arith.mulf %get3A_48, %get3A_951 : vector<16xf32>
      %get3A_953 = arith.index_cast %scan3A_44 : i32 to index
      %get3A_954 = arith.constant 896 : index
      %get3A_955 = tpu.vector_load %arg13[%get3A_953, %get3A_954] {strides = array<i32>} : memref<32x1024xf32, #tpu.memory_space<vmem>>, vector<1x16xf32>,
      %get3A_956 = vector.shape_cast %get3A_955 : vector<1x16xf32> to vector<16xf32>
      %mul3A_957 = arith.mulf %get3A_52, %get3A_956 : vector<16xf32>
      %add3A_958 = arith.addf %mul3A_952, %mul3A_957 : vector<16xf32>
      %swap3A_959 = arith.index_cast %scan3A_44 : i32 to index
      %swap3A_960 = arith.constant 896 : index
      %swap3A_961 = tpu.vector_load %arg12[%swap3A_959, %swap3A_960] {strides = array<i32>} : memref<32x1024xf32, #tpu.memory_space<vmem>>, vector<1x16xf32>,
      %swap3A_962 = vector.shape_cast %swap3A_961 : vector<1x16xf32> to vector<16xf32>
      %swap3A_963 = vector.shape_cast %add3A_958 : vector<16xf32> to vector<1x16xf32>
      tpu.vector_store %arg12[%swap3A_959, %swap3A_960], %swap3A_963 {strides = array<i32>} : memref<32x1024xf32, #tpu.memory_space<vmem>>, vector<1x16xf32>,
      %get3A_964 = arith.index_cast %scan3A_44 : i32 to index
      %get3A_965 = arith.constant 912 : index
      %get3A_966 = tpu.vector_load %arg12[%get3A_964, %get3A_965] {strides = array<i32>} : memref<32x1024xf32, #tpu.memory_space<vmem>>, vector<1x16xf32>,
      %get3A_967 = vector.shape_cast %get3A_966 : vector<1x16xf32> to vector<16xf32>
      %mul3A_968 = arith.mulf %get3A_48, %get3A_967 : vector<16xf32>
      %get3A_969 = arith.index_cast %scan3A_44 : i32 to index
      %get3A_970 = arith.constant 912 : index
      %get3A_971 = tpu.vector_load %arg13[%get3A_969, %get3A_970] {strides = array<i32>} : memref<32x1024xf32, #tpu.memory_space<vmem>>, vector<1x16xf32>,
      %get3A_972 = vector.shape_cast %get3A_971 : vector<1x16xf32> to vector<16xf32>
      %mul3A_973 = arith.mulf %get3A_52, %get3A_972 : vector<16xf32>
      %add3A_974 = arith.addf %mul3A_968, %mul3A_973 : vector<16xf32>
      %swap3A_975 = arith.index_cast %scan3A_44 : i32 to index
      %swap3A_976 = arith.constant 912 : index
      %swap3A_977 = tpu.vector_load %arg12[%swap3A_975, %swap3A_976] {strides = array<i32>} : memref<32x1024xf32, #tpu.memory_space<vmem>>, vector<1x16xf32>,
      %swap3A_978 = vector.shape_cast %swap3A_977 : vector<1x16xf32> to vector<16xf32>
      %swap3A_979 = vector.shape_cast %add3A_974 : vector<16xf32> to vector<1x16xf32>
      tpu.vector_store %arg12[%swap3A_975, %swap3A_976], %swap3A_979 {strides = array<i32>} : memref<32x1024xf32, #tpu.memory_space<vmem>>, vector<1x16xf32>,
      %get3A_980 = arith.index_cast %scan3A_44 : i32 to index
      %get3A_981 = arith.constant 928 : index
      %get3A_982 = tpu.vector_load %arg12[%get3A_980, %get3A_981] {strides = array<i32>} : memref<32x1024xf32, #tpu.memory_space<vmem>>, vector<1x16xf32>,
      %get3A_983 = vector.shape_cast %get3A_982 : vector<1x16xf32> to vector<16xf32>
      %mul3A_984 = arith.mulf %get3A_48, %get3A_983 : vector<16xf32>
      %get3A_985 = arith.index_cast %scan3A_44 : i32 to index
      %get3A_986 = arith.constant 928 : index
      %get3A_987 = tpu.vector_load %arg13[%get3A_985, %get3A_986] {strides = array<i32>} : memref<32x1024xf32, #tpu.memory_space<vmem>>, vector<1x16xf32>,
      %get3A_988 = vector.shape_cast %get3A_987 : vector<1x16xf32> to vector<16xf32>
      %mul3A_989 = arith.mulf %get3A_52, %get3A_988 : vector<16xf32>
      %add3A_990 = arith.addf %mul3A_984, %mul3A_989 : vector<16xf32>
      %swap3A_991 = arith.index_cast %scan3A_44 : i32 to index
      %swap3A_992 = arith.constant 928 : index
      %swap3A_993 = tpu.vector_load %arg12[%swap3A_991, %swap3A_992] {strides = array<i32>} : memref<32x1024xf32, #tpu.memory_space<vmem>>, vector<1x16xf32>,
      %swap3A_994 = vector.shape_cast %swap3A_993 : vector<1x16xf32> to vector<16xf32>
      %swap3A_995 = vector.shape_cast %add3A_990 : vector<16xf32> to vector<1x16xf32>
      tpu.vector_store %arg12[%swap3A_991, %swap3A_992], %swap3A_995 {strides = array<i32>} : memref<32x1024xf32, #tpu.memory_space<vmem>>, vector<1x16xf32>,
      %get3A_996 = arith.index_cast %scan3A_44 : i32 to index
      %get3A_997 = arith.constant 944 : index
      %get3A_998 = tpu.vector_load %arg12[%get3A_996, %get3A_997] {strides = array<i32>} : memref<32x1024xf32, #tpu.memory_space<vmem>>, vector<1x16xf32>,
      %get3A_999 = vector.shape_cast %get3A_998 : vector<1x16xf32> to vector<16xf32>
      %mul3A_1000 = arith.mulf %get3A_48, %get3A_999 : vector<16xf32>
      %get3A_1001 = arith.index_cast %scan3A_44 : i32 to index
      %get3A_1002 = arith.constant 944 : index
      %get3A_1003 = tpu.vector_load %arg13[%get3A_1001, %get3A_1002] {strides = array<i32>} : memref<32x1024xf32, #tpu.memory_space<vmem>>, vector<1x16xf32>,
      %get3A_1004 = vector.shape_cast %get3A_1003 : vector<1x16xf32> to vector<16xf32>
      %mul3A_1005 = arith.mulf %get3A_52, %get3A_1004 : vector<16xf32>
      %add3A_1006 = arith.addf %mul3A_1000, %mul3A_1005 : vector<16xf32>
      %swap3A_1007 = arith.index_cast %scan3A_44 : i32 to index
      %swap3A_1008 = arith.constant 944 : index
      %swap3A_1009 = tpu.vector_load %arg12[%swap3A_1007, %swap3A_1008] {strides = array<i32>} : memref<32x1024xf32, #tpu.memory_space<vmem>>, vector<1x16xf32>,
      %swap3A_1010 = vector.shape_cast %swap3A_1009 : vector<1x16xf32> to vector<16xf32>
      %swap3A_1011 = vector.shape_cast %add3A_1006 : vector<16xf32> to vector<1x16xf32>
      tpu.vector_store %arg12[%swap3A_1007, %swap3A_1008], %swap3A_1011 {strides = array<i32>} : memref<32x1024xf32, #tpu.memory_space<vmem>>, vector<1x16xf32>,
      %get3A_1012 = arith.index_cast %scan3A_44 : i32 to index
      %get3A_1013 = arith.constant 960 : index
      %get3A_1014 = tpu.vector_load %arg12[%get3A_1012, %get3A_1013] {strides = array<i32>} : memref<32x1024xf32, #tpu.memory_space<vmem>>, vector<1x16xf32>,
      %get3A_1015 = vector.shape_cast %get3A_1014 : vector<1x16xf32> to vector<16xf32>
      %mul3A_1016 = arith.mulf %get3A_48, %get3A_1015 : vector<16xf32>
      %get3A_1017 = arith.index_cast %scan3A_44 : i32 to index
      %get3A_1018 = arith.constant 960 : index
      %get3A_1019 = tpu.vector_load %arg13[%get3A_1017, %get3A_1018] {strides = array<i32>} : memref<32x1024xf32, #tpu.memory_space<vmem>>, vector<1x16xf32>,
      %get3A_1020 = vector.shape_cast %get3A_1019 : vector<1x16xf32> to vector<16xf32>
      %mul3A_1021 = arith.mulf %get3A_52, %get3A_1020 : vector<16xf32>
      %add3A_1022 = arith.addf %mul3A_1016, %mul3A_1021 : vector<16xf32>
      %swap3A_1023 = arith.index_cast %scan3A_44 : i32 to index
      %swap3A_1024 = arith.constant 960 : index
      %swap3A_1025 = tpu.vector_load %arg12[%swap3A_1023, %swap3A_1024] {strides = array<i32>} : memref<32x1024xf32, #tpu.memory_space<vmem>>, vector<1x16xf32>,
      %swap3A_1026 = vector.shape_cast %swap3A_1025 : vector<1x16xf32> to vector<16xf32>
      %swap3A_1027 = vector.shape_cast %add3A_1022 : vector<16xf32> to vector<1x16xf32>
      tpu.vector_store %arg12[%swap3A_1023, %swap3A_1024], %swap3A_1027 {strides = array<i32>} : memref<32x1024xf32, #tpu.memory_space<vmem>>, vector<1x16xf32>,
      %get3A_1028 = arith.index_cast %scan3A_44 : i32 to index
      %get3A_1029 = arith.constant 976 : index
      %get3A_1030 = tpu.vector_load %arg12[%get3A_1028, %get3A_1029] {strides = array<i32>} : memref<32x1024xf32, #tpu.memory_space<vmem>>, vector<1x16xf32>,
      %get3A_1031 = vector.shape_cast %get3A_1030 : vector<1x16xf32> to vector<16xf32>
      %mul3A_1032 = arith.mulf %get3A_48, %get3A_1031 : vector<16xf32>
      %get3A_1033 = arith.index_cast %scan3A_44 : i32 to index
      %get3A_1034 = arith.constant 976 : index
      %get3A_1035 = tpu.vector_load %arg13[%get3A_1033, %get3A_1034] {strides = array<i32>} : memref<32x1024xf32, #tpu.memory_space<vmem>>, vector<1x16xf32>,
      %get3A_1036 = vector.shape_cast %get3A_1035 : vector<1x16xf32> to vector<16xf32>
      %mul3A_1037 = arith.mulf %get3A_52, %get3A_1036 : vector<16xf32>
      %add3A_1038 = arith.addf %mul3A_1032, %mul3A_1037 : vector<16xf32>
      %swap3A_1039 = arith.index_cast %scan3A_44 : i32 to index
      %swap3A_1040 = arith.constant 976 : index
      %swap3A_1041 = tpu.vector_load %arg12[%swap3A_1039, %swap3A_1040] {strides = array<i32>} : memref<32x1024xf32, #tpu.memory_space<vmem>>, vector<1x16xf32>,
      %swap3A_1042 = vector.shape_cast %swap3A_1041 : vector<1x16xf32> to vector<16xf32>
      %swap3A_1043 = vector.shape_cast %add3A_1038 : vector<16xf32> to vector<1x16xf32>
      tpu.vector_store %arg12[%swap3A_1039, %swap3A_1040], %swap3A_1043 {strides = array<i32>} : memref<32x1024xf32, #tpu.memory_space<vmem>>, vector<1x16xf32>,
      %get3A_1044 = arith.index_cast %scan3A_44 : i32 to index
      %get3A_1045 = arith.constant 992 : index
      %get3A_1046 = tpu.vector_load %arg12[%get3A_1044, %get3A_1045] {strides = array<i32>} : memref<32x1024xf32, #tpu.memory_space<vmem>>, vector<1x16xf32>,
      %get3A_1047 = vector.shape_cast %get3A_1046 : vector<1x16xf32> to vector<16xf32>
      %mul3A_1048 = arith.mulf %get3A_48, %get3A_1047 : vector<16xf32>
      %get3A_1049 = arith.index_cast %scan3A_44 : i32 to index
      %get3A_1050 = arith.constant 992 : index
      %get3A_1051 = tpu.vector_load %arg13[%get3A_1049, %get3A_1050] {strides = array<i32>} : memref<32x1024xf32, #tpu.memory_space<vmem>>, vector<1x16xf32>,
      %get3A_1052 = vector.shape_cast %get3A_1051 : vector<1x16xf32> to vector<16xf32>
      %mul3A_1053 = arith.mulf %get3A_52, %get3A_1052 : vector<16xf32>
      %add3A_1054 = arith.addf %mul3A_1048, %mul3A_1053 : vector<16xf32>
      %swap3A_1055 = arith.index_cast %scan3A_44 : i32 to index
      %swap3A_1056 = arith.constant 992 : index
      %swap3A_1057 = tpu.vector_load %arg12[%swap3A_1055, %swap3A_1056] {strides = array<i32>} : memref<32x1024xf32, #tpu.memory_space<vmem>>, vector<1x16xf32>,
      %swap3A_1058 = vector.shape_cast %swap3A_1057 : vector<1x16xf32> to vector<16xf32>
      %swap3A_1059 = vector.shape_cast %add3A_1054 : vector<16xf32> to vector<1x16xf32>
      tpu.vector_store %arg12[%swap3A_1055, %swap3A_1056], %swap3A_1059 {strides = array<i32>} : memref<32x1024xf32, #tpu.memory_space<vmem>>, vector<1x16xf32>,
      %get3A_1060 = arith.index_cast %scan3A_44 : i32 to index
      %get3A_1061 = arith.constant 1008 : index
      %get3A_1062 = tpu.vector_load %arg12[%get3A_1060, %get3A_1061] {strides = array<i32>} : memref<32x1024xf32, #tpu.memory_space<vmem>>, vector<1x16xf32>,
      %get3A_1063 = vector.shape_cast %get3A_1062 : vector<1x16xf32> to vector<16xf32>
      %mul3A_1064 = arith.mulf %get3A_48, %get3A_1063 : vector<16xf32>
      %get3A_1065 = arith.index_cast %scan3A_44 : i32 to index
      %get3A_1066 = arith.constant 1008 : index
      %get3A_1067 = tpu.vector_load %arg13[%get3A_1065, %get3A_1066] {strides = array<i32>} : memref<32x1024xf32, #tpu.memory_space<vmem>>, vector<1x16xf32>,
      %get3A_1068 = vector.shape_cast %get3A_1067 : vector<1x16xf32> to vector<16xf32>
      %mul3A_1069 = arith.mulf %get3A_52, %get3A_1068 : vector<16xf32>
      %add3A_1070 = arith.addf %mul3A_1064, %mul3A_1069 : vector<16xf32>
      %swap3A_1071 = arith.index_cast %scan3A_44 : i32 to index
      %swap3A_1072 = arith.constant 1008 : index
      %swap3A_1073 = tpu.vector_load %arg12[%swap3A_1071, %swap3A_1072] {strides = array<i32>} : memref<32x1024xf32, #tpu.memory_space<vmem>>, vector<1x16xf32>,
      %swap3A_1074 = vector.shape_cast %swap3A_1073 : vector<1x16xf32> to vector<16xf32>
      %swap3A_1075 = vector.shape_cast %add3A_1070 : vector<16xf32> to vector<1x16xf32>
      tpu.vector_store %arg12[%swap3A_1071, %swap3A_1072], %swap3A_1075 {strides = array<i32>} : memref<32x1024xf32, #tpu.memory_space<vmem>>, vector<1x16xf32>,
      %scan3A_1076 = arith.constant 0 : i32
      scf.yield %scan3A_1076 : i32
    }
    %scan3A_43 = arith.constant 32 : i32
    "tpu.region"() ({
      %run_scoped3A = tpu.sem_alloc : memref<!tpu.dma_semaphore, #tpu.memory_space<semaphore_mem>>
      %dma_start3A_44 = arith.constant 0 : i32
      %dma_start3A_45 = tpu.memref_slice %arg7[%add3A_24, %dma_start3A_44] : memref<2048x1024xf32, #tpu.memory_space<hbm>> -> memref<32x1024xf32, #tpu.memory_space<hbm>>
      %dma_start3A_46 = arith.constant 0 : i32
      %dma_start3A_47 = tpu.memref_slice %arg7[%add3A_24, %dma_start3A_46] : memref<2048x1024xf32, #tpu.memory_space<hbm>> -> memref<32x1024xf32, #tpu.memory_space<hbm>>
      tpu.enqueue_dma source(%arg12 : memref<32x1024xf32, #tpu.memory_space<vmem>>) target(%dma_start3A_47 : memref<32x1024xf32, #tpu.memory_space<hbm>>) target_semaphore(%run_scoped3A : memref<!tpu.dma_semaphore, #tpu.memory_space<semaphore_mem>>)
      %dma_wait3A_48 = arith.constant 0 : i32
      %dma_wait3A_49 = tpu.memref_slice %arg7[%add3A_24, %dma_wait3A_48] : memref<2048x1024xf32, #tpu.memory_space<hbm>> -> memref<32x1024xf32, #tpu.memory_space<hbm>>
      %dma_wait3A_50 = arith.constant 0 : i32
      %dma_wait3A_51 = tpu.memref_slice %arg7[%add3A_24, %dma_wait3A_50] : memref<2048x1024xf32, #tpu.memory_space<hbm>> -> memref<32x1024xf32, #tpu.memory_space<hbm>>
      tpu.wait_dma2 semaphore(%run_scoped3A : memref<!tpu.dma_semaphore, #tpu.memory_space<semaphore_mem>>) src(%arg12 : memref<32x1024xf32, #tpu.memory_space<vmem>>) dst(%dma_wait3A_51 : memref<32x1024xf32, #tpu.memory_space<hbm>>)
      tpu.yield
    }) : () -> ()
    return
  }
}

module attributes {stable_mosaic.version = 14 : i64} {
  func.func @_expert_body(%arg0: i32, %arg1: i32, %arg2: memref<23xi32, #tpu.memory_space<smem>>, %arg3: memref<23xi32, #tpu.memory_space<smem>>, %arg4: memref<23xi32, #tpu.memory_space<smem>>, %arg5: memref<23xi32, #tpu.memory_space<smem>>, %arg6: memref<4096x1024xf32, #tpu.memory_space<vmem>>, %arg7: memref<1x1024x512xf32, #tpu.memory_space<vmem>>, %arg8: memref<1x1024x512xf32, #tpu.memory_space<vmem>>, %arg9: memref<1x512x1024xf32, #tpu.memory_space<vmem>>, %arg10: memref<4096x1024xf32, #tpu.memory_space<vmem>>) attributes {dimension_semantics = [#tpu.dimension_semantics<arbitrary>, #tpu.dimension_semantics<arbitrary>], iteration_bounds = array<i64: 4, 23>, scalar_prefetch = 4 : i64, scratch_operands = 0 : i64, tpu.core_type = #tpu.core_type<tc>, window_params = [{pipeline_mode = #tpu.pipeline_mode<synchronous>, transform_indices = @transform_0, window_bounds = array<i64: 4096, 1024>}, {transform_indices = @transform_1, window_bounds = array<i64: 1, 1024, 512>}, {transform_indices = @transform_2, window_bounds = array<i64: 1, 1024, 512>}, {transform_indices = @transform_3, window_bounds = array<i64: 1, 512, 1024>}, {pipeline_mode = #tpu.pipeline_mode<synchronous>, transform_indices = @transform_4, window_bounds = array<i64: 4096, 1024>}]} {
    %get3A = arith.index_cast %arg1 : i32 to index
    %get3A_0 = memref.load %arg3[%get3A] : memref<23xi32, #tpu.memory_space<smem>>
    %get3A_1 = arith.index_cast %arg1 : i32 to index
    %get3A_2 = memref.load %arg4[%get3A_1] : memref<23xi32, #tpu.memory_space<smem>>
    %get3A_3 = arith.index_cast %arg1 : i32 to index
    %get3A_4 = memref.load %arg5[%get3A_3] : memref<23xi32, #tpu.memory_space<smem>>
    %mul3A = arith.constant 256 : i32
    %mul3A_5 = arith.muli %get3A_0, %mul3A : i32
    %eq3A = arith.constant 0 : i32
    %eq3A_6 = arith.cmpi eq, %arg0, %eq3A : i32
    %eq3A_7 = arith.cmpi eq, %get3A_2, %mul3A_5 : i32
    %gt3A = arith.constant 0 : i32
    %gt3A_8 = arith.cmpi sgt, %get3A_4, %gt3A : i32
    %and3A = arith.andi %eq3A_7, %gt3A_8 : i1
    %and3A_9 = arith.andi %eq3A_6, %and3A : i1
    %gt3A_10 = arith.constant 0 : i32
    %gt3A_11 = arith.cmpi sgt, %get3A_4, %gt3A_10 : i32
    %convert_element_type3A = arith.extui %gt3A_11 : i1 to i32
    %cond3A = arith.constant 0 : i32
    %cond3A_12 = arith.cmpi ne, %convert_element_type3A, %cond3A : i32
    scf.if %cond3A_12 {
      %get3A_13 = arith.index_cast %mul3A_5 : i32 to index
      %get3A_14 = arith.constant 0 : index
      %get3A_15 = vector.load %arg6[%get3A_13, %get3A_14] : memref<4096x1024xf32, #tpu.memory_space<vmem>>, vector<256x1024xf32>
      %get3A_16 = arith.constant 0 : index
      %get3A_17 = arith.constant 0 : index
      %get3A_18 = arith.constant 0 : index
      %get3A_19 = vector.load %arg7[%get3A_16, %get3A_17, %get3A_18] : memref<1x1024x512xf32, #tpu.memory_space<vmem>>, vector<1x1024x512xf32>
      %get3A_20 = vector.shape_cast %get3A_19 : vector<1x1024x512xf32> to vector<1024x512xf32>
      %dot_general3A = arith.constant dense<0.000000e+00> : vector<256x512xf32>
      %dot_general3A_21 = tpu.matmul %get3A_15, %get3A_20, %dot_general3A {dimension_numbers = #tpu.dot_dimension_numbers<[1], [0], [0], [1], [0, 0, 1, 1], [], []>, transpose_lhs_hint = false} : vector<256x1024xf32>, vector<1024x512xf32>, vector<256x512xf32> -> vector<256x512xf32>
      %get3A_22 = arith.constant 0 : index
      %get3A_23 = arith.constant 0 : index
      %get3A_24 = arith.constant 0 : index
      %get3A_25 = vector.load %arg8[%get3A_22, %get3A_23, %get3A_24] : memref<1x1024x512xf32, #tpu.memory_space<vmem>>, vector<1x1024x512xf32>
      %get3A_26 = vector.shape_cast %get3A_25 : vector<1x1024x512xf32> to vector<1024x512xf32>
      %dot_general3A_27 = arith.constant dense<0.000000e+00> : vector<256x512xf32>
      %dot_general3A_28 = tpu.matmul %get3A_15, %get3A_26, %dot_general3A_27 {dimension_numbers = #tpu.dot_dimension_numbers<[1], [0], [0], [1], [0, 0, 1, 1], [], []>, transpose_lhs_hint = false} : vector<256x1024xf32>, vector<1024x512xf32>, vector<256x512xf32> -> vector<256x512xf32>
      %logistic3A = arith.negf %dot_general3A_21 : vector<256x512xf32>
      %logistic3A_29 = math.exp %logistic3A : vector<256x512xf32>
      %logistic3A_30 = arith.constant 1.000000e+00 : f32
      %logistic3A_31 = vector.broadcast %logistic3A_30 : f32 to vector<256x512xf32>
      %logistic3A_32 = arith.addf %logistic3A_31, %logistic3A_29 : vector<256x512xf32>
      %logistic3A_33 = arith.divf %logistic3A_31, %logistic3A_32 : vector<256x512xf32>
      %mul3A_34 = arith.mulf %dot_general3A_21, %logistic3A_33 : vector<256x512xf32>
      %mul3A_35 = arith.mulf %mul3A_34, %dot_general3A_28 : vector<256x512xf32>
      %get3A_36 = arith.constant 0 : index
      %get3A_37 = arith.constant 0 : index
      %get3A_38 = arith.constant 0 : index
      %get3A_39 = vector.load %arg9[%get3A_36, %get3A_37, %get3A_38] : memref<1x512x1024xf32, #tpu.memory_space<vmem>>, vector<1x512x1024xf32>
      %get3A_40 = vector.shape_cast %get3A_39 : vector<1x512x1024xf32> to vector<512x1024xf32>
      %dot_general3A_41 = arith.constant dense<0.000000e+00> : vector<256x1024xf32>
      %dot_general3A_42 = tpu.matmul %mul3A_35, %get3A_40, %dot_general3A_41 {dimension_numbers = #tpu.dot_dimension_numbers<[1], [0], [0], [1], [0, 0, 1, 1], [], []>, transpose_lhs_hint = false} : vector<256x512xf32>, vector<512x1024xf32>, vector<256x1024xf32> -> vector<256x1024xf32>
      %iota3A = tpu.iota {dimensions = array<i32: 0>} : vector<256x1xi32>
      %add3A = vector.broadcast %mul3A_5 : i32 to vector<256x1xi32>
      %add3A_43 = arith.addi %add3A, %iota3A : vector<256x1xi32>
      %ge3A = vector.broadcast %get3A_2 : i32 to vector<256x1xi32>
      %ge3A_44 = arith.cmpi sge, %add3A_43, %ge3A : vector<256x1xi32>
      %add3A_45 = arith.addi %get3A_2, %get3A_4 : i32
      %lt3A = vector.broadcast %add3A_45 : i32 to vector<256x1xi32>
      %lt3A_46 = arith.cmpi slt, %add3A_43, %lt3A : vector<256x1xi32>
      %and3A_47 = arith.andi %ge3A_44, %lt3A_46 : vector<256x1xi1>
      %jit3A = arith.constant 0.000000e+00 : f32
      %broadcast_in_dim3A = vector.shape_cast %and3A_47 : vector<256x1xi1> to vector<256x1xi1>
      %broadcast_in_dim3A_48 = vector.broadcast %broadcast_in_dim3A : vector<256x1xi1> to vector<256x1024xi1>
      %broadcast_in_dim3A_49 = vector.broadcast %jit3A : f32 to vector<256x1024xf32>
      %select_n3A = arith.select %broadcast_in_dim3A_48, %dot_general3A_42, %broadcast_in_dim3A_49 : vector<256x1024xi1>, vector<256x1024xf32>
      %convert_element_type3A_50 = arith.extui %and3A_9 : i1 to i32
      %cond3A_51 = arith.constant 0 : i32
      %cond3A_52 = arith.cmpi ne, %convert_element_type3A_50, %cond3A_51 : i32
      scf.if %cond3A_52 {
        %swap3A = arith.index_cast %mul3A_5 : i32 to index
        %swap3A_57 = arith.constant 0 : index
        %swap3A_58 = vector.load %arg10[%swap3A, %swap3A_57] : memref<4096x1024xf32, #tpu.memory_space<vmem>>, vector<256x1024xf32>
        tpu.vector_store %arg10[%swap3A, %swap3A_57], %select_n3A {strides = array<i32>} : memref<4096x1024xf32, #tpu.memory_space<vmem>>, vector<256x1024xf32>,
      } else {
      }
      %not3A = arith.constant true
      %not3A_53 = arith.xori %and3A_9, %not3A : i1
      %convert_element_type3A_54 = arith.extui %not3A_53 : i1 to i32
      %cond3A_55 = arith.constant 0 : i32
      %cond3A_56 = arith.cmpi ne, %convert_element_type3A_54, %cond3A_55 : i32
      scf.if %cond3A_56 {
        %get3A_57 = arith.index_cast %mul3A_5 : i32 to index
        %get3A_58 = arith.constant 0 : index
        %get3A_59 = vector.load %arg10[%get3A_57, %get3A_58] : memref<4096x1024xf32, #tpu.memory_space<vmem>>, vector<256x1024xf32>
        %add3A_60 = arith.addf %get3A_59, %select_n3A : vector<256x1024xf32>
        %swap3A = arith.index_cast %mul3A_5 : i32 to index
        %swap3A_61 = arith.constant 0 : index
        %swap3A_62 = vector.load %arg10[%swap3A, %swap3A_61] : memref<4096x1024xf32, #tpu.memory_space<vmem>>, vector<256x1024xf32>
        tpu.vector_store %arg10[%swap3A, %swap3A_61], %add3A_60 {strides = array<i32>} : memref<4096x1024xf32, #tpu.memory_space<vmem>>, vector<256x1024xf32>,
      } else {
      }
    } else {
    }
    return
  }
  func.func @transform_0(%arg0: i32, %arg1: i32, %arg2: memref<23xi32, #tpu.memory_space<smem>>, %arg3: memref<23xi32, #tpu.memory_space<smem>>, %arg4: memref<23xi32, #tpu.memory_space<smem>>, %arg5: memref<23xi32, #tpu.memory_space<smem>>) -> (i32, i32) {
    %c0_i32 = arith.constant 0 : i32
    %c0_i32_0 = arith.constant 0 : i32
    %c0_i32_1 = arith.constant 0 : i32
    return %c0_i32, %c0_i32_0 : i32, i32
  }
  func.func @transform_1(%arg0: i32, %arg1: i32, %arg2: memref<23xi32, #tpu.memory_space<smem>>, %arg3: memref<23xi32, #tpu.memory_space<smem>>, %arg4: memref<23xi32, #tpu.memory_space<smem>>, %arg5: memref<23xi32, #tpu.memory_space<smem>>) -> (i32, i32, i32) {
    %get3A = arith.index_cast %arg1 : i32 to index
    %get3A_0 = memref.load %arg2[%get3A] : memref<23xi32, #tpu.memory_space<smem>>
    %c0_i32 = arith.constant 0 : i32
    %c0_i32_1 = arith.constant 0 : i32
    return %get3A_0, %c0_i32, %arg0 : i32, i32, i32
  }
  func.func @transform_2(%arg0: i32, %arg1: i32, %arg2: memref<23xi32, #tpu.memory_space<smem>>, %arg3: memref<23xi32, #tpu.memory_space<smem>>, %arg4: memref<23xi32, #tpu.memory_space<smem>>, %arg5: memref<23xi32, #tpu.memory_space<smem>>) -> (i32, i32, i32) {
    %get3A = arith.index_cast %arg1 : i32 to index
    %get3A_0 = memref.load %arg2[%get3A] : memref<23xi32, #tpu.memory_space<smem>>
    %add3A = arith.constant 4 : i32
    %add3A_1 = arith.addi %add3A, %arg0 : i32
    %c0_i32 = arith.constant 0 : i32
    %c0_i32_2 = arith.constant 0 : i32
    return %get3A_0, %c0_i32, %add3A_1 : i32, i32, i32
  }
  func.func @transform_3(%arg0: i32, %arg1: i32, %arg2: memref<23xi32, #tpu.memory_space<smem>>, %arg3: memref<23xi32, #tpu.memory_space<smem>>, %arg4: memref<23xi32, #tpu.memory_space<smem>>, %arg5: memref<23xi32, #tpu.memory_space<smem>>) -> (i32, i32, i32) {
    %get3A = arith.index_cast %arg1 : i32 to index
    %get3A_0 = memref.load %arg2[%get3A] : memref<23xi32, #tpu.memory_space<smem>>
    %c0_i32 = arith.constant 0 : i32
    %c0_i32_1 = arith.constant 0 : i32
    return %get3A_0, %arg0, %c0_i32 : i32, i32, i32
  }
  func.func @transform_4(%arg0: i32, %arg1: i32, %arg2: memref<23xi32, #tpu.memory_space<smem>>, %arg3: memref<23xi32, #tpu.memory_space<smem>>, %arg4: memref<23xi32, #tpu.memory_space<smem>>, %arg5: memref<23xi32, #tpu.memory_space<smem>>) -> (i32, i32) {
    %c0_i32 = arith.constant 0 : i32
    %c0_i32_0 = arith.constant 0 : i32
    %c0_i32_1 = arith.constant 0 : i32
    return %c0_i32, %c0_i32_0 : i32, i32
  }
}

module attributes {stable_mosaic.version = 14 : i64} {
  func.func @_route_body(%arg0: memref<2048x8xf32, #tpu.memory_space<vmem>>, %arg1: memref<2048xi32, #tpu.memory_space<vmem>>, %arg2: memref<2048xi32, #tpu.memory_space<vmem>>, %arg3: memref<2048x16xf32, #tpu.memory_space<vmem>>, %arg4: memref<2048x16xf32, #tpu.memory_space<vmem>>, %arg5: memref<8xi32, #tpu.memory_space<vmem>>, %arg6: memref<8xi32, #tpu.memory_space<vmem>>, %arg7: memref<23xi32, #tpu.memory_space<vmem>>, %arg8: memref<23xi32, #tpu.memory_space<vmem>>, %arg9: memref<23xi32, #tpu.memory_space<vmem>>, %arg10: memref<23xi32, #tpu.memory_space<vmem>>) attributes {dimension_semantics = [], scalar_prefetch = 0 : i64, scratch_operands = 0 : i64, tpu.core_type = #tpu.core_type<tc>} {
    %get3A = arith.constant 0 : index
    %get3A_0 = arith.constant 0 : index
    %get3A_1 = vector.load %arg0[%get3A, %get3A_0] : memref<2048x8xf32, #tpu.memory_space<vmem>>, vector<2048x8xf32>
    %reduce_max3A = arith.constant dense<0xFF800000> : vector<2048xf32>
    %reduce_max3A_2 = vector.multi_reduction <maximumf>, %get3A_1, %reduce_max3A [1] : vector<2048x8xf32> to vector<2048xf32>
    %max3A = arith.constant 0xFF800000 : f32
    %max3A_3 = vector.broadcast %max3A : f32 to vector<2048xf32>
    %max3A_4 = arith.maximumf %max3A_3, %reduce_max3A_2 : vector<2048xf32>
    %broadcast_in_dim3A = vector.shape_cast %max3A_4 : vector<2048xf32> to vector<2048x1xf32>
    %sub3A = vector.broadcast %broadcast_in_dim3A : vector<2048x1xf32> to vector<2048x8xf32>
    %sub3A_5 = arith.subf %get3A_1, %sub3A : vector<2048x8xf32>
    %exp3A = math.exp %sub3A_5 : vector<2048x8xf32>
    %reduce_sum3A = arith.constant dense<0.000000e+00> : vector<2048xf32>
    %reduce_sum3A_6 = vector.multi_reduction <add>, %exp3A, %reduce_sum3A [1] : vector<2048x8xf32> to vector<2048xf32>
    %broadcast_in_dim3A_7 = vector.shape_cast %reduce_sum3A_6 : vector<2048xf32> to vector<2048x1xf32>
    %div3A = vector.broadcast %broadcast_in_dim3A_7 : vector<2048x1xf32> to vector<2048x8xf32>
    %div3A_8 = arith.divf %exp3A, %div3A : vector<2048x8xf32>
    %iota3A = tpu.iota {dimensions = array<i32: 1>} : vector<2048x8xi32>
    %reduce_max3A_9 = arith.constant dense<0xFF800000> : vector<2048xf32>
    %reduce_max3A_10 = vector.multi_reduction <maximumf>, %div3A_8, %reduce_max3A_9 [1] : vector<2048x8xf32> to vector<2048xf32>
    %broadcast_in_dim3A_11 = vector.shape_cast %reduce_max3A_10 : vector<2048xf32> to vector<2048x1xf32>
    %eq3A = vector.broadcast %broadcast_in_dim3A_11 : vector<2048x1xf32> to vector<2048x8xf32>
    %eq3A_12 = arith.cmpf oeq, %div3A_8, %eq3A : vector<2048x8xf32>
    %jit3A = arith.constant 8 : i32
    %broadcast_in_dim3A_13 = vector.broadcast %jit3A : i32 to vector<2048x8xi32>
    %select_n3A = arith.select %eq3A_12, %iota3A, %broadcast_in_dim3A_13 : vector<2048x8xi1>, vector<2048x8xi32>
    %reduce_min3A = arith.constant dense<2147483647> : vector<2048xi32>
    %reduce_min3A_14 = vector.multi_reduction <minsi>, %select_n3A, %reduce_min3A [1] : vector<2048x8xi32> to vector<2048xi32>
    %broadcast_in_dim3A_15 = vector.shape_cast %reduce_min3A_14 : vector<2048xi32> to vector<2048x1xi32>
    %eq3A_16 = vector.broadcast %broadcast_in_dim3A_15 : vector<2048x1xi32> to vector<2048x8xi32>
    %eq3A_17 = arith.cmpi eq, %iota3A, %eq3A_16 : vector<2048x8xi32>
    %jit3A_18 = arith.constant 0xFF800000 : f32
    %broadcast_in_dim3A_19 = vector.broadcast %jit3A_18 : f32 to vector<2048x8xf32>
    %select_n3A_20 = arith.select %eq3A_17, %broadcast_in_dim3A_19, %div3A_8 : vector<2048x8xi1>, vector<2048x8xf32>
    %reduce_max3A_21 = arith.constant dense<0xFF800000> : vector<2048xf32>
    %reduce_max3A_22 = vector.multi_reduction <maximumf>, %select_n3A_20, %reduce_max3A_21 [1] : vector<2048x8xf32> to vector<2048xf32>
    %broadcast_in_dim3A_23 = vector.shape_cast %reduce_max3A_22 : vector<2048xf32> to vector<2048x1xf32>
    %eq3A_24 = vector.broadcast %broadcast_in_dim3A_23 : vector<2048x1xf32> to vector<2048x8xf32>
    %eq3A_25 = arith.cmpf oeq, %select_n3A_20, %eq3A_24 : vector<2048x8xf32>
    %jit3A_26 = arith.constant 8 : i32
    %broadcast_in_dim3A_27 = vector.broadcast %jit3A_26 : i32 to vector<2048x8xi32>
    %select_n3A_28 = arith.select %eq3A_25, %iota3A, %broadcast_in_dim3A_27 : vector<2048x8xi1>, vector<2048x8xi32>
    %reduce_min3A_29 = arith.constant dense<2147483647> : vector<2048xi32>
    %reduce_min3A_30 = vector.multi_reduction <minsi>, %select_n3A_28, %reduce_min3A_29 [1] : vector<2048x8xi32> to vector<2048xi32>
    %broadcast_in_dim3A_31 = vector.shape_cast %reduce_min3A_30 : vector<2048xi32> to vector<2048x1xi32>
    %add3A = arith.addf %broadcast_in_dim3A_11, %broadcast_in_dim3A_23 : vector<2048x1xf32>
    %div3A_32 = arith.divf %broadcast_in_dim3A_11, %add3A : vector<2048x1xf32>
    %div3A_33 = arith.divf %broadcast_in_dim3A_23, %add3A : vector<2048x1xf32>
    %eq3A_34 = vector.broadcast %broadcast_in_dim3A_15 : vector<2048x1xi32> to vector<2048x8xi32>
    %eq3A_35 = arith.cmpi eq, %iota3A, %eq3A_34 : vector<2048x8xi32>
    %eq3A_36 = vector.broadcast %broadcast_in_dim3A_31 : vector<2048x1xi32> to vector<2048x8xi32>
    %eq3A_37 = arith.cmpi eq, %iota3A, %eq3A_36 : vector<2048x8xi32>
    %convert_element_type3A = arith.extui %eq3A_35 : vector<2048x8xi1> to vector<2048x8xi32>
    %convert_element_type3A_38 = arith.sitofp %convert_element_type3A : vector<2048x8xi32> to vector<2048x8xf32>
    %convert_element_type3A_39 = arith.extui %eq3A_37 : vector<2048x8xi1> to vector<2048x8xi32>
    %convert_element_type3A_40 = arith.sitofp %convert_element_type3A_39 : vector<2048x8xi32> to vector<2048x8xf32>
    %iota3A_41 = tpu.iota {dimensions = array<i32: 0>} : vector<2048x2048xi32>
    %iota3A_42 = tpu.iota {dimensions = array<i32: 1>} : vector<2048x2048xi32>
    %gt3A = arith.cmpi sgt, %iota3A_41, %iota3A_42 : vector<2048x2048xi32>
    %convert_element_type3A_43 = arith.extui %gt3A : vector<2048x2048xi1> to vector<2048x2048xi32>
    %convert_element_type3A_44 = arith.sitofp %convert_element_type3A_43 : vector<2048x2048xi32> to vector<2048x2048xf32>
    %dot_general3A = arith.constant dense<0.000000e+00> : vector<2048x8xf32>
    %dot_general3A_45 = tpu.matmul %convert_element_type3A_44, %convert_element_type3A_38, %dot_general3A {dimension_numbers = #tpu.dot_dimension_numbers<[1], [0], [0], [1], [0, 0, 1, 1], [], []>, precision = #tpu.contract_precision<fp32>, transpose_lhs_hint = false} : vector<2048x2048xf32>, vector<2048x8xf32>, vector<2048x8xf32> -> vector<2048x8xf32>
    %dot_general3A_46 = arith.constant dense<0.000000e+00> : vector<2048x8xf32>
    %dot_general3A_47 = tpu.matmul %convert_element_type3A_44, %convert_element_type3A_40, %dot_general3A_46 {dimension_numbers = #tpu.dot_dimension_numbers<[1], [0], [0], [1], [0, 0, 1, 1], [], []>, precision = #tpu.contract_precision<fp32>, transpose_lhs_hint = false} : vector<2048x2048xf32>, vector<2048x8xf32>, vector<2048x8xf32> -> vector<2048x8xf32>
    %jit3A_48 = arith.constant 0.000000e+00 : f32
    %broadcast_in_dim3A_49 = vector.broadcast %jit3A_48 : f32 to vector<2048x8xf32>
    %select_n3A_50 = arith.select %eq3A_35, %dot_general3A_45, %broadcast_in_dim3A_49 : vector<2048x8xi1>, vector<2048x8xf32>
    %reduce_sum3A_51 = arith.constant dense<0.000000e+00> : vector<2048xf32>
    %reduce_sum3A_52 = vector.multi_reduction <add>, %select_n3A_50, %reduce_sum3A_51 [1] : vector<2048x8xf32> to vector<2048xf32>
    %convert_element_type3A_53 = arith.fptosi %reduce_sum3A_52 : vector<2048xf32> to vector<2048xi32>
    %jit3A_54 = arith.constant 0.000000e+00 : f32
    %broadcast_in_dim3A_55 = vector.broadcast %jit3A_54 : f32 to vector<2048x8xf32>
    %select_n3A_56 = arith.select %eq3A_37, %dot_general3A_47, %broadcast_in_dim3A_55 : vector<2048x8xi1>, vector<2048x8xf32>
    %reduce_sum3A_57 = arith.constant dense<0.000000e+00> : vector<2048xf32>
    %reduce_sum3A_58 = vector.multi_reduction <add>, %select_n3A_56, %reduce_sum3A_57 [1] : vector<2048x8xf32> to vector<2048xf32>
    %convert_element_type3A_59 = arith.fptosi %reduce_sum3A_58 : vector<2048xf32> to vector<2048xi32>
    %reduce_sum3A_60 = arith.constant dense<0.000000e+00> : vector<8xf32>
    %reduce_sum3A_61 = vector.multi_reduction <add>, %convert_element_type3A_38, %reduce_sum3A_60 [0] : vector<2048x8xf32> to vector<8xf32>
    %convert_element_type3A_62 = arith.fptosi %reduce_sum3A_61 : vector<8xf32> to vector<8xi32>
    %reduce_sum3A_63 = arith.constant dense<0.000000e+00> : vector<8xf32>
    %reduce_sum3A_64 = vector.multi_reduction <add>, %convert_element_type3A_40, %reduce_sum3A_63 [0] : vector<2048x8xf32> to vector<8xf32>
    %convert_element_type3A_65 = arith.fptosi %reduce_sum3A_64 : vector<8xf32> to vector<8xi32>
    %add3A_66 = arith.addi %convert_element_type3A_62, %convert_element_type3A_65 : vector<8xi32>
    %iota3A_67 = tpu.iota {dimensions = array<i32: 0>} : vector<8x8xi32>
    %iota3A_68 = tpu.iota {dimensions = array<i32: 1>} : vector<8x8xi32>
    %reshape3A = vector.shape_cast %add3A_66 : vector<8xi32> to vector<8x1xi32>
    %broadcast_in_dim3A_69 = vector.shape_cast %reshape3A : vector<8x1xi32> to vector<8x1xi32>
    %broadcast_in_dim3A_70 = vector.broadcast %broadcast_in_dim3A_69 : vector<8x1xi32> to vector<8x8xi32>
    %lt3A = arith.cmpi slt, %iota3A_67, %iota3A_68 : vector<8x8xi32>
    %jit3A_71 = arith.constant 0 : i32
    %broadcast_in_dim3A_72 = vector.broadcast %jit3A_71 : i32 to vector<8x8xi32>
    %select_n3A_73 = arith.select %lt3A, %broadcast_in_dim3A_70, %broadcast_in_dim3A_72 : vector<8x8xi1>, vector<8x8xi32>
    %reduce_sum3A_74 = arith.constant dense<0> : vector<8xi32>
    %reduce_sum3A_75 = vector.multi_reduction <add>, %select_n3A_73, %reduce_sum3A_74 [0] : vector<8x8xi32> to vector<8xi32>
    %reshape3A_76 = vector.shape_cast %reduce_sum3A_75 : vector<8xi32> to vector<1x8xi32>
    %broadcast_in_dim3A_77 = vector.shape_cast %reshape3A_76 : vector<1x8xi32> to vector<1x8xi32>
    %broadcast_in_dim3A_78 = vector.broadcast %broadcast_in_dim3A_77 : vector<1x8xi32> to vector<2048x8xi32>
    %reshape3A_79 = vector.shape_cast %convert_element_type3A_62 : vector<8xi32> to vector<1x8xi32>
    %broadcast_in_dim3A_80 = vector.shape_cast %reshape3A_79 : vector<1x8xi32> to vector<1x8xi32>
    %broadcast_in_dim3A_81 = vector.broadcast %broadcast_in_dim3A_80 : vector<1x8xi32> to vector<2048x8xi32>
    %jit3A_82 = arith.constant 0 : i32
    %broadcast_in_dim3A_83 = vector.broadcast %jit3A_82 : i32 to vector<2048x8xi32>
    %select_n3A_84 = arith.select %eq3A_35, %broadcast_in_dim3A_78, %broadcast_in_dim3A_83 : vector<2048x8xi1>, vector<2048x8xi32>
    %reduce_sum3A_85 = arith.constant dense<0> : vector<2048xi32>
    %reduce_sum3A_86 = vector.multi_reduction <add>, %select_n3A_84, %reduce_sum3A_85 [1] : vector<2048x8xi32> to vector<2048xi32>
    %jit3A_87 = arith.constant 0 : i32
    %broadcast_in_dim3A_88 = vector.broadcast %jit3A_87 : i32 to vector<2048x8xi32>
    %select_n3A_89 = arith.select %eq3A_37, %broadcast_in_dim3A_78, %broadcast_in_dim3A_88 : vector<2048x8xi1>, vector<2048x8xi32>
    %reduce_sum3A_90 = arith.constant dense<0> : vector<2048xi32>
    %reduce_sum3A_91 = vector.multi_reduction <add>, %select_n3A_89, %reduce_sum3A_90 [1] : vector<2048x8xi32> to vector<2048xi32>
    %jit3A_92 = arith.constant 0 : i32
    %broadcast_in_dim3A_93 = vector.broadcast %jit3A_92 : i32 to vector<2048x8xi32>
    %select_n3A_94 = arith.select %eq3A_37, %broadcast_in_dim3A_81, %broadcast_in_dim3A_93 : vector<2048x8xi1>, vector<2048x8xi32>
    %reduce_sum3A_95 = arith.constant dense<0> : vector<2048xi32>
    %reduce_sum3A_96 = vector.multi_reduction <add>, %select_n3A_94, %reduce_sum3A_95 [1] : vector<2048x8xi32> to vector<2048xi32>
    %add3A_97 = arith.addi %reduce_sum3A_86, %convert_element_type3A_53 : vector<2048xi32>
    %swap3A = arith.constant 0 : index
    %swap3A_98 = vector.load %arg1[%swap3A] : memref<2048xi32, #tpu.memory_space<vmem>>, vector<2048xi32>
    tpu.vector_store %arg1[%swap3A], %add3A_97 {strides = array<i32>} : memref<2048xi32, #tpu.memory_space<vmem>>, vector<2048xi32>,
    %add3A_99 = arith.addi %reduce_sum3A_91, %reduce_sum3A_96 : vector<2048xi32>
    %add3A_100 = arith.addi %add3A_99, %convert_element_type3A_59 : vector<2048xi32>
    %swap3A_101 = arith.constant 0 : index
    %swap3A_102 = vector.load %arg2[%swap3A_101] : memref<2048xi32, #tpu.memory_space<vmem>>, vector<2048xi32>
    tpu.vector_store %arg2[%swap3A_101], %add3A_100 {strides = array<i32>} : memref<2048xi32, #tpu.memory_space<vmem>>, vector<2048xi32>,
    %broadcast_in_dim3A_103 = vector.shape_cast %div3A_32 : vector<2048x1xf32> to vector<2048x1xf32>
    %broadcast_in_dim3A_104 = vector.broadcast %broadcast_in_dim3A_103 : vector<2048x1xf32> to vector<2048x16xf32>
    %swap3A_105 = arith.constant 0 : index
    %swap3A_106 = arith.constant 0 : index
    %swap3A_107 = vector.load %arg3[%swap3A_105, %swap3A_106] : memref<2048x16xf32, #tpu.memory_space<vmem>>, vector<2048x16xf32>
    tpu.vector_store %arg3[%swap3A_105, %swap3A_106], %broadcast_in_dim3A_104 {strides = array<i32>} : memref<2048x16xf32, #tpu.memory_space<vmem>>, vector<2048x16xf32>,
    %broadcast_in_dim3A_108 = vector.shape_cast %div3A_33 : vector<2048x1xf32> to vector<2048x1xf32>
    %broadcast_in_dim3A_109 = vector.broadcast %broadcast_in_dim3A_108 : vector<2048x1xf32> to vector<2048x16xf32>
    %swap3A_110 = arith.constant 0 : index
    %swap3A_111 = arith.constant 0 : index
    %swap3A_112 = vector.load %arg4[%swap3A_110, %swap3A_111] : memref<2048x16xf32, #tpu.memory_space<vmem>>, vector<2048x16xf32>
    tpu.vector_store %arg4[%swap3A_110, %swap3A_111], %broadcast_in_dim3A_109 {strides = array<i32>} : memref<2048x16xf32, #tpu.memory_space<vmem>>, vector<2048x16xf32>,
    %swap3A_113 = arith.constant 0 : index
    %swap3A_114 = vector.load %arg5[%swap3A_113] : memref<8xi32, #tpu.memory_space<vmem>>, vector<8xi32>
    tpu.vector_store %arg5[%swap3A_113], %reduce_sum3A_75 {strides = array<i32>} : memref<8xi32, #tpu.memory_space<vmem>>, vector<8xi32>,
    %swap3A_115 = arith.constant 0 : index
    %swap3A_116 = vector.load %arg6[%swap3A_115] : memref<8xi32, #tpu.memory_space<vmem>>, vector<8xi32>
    tpu.vector_store %arg6[%swap3A_115], %add3A_66 {strides = array<i32>} : memref<8xi32, #tpu.memory_space<vmem>>, vector<8xi32>,
    %iota3A_117 = tpu.iota {dimensions = array<i32: 1>} : vector<8x16xi32>
    %reshape3A_118 = vector.shape_cast %reduce_sum3A_75 : vector<8xi32> to vector<8x1xi32>
    %broadcast_in_dim3A_119 = vector.shape_cast %reshape3A_118 : vector<8x1xi32> to vector<8x1xi32>
    %broadcast_in_dim3A_120 = vector.broadcast %broadcast_in_dim3A_119 : vector<8x1xi32> to vector<8x16xi32>
    %reshape3A_121 = vector.shape_cast %add3A_66 : vector<8xi32> to vector<8x1xi32>
    %broadcast_in_dim3A_122 = vector.shape_cast %reshape3A_121 : vector<8x1xi32> to vector<8x1xi32>
    %broadcast_in_dim3A_123 = vector.broadcast %broadcast_in_dim3A_122 : vector<8x1xi32> to vector<8x16xi32>
    %add3A_124 = arith.addi %broadcast_in_dim3A_120, %broadcast_in_dim3A_123 : vector<8x16xi32>
    %mul3A = arith.constant 256 : i32
    %mul3A_125 = vector.broadcast %mul3A : i32 to vector<8x16xi32>
    %mul3A_126 = arith.muli %iota3A_117, %mul3A_125 : vector<8x16xi32>
    %add3A_127 = arith.constant 256 : i32
    %add3A_128 = vector.broadcast %add3A_127 : i32 to vector<8x16xi32>
    %add3A_129 = arith.addi %mul3A_126, %add3A_128 : vector<8x16xi32>
    %max3A_130 = arith.maxsi %broadcast_in_dim3A_120, %mul3A_126 : vector<8x16xi32>
    %min3A = arith.minsi %add3A_124, %add3A_129 : vector<8x16xi32>
    %sub3A_131 = arith.subi %min3A, %max3A_130 : vector<8x16xi32>
    %max3A_132 = arith.constant 0 : i32
    %max3A_133 = vector.broadcast %max3A_132 : i32 to vector<8x16xi32>
    %max3A_134 = arith.maxsi %sub3A_131, %max3A_133 : vector<8x16xi32>
    %gt3A_135 = arith.constant 0 : i32
    %gt3A_136 = vector.broadcast %gt3A_135 : i32 to vector<8x16xi32>
    %gt3A_137 = arith.cmpi sgt, %max3A_134, %gt3A_136 : vector<8x16xi32>
    %convert_element_type3A_138 = arith.extui %gt3A_137 : vector<8x16xi1> to vector<8x16xi32>
    %reduce_sum3A_139 = arith.constant dense<0> : vector<8xi32>
    %reduce_sum3A_140 = vector.multi_reduction <add>, %convert_element_type3A_138, %reduce_sum3A_139 [1] : vector<8x16xi32> to vector<8xi32>
    %reshape3A_141 = vector.shape_cast %reduce_sum3A_140 : vector<8xi32> to vector<8x1xi32>
    %broadcast_in_dim3A_142 = vector.shape_cast %reshape3A_141 : vector<8x1xi32> to vector<8x1xi32>
    %broadcast_in_dim3A_143 = vector.broadcast %broadcast_in_dim3A_142 : vector<8x1xi32> to vector<8x8xi32>
    %lt3A_144 = arith.cmpi slt, %iota3A_67, %iota3A_68 : vector<8x8xi32>
    %jit3A_145 = arith.constant 0 : i32
    %broadcast_in_dim3A_146 = vector.broadcast %jit3A_145 : i32 to vector<8x8xi32>
    %select_n3A_147 = arith.select %lt3A_144, %broadcast_in_dim3A_143, %broadcast_in_dim3A_146 : vector<8x8xi1>, vector<8x8xi32>
    %reduce_sum3A_148 = arith.constant dense<0> : vector<8xi32>
    %reduce_sum3A_149 = vector.multi_reduction <add>, %select_n3A_147, %reduce_sum3A_148 [0] : vector<8x8xi32> to vector<8xi32>
    %iota3A_150 = tpu.iota {dimensions = array<i32: 0>} : vector<16x16xi32>
    %iota3A_151 = tpu.iota {dimensions = array<i32: 1>} : vector<16x16xi32>
    %lt3A_152 = arith.cmpi slt, %iota3A_150, %iota3A_151 : vector<16x16xi32>
    %convert_element_type3A_153 = arith.extui %lt3A_152 : vector<16x16xi1> to vector<16x16xi32>
    %convert_element_type3A_154 = arith.sitofp %convert_element_type3A_153 : vector<16x16xi32> to vector<16x16xf32>
    %convert_element_type3A_155 = arith.sitofp %convert_element_type3A_138 : vector<8x16xi32> to vector<8x16xf32>
    %dot_general3A_156 = arith.constant dense<0.000000e+00> : vector<8x16xf32>
    %dot_general3A_157 = tpu.matmul %convert_element_type3A_155, %convert_element_type3A_154, %dot_general3A_156 {dimension_numbers = #tpu.dot_dimension_numbers<[1], [0], [0], [1], [0, 0, 1, 1], [], []>, transpose_lhs_hint = false} : vector<8x16xf32>, vector<16x16xf32>, vector<8x16xf32> -> vector<8x16xf32>
    %convert_element_type3A_158 = arith.fptosi %dot_general3A_157 : vector<8x16xf32> to vector<8x16xi32>
    %reshape3A_159 = vector.shape_cast %reduce_sum3A_149 : vector<8xi32> to vector<8x1xi32>
    %broadcast_in_dim3A_160 = vector.shape_cast %reshape3A_159 : vector<8x1xi32> to vector<8x1xi32>
    %broadcast_in_dim3A_161 = vector.broadcast %broadcast_in_dim3A_160 : vector<8x1xi32> to vector<8x16xi32>
    %add3A_162 = arith.addi %broadcast_in_dim3A_161, %convert_element_type3A_158 : vector<8x16xi32>
    %iota3A_163 = tpu.iota {dimensions = array<i32: 0>} : vector<23x16xi32>
    %broadcast_in_dim3A_164 = arith.constant 0 : i32
    %broadcast_in_dim3A_165 = vector.broadcast %broadcast_in_dim3A_164 : i32 to vector<23xi32>
    %broadcast_in_dim3A_166 = arith.constant 0 : i32
    %broadcast_in_dim3A_167 = vector.broadcast %broadcast_in_dim3A_166 : i32 to vector<23xi32>
    %broadcast_in_dim3A_168 = arith.constant 0 : i32
    %broadcast_in_dim3A_169 = vector.broadcast %broadcast_in_dim3A_168 : i32 to vector<23xi32>
    %broadcast_in_dim3A_170 = arith.constant 0 : i32
    %broadcast_in_dim3A_171 = vector.broadcast %broadcast_in_dim3A_170 : i32 to vector<23xi32>
    %iota3A_172 = tpu.iota {dimensions = array<i32: 1>} : vector<23x16xi32>
    %slice3A = vector.extract_strided_slice %add3A_162 {offsets = [0, 0], sizes = [1, 16], strides = [1, 1]} : vector<8x16xi32> to vector<1x16xi32>
    %squeeze3A = vector.shape_cast %slice3A : vector<1x16xi32> to vector<16xi32>
    %reshape3A_173 = vector.shape_cast %squeeze3A : vector<16xi32> to vector<1x16xi32>
    %broadcast_in_dim3A_174 = vector.shape_cast %reshape3A_173 : vector<1x16xi32> to vector<1x16xi32>
    %broadcast_in_dim3A_175 = vector.broadcast %broadcast_in_dim3A_174 : vector<1x16xi32> to vector<23x16xi32>
    %eq3A_176 = arith.cmpi eq, %broadcast_in_dim3A_175, %iota3A_163 : vector<23x16xi32>
    %slice3A_177 = vector.extract_strided_slice %convert_element_type3A_138 {offsets = [0, 0], sizes = [1, 16], strides = [1, 1]} : vector<8x16xi32> to vector<1x16xi32>
    %squeeze3A_178 = vector.shape_cast %slice3A_177 : vector<1x16xi32> to vector<16xi32>
    %reshape3A_179 = vector.shape_cast %squeeze3A_178 : vector<16xi32> to vector<1x16xi32>
    %broadcast_in_dim3A_180 = vector.shape_cast %reshape3A_179 : vector<1x16xi32> to vector<1x16xi32>
    %broadcast_in_dim3A_181 = vector.broadcast %broadcast_in_dim3A_180 : vector<1x16xi32> to vector<23x16xi32>
    %gt3A_182 = arith.constant 0 : i32
    %gt3A_183 = vector.broadcast %gt3A_182 : i32 to vector<23x16xi32>
    %gt3A_184 = arith.cmpi sgt, %broadcast_in_dim3A_181, %gt3A_183 : vector<23x16xi32>
    %and3A = arith.andi %eq3A_176, %gt3A_184 : vector<23x16xi1>
    %jit3A_185 = arith.constant 0 : i32
    %jit3A_186 = arith.constant 0 : i32
    %broadcast_in_dim3A_187 = vector.broadcast %jit3A_185 : i32 to vector<23x16xi32>
    %broadcast_in_dim3A_188 = vector.broadcast %jit3A_186 : i32 to vector<23x16xi32>
    %select_n3A_189 = arith.select %and3A, %broadcast_in_dim3A_187, %broadcast_in_dim3A_188 : vector<23x16xi1>, vector<23x16xi32>
    %reduce_sum3A_190 = arith.constant dense<0> : vector<23xi32>
    %reduce_sum3A_191 = vector.multi_reduction <add>, %select_n3A_189, %reduce_sum3A_190 [1] : vector<23x16xi32> to vector<23xi32>
    %add3A_192 = arith.addi %broadcast_in_dim3A_165, %reduce_sum3A_191 : vector<23xi32>
    %jit3A_193 = arith.constant 0 : i32
    %broadcast_in_dim3A_194 = vector.broadcast %jit3A_193 : i32 to vector<23x16xi32>
    %select_n3A_195 = arith.select %and3A, %iota3A_172, %broadcast_in_dim3A_194 : vector<23x16xi1>, vector<23x16xi32>
    %reduce_sum3A_196 = arith.constant dense<0> : vector<23xi32>
    %reduce_sum3A_197 = vector.multi_reduction <add>, %select_n3A_195, %reduce_sum3A_196 [1] : vector<23x16xi32> to vector<23xi32>
    %add3A_198 = arith.addi %broadcast_in_dim3A_167, %reduce_sum3A_197 : vector<23xi32>
    %slice3A_199 = vector.extract_strided_slice %max3A_130 {offsets = [0, 0], sizes = [1, 16], strides = [1, 1]} : vector<8x16xi32> to vector<1x16xi32>
    %squeeze3A_200 = vector.shape_cast %slice3A_199 : vector<1x16xi32> to vector<16xi32>
    %reshape3A_201 = vector.shape_cast %squeeze3A_200 : vector<16xi32> to vector<1x16xi32>
    %broadcast_in_dim3A_202 = vector.shape_cast %reshape3A_201 : vector<1x16xi32> to vector<1x16xi32>
    %broadcast_in_dim3A_203 = vector.broadcast %broadcast_in_dim3A_202 : vector<1x16xi32> to vector<23x16xi32>
    %jit3A_204 = arith.constant 0 : i32
    %broadcast_in_dim3A_205 = vector.broadcast %jit3A_204 : i32 to vector<23x16xi32>
    %select_n3A_206 = arith.select %and3A, %broadcast_in_dim3A_203, %broadcast_in_dim3A_205 : vector<23x16xi1>, vector<23x16xi32>
    %reduce_sum3A_207 = arith.constant dense<0> : vector<23xi32>
    %reduce_sum3A_208 = vector.multi_reduction <add>, %select_n3A_206, %reduce_sum3A_207 [1] : vector<23x16xi32> to vector<23xi32>
    %add3A_209 = arith.addi %broadcast_in_dim3A_169, %reduce_sum3A_208 : vector<23xi32>
    %slice3A_210 = vector.extract_strided_slice %max3A_134 {offsets = [0, 0], sizes = [1, 16], strides = [1, 1]} : vector<8x16xi32> to vector<1x16xi32>
    %squeeze3A_211 = vector.shape_cast %slice3A_210 : vector<1x16xi32> to vector<16xi32>
    %reshape3A_212 = vector.shape_cast %squeeze3A_211 : vector<16xi32> to vector<1x16xi32>
    %broadcast_in_dim3A_213 = vector.shape_cast %reshape3A_212 : vector<1x16xi32> to vector<1x16xi32>
    %broadcast_in_dim3A_214 = vector.broadcast %broadcast_in_dim3A_213 : vector<1x16xi32> to vector<23x16xi32>
    %jit3A_215 = arith.constant 0 : i32
    %broadcast_in_dim3A_216 = vector.broadcast %jit3A_215 : i32 to vector<23x16xi32>
    %select_n3A_217 = arith.select %and3A, %broadcast_in_dim3A_214, %broadcast_in_dim3A_216 : vector<23x16xi1>, vector<23x16xi32>
    %reduce_sum3A_218 = arith.constant dense<0> : vector<23xi32>
    %reduce_sum3A_219 = vector.multi_reduction <add>, %select_n3A_217, %reduce_sum3A_218 [1] : vector<23x16xi32> to vector<23xi32>
    %add3A_220 = arith.addi %broadcast_in_dim3A_171, %reduce_sum3A_219 : vector<23xi32>
    %slice3A_221 = vector.extract_strided_slice %add3A_162 {offsets = [1, 0], sizes = [1, 16], strides = [1, 1]} : vector<8x16xi32> to vector<1x16xi32>
    %squeeze3A_222 = vector.shape_cast %slice3A_221 : vector<1x16xi32> to vector<16xi32>
    %reshape3A_223 = vector.shape_cast %squeeze3A_222 : vector<16xi32> to vector<1x16xi32>
    %broadcast_in_dim3A_224 = vector.shape_cast %reshape3A_223 : vector<1x16xi32> to vector<1x16xi32>
    %broadcast_in_dim3A_225 = vector.broadcast %broadcast_in_dim3A_224 : vector<1x16xi32> to vector<23x16xi32>
    %eq3A_226 = arith.cmpi eq, %broadcast_in_dim3A_225, %iota3A_163 : vector<23x16xi32>
    %slice3A_227 = vector.extract_strided_slice %convert_element_type3A_138 {offsets = [1, 0], sizes = [1, 16], strides = [1, 1]} : vector<8x16xi32> to vector<1x16xi32>
    %squeeze3A_228 = vector.shape_cast %slice3A_227 : vector<1x16xi32> to vector<16xi32>
    %reshape3A_229 = vector.shape_cast %squeeze3A_228 : vector<16xi32> to vector<1x16xi32>
    %broadcast_in_dim3A_230 = vector.shape_cast %reshape3A_229 : vector<1x16xi32> to vector<1x16xi32>
    %broadcast_in_dim3A_231 = vector.broadcast %broadcast_in_dim3A_230 : vector<1x16xi32> to vector<23x16xi32>
    %gt3A_232 = arith.constant 0 : i32
    %gt3A_233 = vector.broadcast %gt3A_232 : i32 to vector<23x16xi32>
    %gt3A_234 = arith.cmpi sgt, %broadcast_in_dim3A_231, %gt3A_233 : vector<23x16xi32>
    %and3A_235 = arith.andi %eq3A_226, %gt3A_234 : vector<23x16xi1>
    %jit3A_236 = arith.constant 1 : i32
    %jit3A_237 = arith.constant 0 : i32
    %broadcast_in_dim3A_238 = vector.broadcast %jit3A_236 : i32 to vector<23x16xi32>
    %broadcast_in_dim3A_239 = vector.broadcast %jit3A_237 : i32 to vector<23x16xi32>
    %select_n3A_240 = arith.select %and3A_235, %broadcast_in_dim3A_238, %broadcast_in_dim3A_239 : vector<23x16xi1>, vector<23x16xi32>
    %reduce_sum3A_241 = arith.constant dense<0> : vector<23xi32>
    %reduce_sum3A_242 = vector.multi_reduction <add>, %select_n3A_240, %reduce_sum3A_241 [1] : vector<23x16xi32> to vector<23xi32>
    %add3A_243 = arith.addi %add3A_192, %reduce_sum3A_242 : vector<23xi32>
    %jit3A_244 = arith.constant 0 : i32
    %broadcast_in_dim3A_245 = vector.broadcast %jit3A_244 : i32 to vector<23x16xi32>
    %select_n3A_246 = arith.select %and3A_235, %iota3A_172, %broadcast_in_dim3A_245 : vector<23x16xi1>, vector<23x16xi32>
    %reduce_sum3A_247 = arith.constant dense<0> : vector<23xi32>
    %reduce_sum3A_248 = vector.multi_reduction <add>, %select_n3A_246, %reduce_sum3A_247 [1] : vector<23x16xi32> to vector<23xi32>
    %add3A_249 = arith.addi %add3A_198, %reduce_sum3A_248 : vector<23xi32>
    %slice3A_250 = vector.extract_strided_slice %max3A_130 {offsets = [1, 0], sizes = [1, 16], strides = [1, 1]} : vector<8x16xi32> to vector<1x16xi32>
    %squeeze3A_251 = vector.shape_cast %slice3A_250 : vector<1x16xi32> to vector<16xi32>
    %reshape3A_252 = vector.shape_cast %squeeze3A_251 : vector<16xi32> to vector<1x16xi32>
    %broadcast_in_dim3A_253 = vector.shape_cast %reshape3A_252 : vector<1x16xi32> to vector<1x16xi32>
    %broadcast_in_dim3A_254 = vector.broadcast %broadcast_in_dim3A_253 : vector<1x16xi32> to vector<23x16xi32>
    %jit3A_255 = arith.constant 0 : i32
    %broadcast_in_dim3A_256 = vector.broadcast %jit3A_255 : i32 to vector<23x16xi32>
    %select_n3A_257 = arith.select %and3A_235, %broadcast_in_dim3A_254, %broadcast_in_dim3A_256 : vector<23x16xi1>, vector<23x16xi32>
    %reduce_sum3A_258 = arith.constant dense<0> : vector<23xi32>
    %reduce_sum3A_259 = vector.multi_reduction <add>, %select_n3A_257, %reduce_sum3A_258 [1] : vector<23x16xi32> to vector<23xi32>
    %add3A_260 = arith.addi %add3A_209, %reduce_sum3A_259 : vector<23xi32>
    %slice3A_261 = vector.extract_strided_slice %max3A_134 {offsets = [1, 0], sizes = [1, 16], strides = [1, 1]} : vector<8x16xi32> to vector<1x16xi32>
    %squeeze3A_262 = vector.shape_cast %slice3A_261 : vector<1x16xi32> to vector<16xi32>
    %reshape3A_263 = vector.shape_cast %squeeze3A_262 : vector<16xi32> to vector<1x16xi32>
    %broadcast_in_dim3A_264 = vector.shape_cast %reshape3A_263 : vector<1x16xi32> to vector<1x16xi32>
    %broadcast_in_dim3A_265 = vector.broadcast %broadcast_in_dim3A_264 : vector<1x16xi32> to vector<23x16xi32>
    %jit3A_266 = arith.constant 0 : i32
    %broadcast_in_dim3A_267 = vector.broadcast %jit3A_266 : i32 to vector<23x16xi32>
    %select_n3A_268 = arith.select %and3A_235, %broadcast_in_dim3A_265, %broadcast_in_dim3A_267 : vector<23x16xi1>, vector<23x16xi32>
    %reduce_sum3A_269 = arith.constant dense<0> : vector<23xi32>
    %reduce_sum3A_270 = vector.multi_reduction <add>, %select_n3A_268, %reduce_sum3A_269 [1] : vector<23x16xi32> to vector<23xi32>
    %add3A_271 = arith.addi %add3A_220, %reduce_sum3A_270 : vector<23xi32>
    %slice3A_272 = vector.extract_strided_slice %add3A_162 {offsets = [2, 0], sizes = [1, 16], strides = [1, 1]} : vector<8x16xi32> to vector<1x16xi32>
    %squeeze3A_273 = vector.shape_cast %slice3A_272 : vector<1x16xi32> to vector<16xi32>
    %reshape3A_274 = vector.shape_cast %squeeze3A_273 : vector<16xi32> to vector<1x16xi32>
    %broadcast_in_dim3A_275 = vector.shape_cast %reshape3A_274 : vector<1x16xi32> to vector<1x16xi32>
    %broadcast_in_dim3A_276 = vector.broadcast %broadcast_in_dim3A_275 : vector<1x16xi32> to vector<23x16xi32>
    %eq3A_277 = arith.cmpi eq, %broadcast_in_dim3A_276, %iota3A_163 : vector<23x16xi32>
    %slice3A_278 = vector.extract_strided_slice %convert_element_type3A_138 {offsets = [2, 0], sizes = [1, 16], strides = [1, 1]} : vector<8x16xi32> to vector<1x16xi32>
    %squeeze3A_279 = vector.shape_cast %slice3A_278 : vector<1x16xi32> to vector<16xi32>
    %reshape3A_280 = vector.shape_cast %squeeze3A_279 : vector<16xi32> to vector<1x16xi32>
    %broadcast_in_dim3A_281 = vector.shape_cast %reshape3A_280 : vector<1x16xi32> to vector<1x16xi32>
    %broadcast_in_dim3A_282 = vector.broadcast %broadcast_in_dim3A_281 : vector<1x16xi32> to vector<23x16xi32>
    %gt3A_283 = arith.constant 0 : i32
    %gt3A_284 = vector.broadcast %gt3A_283 : i32 to vector<23x16xi32>
    %gt3A_285 = arith.cmpi sgt, %broadcast_in_dim3A_282, %gt3A_284 : vector<23x16xi32>
    %and3A_286 = arith.andi %eq3A_277, %gt3A_285 : vector<23x16xi1>
    %jit3A_287 = arith.constant 2 : i32
    %jit3A_288 = arith.constant 0 : i32
    %broadcast_in_dim3A_289 = vector.broadcast %jit3A_287 : i32 to vector<23x16xi32>
    %broadcast_in_dim3A_290 = vector.broadcast %jit3A_288 : i32 to vector<23x16xi32>
    %select_n3A_291 = arith.select %and3A_286, %broadcast_in_dim3A_289, %broadcast_in_dim3A_290 : vector<23x16xi1>, vector<23x16xi32>
    %reduce_sum3A_292 = arith.constant dense<0> : vector<23xi32>
    %reduce_sum3A_293 = vector.multi_reduction <add>, %select_n3A_291, %reduce_sum3A_292 [1] : vector<23x16xi32> to vector<23xi32>
    %add3A_294 = arith.addi %add3A_243, %reduce_sum3A_293 : vector<23xi32>
    %jit3A_295 = arith.constant 0 : i32
    %broadcast_in_dim3A_296 = vector.broadcast %jit3A_295 : i32 to vector<23x16xi32>
    %select_n3A_297 = arith.select %and3A_286, %iota3A_172, %broadcast_in_dim3A_296 : vector<23x16xi1>, vector<23x16xi32>
    %reduce_sum3A_298 = arith.constant dense<0> : vector<23xi32>
    %reduce_sum3A_299 = vector.multi_reduction <add>, %select_n3A_297, %reduce_sum3A_298 [1] : vector<23x16xi32> to vector<23xi32>
    %add3A_300 = arith.addi %add3A_249, %reduce_sum3A_299 : vector<23xi32>
    %slice3A_301 = vector.extract_strided_slice %max3A_130 {offsets = [2, 0], sizes = [1, 16], strides = [1, 1]} : vector<8x16xi32> to vector<1x16xi32>
    %squeeze3A_302 = vector.shape_cast %slice3A_301 : vector<1x16xi32> to vector<16xi32>
    %reshape3A_303 = vector.shape_cast %squeeze3A_302 : vector<16xi32> to vector<1x16xi32>
    %broadcast_in_dim3A_304 = vector.shape_cast %reshape3A_303 : vector<1x16xi32> to vector<1x16xi32>
    %broadcast_in_dim3A_305 = vector.broadcast %broadcast_in_dim3A_304 : vector<1x16xi32> to vector<23x16xi32>
    %jit3A_306 = arith.constant 0 : i32
    %broadcast_in_dim3A_307 = vector.broadcast %jit3A_306 : i32 to vector<23x16xi32>
    %select_n3A_308 = arith.select %and3A_286, %broadcast_in_dim3A_305, %broadcast_in_dim3A_307 : vector<23x16xi1>, vector<23x16xi32>
    %reduce_sum3A_309 = arith.constant dense<0> : vector<23xi32>
    %reduce_sum3A_310 = vector.multi_reduction <add>, %select_n3A_308, %reduce_sum3A_309 [1] : vector<23x16xi32> to vector<23xi32>
    %add3A_311 = arith.addi %add3A_260, %reduce_sum3A_310 : vector<23xi32>
    %slice3A_312 = vector.extract_strided_slice %max3A_134 {offsets = [2, 0], sizes = [1, 16], strides = [1, 1]} : vector<8x16xi32> to vector<1x16xi32>
    %squeeze3A_313 = vector.shape_cast %slice3A_312 : vector<1x16xi32> to vector<16xi32>
    %reshape3A_314 = vector.shape_cast %squeeze3A_313 : vector<16xi32> to vector<1x16xi32>
    %broadcast_in_dim3A_315 = vector.shape_cast %reshape3A_314 : vector<1x16xi32> to vector<1x16xi32>
    %broadcast_in_dim3A_316 = vector.broadcast %broadcast_in_dim3A_315 : vector<1x16xi32> to vector<23x16xi32>
    %jit3A_317 = arith.constant 0 : i32
    %broadcast_in_dim3A_318 = vector.broadcast %jit3A_317 : i32 to vector<23x16xi32>
    %select_n3A_319 = arith.select %and3A_286, %broadcast_in_dim3A_316, %broadcast_in_dim3A_318 : vector<23x16xi1>, vector<23x16xi32>
    %reduce_sum3A_320 = arith.constant dense<0> : vector<23xi32>
    %reduce_sum3A_321 = vector.multi_reduction <add>, %select_n3A_319, %reduce_sum3A_320 [1] : vector<23x16xi32> to vector<23xi32>
    %add3A_322 = arith.addi %add3A_271, %reduce_sum3A_321 : vector<23xi32>
    %slice3A_323 = vector.extract_strided_slice %add3A_162 {offsets = [3, 0], sizes = [1, 16], strides = [1, 1]} : vector<8x16xi32> to vector<1x16xi32>
    %squeeze3A_324 = vector.shape_cast %slice3A_323 : vector<1x16xi32> to vector<16xi32>
    %reshape3A_325 = vector.shape_cast %squeeze3A_324 : vector<16xi32> to vector<1x16xi32>
    %broadcast_in_dim3A_326 = vector.shape_cast %reshape3A_325 : vector<1x16xi32> to vector<1x16xi32>
    %broadcast_in_dim3A_327 = vector.broadcast %broadcast_in_dim3A_326 : vector<1x16xi32> to vector<23x16xi32>
    %eq3A_328 = arith.cmpi eq, %broadcast_in_dim3A_327, %iota3A_163 : vector<23x16xi32>
    %slice3A_329 = vector.extract_strided_slice %convert_element_type3A_138 {offsets = [3, 0], sizes = [1, 16], strides = [1, 1]} : vector<8x16xi32> to vector<1x16xi32>
    %squeeze3A_330 = vector.shape_cast %slice3A_329 : vector<1x16xi32> to vector<16xi32>
    %reshape3A_331 = vector.shape_cast %squeeze3A_330 : vector<16xi32> to vector<1x16xi32>
    %broadcast_in_dim3A_332 = vector.shape_cast %reshape3A_331 : vector<1x16xi32> to vector<1x16xi32>
    %broadcast_in_dim3A_333 = vector.broadcast %broadcast_in_dim3A_332 : vector<1x16xi32> to vector<23x16xi32>
    %gt3A_334 = arith.constant 0 : i32
    %gt3A_335 = vector.broadcast %gt3A_334 : i32 to vector<23x16xi32>
    %gt3A_336 = arith.cmpi sgt, %broadcast_in_dim3A_333, %gt3A_335 : vector<23x16xi32>
    %and3A_337 = arith.andi %eq3A_328, %gt3A_336 : vector<23x16xi1>
    %jit3A_338 = arith.constant 3 : i32
    %jit3A_339 = arith.constant 0 : i32
    %broadcast_in_dim3A_340 = vector.broadcast %jit3A_338 : i32 to vector<23x16xi32>
    %broadcast_in_dim3A_341 = vector.broadcast %jit3A_339 : i32 to vector<23x16xi32>
    %select_n3A_342 = arith.select %and3A_337, %broadcast_in_dim3A_340, %broadcast_in_dim3A_341 : vector<23x16xi1>, vector<23x16xi32>
    %reduce_sum3A_343 = arith.constant dense<0> : vector<23xi32>
    %reduce_sum3A_344 = vector.multi_reduction <add>, %select_n3A_342, %reduce_sum3A_343 [1] : vector<23x16xi32> to vector<23xi32>
    %add3A_345 = arith.addi %add3A_294, %reduce_sum3A_344 : vector<23xi32>
    %jit3A_346 = arith.constant 0 : i32
    %broadcast_in_dim3A_347 = vector.broadcast %jit3A_346 : i32 to vector<23x16xi32>
    %select_n3A_348 = arith.select %and3A_337, %iota3A_172, %broadcast_in_dim3A_347 : vector<23x16xi1>, vector<23x16xi32>
    %reduce_sum3A_349 = arith.constant dense<0> : vector<23xi32>
    %reduce_sum3A_350 = vector.multi_reduction <add>, %select_n3A_348, %reduce_sum3A_349 [1] : vector<23x16xi32> to vector<23xi32>
    %add3A_351 = arith.addi %add3A_300, %reduce_sum3A_350 : vector<23xi32>
    %slice3A_352 = vector.extract_strided_slice %max3A_130 {offsets = [3, 0], sizes = [1, 16], strides = [1, 1]} : vector<8x16xi32> to vector<1x16xi32>
    %squeeze3A_353 = vector.shape_cast %slice3A_352 : vector<1x16xi32> to vector<16xi32>
    %reshape3A_354 = vector.shape_cast %squeeze3A_353 : vector<16xi32> to vector<1x16xi32>
    %broadcast_in_dim3A_355 = vector.shape_cast %reshape3A_354 : vector<1x16xi32> to vector<1x16xi32>
    %broadcast_in_dim3A_356 = vector.broadcast %broadcast_in_dim3A_355 : vector<1x16xi32> to vector<23x16xi32>
    %jit3A_357 = arith.constant 0 : i32
    %broadcast_in_dim3A_358 = vector.broadcast %jit3A_357 : i32 to vector<23x16xi32>
    %select_n3A_359 = arith.select %and3A_337, %broadcast_in_dim3A_356, %broadcast_in_dim3A_358 : vector<23x16xi1>, vector<23x16xi32>
    %reduce_sum3A_360 = arith.constant dense<0> : vector<23xi32>
    %reduce_sum3A_361 = vector.multi_reduction <add>, %select_n3A_359, %reduce_sum3A_360 [1] : vector<23x16xi32> to vector<23xi32>
    %add3A_362 = arith.addi %add3A_311, %reduce_sum3A_361 : vector<23xi32>
    %slice3A_363 = vector.extract_strided_slice %max3A_134 {offsets = [3, 0], sizes = [1, 16], strides = [1, 1]} : vector<8x16xi32> to vector<1x16xi32>
    %squeeze3A_364 = vector.shape_cast %slice3A_363 : vector<1x16xi32> to vector<16xi32>
    %reshape3A_365 = vector.shape_cast %squeeze3A_364 : vector<16xi32> to vector<1x16xi32>
    %broadcast_in_dim3A_366 = vector.shape_cast %reshape3A_365 : vector<1x16xi32> to vector<1x16xi32>
    %broadcast_in_dim3A_367 = vector.broadcast %broadcast_in_dim3A_366 : vector<1x16xi32> to vector<23x16xi32>
    %jit3A_368 = arith.constant 0 : i32
    %broadcast_in_dim3A_369 = vector.broadcast %jit3A_368 : i32 to vector<23x16xi32>
    %select_n3A_370 = arith.select %and3A_337, %broadcast_in_dim3A_367, %broadcast_in_dim3A_369 : vector<23x16xi1>, vector<23x16xi32>
    %reduce_sum3A_371 = arith.constant dense<0> : vector<23xi32>
    %reduce_sum3A_372 = vector.multi_reduction <add>, %select_n3A_370, %reduce_sum3A_371 [1] : vector<23x16xi32> to vector<23xi32>
    %add3A_373 = arith.addi %add3A_322, %reduce_sum3A_372 : vector<23xi32>
    %slice3A_374 = vector.extract_strided_slice %add3A_162 {offsets = [4, 0], sizes = [1, 16], strides = [1, 1]} : vector<8x16xi32> to vector<1x16xi32>
    %squeeze3A_375 = vector.shape_cast %slice3A_374 : vector<1x16xi32> to vector<16xi32>
    %reshape3A_376 = vector.shape_cast %squeeze3A_375 : vector<16xi32> to vector<1x16xi32>
    %broadcast_in_dim3A_377 = vector.shape_cast %reshape3A_376 : vector<1x16xi32> to vector<1x16xi32>
    %broadcast_in_dim3A_378 = vector.broadcast %broadcast_in_dim3A_377 : vector<1x16xi32> to vector<23x16xi32>
    %eq3A_379 = arith.cmpi eq, %broadcast_in_dim3A_378, %iota3A_163 : vector<23x16xi32>
    %slice3A_380 = vector.extract_strided_slice %convert_element_type3A_138 {offsets = [4, 0], sizes = [1, 16], strides = [1, 1]} : vector<8x16xi32> to vector<1x16xi32>
    %squeeze3A_381 = vector.shape_cast %slice3A_380 : vector<1x16xi32> to vector<16xi32>
    %reshape3A_382 = vector.shape_cast %squeeze3A_381 : vector<16xi32> to vector<1x16xi32>
    %broadcast_in_dim3A_383 = vector.shape_cast %reshape3A_382 : vector<1x16xi32> to vector<1x16xi32>
    %broadcast_in_dim3A_384 = vector.broadcast %broadcast_in_dim3A_383 : vector<1x16xi32> to vector<23x16xi32>
    %gt3A_385 = arith.constant 0 : i32
    %gt3A_386 = vector.broadcast %gt3A_385 : i32 to vector<23x16xi32>
    %gt3A_387 = arith.cmpi sgt, %broadcast_in_dim3A_384, %gt3A_386 : vector<23x16xi32>
    %and3A_388 = arith.andi %eq3A_379, %gt3A_387 : vector<23x16xi1>
    %jit3A_389 = arith.constant 4 : i32
    %jit3A_390 = arith.constant 0 : i32
    %broadcast_in_dim3A_391 = vector.broadcast %jit3A_389 : i32 to vector<23x16xi32>
    %broadcast_in_dim3A_392 = vector.broadcast %jit3A_390 : i32 to vector<23x16xi32>
    %select_n3A_393 = arith.select %and3A_388, %broadcast_in_dim3A_391, %broadcast_in_dim3A_392 : vector<23x16xi1>, vector<23x16xi32>
    %reduce_sum3A_394 = arith.constant dense<0> : vector<23xi32>
    %reduce_sum3A_395 = vector.multi_reduction <add>, %select_n3A_393, %reduce_sum3A_394 [1] : vector<23x16xi32> to vector<23xi32>
    %add3A_396 = arith.addi %add3A_345, %reduce_sum3A_395 : vector<23xi32>
    %jit3A_397 = arith.constant 0 : i32
    %broadcast_in_dim3A_398 = vector.broadcast %jit3A_397 : i32 to vector<23x16xi32>
    %select_n3A_399 = arith.select %and3A_388, %iota3A_172, %broadcast_in_dim3A_398 : vector<23x16xi1>, vector<23x16xi32>
    %reduce_sum3A_400 = arith.constant dense<0> : vector<23xi32>
    %reduce_sum3A_401 = vector.multi_reduction <add>, %select_n3A_399, %reduce_sum3A_400 [1] : vector<23x16xi32> to vector<23xi32>
    %add3A_402 = arith.addi %add3A_351, %reduce_sum3A_401 : vector<23xi32>
    %slice3A_403 = vector.extract_strided_slice %max3A_130 {offsets = [4, 0], sizes = [1, 16], strides = [1, 1]} : vector<8x16xi32> to vector<1x16xi32>
    %squeeze3A_404 = vector.shape_cast %slice3A_403 : vector<1x16xi32> to vector<16xi32>
    %reshape3A_405 = vector.shape_cast %squeeze3A_404 : vector<16xi32> to vector<1x16xi32>
    %broadcast_in_dim3A_406 = vector.shape_cast %reshape3A_405 : vector<1x16xi32> to vector<1x16xi32>
    %broadcast_in_dim3A_407 = vector.broadcast %broadcast_in_dim3A_406 : vector<1x16xi32> to vector<23x16xi32>
    %jit3A_408 = arith.constant 0 : i32
    %broadcast_in_dim3A_409 = vector.broadcast %jit3A_408 : i32 to vector<23x16xi32>
    %select_n3A_410 = arith.select %and3A_388, %broadcast_in_dim3A_407, %broadcast_in_dim3A_409 : vector<23x16xi1>, vector<23x16xi32>
    %reduce_sum3A_411 = arith.constant dense<0> : vector<23xi32>
    %reduce_sum3A_412 = vector.multi_reduction <add>, %select_n3A_410, %reduce_sum3A_411 [1] : vector<23x16xi32> to vector<23xi32>
    %add3A_413 = arith.addi %add3A_362, %reduce_sum3A_412 : vector<23xi32>
    %slice3A_414 = vector.extract_strided_slice %max3A_134 {offsets = [4, 0], sizes = [1, 16], strides = [1, 1]} : vector<8x16xi32> to vector<1x16xi32>
    %squeeze3A_415 = vector.shape_cast %slice3A_414 : vector<1x16xi32> to vector<16xi32>
    %reshape3A_416 = vector.shape_cast %squeeze3A_415 : vector<16xi32> to vector<1x16xi32>
    %broadcast_in_dim3A_417 = vector.shape_cast %reshape3A_416 : vector<1x16xi32> to vector<1x16xi32>
    %broadcast_in_dim3A_418 = vector.broadcast %broadcast_in_dim3A_417 : vector<1x16xi32> to vector<23x16xi32>
    %jit3A_419 = arith.constant 0 : i32
    %broadcast_in_dim3A_420 = vector.broadcast %jit3A_419 : i32 to vector<23x16xi32>
    %select_n3A_421 = arith.select %and3A_388, %broadcast_in_dim3A_418, %broadcast_in_dim3A_420 : vector<23x16xi1>, vector<23x16xi32>
    %reduce_sum3A_422 = arith.constant dense<0> : vector<23xi32>
    %reduce_sum3A_423 = vector.multi_reduction <add>, %select_n3A_421, %reduce_sum3A_422 [1] : vector<23x16xi32> to vector<23xi32>
    %add3A_424 = arith.addi %add3A_373, %reduce_sum3A_423 : vector<23xi32>
    %slice3A_425 = vector.extract_strided_slice %add3A_162 {offsets = [5, 0], sizes = [1, 16], strides = [1, 1]} : vector<8x16xi32> to vector<1x16xi32>
    %squeeze3A_426 = vector.shape_cast %slice3A_425 : vector<1x16xi32> to vector<16xi32>
    %reshape3A_427 = vector.shape_cast %squeeze3A_426 : vector<16xi32> to vector<1x16xi32>
    %broadcast_in_dim3A_428 = vector.shape_cast %reshape3A_427 : vector<1x16xi32> to vector<1x16xi32>
    %broadcast_in_dim3A_429 = vector.broadcast %broadcast_in_dim3A_428 : vector<1x16xi32> to vector<23x16xi32>
    %eq3A_430 = arith.cmpi eq, %broadcast_in_dim3A_429, %iota3A_163 : vector<23x16xi32>
    %slice3A_431 = vector.extract_strided_slice %convert_element_type3A_138 {offsets = [5, 0], sizes = [1, 16], strides = [1, 1]} : vector<8x16xi32> to vector<1x16xi32>
    %squeeze3A_432 = vector.shape_cast %slice3A_431 : vector<1x16xi32> to vector<16xi32>
    %reshape3A_433 = vector.shape_cast %squeeze3A_432 : vector<16xi32> to vector<1x16xi32>
    %broadcast_in_dim3A_434 = vector.shape_cast %reshape3A_433 : vector<1x16xi32> to vector<1x16xi32>
    %broadcast_in_dim3A_435 = vector.broadcast %broadcast_in_dim3A_434 : vector<1x16xi32> to vector<23x16xi32>
    %gt3A_436 = arith.constant 0 : i32
    %gt3A_437 = vector.broadcast %gt3A_436 : i32 to vector<23x16xi32>
    %gt3A_438 = arith.cmpi sgt, %broadcast_in_dim3A_435, %gt3A_437 : vector<23x16xi32>
    %and3A_439 = arith.andi %eq3A_430, %gt3A_438 : vector<23x16xi1>
    %jit3A_440 = arith.constant 5 : i32
    %jit3A_441 = arith.constant 0 : i32
    %broadcast_in_dim3A_442 = vector.broadcast %jit3A_440 : i32 to vector<23x16xi32>
    %broadcast_in_dim3A_443 = vector.broadcast %jit3A_441 : i32 to vector<23x16xi32>
    %select_n3A_444 = arith.select %and3A_439, %broadcast_in_dim3A_442, %broadcast_in_dim3A_443 : vector<23x16xi1>, vector<23x16xi32>
    %reduce_sum3A_445 = arith.constant dense<0> : vector<23xi32>
    %reduce_sum3A_446 = vector.multi_reduction <add>, %select_n3A_444, %reduce_sum3A_445 [1] : vector<23x16xi32> to vector<23xi32>
    %add3A_447 = arith.addi %add3A_396, %reduce_sum3A_446 : vector<23xi32>
    %jit3A_448 = arith.constant 0 : i32
    %broadcast_in_dim3A_449 = vector.broadcast %jit3A_448 : i32 to vector<23x16xi32>
    %select_n3A_450 = arith.select %and3A_439, %iota3A_172, %broadcast_in_dim3A_449 : vector<23x16xi1>, vector<23x16xi32>
    %reduce_sum3A_451 = arith.constant dense<0> : vector<23xi32>
    %reduce_sum3A_452 = vector.multi_reduction <add>, %select_n3A_450, %reduce_sum3A_451 [1] : vector<23x16xi32> to vector<23xi32>
    %add3A_453 = arith.addi %add3A_402, %reduce_sum3A_452 : vector<23xi32>
    %slice3A_454 = vector.extract_strided_slice %max3A_130 {offsets = [5, 0], sizes = [1, 16], strides = [1, 1]} : vector<8x16xi32> to vector<1x16xi32>
    %squeeze3A_455 = vector.shape_cast %slice3A_454 : vector<1x16xi32> to vector<16xi32>
    %reshape3A_456 = vector.shape_cast %squeeze3A_455 : vector<16xi32> to vector<1x16xi32>
    %broadcast_in_dim3A_457 = vector.shape_cast %reshape3A_456 : vector<1x16xi32> to vector<1x16xi32>
    %broadcast_in_dim3A_458 = vector.broadcast %broadcast_in_dim3A_457 : vector<1x16xi32> to vector<23x16xi32>
    %jit3A_459 = arith.constant 0 : i32
    %broadcast_in_dim3A_460 = vector.broadcast %jit3A_459 : i32 to vector<23x16xi32>
    %select_n3A_461 = arith.select %and3A_439, %broadcast_in_dim3A_458, %broadcast_in_dim3A_460 : vector<23x16xi1>, vector<23x16xi32>
    %reduce_sum3A_462 = arith.constant dense<0> : vector<23xi32>
    %reduce_sum3A_463 = vector.multi_reduction <add>, %select_n3A_461, %reduce_sum3A_462 [1] : vector<23x16xi32> to vector<23xi32>
    %add3A_464 = arith.addi %add3A_413, %reduce_sum3A_463 : vector<23xi32>
    %slice3A_465 = vector.extract_strided_slice %max3A_134 {offsets = [5, 0], sizes = [1, 16], strides = [1, 1]} : vector<8x16xi32> to vector<1x16xi32>
    %squeeze3A_466 = vector.shape_cast %slice3A_465 : vector<1x16xi32> to vector<16xi32>
    %reshape3A_467 = vector.shape_cast %squeeze3A_466 : vector<16xi32> to vector<1x16xi32>
    %broadcast_in_dim3A_468 = vector.shape_cast %reshape3A_467 : vector<1x16xi32> to vector<1x16xi32>
    %broadcast_in_dim3A_469 = vector.broadcast %broadcast_in_dim3A_468 : vector<1x16xi32> to vector<23x16xi32>
    %jit3A_470 = arith.constant 0 : i32
    %broadcast_in_dim3A_471 = vector.broadcast %jit3A_470 : i32 to vector<23x16xi32>
    %select_n3A_472 = arith.select %and3A_439, %broadcast_in_dim3A_469, %broadcast_in_dim3A_471 : vector<23x16xi1>, vector<23x16xi32>
    %reduce_sum3A_473 = arith.constant dense<0> : vector<23xi32>
    %reduce_sum3A_474 = vector.multi_reduction <add>, %select_n3A_472, %reduce_sum3A_473 [1] : vector<23x16xi32> to vector<23xi32>
    %add3A_475 = arith.addi %add3A_424, %reduce_sum3A_474 : vector<23xi32>
    %slice3A_476 = vector.extract_strided_slice %add3A_162 {offsets = [6, 0], sizes = [1, 16], strides = [1, 1]} : vector<8x16xi32> to vector<1x16xi32>
    %squeeze3A_477 = vector.shape_cast %slice3A_476 : vector<1x16xi32> to vector<16xi32>
    %reshape3A_478 = vector.shape_cast %squeeze3A_477 : vector<16xi32> to vector<1x16xi32>
    %broadcast_in_dim3A_479 = vector.shape_cast %reshape3A_478 : vector<1x16xi32> to vector<1x16xi32>
    %broadcast_in_dim3A_480 = vector.broadcast %broadcast_in_dim3A_479 : vector<1x16xi32> to vector<23x16xi32>
    %eq3A_481 = arith.cmpi eq, %broadcast_in_dim3A_480, %iota3A_163 : vector<23x16xi32>
    %slice3A_482 = vector.extract_strided_slice %convert_element_type3A_138 {offsets = [6, 0], sizes = [1, 16], strides = [1, 1]} : vector<8x16xi32> to vector<1x16xi32>
    %squeeze3A_483 = vector.shape_cast %slice3A_482 : vector<1x16xi32> to vector<16xi32>
    %reshape3A_484 = vector.shape_cast %squeeze3A_483 : vector<16xi32> to vector<1x16xi32>
    %broadcast_in_dim3A_485 = vector.shape_cast %reshape3A_484 : vector<1x16xi32> to vector<1x16xi32>
    %broadcast_in_dim3A_486 = vector.broadcast %broadcast_in_dim3A_485 : vector<1x16xi32> to vector<23x16xi32>
    %gt3A_487 = arith.constant 0 : i32
    %gt3A_488 = vector.broadcast %gt3A_487 : i32 to vector<23x16xi32>
    %gt3A_489 = arith.cmpi sgt, %broadcast_in_dim3A_486, %gt3A_488 : vector<23x16xi32>
    %and3A_490 = arith.andi %eq3A_481, %gt3A_489 : vector<23x16xi1>
    %jit3A_491 = arith.constant 6 : i32
    %jit3A_492 = arith.constant 0 : i32
    %broadcast_in_dim3A_493 = vector.broadcast %jit3A_491 : i32 to vector<23x16xi32>
    %broadcast_in_dim3A_494 = vector.broadcast %jit3A_492 : i32 to vector<23x16xi32>
    %select_n3A_495 = arith.select %and3A_490, %broadcast_in_dim3A_493, %broadcast_in_dim3A_494 : vector<23x16xi1>, vector<23x16xi32>
    %reduce_sum3A_496 = arith.constant dense<0> : vector<23xi32>
    %reduce_sum3A_497 = vector.multi_reduction <add>, %select_n3A_495, %reduce_sum3A_496 [1] : vector<23x16xi32> to vector<23xi32>
    %add3A_498 = arith.addi %add3A_447, %reduce_sum3A_497 : vector<23xi32>
    %jit3A_499 = arith.constant 0 : i32
    %broadcast_in_dim3A_500 = vector.broadcast %jit3A_499 : i32 to vector<23x16xi32>
    %select_n3A_501 = arith.select %and3A_490, %iota3A_172, %broadcast_in_dim3A_500 : vector<23x16xi1>, vector<23x16xi32>
    %reduce_sum3A_502 = arith.constant dense<0> : vector<23xi32>
    %reduce_sum3A_503 = vector.multi_reduction <add>, %select_n3A_501, %reduce_sum3A_502 [1] : vector<23x16xi32> to vector<23xi32>
    %add3A_504 = arith.addi %add3A_453, %reduce_sum3A_503 : vector<23xi32>
    %slice3A_505 = vector.extract_strided_slice %max3A_130 {offsets = [6, 0], sizes = [1, 16], strides = [1, 1]} : vector<8x16xi32> to vector<1x16xi32>
    %squeeze3A_506 = vector.shape_cast %slice3A_505 : vector<1x16xi32> to vector<16xi32>
    %reshape3A_507 = vector.shape_cast %squeeze3A_506 : vector<16xi32> to vector<1x16xi32>
    %broadcast_in_dim3A_508 = vector.shape_cast %reshape3A_507 : vector<1x16xi32> to vector<1x16xi32>
    %broadcast_in_dim3A_509 = vector.broadcast %broadcast_in_dim3A_508 : vector<1x16xi32> to vector<23x16xi32>
    %jit3A_510 = arith.constant 0 : i32
    %broadcast_in_dim3A_511 = vector.broadcast %jit3A_510 : i32 to vector<23x16xi32>
    %select_n3A_512 = arith.select %and3A_490, %broadcast_in_dim3A_509, %broadcast_in_dim3A_511 : vector<23x16xi1>, vector<23x16xi32>
    %reduce_sum3A_513 = arith.constant dense<0> : vector<23xi32>
    %reduce_sum3A_514 = vector.multi_reduction <add>, %select_n3A_512, %reduce_sum3A_513 [1] : vector<23x16xi32> to vector<23xi32>
    %add3A_515 = arith.addi %add3A_464, %reduce_sum3A_514 : vector<23xi32>
    %slice3A_516 = vector.extract_strided_slice %max3A_134 {offsets = [6, 0], sizes = [1, 16], strides = [1, 1]} : vector<8x16xi32> to vector<1x16xi32>
    %squeeze3A_517 = vector.shape_cast %slice3A_516 : vector<1x16xi32> to vector<16xi32>
    %reshape3A_518 = vector.shape_cast %squeeze3A_517 : vector<16xi32> to vector<1x16xi32>
    %broadcast_in_dim3A_519 = vector.shape_cast %reshape3A_518 : vector<1x16xi32> to vector<1x16xi32>
    %broadcast_in_dim3A_520 = vector.broadcast %broadcast_in_dim3A_519 : vector<1x16xi32> to vector<23x16xi32>
    %jit3A_521 = arith.constant 0 : i32
    %broadcast_in_dim3A_522 = vector.broadcast %jit3A_521 : i32 to vector<23x16xi32>
    %select_n3A_523 = arith.select %and3A_490, %broadcast_in_dim3A_520, %broadcast_in_dim3A_522 : vector<23x16xi1>, vector<23x16xi32>
    %reduce_sum3A_524 = arith.constant dense<0> : vector<23xi32>
    %reduce_sum3A_525 = vector.multi_reduction <add>, %select_n3A_523, %reduce_sum3A_524 [1] : vector<23x16xi32> to vector<23xi32>
    %add3A_526 = arith.addi %add3A_475, %reduce_sum3A_525 : vector<23xi32>
    %slice3A_527 = vector.extract_strided_slice %add3A_162 {offsets = [7, 0], sizes = [1, 16], strides = [1, 1]} : vector<8x16xi32> to vector<1x16xi32>
    %squeeze3A_528 = vector.shape_cast %slice3A_527 : vector<1x16xi32> to vector<16xi32>
    %reshape3A_529 = vector.shape_cast %squeeze3A_528 : vector<16xi32> to vector<1x16xi32>
    %broadcast_in_dim3A_530 = vector.shape_cast %reshape3A_529 : vector<1x16xi32> to vector<1x16xi32>
    %broadcast_in_dim3A_531 = vector.broadcast %broadcast_in_dim3A_530 : vector<1x16xi32> to vector<23x16xi32>
    %eq3A_532 = arith.cmpi eq, %broadcast_in_dim3A_531, %iota3A_163 : vector<23x16xi32>
    %slice3A_533 = vector.extract_strided_slice %convert_element_type3A_138 {offsets = [7, 0], sizes = [1, 16], strides = [1, 1]} : vector<8x16xi32> to vector<1x16xi32>
    %squeeze3A_534 = vector.shape_cast %slice3A_533 : vector<1x16xi32> to vector<16xi32>
    %reshape3A_535 = vector.shape_cast %squeeze3A_534 : vector<16xi32> to vector<1x16xi32>
    %broadcast_in_dim3A_536 = vector.shape_cast %reshape3A_535 : vector<1x16xi32> to vector<1x16xi32>
    %broadcast_in_dim3A_537 = vector.broadcast %broadcast_in_dim3A_536 : vector<1x16xi32> to vector<23x16xi32>
    %gt3A_538 = arith.constant 0 : i32
    %gt3A_539 = vector.broadcast %gt3A_538 : i32 to vector<23x16xi32>
    %gt3A_540 = arith.cmpi sgt, %broadcast_in_dim3A_537, %gt3A_539 : vector<23x16xi32>
    %and3A_541 = arith.andi %eq3A_532, %gt3A_540 : vector<23x16xi1>
    %jit3A_542 = arith.constant 7 : i32
    %jit3A_543 = arith.constant 0 : i32
    %broadcast_in_dim3A_544 = vector.broadcast %jit3A_542 : i32 to vector<23x16xi32>
    %broadcast_in_dim3A_545 = vector.broadcast %jit3A_543 : i32 to vector<23x16xi32>
    %select_n3A_546 = arith.select %and3A_541, %broadcast_in_dim3A_544, %broadcast_in_dim3A_545 : vector<23x16xi1>, vector<23x16xi32>
    %reduce_sum3A_547 = arith.constant dense<0> : vector<23xi32>
    %reduce_sum3A_548 = vector.multi_reduction <add>, %select_n3A_546, %reduce_sum3A_547 [1] : vector<23x16xi32> to vector<23xi32>
    %add3A_549 = arith.addi %add3A_498, %reduce_sum3A_548 : vector<23xi32>
    %jit3A_550 = arith.constant 0 : i32
    %broadcast_in_dim3A_551 = vector.broadcast %jit3A_550 : i32 to vector<23x16xi32>
    %select_n3A_552 = arith.select %and3A_541, %iota3A_172, %broadcast_in_dim3A_551 : vector<23x16xi1>, vector<23x16xi32>
    %reduce_sum3A_553 = arith.constant dense<0> : vector<23xi32>
    %reduce_sum3A_554 = vector.multi_reduction <add>, %select_n3A_552, %reduce_sum3A_553 [1] : vector<23x16xi32> to vector<23xi32>
    %add3A_555 = arith.addi %add3A_504, %reduce_sum3A_554 : vector<23xi32>
    %slice3A_556 = vector.extract_strided_slice %max3A_130 {offsets = [7, 0], sizes = [1, 16], strides = [1, 1]} : vector<8x16xi32> to vector<1x16xi32>
    %squeeze3A_557 = vector.shape_cast %slice3A_556 : vector<1x16xi32> to vector<16xi32>
    %reshape3A_558 = vector.shape_cast %squeeze3A_557 : vector<16xi32> to vector<1x16xi32>
    %broadcast_in_dim3A_559 = vector.shape_cast %reshape3A_558 : vector<1x16xi32> to vector<1x16xi32>
    %broadcast_in_dim3A_560 = vector.broadcast %broadcast_in_dim3A_559 : vector<1x16xi32> to vector<23x16xi32>
    %jit3A_561 = arith.constant 0 : i32
    %broadcast_in_dim3A_562 = vector.broadcast %jit3A_561 : i32 to vector<23x16xi32>
    %select_n3A_563 = arith.select %and3A_541, %broadcast_in_dim3A_560, %broadcast_in_dim3A_562 : vector<23x16xi1>, vector<23x16xi32>
    %reduce_sum3A_564 = arith.constant dense<0> : vector<23xi32>
    %reduce_sum3A_565 = vector.multi_reduction <add>, %select_n3A_563, %reduce_sum3A_564 [1] : vector<23x16xi32> to vector<23xi32>
    %add3A_566 = arith.addi %add3A_515, %reduce_sum3A_565 : vector<23xi32>
    %slice3A_567 = vector.extract_strided_slice %max3A_134 {offsets = [7, 0], sizes = [1, 16], strides = [1, 1]} : vector<8x16xi32> to vector<1x16xi32>
    %squeeze3A_568 = vector.shape_cast %slice3A_567 : vector<1x16xi32> to vector<16xi32>
    %reshape3A_569 = vector.shape_cast %squeeze3A_568 : vector<16xi32> to vector<1x16xi32>
    %broadcast_in_dim3A_570 = vector.shape_cast %reshape3A_569 : vector<1x16xi32> to vector<1x16xi32>
    %broadcast_in_dim3A_571 = vector.broadcast %broadcast_in_dim3A_570 : vector<1x16xi32> to vector<23x16xi32>
    %jit3A_572 = arith.constant 0 : i32
    %broadcast_in_dim3A_573 = vector.broadcast %jit3A_572 : i32 to vector<23x16xi32>
    %select_n3A_574 = arith.select %and3A_541, %broadcast_in_dim3A_571, %broadcast_in_dim3A_573 : vector<23x16xi1>, vector<23x16xi32>
    %reduce_sum3A_575 = arith.constant dense<0> : vector<23xi32>
    %reduce_sum3A_576 = vector.multi_reduction <add>, %select_n3A_574, %reduce_sum3A_575 [1] : vector<23x16xi32> to vector<23xi32>
    %add3A_577 = arith.addi %add3A_526, %reduce_sum3A_576 : vector<23xi32>
    %gt3A_578 = arith.constant 0 : i32
    %gt3A_579 = vector.broadcast %gt3A_578 : i32 to vector<23xi32>
    %gt3A_580 = arith.cmpi sgt, %add3A_577, %gt3A_579 : vector<23xi32>
    %mul3A_581 = arith.constant 16 : i32
    %mul3A_582 = vector.broadcast %mul3A_581 : i32 to vector<23xi32>
    %mul3A_583 = arith.muli %add3A_549, %mul3A_582 : vector<23xi32>
    %add3A_584 = arith.addi %mul3A_583, %add3A_555 : vector<23xi32>
    %jit3A_585 = arith.constant -1 : i32
    %broadcast_in_dim3A_586 = vector.broadcast %jit3A_585 : i32 to vector<23xi32>
    %select_n3A_587 = arith.select %gt3A_580, %add3A_584, %broadcast_in_dim3A_586 : vector<23xi1>, vector<23xi32>
    %iota3A_588 = tpu.iota {dimensions = array<i32: 0>} : vector<23x23xi32>
    %iota3A_589 = tpu.iota {dimensions = array<i32: 1>} : vector<23x23xi32>
    %reshape3A_590 = vector.shape_cast %select_n3A_587 : vector<23xi32> to vector<1x23xi32>
    %broadcast_in_dim3A_591 = vector.shape_cast %reshape3A_590 : vector<1x23xi32> to vector<1x23xi32>
    %broadcast_in_dim3A_592 = vector.broadcast %broadcast_in_dim3A_591 : vector<1x23xi32> to vector<23x23xi32>
    %le3A = arith.cmpi sle, %iota3A_589, %iota3A_588 : vector<23x23xi32>
    %jit3A_593 = arith.constant -1 : i32
    %broadcast_in_dim3A_594 = vector.broadcast %jit3A_593 : i32 to vector<23x23xi32>
    %select_n3A_595 = arith.select %le3A, %broadcast_in_dim3A_592, %broadcast_in_dim3A_594 : vector<23x23xi1>, vector<23x23xi32>
    %reduce_max3A_596 = arith.constant dense<-2147483648> : vector<23xi32>
    %reduce_max3A_597 = vector.multi_reduction <maxsi>, %select_n3A_595, %reduce_max3A_596 [1] : vector<23x23xi32> to vector<23xi32>
    %max3A_598 = arith.constant 0 : i32
    %max3A_599 = vector.broadcast %max3A_598 : i32 to vector<23xi32>
    %max3A_600 = arith.maxsi %reduce_max3A_597, %max3A_599 : vector<23xi32>
    %jit3A_601 = arith.constant 16 : i32
    %div3A_602 = vector.broadcast %jit3A_601 : i32 to vector<23xi32>
    %div3A_603 = arith.divsi %max3A_600, %div3A_602 : vector<23xi32>
    %sign3A = arith.constant 0 : i32
    %sign3A_604 = vector.broadcast %sign3A : i32 to vector<23xi32>
    %sign3A_605 = arith.cmpi sgt, %max3A_600, %sign3A_604 : vector<23xi32>
    %sign3A_606 = arith.extui %sign3A_605 : vector<23xi1> to vector<23xi32>
    %sign3A_607 = arith.constant 0 : i32
    %sign3A_608 = vector.broadcast %sign3A_607 : i32 to vector<23xi32>
    %sign3A_609 = arith.cmpi slt, %max3A_600, %sign3A_608 : vector<23xi32>
    %sign3A_610 = arith.extui %sign3A_609 : vector<23xi1> to vector<23xi32>
    %sign3A_611 = arith.subi %sign3A_606, %sign3A_610 : vector<23xi32>
    %sign3A_612 = arith.constant 0 : i32
    %sign3A_613 = arith.cmpi sgt, %jit3A_601, %sign3A_612 : i32
    %sign3A_614 = arith.extui %sign3A_613 : i1 to i32
    %sign3A_615 = arith.constant 0 : i32
    %sign3A_616 = arith.cmpi slt, %jit3A_601, %sign3A_615 : i32
    %sign3A_617 = arith.extui %sign3A_616 : i1 to i32
    %sign3A_618 = arith.subi %sign3A_614, %sign3A_617 : i32
    %ne3A = vector.broadcast %sign3A_618 : i32 to vector<23xi32>
    %ne3A_619 = arith.cmpi ne, %sign3A_611, %ne3A : vector<23xi32>
    %rem3A = vector.broadcast %jit3A_601 : i32 to vector<23xi32>
    %rem3A_620 = arith.remsi %max3A_600, %rem3A : vector<23xi32>
    %ne3A_621 = arith.constant 0 : i32
    %ne3A_622 = vector.broadcast %ne3A_621 : i32 to vector<23xi32>
    %ne3A_623 = arith.cmpi ne, %rem3A_620, %ne3A_622 : vector<23xi32>
    %and3A_624 = arith.andi %ne3A_619, %ne3A_623 : vector<23xi1>
    %sub3A_625 = arith.constant 1 : i32
    %sub3A_626 = vector.broadcast %sub3A_625 : i32 to vector<23xi32>
    %sub3A_627 = arith.subi %div3A_603, %sub3A_626 : vector<23xi32>
    %select_n3A_628 = arith.select %and3A_624, %sub3A_627, %div3A_603 : vector<23xi1>, vector<23xi32>
    %swap3A_629 = arith.constant 0 : index
    %swap3A_630 = vector.load %arg7[%swap3A_629] : memref<23xi32, #tpu.memory_space<vmem>>, vector<23xi32>
    tpu.vector_store %arg7[%swap3A_629], %select_n3A_628 {strides = array<i32>} : memref<23xi32, #tpu.memory_space<vmem>>, vector<23xi32>,
    %jit3A_631 = arith.constant 16 : i32
    %eq3A_632 = arith.constant 0 : i32
    %eq3A_633 = arith.cmpi eq, %jit3A_631, %eq3A_632 : i32
    %jit3A_634 = arith.constant 1 : i32
    %select_n3A_635 = arith.select %eq3A_633, %jit3A_634, %jit3A_631 : i32
    %rem3A_636 = vector.broadcast %select_n3A_635 : i32 to vector<23xi32>
    %rem3A_637 = arith.remsi %max3A_600, %rem3A_636 : vector<23xi32>
    %ne3A_638 = arith.constant 0 : i32
    %ne3A_639 = vector.broadcast %ne3A_638 : i32 to vector<23xi32>
    %ne3A_640 = arith.cmpi ne, %rem3A_637, %ne3A_639 : vector<23xi32>
    %lt3A_641 = arith.constant 0 : i32
    %lt3A_642 = vector.broadcast %lt3A_641 : i32 to vector<23xi32>
    %lt3A_643 = arith.cmpi slt, %rem3A_637, %lt3A_642 : vector<23xi32>
    %lt3A_644 = arith.constant 0 : i32
    %lt3A_645 = arith.cmpi slt, %select_n3A_635, %lt3A_644 : i32
    %ne3A_646 = vector.broadcast %lt3A_645 : i1 to vector<23xi1>
    %ne3A_647 = vector.broadcast %ne3A_646 : vector<23xi1> to vector<23xi1>
    %ne3A_648 = arith.xori %lt3A_643, %ne3A_647 : vector<23xi1>
    %and3A_649 = arith.andi %ne3A_648, %ne3A_640 : vector<23xi1>
    %add3A_650 = vector.broadcast %select_n3A_635 : i32 to vector<23xi32>
    %add3A_651 = arith.addi %rem3A_637, %add3A_650 : vector<23xi32>
    %select_n3A_652 = arith.select %and3A_649, %add3A_651, %rem3A_637 : vector<23xi1>, vector<23xi32>
    %swap3A_653 = arith.constant 0 : index
    %swap3A_654 = vector.load %arg8[%swap3A_653] : memref<23xi32, #tpu.memory_space<vmem>>, vector<23xi32>
    tpu.vector_store %arg8[%swap3A_653], %select_n3A_652 {strides = array<i32>} : memref<23xi32, #tpu.memory_space<vmem>>, vector<23xi32>,
    %swap3A_655 = arith.constant 0 : index
    %swap3A_656 = vector.load %arg9[%swap3A_655] : memref<23xi32, #tpu.memory_space<vmem>>, vector<23xi32>
    tpu.vector_store %arg9[%swap3A_655], %add3A_566 {strides = array<i32>} : memref<23xi32, #tpu.memory_space<vmem>>, vector<23xi32>,
    %swap3A_657 = arith.constant 0 : index
    %swap3A_658 = vector.load %arg10[%swap3A_657] : memref<23xi32, #tpu.memory_space<vmem>>, vector<23xi32>
    tpu.vector_store %arg10[%swap3A_657], %add3A_577 {strides = array<i32>} : memref<23xi32, #tpu.memory_space<vmem>>, vector<23xi32>,
    return
  }
}

</mosaic_0001>

<sc_bundles>
// kernel: kernel.6.cloned.1.call-start
scs
__scs_entry_jumppad:
0x0: {  	(pc) =	sbr.rel $0x88, $3  }
0x1: {  	(tag) =	ssettag $0x0;
	lr =	simm.s32 $0x1  }
0x2: {  	[smem:$0x3F9D] =	sst lr;
	_ =	strace $0xD0000000  }
0x3: {  	_ = 	snop  }
0x4: {  	_ = 	snop  }
0x5: {  	_ = 	snop  }
0x6: {  	_ = 	snop  }
0x7: {  	_ = 	snop  }
__scs_overlays_trampoline_lowered:
0x8: {  	[smem:$0x3FAC] =	sst s0  }
0x9: {  	[smem:$0x3FAD] =	sst s1  }
0xa: {  	[smem:$0x3FAE] =	sst s2  }
0xb: {  	[smem:$0x3FAF] =	sst s3  }
0xc: {  	[smem:$0x3FB0] =	sst s4  }
0xd: {  	[smem:$0x3FB1] =	sst s5  }
0xe: {  	[smem:$0x3FB2] =	sst s6  }
0xf: {  	[smem:$0x3FB3] =	sst s7  }
0x10: {  	[smem:$0x3FB4] =	sst s8  }
0x11: {  	[smem:$0x3FB5] =	sst s9;
	s0 =	simm.s32 @!p0 $0x0  }
0x12: {  	s1 =	sld [smem:$0x3F9B];
	s0 =	simm.s32 @p0 $0x1  }
0x13: {  	[smem:$0x3FB6] =	sst s0;
	s0 =	simm.s32 @!p1 $0x0  }
0x14: {  	s2 =	sld [smem:$0x3F9A];
	s0 =	simm.s32 @p1 $0x1  }
0x15: {  	[smem:$0x3FB7] =	sst s0;
	s0 =	simm.s32 @!p2 $0x0  }
0x16: {  	s3 =	sld [smem:$0x3FDB];
	s0 =	simm.s32 @p2 $0x1  }
0x17: {  	s4 =	simm.s32 $0x1BF5;
	[smem:$0x3FB9] =	sst s0  }
0x18: {  	s0 =	sld [smem:$0x3F9C];
	_ =	swait.ge [sflag:s4], $0x0  }
0x19: {  	s7 =	sld [smem:$0x3F9D]  }
0x1a: {  	s8 =	sadd.s32 $0xFFFFE003, lr  }
0x1b: {  	s9 =	sadd.s32 $0xFFFFFEF7, lr;
	s5 =	simm.s32 $0xFFFFFFFF;
	p2 =	slt.u32 s8, $0xFFFFF086  }
0x1c: {  	p1 =	slt.u32 s9, $0xF7A;
	s5 =	simm.s32 @!p2 $0x0  }
0x1d: {  	s5 =	simm.s32 @p1 $0x1;
	p0 =	seq.s32 s7, s2  }
0x1e: {  	s7 =	smul.u32 @!p0 $0xF7A, s2;
	p2 =	seq.s32 @!p0 s5, $0x0  }
0x1f: {  	s9 =	smul.u32 $0xF7A, s1;
	s8 =	simm.s32 @!p0 $0x1BF5;
	p2 =	por !p2, p0  }
0x20: {  	[sflag:s8] =	ssyncset.s32 @!p0 $0xFFFFF086;
	s6 =	sadd.s32 @!p0 s3, s7;
	s7 =	simm.s32 @!p0 $0x108  }
0x21: {  	s3 =	sadd.s32 s3, s9;
	s6 =	sadd.s32 @!p0 $0x88, s6;
	s7 =	simm.s32 @p2 $0x1082  }
0x22: {  	[simem:s7], [sflag:s8] =	dma.local @!p0 [hbm:s6], $0xF7A  }
0x23: {  	s9 =	sor.u32 $0xD0000000, s2;
	s6 =	simm.s32 $0x108;
	_ =	swait.ge @!p0 [sflag:s8], $0x0  }
0x24: {  	s3 =	sadd.s32 $0x88, s3;
	s6 =	simm.s32 @!p1 $0x1082;
	[sflag:s4] =	ssyncset.s32 $0xFFFFF086  }
0x25: {  	[simem:s6], [sflag:s4] =	dma.local [hbm:s3], $0xF7A  }
0x26: {  	[smem:$0x3F9D] =	sst s1;
	(tag) =	ssettag s2;
	_ =	strace s9  }
0x27: {  	s1 =	sld [smem:$0x3FAD]  }
0x28: {  	s2 =	sld [smem:$0x3FAE]  }
0x29: {  	s4 =	sld [smem:$0x3FB0]  }
0x2a: {  	p0 =	seq.s32 s5, $0x0;
	s5 =	sld [smem:$0x3FB1]  }
0x2b: {  	s6 =	sld [smem:$0x3FB2]  }
0x2c: {  	s7 =	sld [smem:$0x3FB3]  }
0x2d: {  	s3 =	simm.s32 $0x108;
	s8 =	sld [smem:$0x3FB4]  }
0x2e: {  	s3 =	simm.s32 @!p0 $0x1082;
	s9 =	sld [smem:$0x3FB5]  }
0x2f: {  	lr =	sadd.s32 s0, s3;
	s0 =	sld [smem:$0x3FAC]  }
0x30: {  	s3 =	sld [smem:$0x3FAF]  }
0x31: {  	[smem:$0x3FB8] =	sst s10  }
0x32: {  	s10 =	sld [smem:$0x3FB6];
	_ =	sdelay $0x3  }
0x33: {  	p0 =	seq.s32 s10, $0x1;
	s10 =	sld [smem:$0x3FB8];
	_ =	sdelay $0x3  }
0x34: {  	[smem:$0x3FB8] =	sst s10  }
0x35: {  	s10 =	sld [smem:$0x3FB7];
	_ =	sdelay $0x3  }
0x36: {  	p1 =	seq.s32 s10, $0x1;
	s10 =	sld [smem:$0x3FB8];
	_ =	sdelay $0x3  }
0x37: {  	[smem:$0x3FB8] =	sst s10  }
0x38: {  	s10 =	sld [smem:$0x3FB9]  }
0x39: {  	_ = 	snop;
	(pc) =	sbr.ind lr, $3  }
0x3a: {  	_ = 	snop  }
0x3b: {  	_ = 	snop  }
0x3c: {  	p2 =	seq.s32 s10, $0x1;
	s10 =	sld [smem:$0x3FB8]  }
0x3d: {  	_ =	shalt  }
0x3e: {  	_ =	shalt  }
0x3f: {  	_ =	shalt  }
0x40: {  	_ =	shalt  }
0x41: {  	_ =	shalt  }
0x42: {  	_ =	shalt  }
0x43: {  	_ =	shalt  }
0x44: {  	_ =	shalt  }
0x45: {  	_ =	shalt  }
0x46: {  	_ =	shalt  }
0x47: {  	_ =	shalt  }
0x48: {  	_ =	shalt  }
0x49: {  	_ =	shalt  }
0x4a: {  	_ =	shalt  }
0x4b: {  	_ =	shalt  }
0x4c: {  	_ =	shalt  }
0x4d: {  	_ =	shalt  }
0x4e: {  	_ =	shalt  }
0x4f: {  	_ =	shalt  }
0x50: {  	_ =	shalt  }
0x51: {  	_ =	shalt  }
0x52: {  	_ =	shalt  }
0x53: {  	_ =	shalt  }
0x54: {  	_ =	shalt  }
0x55: {  	_ =	shalt  }
0x56: {  	_ =	shalt  }
0x57: {  	_ =	shalt  }
0x58: {  	_ =	shalt  }
0x59: {  	_ =	shalt  }
0x5a: {  	_ =	shalt  }
0x5b: {  	_ =	shalt  }
0x5c: {  	_ =	shalt  }
0x5d: {  	_ =	shalt  }
0x5e: {  	_ =	shalt  }
0x5f: {  	_ =	shalt  }
0x60: {  	_ =	shalt  }
0x61: {  	_ =	shalt  }
0x62: {  	_ =	shalt  }
0x63: {  	_ =	shalt  }
0x64: {  	_ =	shalt  }
0x65: {  	_ =	shalt  }
0x66: {  	_ =	shalt  }
0x67: {  	_ =	shalt  }
0x68: {  	_ =	shalt  }
0x69: {  	_ =	shalt  }
0x6a: {  	_ =	shalt  }
0x6b: {  	_ =	shalt  }
0x6c: {  	_ =	shalt  }
0x6d: {  	_ =	shalt  }
0x6e: {  	_ =	shalt  }
0x6f: {  	_ =	shalt  }
0x70: {  	_ =	shalt  }
0x71: {  	_ =	shalt  }
0x72: {  	_ =	shalt  }
0x73: {  	_ =	shalt  }
0x74: {  	_ =	shalt  }
0x75: {  	_ =	shalt  }
0x76: {  	_ =	shalt  }
0x77: {  	_ =	shalt  }
0x78: {  	_ =	shalt  }
0x79: {  	_ =	shalt  }
0x7a: {  	_ =	shalt  }
0x7b: {  	_ =	shalt  }
0x7c: {  	_ =	shalt  }
0x7d: {  	_ =	shalt  }
0x7e: {  	_ =	shalt  }
0x7f: {  	_ =	shalt  }
0x80: {  	_ =	shalt  }
0x81: {  	_ =	shalt  }
0x82: {  	_ =	shalt  }
0x83: {  	_ =	shalt  }
0x84: {  	_ =	shalt  }
0x85: {  	_ =	shalt  }
0x86: {  	_ =	shalt  }
0x87: {  	_ =	shalt  }
.Lfunc_end0:
.L_simem_size_0:
called_computation_lowered:
.L_overlay_start_0:
0x88: {  	s2 =	sld [smem:$0x3FD9]  }
0x89: {  	s3 =	sld [smem:$0x3FFE];
	_ =	sdelay $0x1  }
0x8a: {  	s1 =	srdreg.scid  }
0x8b: {  	s0 =	sand.u32 $0x1, s1  }
0x8c: {  	s17 =	sshll.u32 s0, $0xA;
	s2 =	sadd.s32 s3, s2  }
0x8d: {  	s2 =	sadd.s32 s2, s17  }
0x8e: {  	[smem:$0x3FC4] =	sst s2  }
0x8f: {  	_ = 	snop  }
0x90: {  	s2 =	sld [smem:$0x3FC9];
	(tm) =	ssettm $0x1  }
0x91: {  	s18 =	sld [smem:$0x3FFB];
	_ =	sdelay $0x3  }
0x92: {  	_ =	strace s18  }
0x93: {  	s3 =	sld [smem:$0x3FFC];
	_ =	sdelay $0x3  }
0x94: {  	_ =	strace s3  }
0x95: {  	s3 =	sld [smem:$0x3FFD];
	_ =	sdelay $0x3  }
0x96: {  	_ =	strace s3  }
0x97: {  	_ =	strace $0x8FFFFFFF  }
0x98: {  	s19 =	sld [smem:$0x3FDB];
	_ =	sdelay $0x1  }
0x99: {  	s4 =	simm.s32 $_scs_section_size  }
0x9a: {  	s5 =	simm.s32 $_size__tile_overlayer_lowered;
	s6 =	simm.s32 $_tile_overlayer_lowered  }
0x9b: {  	s22 =	simm.s32 $0x1BFF;
	s21 =	sshll.u32 s6, $0x1;
	s3 =	sadd.s32 s4, s19  }
0x9c: {  	s7 =	simm.s32 $0x0;
	s20 =	sshll.u32 s5, $0x1;
	s5 =	sadd.s32 s21, s3  }
0x9d: {  	[timem:s7], [sflag:s22] =	dma.local [hbm:s5], s20  }
0x9e: {  	_ =	swait.ge [sflag:s22], s20  }
0x9f: {  	s4 =	ssub.s32 $0x0, s20;
	[sflag:s22] =	ssyncset.done $0x0  }
0xa0: {  	[sflag:s22] =	ssyncadd.s32 s4;
	_ =	sdelay $0x1  }
0xa1: {  	s23 =	simm.s32 $0x1B8B  }
0xa2: {  	_ =	swait.ge [sflag:s23], $0x1  }
0xa3: {  	[sflag:s23] =	ssyncset.done $0x0  }
0xa4: {  	s25 =	simm.s32 $0x1B8E;
	s24 =	sld [smem:$0x3FFE];
	[sflag:s23] =	ssyncadd.s32 $0xFFFFFFFF  }
0xa5: {  	s26 =	simm.s32 $execute0_lowered;
	[smem:$0x3FD2] =	sst s25  }
0xa6: {  	s5 =	sshll.u32 s26, $0x1;
	_ =	strace $0x80000046;
	[dreg:$0x1] =	wrdreg $0xFFFFFFFF  }
0xa7: {  	s28 =	simm.s32 $_size_execute0_lowered;
	s3 =	sadd.s32 s3, s5;
	[dreg:$0x0] =	wrdreg $0x0  }
0xa8: {  	s5 =	sshll.u32 s28, $0x1;
	[dreg:$0x2] =	wrdreg s3  }
0xa9: {  	[dreg:$0x3] =	wrdreg s5  }
0xaa: {  	[dreg:$0x4] =	wrdreg $0xC0  }
0xab: {  	_ =	task [dreg:s7], $0x5FFFF  }
0xac: {  	[dreg:$0x1] =	wrdreg $0xFFFFFFFF  }
0xad: {  	[dreg:$0x0] =	wrdreg $0x60  }
0xae: {  	[dreg:$0x2] =	wrdreg s2  }
0xaf: {  	[dreg:$0x3] =	wrdreg s24  }
0xb0: {  	[dreg:$0x4] =	wrdreg $0x9  }
0xb1: {  	_ =	task.clear_ibuf [dreg:s7], $0x5FFFF;
	_ =	strace $0x90000046  }
0xb2: {  	s29 =	simm.s32 $0x9;
	_ =	strace $0x80000048  }
0xb3: {  	_ =	swait.ge [sflag:s29], $0x1  }
0xb4: {  	[sflag:s29] =	ssyncadd.s32 $0xFFFFFFFF  }
0xb5: {  	_ =	strace $0x90000048  }
0xb6: {  	_ =	sfence  }
0xb7: {  	s30 =	sld [smem:$0x0];
	_ =	sdelay $0x2  }
0xb8: {  	s31 =	sshll.u32 s1, $0xD;
	s1 =	sshrl.u32 s1, $0x2  }
0xb9: {  	s3 =	sand.u32 $0x4000, s31;
	s1 =	sadd.s32 s1, s30  }
0xba: {  	s0 =	sor.u32 s3, s0;
	s1 =	sshll.u32 s1, $0x11  }
0xbb: {  	s0 =	sor.u32 s1, s0  }
0xbc: {  	s0 =	sadd.s32 $0x8F2B, s0  }
0xbd: {  	[sflag:s0] =	ssyncadd.remote.s32 $0x1  }
0xbe: {  	_ =	sfence.sel $0xFFFF  }
0xbf: {  	[dreg:$0x0] =	wrdreg $0xFFFFFFFF;
	(pc) =	sbr.abs _section_cstart, $3  }
0xc0: {  	[dreg:$0x1] =	wrdreg $0xFFFFFFFF  }
0xc1: {  	_ =	task.clear_ibuf [dreg:s7], $0x2FFFF;
	_ =	strace $0x9FFFFFFF  }
0xc2: {  	(tm) =	ssettm $0x7FFFFFFF  }
0xc3: {  	_ =	shalt  }
tec
execute0_lowered:
.L_overlay_start_1:
0x0: {  	(tag) =	ssettag $0x1  }
0x1: {  	s0 =	srdreg.scid;
	s1 =	rddreg [dreg:$0x0]  }
0x2: {  	s2 =	stileid.u32;
	s6 =	rddreg [dreg:$0x1];
	s26 =	simm.s32 $0x80  }
0x3: {  	s8 =	simm.s32 $0x2;
	s18 =	simm.s32 $0x1;
	s21 =	simm.s32 $0x1900  }
0x4: {  	s22 =	simm.s32 $0x2100;
	s23 =	simm.s32 $0x2900;
	s24 =	simm.s32 $0x3100  }
0x5: {  	s28 =	simm.s32 $0x4900;
	s29 =	simm.s32 $0x5100;
	s30 =	simm.s32 $0x5900  }
0x6: {  	s31 =	simm.s32 $0x6100;
	s10 =	simm.s32 $0x7900;
	s11 =	simm.s32 $0x8100  }
0x7: {  	s12 =	simm.s32 $0x8900;
	s13 =	simm.s32 $0x9100;
	s14 =	simm.s32 $0x9900  }
0x8: {  	s15 =	simm.s32 $0xA100;
	s16 =	simm.s32 $0xA900;
	s17 =	simm.s32 $0xB100  }
0x9: {  	s0 =	sand.u32 $0x1, s0;
	s3 =	sshll.u32 s2, $0x7;
	s2 =	simm.s32 $0x0  }
0xa: {  	s4 =	sshll.u32 s0, $0x6;
	[smem:$0x7FF] =	sst s2;
	s0 =	ssub.s32 $0x2, s0  }
0xb: {  	s4 =	sor.u32 s4, s3;
	_ =	strace $0x80000047;
	s25 =	sshrl.u32 s0, $0x1  }
0xc: {  	[dreg:$0x6] =	wrdreg s26;
	s3 =	sshrl.u32 s4, $0x3;
	s4 =	sshll.u32 s4, $0x7  }
0xd: {  	s26 =	simm.s32 $0x4100;
	s5 =	sadd.s32 s3, s6;
	s1 =	sadd.s32 s1, s4  }
0xe: {  	s0 =	ssub.s32 s0, s25;
	s7 =	sadd.s32 $0x1400, s5;
	[dreg:$0x5] =	wrdreg s1  }
0xf: {  	v2 =	vlaneseq.u32;
	s25 =	simm.s32 $0x3900;
	s5 =	sadd.s32 $0x1600, s5;
	[dreg:$0x3] =	wrdreg s7  }
0x10: {  	vm0 =	vmmov $0xffff;
	v1 =	vshrl.u32 v2, $0x3;
	s3 =	sadd.s32 $0x11800, s6;
	s4 =	sadd.s32 $0x11900, s6;
	[dreg:$0x4] =	wrdreg s5  }
0x11: {  	v0 =	vand.u32 $0x7, v2;
	v2 =	vor.u32 $0x8, v2;
	v1 =	vmul.u32 $0x8, v1;
	s5 =	sadd.s32 $0x11A00, s6;
	s6 =	sadd.s32 $0x11B00, s6;
	s7 =	smax.u32 s0, $0x1  }
.LBB2_1:
0x12: {  	s19 =	rddreg [dreg:$0x3]  }
0x13: {  	[tilespmem:s2], [sflag:$0x2] =	stream.linear.gather [hbm4b:s19+s2], $0x40, $0x38;
	[tilespmem:$0x10100] =	vst v63  }
0x14: {  	_ =	swait.ge [sflag:s8], $0x40  }
0x15: {  	s1 =	rddreg [dreg:$0x4];
	[sflag:s8] =	ssyncset.done $0x0  }
0x16: {  	s20 =	rddreg [dreg:$0x6];
	[sflag:s8] =	ssyncadd.s32 $0xFFFFFFC0  }
0x17: {  	[tilespmem:s20], [sflag:$0x2] =	stream.linear.gather [hbm4b:s1+s2], $0x40, $0x38;
	[tilespmem:$0x10100] =	vst v63  }
0x18: {  	_ =	swait.ge [sflag:s8], $0x40  }
0x19: {  	[sflag:s8] =	ssyncset.done $0x0  }
0x1a: {  	s0 =	simm.s32 $0x100;
	s9 =	rddreg [dreg:$0x5];
	[sflag:s8] =	ssyncadd.s32 $0xFFFFFFC0  }
0x1b: {  	[tilespmem:s0], [sflag:$0x2] =	stream.linear.gather [hbm4b:s9+s2], $0x10000, $0x38;
	[tilespmem:$0x10100] =	vst v63  }
0x1c: {  	_ =	swait.ge [sflag:s8], $0x10000  }
0x1d: {  	[sflag:s8] =	ssyncset.done $0x0  }
0x1e: {  	[sflag:s8] =	ssyncadd.s32 $0xFFFF0000  }
0x1f: {  	v3 =	vld [tilespmem:$0x0];
	_ =	sdelay $0x4  }
0x20: {  	v4 =	vshll.u32 v3, $0x3  }
0x21: {  	v3 =	vand.u32 $0x7, v3;
	v4 =	vand.u32 $0xFFFFFFC0, v4  }
0x22: {  	v3 =	vor.u32 v3, v4  }
0x23: {  	v4 =	vperm.xlane v3, v0;
	_ =	sdelay $0x1  }
0x24: {  	v4 =	vadd.s32 v1, v4;
	_ =	sdelay $0x4  }
0x25: {  	[hbm4b:s3+s2] =	stream.indirect_vreg.scatter [tilespmem:s0], [sflag:$0x1], $0x80, v4, vm0, $0xb8;
	[tilespmem:$0x10100] =	vst v63  }
0x26: {  	s19 =	simm.s32 $0x900;
	v3 =	vperm.xlane v3, v2  }
0x27: {  	[hbm4b:s4+s2] =	stream.indirect_vreg.scatter [tilespmem:s19], [sflag:$0x1], $0x80, v4, vm0, $0xb8;
	[tilespmem:$0x10100] =	vst v63  }
0x28: {  	s20 =	simm.s32 $0x1100;
	v3 =	vadd.s32 v1, v3  }
0x29: {  	[hbm4b:s5+s2] =	stream.indirect_vreg.scatter [tilespmem:s20], [sflag:$0x1], $0x80, v4, vm0, $0xb8;
	[tilespmem:$0x10100] =	vst v63  }
0x2a: {  	_ = 	snop  }
0x2b: {  	[hbm4b:s6+s2] =	stream.indirect_vreg.scatter [tilespmem:s21], [sflag:$0x1], $0x80, v4, vm0, $0xb8;
	[tilespmem:$0x10100] =	vst v63  }
0x2c: {  	_ = 	snop  }
0x2d: {  	[hbm4b:s3+s2] =	stream.indirect_vreg.scatter [tilespmem:s22], [sflag:$0x1], $0x80, v3, vm0, $0xb8;
	[tilespmem:$0x10100] =	vst v63  }
0x2e: {  	_ = 	snop  }
0x2f: {  	[hbm4b:s4+s2] =	stream.indirect_vreg.scatter [tilespmem:s23], [sflag:$0x1], $0x80, v3, vm0, $0xb8;
	[tilespmem:$0x10100] =	vst v63  }
0x30: {  	_ = 	snop  }
0x31: {  	[hbm4b:s5+s2] =	stream.indirect_vreg.scatter [tilespmem:s24], [sflag:$0x1], $0x80, v3, vm0, $0xb8;
	[tilespmem:$0x10100] =	vst v63  }
0x32: {  	_ = 	snop  }
0x33: {  	[hbm4b:s6+s2] =	stream.indirect_vreg.scatter [tilespmem:s25], [sflag:$0x1], $0x80, v3, vm0, $0xb8;
	[tilespmem:$0x10100] =	vst v63  }
0x34: {  	v3 =	vld [tilespmem:$0x10];
	_ =	sdelay $0x4  }
0x35: {  	v57 =	vshll.u32 v3, $0x3  }
0x36: {  	v3 =	vand.u32 $0x7, v3;
	v4 =	vand.u32 $0xFFFFFFC0, v57  }
0x37: {  	v3 =	vor.u32 v3, v4  }
0x38: {  	v4 =	vperm.xlane v3, v0;
	_ =	sdelay $0x1  }
0x39: {  	v4 =	vadd.s32 v1, v4;
	_ =	sdelay $0x4  }
0x3a: {  	[hbm4b:s3+s2] =	stream.indirect_vreg.scatter [tilespmem:s26], [sflag:$0x1], $0x80, v4, vm0, $0xb8;
	[tilespmem:$0x10100] =	vst v63  }
0x3b: {  	v3 =	vperm.xlane v3, v2  }
0x3c: {  	[hbm4b:s4+s2] =	stream.indirect_vreg.scatter [tilespmem:s28], [sflag:$0x1], $0x80, v4, vm0, $0xb8;
	[tilespmem:$0x10100] =	vst v63  }
0x3d: {  	v3 =	vadd.s32 v1, v3  }
0x3e: {  	[hbm4b:s5+s2] =	stream.indirect_vreg.scatter [tilespmem:s29], [sflag:$0x1], $0x80, v4, vm0, $0xb8;
	[tilespmem:$0x10100] =	vst v63  }
0x3f: {  	_ = 	snop  }
0x40: {  	[hbm4b:s6+s2] =	stream.indirect_vreg.scatter [tilespmem:s30], [sflag:$0x1], $0x80, v4, vm0, $0xb8;
	[tilespmem:$0x10100] =	vst v63  }
0x41: {  	_ = 	snop  }
0x42: {  	[hbm4b:s3+s2] =	stream.indirect_vreg.scatter [tilespmem:s31], [sflag:$0x1], $0x80, v3, vm0, $0xb8;
	[tilespmem:$0x10100] =	vst v63  }
0x43: {  	s1 =	simm.s32 $0x6900  }
0x44: {  	[hbm4b:s4+s2] =	stream.indirect_vreg.scatter [tilespmem:s1], [sflag:$0x1], $0x80, v3, vm0, $0xb8;
	[tilespmem:$0x10100] =	vst v63  }
0x45: {  	s9 =	simm.s32 $0x7100  }
0x46: {  	[hbm4b:s5+s2] =	stream.indirect_vreg.scatter [tilespmem:s9], [sflag:$0x1], $0x80, v3, vm0, $0xb8;
	[tilespmem:$0x10100] =	vst v63  }
0x47: {  	_ = 	snop  }
0x48: {  	[hbm4b:s6+s2] =	stream.indirect_vreg.scatter [tilespmem:s10], [sflag:$0x1], $0x80, v3, vm0, $0xb8;
	[tilespmem:$0x10100] =	vst v63  }
0x49: {  	v3 =	vld [tilespmem:$0x20];
	_ =	sdelay $0x4  }
0x4a: {  	v58 =	vshll.u32 v3, $0x3  }
0x4b: {  	v3 =	vand.u32 $0x7, v3;
	v4 =	vand.u32 $0xFFFFFFC0, v58  }
0x4c: {  	v3 =	vor.u32 v3, v4  }
0x4d: {  	v4 =	vperm.xlane v3, v0;
	_ =	sdelay $0x1  }
0x4e: {  	v4 =	vadd.s32 v1, v4;
	_ =	sdelay $0x4  }
0x4f: {  	[hbm4b:s3+s2] =	stream.indirect_vreg.scatter [tilespmem:s11], [sflag:$0x1], $0x80, v4, vm0, $0xb8;
	[tilespmem:$0x10100] =	vst v63  }
0x50: {  	v3 =	vperm.xlane v3, v2  }
0x51: {  	[hbm4b:s4+s2] =	stream.indirect_vreg.scatter [tilespmem:s12], [sflag:$0x1], $0x80, v4, vm0, $0xb8;
	[tilespmem:$0x10100] =	vst v63  }
0x52: {  	v3 =	vadd.s32 v1, v3  }
0x53: {  	[hbm4b:s5+s2] =	stream.indirect_vreg.scatter [tilespmem:s13], [sflag:$0x1], $0x80, v4, vm0, $0xb8;
	[tilespmem:$0x10100] =	vst v63  }
0x54: {  	_ = 	snop  }
0x55: {  	[hbm4b:s6+s2] =	stream.indirect_vreg.scatter [tilespmem:s14], [sflag:$0x1], $0x80, v4, vm0, $0xb8;
	[tilespmem:$0x10100] =	vst v63  }
0x56: {  	_ = 	snop  }
0x57: {  	[hbm4b:s3+s2] =	stream.indirect_vreg.scatter [tilespmem:s15], [sflag:$0x1], $0x80, v3, vm0, $0xb8;
	[tilespmem:$0x10100] =	vst v63  }
0x58: {  	_ = 	snop  }
0x59: {  	[hbm4b:s4+s2] =	stream.indirect_vreg.scatter [tilespmem:s16], [sflag:$0x1], $0x80, v3, vm0, $0xb8;
	[tilespmem:$0x10100] =	vst v63  }
0x5a: {  	_ = 	snop  }
0x5b: {  	[hbm4b:s5+s2] =	stream.indirect_vreg.scatter [tilespmem:s17], [sflag:$0x1], $0x80, v3, vm0, $0xb8;
	[tilespmem:$0x10100] =	vst v63  }
0x5c: {  	s9 =	simm.s32 $0xB900  }
0x5d: {  	[hbm4b:s6+s2] =	stream.indirect_vreg.scatter [tilespmem:s9], [sflag:$0x1], $0x80, v3, vm0, $0xb8;
	[tilespmem:$0x10100] =	vst v63  }
0x5e: {  	v3 =	vld [tilespmem:$0x30];
	_ =	sdelay $0x4  }
0x5f: {  	v59 =	vshll.u32 v3, $0x3  }
0x60: {  	v3 =	vand.u32 $0x7, v3;
	v4 =	vand.u32 $0xFFFFFFC0, v59  }
0x61: {  	v3 =	vor.u32 v3, v4  }
0x62: {  	v4 =	vperm.xlane v3, v0;
	_ =	sdelay $0x1  }
0x63: {  	v4 =	vadd.s32 v1, v4;
	_ =	sdelay $0x3  }
0x64: {  	s1 =	simm.s32 $0xC100  }
0x65: {  	[hbm4b:s3+s2] =	stream.indirect_vreg.scatter [tilespmem:s1], [sflag:$0x1], $0x80, v4, vm0, $0xb8;
	[tilespmem:$0x10100] =	vst v63  }
0x66: {  	v3 =	vperm.xlane v3, v2;
	s1 =	simm.s32 $0xC900  }
0x67: {  	[hbm4b:s4+s2] =	stream.indirect_vreg.scatter [tilespmem:s1], [sflag:$0x1], $0x80, v4, vm0, $0xb8;
	[tilespmem:$0x10100] =	vst v63  }
0x68: {  	v3 =	vadd.s32 v1, v3;
	s1 =	simm.s32 $0xD100  }
0x69: {  	[hbm4b:s5+s2] =	stream.indirect_vreg.scatter [tilespmem:s1], [sflag:$0x1], $0x80, v4, vm0, $0xb8;
	[tilespmem:$0x10100] =	vst v63  }
0x6a: {  	s1 =	simm.s32 $0xD900  }
0x6b: {  	[hbm4b:s6+s2] =	stream.indirect_vreg.scatter [tilespmem:s1], [sflag:$0x1], $0x80, v4, vm0, $0xb8;
	[tilespmem:$0x10100] =	vst v63  }
0x6c: {  	s1 =	simm.s32 $0xE100  }
0x6d: {  	[hbm4b:s3+s2] =	stream.indirect_vreg.scatter [tilespmem:s1], [sflag:$0x1], $0x80, v3, vm0, $0xb8;
	[tilespmem:$0x10100] =	vst v63  }
0x6e: {  	s1 =	simm.s32 $0xE900  }
0x6f: {  	[hbm4b:s4+s2] =	stream.indirect_vreg.scatter [tilespmem:s1], [sflag:$0x1], $0x80, v3, vm0, $0xb8;
	[tilespmem:$0x10100] =	vst v63  }
0x70: {  	s1 =	simm.s32 $0xF100  }
0x71: {  	[hbm4b:s5+s2] =	stream.indirect_vreg.scatter [tilespmem:s1], [sflag:$0x1], $0x80, v3, vm0, $0xb8;
	[tilespmem:$0x10100] =	vst v63  }
0x72: {  	s1 =	simm.s32 $0xF900  }
0x73: {  	[hbm4b:s6+s2] =	stream.indirect_vreg.scatter [tilespmem:s1], [sflag:$0x1], $0x80, v3, vm0, $0xb8;
	[tilespmem:$0x10100] =	vst v63  }
0x74: {  	_ =	swait.ge [sflag:s18], $0x10000  }
0x75: {  	[sflag:s18] =	ssyncset.done $0x0  }
0x76: {  	[sflag:s18] =	ssyncadd.s32 $0xFFFF0000  }
0x77: {  	v3 =	vld [tilespmem:$0x80];
	_ =	sdelay $0x4  }
0x78: {  	v60 =	vshll.u32 v3, $0x3  }
0x79: {  	v3 =	vand.u32 $0x7, v3;
	v4 =	vand.u32 $0xFFFFFFC0, v60  }
0x7a: {  	v3 =	vor.u32 v3, v4  }
0x7b: {  	v4 =	vperm.xlane v3, v0;
	_ =	sdelay $0x1  }
0x7c: {  	v4 =	vadd.s32 v1, v4;
	_ =	sdelay $0x4  }
0x7d: {  	[hbm4b:s3+s2] =	stream.indirect_vreg.scatter [tilespmem:s0], [sflag:$0x1], $0x80, v4, vm0, $0xb8;
	[tilespmem:$0x10100] =	vst v63  }
0x7e: {  	v3 =	vperm.xlane v3, v2  }
0x7f: {  	[hbm4b:s4+s2] =	stream.indirect_vreg.scatter [tilespmem:s19], [sflag:$0x1], $0x80, v4, vm0, $0xb8;
	[tilespmem:$0x10100] =	vst v63  }
0x80: {  	v3 =	vadd.s32 v1, v3  }
0x81: {  	[hbm4b:s5+s2] =	stream.indirect_vreg.scatter [tilespmem:s20], [sflag:$0x1], $0x80, v4, vm0, $0xb8;
	[tilespmem:$0x10100] =	vst v63  }
0x82: {  	_ = 	snop  }
0x83: {  	[hbm4b:s6+s2] =	stream.indirect_vreg.scatter [tilespmem:s21], [sflag:$0x1], $0x80, v4, vm0, $0xb8;
	[tilespmem:$0x10100] =	vst v63  }
0x84: {  	_ = 	snop  }
0x85: {  	[hbm4b:s3+s2] =	stream.indirect_vreg.scatter [tilespmem:s22], [sflag:$0x1], $0x80, v3, vm0, $0xb8;
	[tilespmem:$0x10100] =	vst v63  }
0x86: {  	_ = 	snop  }
0x87: {  	[hbm4b:s4+s2] =	stream.indirect_vreg.scatter [tilespmem:s23], [sflag:$0x1], $0x80, v3, vm0, $0xb8;
	[tilespmem:$0x10100] =	vst v63  }
0x88: {  	_ = 	snop  }
0x89: {  	[hbm4b:s5+s2] =	stream.indirect_vreg.scatter [tilespmem:s24], [sflag:$0x1], $0x80, v3, vm0, $0xb8;
	[tilespmem:$0x10100] =	vst v63  }
0x8a: {  	_ = 	snop  }
0x8b: {  	[hbm4b:s6+s2] =	stream.indirect_vreg.scatter [tilespmem:s25], [sflag:$0x1], $0x80, v3, vm0, $0xb8;
	[tilespmem:$0x10100] =	vst v63  }
0x8c: {  	v3 =	vld [tilespmem:$0x90];
	_ =	sdelay $0x4  }
0x8d: {  	v61 =	vshll.u32 v3, $0x3  }
0x8e: {  	v3 =	vand.u32 $0x7, v3;
	v4 =	vand.u32 $0xFFFFFFC0, v61  }
0x8f: {  	v3 =	vor.u32 v3, v4  }
0x90: {  	v4 =	vperm.xlane v3, v0;
	_ =	sdelay $0x1  }
0x91: {  	v4 =	vadd.s32 v1, v4;
	_ =	sdelay $0x4  }
0x92: {  	[hbm4b:s3+s2] =	stream.indirect_vreg.scatter [tilespmem:s26], [sflag:$0x1], $0x80, v4, vm0, $0xb8;
	[tilespmem:$0x10100] =	vst v63  }
0x93: {  	v3 =	vperm.xlane v3, v2  }
0x94: {  	[hbm4b:s4+s2] =	stream.indirect_vreg.scatter [tilespmem:s28], [sflag:$0x1], $0x80, v4, vm0, $0xb8;
	[tilespmem:$0x10100] =	vst v63  }
0x95: {  	v3 =	vadd.s32 v1, v3  }
0x96: {  	[hbm4b:s5+s2] =	stream.indirect_vreg.scatter [tilespmem:s29], [sflag:$0x1], $0x80, v4, vm0, $0xb8;
	[tilespmem:$0x10100] =	vst v63  }
0x97: {  	_ = 	snop  }
0x98: {  	[hbm4b:s6+s2] =	stream.indirect_vreg.scatter [tilespmem:s30], [sflag:$0x1], $0x80, v4, vm0, $0xb8;
	[tilespmem:$0x10100] =	vst v63  }
0x99: {  	_ = 	snop  }
0x9a: {  	[hbm4b:s3+s2] =	stream.indirect_vreg.scatter [tilespmem:s31], [sflag:$0x1], $0x80, v3, vm0, $0xb8;
	[tilespmem:$0x10100] =	vst v63  }
0x9b: {  	s20 =	simm.s32 $0x6900  }
0x9c: {  	[hbm4b:s4+s2] =	stream.indirect_vreg.scatter [tilespmem:s20], [sflag:$0x1], $0x80, v3, vm0, $0xb8;
	[tilespmem:$0x10100] =	vst v63  }
0x9d: {  	s19 =	simm.s32 $0x7100  }
0x9e: {  	[hbm4b:s5+s2] =	stream.indirect_vreg.scatter [tilespmem:s19], [sflag:$0x1], $0x80, v3, vm0, $0xb8;
	[tilespmem:$0x10100] =	vst v63  }
0x9f: {  	_ = 	snop  }
0xa0: {  	[hbm4b:s6+s2] =	stream.indirect_vreg.scatter [tilespmem:s10], [sflag:$0x1], $0x80, v3, vm0, $0xb8;
	[tilespmem:$0x10100] =	vst v63  }
0xa1: {  	v3 =	vld [tilespmem:$0xA0];
	_ =	sdelay $0x4  }
0xa2: {  	v62 =	vshll.u32 v3, $0x3  }
0xa3: {  	v3 =	vand.u32 $0x7, v3;
	v4 =	vand.u32 $0xFFFFFFC0, v62  }
0xa4: {  	v3 =	vor.u32 v3, v4  }
0xa5: {  	v4 =	vperm.xlane v3, v0;
	_ =	sdelay $0x1  }
0xa6: {  	v4 =	vadd.s32 v1, v4;
	_ =	sdelay $0x4  }
0xa7: {  	[hbm4b:s3+s2] =	stream.indirect_vreg.scatter [tilespmem:s11], [sflag:$0x1], $0x80, v4, vm0, $0xb8;
	[tilespmem:$0x10100] =	vst v63  }
0xa8: {  	v3 =	vperm.xlane v3, v2  }
0xa9: {  	[hbm4b:s4+s2] =	stream.indirect_vreg.scatter [tilespmem:s12], [sflag:$0x1], $0x80, v4, vm0, $0xb8;
	[tilespmem:$0x10100] =	vst v63  }
0xaa: {  	v3 =	vadd.s32 v1, v3  }
0xab: {  	[hbm4b:s5+s2] =	stream.indirect_vreg.scatter [tilespmem:s13], [sflag:$0x1], $0x80, v4, vm0, $0xb8;
	[tilespmem:$0x10100] =	vst v63  }
0xac: {  	_ = 	snop  }
0xad: {  	[hbm4b:s6+s2] =	stream.indirect_vreg.scatter [tilespmem:s14], [sflag:$0x1], $0x80, v4, vm0, $0xb8;
	[tilespmem:$0x10100] =	vst v63  }
0xae: {  	_ = 	snop  }
0xaf: {  	[hbm4b:s3+s2] =	stream.indirect_vreg.scatter [tilespmem:s15], [sflag:$0x1], $0x80, v3, vm0, $0xb8;
	[tilespmem:$0x10100] =	vst v63  }
0xb0: {  	_ = 	snop  }
0xb1: {  	[hbm4b:s4+s2] =	stream.indirect_vreg.scatter [tilespmem:s16], [sflag:$0x1], $0x80, v3, vm0, $0xb8;
	[tilespmem:$0x10100] =	vst v63  }
0xb2: {  	_ = 	snop  }
0xb3: {  	[hbm4b:s5+s2] =	stream.indirect_vreg.scatter [tilespmem:s17], [sflag:$0x1], $0x80, v3, vm0, $0xb8;
	[tilespmem:$0x10100] =	vst v63  }
0xb4: {  	_ = 	snop  }
0xb5: {  	[hbm4b:s6+s2] =	stream.indirect_vreg.scatter [tilespmem:s9], [sflag:$0x1], $0x80, v3, vm0, $0xb8;
	[tilespmem:$0x10100] =	vst v63  }
0xb6: {  	v3 =	vld [tilespmem:$0xB0];
	_ =	sdelay $0x4  }
0xb7: {  	v63 =	vshll.u32 v3, $0x3  }
0xb8: {  	v3 =	vand.u32 $0x7, v3;
	v4 =	vand.u32 $0xFFFFFFC0, v63  }
0xb9: {  	v3 =	vor.u32 v3, v4  }
0xba: {  	v4 =	vperm.xlane v3, v0;
	_ =	sdelay $0x1  }
0xbb: {  	v4 =	vadd.s32 v1, v4;
	_ =	sdelay $0x3  }
0xbc: {  	s20 =	simm.s32 $0xC100  }
0xbd: {  	[hbm4b:s3+s2] =	stream.indirect_vreg.scatter [tilespmem:s20], [sflag:$0x1], $0x80, v4, vm0, $0xb8;
	[tilespmem:$0x10100] =	vst v63  }
0xbe: {  	s9 =	simm.s32 $0xC900;
	v3 =	vperm.xlane v3, v2  }
0xbf: {  	[hbm4b:s4+s2] =	stream.indirect_vreg.scatter [tilespmem:s9], [sflag:$0x1], $0x80, v4, vm0, $0xb8;
	[tilespmem:$0x10100] =	vst v63  }
0xc0: {  	s19 =	simm.s32 $0xD100;
	v3 =	vadd.s32 v1, v3  }
0xc1: {  	[hbm4b:s5+s2] =	stream.indirect_vreg.scatter [tilespmem:s19], [sflag:$0x1], $0x80, v4, vm0, $0xb8;
	[tilespmem:$0x10100] =	vst v63  }
0xc2: {  	s20 =	simm.s32 $0xD900  }
0xc3: {  	[hbm4b:s6+s2] =	stream.indirect_vreg.scatter [tilespmem:s20], [sflag:$0x1], $0x80, v4, vm0, $0xb8;
	[tilespmem:$0x10100] =	vst v63  }
0xc4: {  	s9 =	simm.s32 $0xE100  }
0xc5: {  	[hbm4b:s3+s2] =	stream.indirect_vreg.scatter [tilespmem:s9], [sflag:$0x1], $0x80, v3, vm0, $0xb8;
	[tilespmem:$0x10100] =	vst v63  }
0xc6: {  	s19 =	simm.s32 $0xE900  }
0xc7: {  	[hbm4b:s4+s2] =	stream.indirect_vreg.scatter [tilespmem:s19], [sflag:$0x1], $0x80, v3, vm0, $0xb8;
	[tilespmem:$0x10100] =	vst v63  }
0xc8: {  	p0 =	sne.s32 s7, $0x1;
	s20 =	simm.s32 $0xF100  }
0xc9: {  	[hbm4b:s5+s2] =	stream.indirect_vreg.scatter [tilespmem:s20], [sflag:$0x1], $0x80, v3, vm0, $0xb8;
	[tilespmem:$0x10100] =	vst v63  }
.Ltmp0:
0xca: {  	_ = 	snop;
	(pc) =	sbr.rel @p0 .LBB2_1-.Ltmp0, $4  }
0xcb: {  	[hbm4b:s6+s2] =	stream.indirect_vreg.scatter [tilespmem:s1], [sflag:$0x1], $0x80, v3, vm0, $0xb8;
	[tilespmem:$0x10100] =	vst v63  }
0xcc: {  	_ =	swait.ge [sflag:s18], $0x10000  }
0xcd: {  	[sflag:s18] =	ssyncset.done $0x0  }
0xce: {  	s7 =	sadd.s32 $0xFFFFFFFF, s7;
	[sflag:s18] =	ssyncadd.s32 $0xFFFF0000  }
0xcf: {  	_ =	sfence.sel $0x180000  }
0xd0: {  	[bflag:$0x0] =	sbarrier.arrive $0xFFFF  }
0xd1: {  	_ =	strace $0x90000047  }
0xd2: {  	s0 =	stileid.u32;
	[bflag:$0x2] =	sbarrier.arrive $0xFFFF  }
0xd3: {  	p0 =	sne.s32 s0, $0x0;
	s0 =	rddreg [dreg:$0x2]  }
0xd4: {  	s0 =	sadd.s32 @!p0 $0x100000, s0  }
0xd5: {  	[sflag:s0] =	ssyncadd.tile.s32 @!p0 $0x1;
	_ =	shalt  }
.Lfunc_end2:
_tile_overlayer_lowered:
.L_overlay_start_2:
0xd6: {  	(tag) =	ssettag $0x2  }
0xd7: {  	s0 =	rddreg [dreg:$0x0];
	s2 =	stileid.u32  }
0xd8: {  	s1 =	rddreg [dreg:$0x1];
	p0 =	sne.s32 s2, $0x0  }
0xd9: {  	s3 =	rddreg [dreg:$0x2];
	[bflag:$0x3] =	sbarrier.arrive $0xFFFF;
	s2 =	simm.s32 @!p0 $0x1C02  }
0xda: {  	[timem:s3], [sflag:s2] =	dma.local @!p0 [hbm:s0], s1  }
0xdb: {  	s0 =	simm.s32 @!p0 $0x2  }
0xdc: {  	_ =	swait.ge @!p0 [sflag:s0], s1  }
0xdd: {  	s1 =	ssub.s32 @!p0 $0x0, s1;
	[sflag:s0] =	ssyncset.done @!p0 $0x0  }
0xde: {  	[sflag:s0] =	ssyncadd.s32 @!p0 s1  }
0xdf: {  	[bflag:$0x3] =	sbarrier.arrive $0xFFFF  }
0xe0: {  	_ =	shalt  }

// kernel: kernel.9.cloned.1.call-start
scs
__scs_entry_jumppad:
0x0: {  	(pc) =	sbr.rel $0x88, $3  }
0x1: {  	(tag) =	ssettag $0x0;
	lr =	simm.s32 $0x1  }
0x2: {  	[smem:$0x3F9D] =	sst lr;
	_ =	strace $0xD0000000  }
0x3: {  	_ = 	snop  }
0x4: {  	_ = 	snop  }
0x5: {  	_ = 	snop  }
0x6: {  	_ = 	snop  }
0x7: {  	_ = 	snop  }
__scs_overlays_trampoline_lowered:
0x8: {  	[smem:$0x3FAC] =	sst s0  }
0x9: {  	[smem:$0x3FAD] =	sst s1  }
0xa: {  	[smem:$0x3FAE] =	sst s2  }
0xb: {  	[smem:$0x3FAF] =	sst s3  }
0xc: {  	[smem:$0x3FB0] =	sst s4  }
0xd: {  	[smem:$0x3FB1] =	sst s5  }
0xe: {  	[smem:$0x3FB2] =	sst s6  }
0xf: {  	[smem:$0x3FB3] =	sst s7  }
0x10: {  	[smem:$0x3FB4] =	sst s8  }
0x11: {  	[smem:$0x3FB5] =	sst s9;
	s0 =	simm.s32 @!p0 $0x0  }
0x12: {  	s1 =	sld [smem:$0x3F9B];
	s0 =	simm.s32 @p0 $0x1  }
0x13: {  	[smem:$0x3FB6] =	sst s0;
	s0 =	simm.s32 @!p1 $0x0  }
0x14: {  	s2 =	sld [smem:$0x3F9A];
	s0 =	simm.s32 @p1 $0x1  }
0x15: {  	[smem:$0x3FB7] =	sst s0;
	s0 =	simm.s32 @!p2 $0x0  }
0x16: {  	s3 =	sld [smem:$0x3FDB];
	s0 =	simm.s32 @p2 $0x1  }
0x17: {  	s4 =	simm.s32 $0x1BF5;
	[smem:$0x3FB9] =	sst s0  }
0x18: {  	s0 =	sld [smem:$0x3F9C];
	_ =	swait.ge [sflag:s4], $0x0  }
0x19: {  	s7 =	sld [smem:$0x3F9D]  }
0x1a: {  	s8 =	sadd.s32 $0xFFFFE003, lr  }
0x1b: {  	s9 =	sadd.s32 $0xFFFFFEF7, lr;
	s5 =	simm.s32 $0xFFFFFFFF;
	p2 =	slt.u32 s8, $0xFFFFF086  }
0x1c: {  	p1 =	slt.u32 s9, $0xF7A;
	s5 =	simm.s32 @!p2 $0x0  }
0x1d: {  	s5 =	simm.s32 @p1 $0x1;
	p0 =	seq.s32 s7, s2  }
0x1e: {  	s7 =	smul.u32 @!p0 $0xF7A, s2;
	p2 =	seq.s32 @!p0 s5, $0x0  }
0x1f: {  	s9 =	smul.u32 $0xF7A, s1;
	s8 =	simm.s32 @!p0 $0x1BF5;
	p2 =	por !p2, p0  }
0x20: {  	[sflag:s8] =	ssyncset.s32 @!p0 $0xFFFFF086;
	s6 =	sadd.s32 @!p0 s3, s7;
	s7 =	simm.s32 @!p0 $0x108  }
0x21: {  	s3 =	sadd.s32 s3, s9;
	s6 =	sadd.s32 @!p0 $0x88, s6;
	s7 =	simm.s32 @p2 $0x1082  }
0x22: {  	[simem:s7], [sflag:s8] =	dma.local @!p0 [hbm:s6], $0xF7A  }
0x23: {  	s9 =	sor.u32 $0xD0000000, s2;
	s6 =	simm.s32 $0x108;
	_ =	swait.ge @!p0 [sflag:s8], $0x0  }
0x24: {  	s3 =	sadd.s32 $0x88, s3;
	s6 =	simm.s32 @!p1 $0x1082;
	[sflag:s4] =	ssyncset.s32 $0xFFFFF086  }
0x25: {  	[simem:s6], [sflag:s4] =	dma.local [hbm:s3], $0xF7A  }
0x26: {  	[smem:$0x3F9D] =	sst s1;
	(tag) =	ssettag s2;
	_ =	strace s9  }
0x27: {  	s1 =	sld [smem:$0x3FAD]  }
0x28: {  	s2 =	sld [smem:$0x3FAE]  }
0x29: {  	s4 =	sld [smem:$0x3FB0]  }
0x2a: {  	p0 =	seq.s32 s5, $0x0;
	s5 =	sld [smem:$0x3FB1]  }
0x2b: {  	s6 =	sld [smem:$0x3FB2]  }
0x2c: {  	s7 =	sld [smem:$0x3FB3]  }
0x2d: {  	s3 =	simm.s32 $0x108;
	s8 =	sld [smem:$0x3FB4]  }
0x2e: {  	s3 =	simm.s32 @!p0 $0x1082;
	s9 =	sld [smem:$0x3FB5]  }
0x2f: {  	lr =	sadd.s32 s0, s3;
	s0 =	sld [smem:$0x3FAC]  }
0x30: {  	s3 =	sld [smem:$0x3FAF]  }
0x31: {  	[smem:$0x3FB8] =	sst s10  }
0x32: {  	s10 =	sld [smem:$0x3FB6];
	_ =	sdelay $0x3  }
0x33: {  	p0 =	seq.s32 s10, $0x1;
	s10 =	sld [smem:$0x3FB8];
	_ =	sdelay $0x3  }
0x34: {  	[smem:$0x3FB8] =	sst s10  }
0x35: {  	s10 =	sld [smem:$0x3FB7];
	_ =	sdelay $0x3  }
0x36: {  	p1 =	seq.s32 s10, $0x1;
	s10 =	sld [smem:$0x3FB8];
	_ =	sdelay $0x3  }
0x37: {  	[smem:$0x3FB8] =	sst s10  }
0x38: {  	s10 =	sld [smem:$0x3FB9]  }
0x39: {  	_ = 	snop;
	(pc) =	sbr.ind lr, $3  }
0x3a: {  	_ = 	snop  }
0x3b: {  	_ = 	snop  }
0x3c: {  	p2 =	seq.s32 s10, $0x1;
	s10 =	sld [smem:$0x3FB8]  }
0x3d: {  	_ =	shalt  }
0x3e: {  	_ =	shalt  }
0x3f: {  	_ =	shalt  }
0x40: {  	_ =	shalt  }
0x41: {  	_ =	shalt  }
0x42: {  	_ =	shalt  }
0x43: {  	_ =	shalt  }
0x44: {  	_ =	shalt  }
0x45: {  	_ =	shalt  }
0x46: {  	_ =	shalt  }
0x47: {  	_ =	shalt  }
0x48: {  	_ =	shalt  }
0x49: {  	_ =	shalt  }
0x4a: {  	_ =	shalt  }
0x4b: {  	_ =	shalt  }
0x4c: {  	_ =	shalt  }
0x4d: {  	_ =	shalt  }
0x4e: {  	_ =	shalt  }
0x4f: {  	_ =	shalt  }
0x50: {  	_ =	shalt  }
0x51: {  	_ =	shalt  }
0x52: {  	_ =	shalt  }
0x53: {  	_ =	shalt  }
0x54: {  	_ =	shalt  }
0x55: {  	_ =	shalt  }
0x56: {  	_ =	shalt  }
0x57: {  	_ =	shalt  }
0x58: {  	_ =	shalt  }
0x59: {  	_ =	shalt  }
0x5a: {  	_ =	shalt  }
0x5b: {  	_ =	shalt  }
0x5c: {  	_ =	shalt  }
0x5d: {  	_ =	shalt  }
0x5e: {  	_ =	shalt  }
0x5f: {  	_ =	shalt  }
0x60: {  	_ =	shalt  }
0x61: {  	_ =	shalt  }
0x62: {  	_ =	shalt  }
0x63: {  	_ =	shalt  }
0x64: {  	_ =	shalt  }
0x65: {  	_ =	shalt  }
0x66: {  	_ =	shalt  }
0x67: {  	_ =	shalt  }
0x68: {  	_ =	shalt  }
0x69: {  	_ =	shalt  }
0x6a: {  	_ =	shalt  }
0x6b: {  	_ =	shalt  }
0x6c: {  	_ =	shalt  }
0x6d: {  	_ =	shalt  }
0x6e: {  	_ =	shalt  }
0x6f: {  	_ =	shalt  }
0x70: {  	_ =	shalt  }
0x71: {  	_ =	shalt  }
0x72: {  	_ =	shalt  }
0x73: {  	_ =	shalt  }
0x74: {  	_ =	shalt  }
0x75: {  	_ =	shalt  }
0x76: {  	_ =	shalt  }
0x77: {  	_ =	shalt  }
0x78: {  	_ =	shalt  }
0x79: {  	_ =	shalt  }
0x7a: {  	_ =	shalt  }
0x7b: {  	_ =	shalt  }
0x7c: {  	_ =	shalt  }
0x7d: {  	_ =	shalt  }
0x7e: {  	_ =	shalt  }
0x7f: {  	_ =	shalt  }
0x80: {  	_ =	shalt  }
0x81: {  	_ =	shalt  }
0x82: {  	_ =	shalt  }
0x83: {  	_ =	shalt  }
0x84: {  	_ =	shalt  }
0x85: {  	_ =	shalt  }
0x86: {  	_ =	shalt  }
0x87: {  	_ =	shalt  }
.Lfunc_end0:
.L_simem_size_0:
called_computation.1_lowered:
.L_overlay_start_0:
0x88: {  	s2 =	sld [smem:$0x3FD9]  }
0x89: {  	s3 =	sld [smem:$0x3FFE];
	_ =	sdelay $0x1  }
0x8a: {  	s1 =	srdreg.scid  }
0x8b: {  	s0 =	sand.u32 $0x1, s1  }
0x8c: {  	s17 =	sshll.u32 s0, $0xA;
	s2 =	sadd.s32 s3, s2  }
0x8d: {  	s2 =	sadd.s32 s2, s17  }
0x8e: {  	[smem:$0x3FC4] =	sst s2  }
0x8f: {  	_ = 	snop  }
0x90: {  	s2 =	sld [smem:$0x3FD0];
	(tm) =	ssettm $0x1  }
0x91: {  	s18 =	sld [smem:$0x3FFB];
	_ =	sdelay $0x3  }
0x92: {  	_ =	strace s18  }
0x93: {  	s3 =	sld [smem:$0x3FFC];
	_ =	sdelay $0x3  }
0x94: {  	_ =	strace s3  }
0x95: {  	s3 =	sld [smem:$0x3FFD];
	_ =	sdelay $0x3  }
0x96: {  	_ =	strace s3  }
0x97: {  	_ =	strace $0x8FFFFFFF  }
0x98: {  	s19 =	sld [smem:$0x3FDB];
	_ =	sdelay $0x1  }
0x99: {  	s4 =	simm.s32 $_scs_section_size  }
0x9a: {  	s5 =	simm.s32 $_size__tile_overlayer_lowered;
	s6 =	simm.s32 $_tile_overlayer_lowered  }
0x9b: {  	s22 =	simm.s32 $0x1BFF;
	s21 =	sshll.u32 s6, $0x1;
	s3 =	sadd.s32 s4, s19  }
0x9c: {  	s7 =	simm.s32 $0x0;
	s20 =	sshll.u32 s5, $0x1;
	s5 =	sadd.s32 s21, s3  }
0x9d: {  	[timem:s7], [sflag:s22] =	dma.local [hbm:s5], s20  }
0x9e: {  	_ =	swait.ge [sflag:s22], s20  }
0x9f: {  	s4 =	ssub.s32 $0x0, s20;
	[sflag:s22] =	ssyncset.done $0x0  }
0xa0: {  	[sflag:s22] =	ssyncadd.s32 s4;
	_ =	sdelay $0x1  }
0xa1: {  	s23 =	simm.s32 $0x1B8B  }
0xa2: {  	_ =	swait.ge [sflag:s23], $0x1  }
0xa3: {  	[sflag:s23] =	ssyncset.done $0x0  }
0xa4: {  	s25 =	simm.s32 $0x1B8E;
	s24 =	sld [smem:$0x3FFE];
	[sflag:s23] =	ssyncadd.s32 $0xFFFFFFFF  }
0xa5: {  	s26 =	simm.s32 $execute0_lowered;
	[smem:$0x3FD2] =	sst s25  }
0xa6: {  	s5 =	sshll.u32 s26, $0x1;
	_ =	strace $0x80000049;
	[dreg:$0x1] =	wrdreg $0xFFFFFFFF  }
0xa7: {  	s28 =	simm.s32 $_size_execute0_lowered;
	s3 =	sadd.s32 s3, s5;
	[dreg:$0x0] =	wrdreg $0x0  }
0xa8: {  	s5 =	sshll.u32 s28, $0x1;
	[dreg:$0x2] =	wrdreg s3  }
0xa9: {  	[dreg:$0x3] =	wrdreg s5  }
0xaa: {  	[dreg:$0x4] =	wrdreg $0xC0  }
0xab: {  	_ =	task [dreg:s7], $0x5FFFF  }
0xac: {  	[dreg:$0x1] =	wrdreg $0xFFFFFFFF  }
0xad: {  	[dreg:$0x0] =	wrdreg $0x60  }
0xae: {  	[dreg:$0x2] =	wrdreg s24  }
0xaf: {  	[dreg:$0x3] =	wrdreg s2  }
0xb0: {  	[dreg:$0x4] =	wrdreg $0x9  }
0xb1: {  	_ =	task.clear_ibuf [dreg:s7], $0x5FFFF;
	_ =	strace $0x90000049  }
0xb2: {  	s29 =	simm.s32 $0x9;
	_ =	strace $0x8000004B  }
0xb3: {  	_ =	swait.ge [sflag:s29], $0x1  }
0xb4: {  	[sflag:s29] =	ssyncadd.s32 $0xFFFFFFFF  }
0xb5: {  	_ =	strace $0x9000004B  }
0xb6: {  	_ =	sfence  }
0xb7: {  	s30 =	sld [smem:$0x0];
	_ =	sdelay $0x2  }
0xb8: {  	s31 =	sshll.u32 s1, $0xD;
	s1 =	sshrl.u32 s1, $0x2  }
0xb9: {  	s3 =	sand.u32 $0x4000, s31;
	s1 =	sadd.s32 s1, s30  }
0xba: {  	s0 =	sor.u32 s3, s0;
	s1 =	sshll.u32 s1, $0x11  }
0xbb: {  	s0 =	sor.u32 s1, s0  }
0xbc: {  	s0 =	sadd.s32 $0x8F2B, s0  }
0xbd: {  	[sflag:s0] =	ssyncadd.remote.s32 $0x1  }
0xbe: {  	_ =	sfence.sel $0xFFFF  }
0xbf: {  	[dreg:$0x0] =	wrdreg $0xFFFFFFFF;
	(pc) =	sbr.abs _section_cstart, $3  }
0xc0: {  	[dreg:$0x1] =	wrdreg $0xFFFFFFFF  }
0xc1: {  	_ =	task.clear_ibuf [dreg:s7], $0x2FFFF;
	_ =	strace $0x9FFFFFFF  }
0xc2: {  	(tm) =	ssettm $0x7FFFFFFF  }
0xc3: {  	_ =	shalt  }
tec
execute0_lowered:
.L_overlay_start_1:
0x0: {  	(tag) =	ssettag $0x1  }
0x1: {  	s0 =	rddreg [dreg:$0x0]  }
0x2: {  	s2 =	rddreg [dreg:$0x1];
	s1 =	simm.s32 $0x0  }
0x3: {  	s4 =	srdreg.scid;
	s7 =	stileid.u32;
	s28 =	simm.s32 $0xE900  }
0x4: {  	s29 =	simm.s32 $0xF100;
	s30 =	simm.s32 $0x10100;
	s31 =	simm.s32 $0x11100  }
0x5: {  	[smem:$0x7FF] =	sst s1;
	s3 =	sadd.s32 $0x11800, s0;
	s5 =	sadd.s32 $0x1400, s0  }
0x6: {  	s4 =	sand.u32 $0x1, s4;
	s6 =	sadd.s32 $0x1600, s0;
	s7 =	sshll.u32 s7, $0x7  }
0x7: {  	s11 =	sadd.s32 $0x1800, s0;
	s12 =	sadd.s32 $0x9800, s0;
	s8 =	sshll.u32 s4, $0x6  }
0x8: {  	s10 =	sadd.s32 $0x11B00, s0;
	s4 =	ssub.s32 $0x2, s4;
	s7 =	sor.u32 s8, s7  }
0x9: {  	_ =	strace $0x8000004A;
	s14 =	sshrl.u32 s4, $0x1;
	s9 =	sshrl.u32 s7, $0x3  }
0xa: {  	s4 =	ssub.s32 s4, s14;
	s16 =	sshll.u32 s7, $0x4;
	s13 =	sor.u32 $0x20, s7  }
0xb: {  	s18 =	sshll.u32 s7, $0x7;
	s7 =	simm.s32 $0x1;
	s14 =	simm.s32 $0x10900  }
0xc: {  	s15 =	sadd.s32 s5, s9;
	s9 =	sadd.s32 s6, s9;
	s17 =	sadd.s32 s11, s16  }
0xd: {  	s8 =	sadd.s32 s12, s16;
	s19 =	sshrl.u32 s13, $0x3;
	[dreg:$0x3] =	wrdreg s15  }
0xe: {  	s21 =	sshll.u32 s13, $0x4;
	s24 =	sshll.u32 s13, $0x7;
	[dreg:$0x4] =	wrdreg s9  }
0xf: {  	s26 =	smax.u32 s4, $0x1;
	s13 =	simm.s32 $0xF900;
	[dreg:$0x5] =	wrdreg s17  }
0x10: {  	[dreg:$0x6] =	wrdreg s8;
	s8 =	sadd.s32 $0x11900, s0;
	s9 =	sadd.s32 $0x11A00, s0  }
0x11: {  	s0 =	sadd.s32 s2, s18;
	s20 =	sadd.s32 s5, s19;
	[dreg:$0xd] =	wrdreg s26  }
0x12: {  	s22 =	sadd.s32 s6, s19;
	s23 =	sadd.s32 s11, s21;
	[dreg:$0x7] =	wrdreg s0  }
0x13: {  	s25 =	sadd.s32 s2, s24;
	s18 =	simm.s32 $0x2;
	[dreg:$0x8] =	wrdreg s20  }
0x14: {  	v2 =	vlaneseq.u32;
	s24 =	simm.s32 $0xC100;
	s11 =	simm.s32 $0xD100;
	[dreg:$0x9] =	wrdreg s22  }
0x15: {  	v0 =	vand.u32 $0x7, v2;
	v1 =	vshrl.u32 v2, $0x3;
	s26 =	simm.s32 $0xD900;
	s15 =	simm.s32 $0x0;
	[dreg:$0xa] =	wrdreg s23  }
0x16: {  	v63 =	vor.u32 $0x8, v2;
	[tilespmem:$0x1FFD0] =	vst v0;
	v62 =	vmul.u32 $0x8, v1;
	s0 =	sadd.s32 s12, s21;
	[dreg:$0xc] =	wrdreg s25;
	s20 =	simm.s32 $0x2100  }
0x17: {  	[tilespmem:$0x1FFF0] =	vst v63;
	s22 =	simm.s32 $0xB100;
	s23 =	simm.s32 $0xB900;
	s25 =	simm.s32 $0xC900  }
0x18: {  	vm0 =	vmmov $0xffff;
	[tilespmem:$0x1FFE0] =	vst v62;
	s12 =	simm.s32 $0xE100;
	[dreg:$0xb] =	wrdreg s0;
	s0 =	simm.s32 $0x11900  }
.LBB2_1:
0x19: {  	s2 =	rddreg [dreg:$0x3]  }
0x1a: {  	[tilespmem:s1], [sflag:$0x2] =	stream.linear.gather [hbm4b:s2+s1], $0x20, $0x38;
	[tilespmem:$0x12100] =	vst v63  }
0x1b: {  	_ =	swait.ge [sflag:s18], $0x20  }
0x1c: {  	[sflag:s18] =	ssyncset.done $0x0  }
0x1d: {  	s4 =	simm.s32 $0x80;
	s6 =	rddreg [dreg:$0x4];
	[sflag:s18] =	ssyncadd.s32 $0xFFFFFFE0  }
0x1e: {  	[tilespmem:s4], [sflag:$0x2] =	stream.linear.gather [hbm4b:s6+s1], $0x20, $0x38;
	[tilespmem:$0x12100] =	vst v63  }
0x1f: {  	_ =	swait.ge [sflag:s18], $0x20  }
0x20: {  	[sflag:s18] =	ssyncset.done $0x0  }
0x21: {  	s2 =	simm.s32 $0x100;
	s16 =	rddreg [dreg:$0x5];
	[sflag:s18] =	ssyncadd.s32 $0xFFFFFFE0  }
0x22: {  	[tilespmem:s2], [sflag:$0x2] =	stream.linear.gather [hbm4b:s16+s1], $0x1000, $0x38;
	[tilespmem:$0x12100] =	vst v63  }
0x23: {  	_ =	swait.ge [sflag:s18], $0x1000  }
0x24: {  	[sflag:s18] =	ssyncset.done $0x0  }
0x25: {  	s16 =	simm.s32 $0x1100;
	s17 =	rddreg [dreg:$0x6];
	[sflag:s18] =	ssyncadd.s32 $0xFFFFF000  }
0x26: {  	[tilespmem:s16], [sflag:$0x2] =	stream.linear.gather [hbm4b:s17+s1], $0x1000, $0x38;
	[tilespmem:$0x12100] =	vst v63  }
0x27: {  	_ =	swait.ge [sflag:s18], $0x1000  }
0x28: {  	[sflag:s18] =	ssyncset.done $0x0  }
0x29: {  	[sflag:s18] =	ssyncadd.s32 $0xFFFFF000  }
0x2a: {  	v3 =	vld [tilespmem:$0x0];
	_ =	sdelay $0x2  }
0x2b: {  	v0 =	vld [tilespmem:$0x1FFD0];
	_ =	sdelay $0x1  }
0x2c: {  	v1 =	vld [tilespmem:$0x1FFE0];
	v4 =	vshll.u32 v3, $0x3  }
0x2d: {  	v3 =	vand.u32 $0x7, v3;
	v4 =	vand.u32 $0xFFFFFFC0, v4  }
0x2e: {  	v3 =	vor.u32 v3, v4  }
0x2f: {  	v4 =	vperm.xlane v3, v0;
	_ =	sdelay $0x1  }
0x30: {  	v4 =	vadd.s32 v1, v4  }
0x31: {  	v2 =	vld [tilespmem:$0x1FFF0];
	_ =	sdelay $0x3  }
0x32: {  	[tilespmem:s20], [sflag:$0x1] =	stream.indirect_vreg.gather [hbm4b:s3+s1], $0x80, v4, vm0, $0xb8;
	[tilespmem:$0x12100] =	vst v63  }
0x33: {  	s19 =	simm.s32 $0x2900;
	v3 =	vperm.xlane v3, v2  }
0x34: {  	[tilespmem:s19], [sflag:$0x1] =	stream.indirect_vreg.gather [hbm4b:s8+s1], $0x80, v4, vm0, $0xb8;
	[tilespmem:$0x12100] =	vst v63  }
0x35: {  	s21 =	simm.s32 $0x3100;
	v3 =	vadd.s32 v1, v3  }
0x36: {  	[tilespmem:s21], [sflag:$0x1] =	stream.indirect_vreg.gather [hbm4b:s9+s1], $0x80, v4, vm0, $0xb8;
	[tilespmem:$0x12100] =	vst v63  }
0x37: {  	s5 =	simm.s32 $0x3900  }
0x38: {  	[tilespmem:s5], [sflag:$0x1] =	stream.indirect_vreg.gather [hbm4b:s10+s1], $0x80, v4, vm0, $0xb8;
	[tilespmem:$0x12100] =	vst v63  }
0x39: {  	s6 =	simm.s32 $0x4100  }
0x3a: {  	[tilespmem:s6], [sflag:$0x1] =	stream.indirect_vreg.gather [hbm4b:s3+s1], $0x80, v3, vm0, $0xb8;
	[tilespmem:$0x12100] =	vst v63  }
0x3b: {  	s17 =	simm.s32 $0x4900  }
0x3c: {  	[tilespmem:s17], [sflag:$0x1] =	stream.indirect_vreg.gather [hbm4b:s8+s1], $0x80, v3, vm0, $0xb8;
	[tilespmem:$0x12100] =	vst v63  }
0x3d: {  	s19 =	simm.s32 $0x5100  }
0x3e: {  	[tilespmem:s19], [sflag:$0x1] =	stream.indirect_vreg.gather [hbm4b:s9+s1], $0x80, v3, vm0, $0xb8;
	[tilespmem:$0x12100] =	vst v63  }
0x3f: {  	s21 =	simm.s32 $0x5900  }
0x40: {  	[tilespmem:s21], [sflag:$0x1] =	stream.indirect_vreg.gather [hbm4b:s10+s1], $0x80, v3, vm0, $0xb8;
	[tilespmem:$0x12100] =	vst v63  }
0x41: {  	v3 =	vld [tilespmem:$0x10];
	_ =	sdelay $0x4  }
0x42: {  	v60 =	vshll.u32 v3, $0x3  }
0x43: {  	v3 =	vand.u32 $0x7, v3;
	v4 =	vand.u32 $0xFFFFFFC0, v60  }
0x44: {  	v3 =	vor.u32 v3, v4  }
0x45: {  	v4 =	vperm.xlane v3, v0;
	_ =	sdelay $0x1  }
0x46: {  	v4 =	vadd.s32 v1, v4;
	_ =	sdelay $0x3  }
0x47: {  	s5 =	simm.s32 $0x6100  }
0x48: {  	[tilespmem:s5], [sflag:$0x1] =	stream.indirect_vreg.gather [hbm4b:s3+s1], $0x80, v4, vm0, $0xb8;
	[tilespmem:$0x12100] =	vst v63  }
0x49: {  	s6 =	simm.s32 $0x6900;
	v3 =	vperm.xlane v3, v2  }
0x4a: {  	[tilespmem:s6], [sflag:$0x1] =	stream.indirect_vreg.gather [hbm4b:s8+s1], $0x80, v4, vm0, $0xb8;
	[tilespmem:$0x12100] =	vst v63  }
0x4b: {  	s17 =	simm.s32 $0x7100;
	v3 =	vadd.s32 v1, v3  }
0x4c: {  	[tilespmem:s17], [sflag:$0x1] =	stream.indirect_vreg.gather [hbm4b:s9+s1], $0x80, v4, vm0, $0xb8;
	[tilespmem:$0x12100] =	vst v63  }
0x4d: {  	s19 =	simm.s32 $0x7900  }
0x4e: {  	[tilespmem:s19], [sflag:$0x1] =	stream.indirect_vreg.gather [hbm4b:s10+s1], $0x80, v4, vm0, $0xb8;
	[tilespmem:$0x12100] =	vst v63  }
0x4f: {  	s21 =	simm.s32 $0x8100  }
0x50: {  	[tilespmem:s21], [sflag:$0x1] =	stream.indirect_vreg.gather [hbm4b:s3+s1], $0x80, v3, vm0, $0xb8;
	[tilespmem:$0x12100] =	vst v63  }
0x51: {  	s5 =	simm.s32 $0x8900  }
0x52: {  	[tilespmem:s5], [sflag:$0x1] =	stream.indirect_vreg.gather [hbm4b:s8+s1], $0x80, v3, vm0, $0xb8;
	[tilespmem:$0x12100] =	vst v63  }
0x53: {  	s6 =	simm.s32 $0x9100  }
0x54: {  	[tilespmem:s6], [sflag:$0x1] =	stream.indirect_vreg.gather [hbm4b:s9+s1], $0x80, v3, vm0, $0xb8;
	[tilespmem:$0x12100] =	vst v63  }
0x55: {  	s17 =	simm.s32 $0x9900  }
0x56: {  	[tilespmem:s17], [sflag:$0x1] =	stream.indirect_vreg.gather [hbm4b:s10+s1], $0x80, v3, vm0, $0xb8;
	[tilespmem:$0x12100] =	vst v63  }
0x57: {  	_ =	swait.ge [sflag:s7], $0x8000  }
0x58: {  	[sflag:s7] =	ssyncset.done $0x0  }
0x59: {  	[sflag:s7] =	ssyncadd.s32 $0xFFFF8000  }
0x5a: {  	v61 =	vld [tilespmem:$0x80];
	_ =	sdelay $0x4  }
0x5b: {  	v62 =	vshll.u32 v61, $0x3  }
0x5c: {  	v3 =	vand.u32 $0x7, v61;
	v4 =	vand.u32 $0xFFFFFFC0, v62  }
0x5d: {  	v3 =	vor.u32 v3, v4  }
0x5e: {  	v4 =	vperm.xlane v3, v0;
	_ =	sdelay $0x1  }
0x5f: {  	v4 =	vadd.s32 v1, v4;
	_ =	sdelay $0x3  }
0x60: {  	s19 =	simm.s32 $0xA100  }
0x61: {  	[tilespmem:s19], [sflag:$0x1] =	stream.indirect_vreg.gather [hbm4b:s3+s1], $0x80, v4, vm0, $0xb8;
	[tilespmem:$0x12100] =	vst v63  }
0x62: {  	s21 =	simm.s32 $0xA900;
	v3 =	vperm.xlane v3, v2  }
0x63: {  	[tilespmem:s21], [sflag:$0x1] =	stream.indirect_vreg.gather [hbm4b:s8+s1], $0x80, v4, vm0, $0xb8;
	[tilespmem:$0x12100] =	vst v63  }
0x64: {  	v3 =	vadd.s32 v1, v3  }
0x65: {  	[tilespmem:s22], [sflag:$0x1] =	stream.indirect_vreg.gather [hbm4b:s9+s1], $0x80, v4, vm0, $0xb8;
	[tilespmem:$0x12100] =	vst v63  }
0x66: {  	_ = 	snop  }
0x67: {  	[tilespmem:s23], [sflag:$0x1] =	stream.indirect_vreg.gather [hbm4b:s10+s1], $0x80, v4, vm0, $0xb8;
	[tilespmem:$0x12100] =	vst v63  }
0x68: {  	_ = 	snop  }
0x69: {  	[tilespmem:s24], [sflag:$0x1] =	stream.indirect_vreg.gather [hbm4b:s3+s1], $0x80, v3, vm0, $0xb8;
	[tilespmem:$0x12100] =	vst v63  }
0x6a: {  	_ = 	snop  }
0x6b: {  	[tilespmem:s25], [sflag:$0x1] =	stream.indirect_vreg.gather [hbm4b:s8+s1], $0x80, v3, vm0, $0xb8;
	[tilespmem:$0x12100] =	vst v63  }
0x6c: {  	_ = 	snop  }
0x6d: {  	[tilespmem:s11], [sflag:$0x1] =	stream.indirect_vreg.gather [hbm4b:s9+s1], $0x80, v3, vm0, $0xb8;
	[tilespmem:$0x12100] =	vst v63  }
0x6e: {  	_ = 	snop  }
0x6f: {  	[tilespmem:s26], [sflag:$0x1] =	stream.indirect_vreg.gather [hbm4b:s10+s1], $0x80, v3, vm0, $0xb8;
	[tilespmem:$0x12100] =	vst v63  }
0x70: {  	v3 =	vld [tilespmem:$0x90];
	_ =	sdelay $0x4  }
0x71: {  	v63 =	vshll.u32 v3, $0x3  }
0x72: {  	v3 =	vand.u32 $0x7, v3;
	v4 =	vand.u32 $0xFFFFFFC0, v63  }
0x73: {  	v3 =	vor.u32 v3, v4  }
0x74: {  	v4 =	vperm.xlane v3, v0;
	_ =	sdelay $0x1  }
0x75: {  	v4 =	vadd.s32 v1, v4;
	_ =	sdelay $0x4  }
0x76: {  	[tilespmem:s12], [sflag:$0x1] =	stream.indirect_vreg.gather [hbm4b:s3+s1], $0x80, v4, vm0, $0xb8;
	[tilespmem:$0x12100] =	vst v63  }
0x77: {  	v3 =	vperm.xlane v3, v2  }
0x78: {  	[tilespmem:s28], [sflag:$0x1] =	stream.indirect_vreg.gather [hbm4b:s8+s1], $0x80, v4, vm0, $0xb8;
	[tilespmem:$0x12100] =	vst v63  }
0x79: {  	v3 =	vadd.s32 v1, v3  }
0x7a: {  	[tilespmem:s29], [sflag:$0x1] =	stream.indirect_vreg.gather [hbm4b:s9+s1], $0x80, v4, vm0, $0xb8;
	[tilespmem:$0x12100] =	vst v63  }
0x7b: {  	_ = 	snop  }
0x7c: {  	[tilespmem:s13], [sflag:$0x1] =	stream.indirect_vreg.gather [hbm4b:s10+s1], $0x80, v4, vm0, $0xb8;
	[tilespmem:$0x12100] =	vst v63  }
0x7d: {  	_ = 	snop  }
0x7e: {  	[tilespmem:s30], [sflag:$0x1] =	stream.indirect_vreg.gather [hbm4b:s3+s1], $0x80, v3, vm0, $0xb8;
	[tilespmem:$0x12100] =	vst v63  }
0x7f: {  	_ = 	snop  }
0x80: {  	[tilespmem:s14], [sflag:$0x1] =	stream.indirect_vreg.gather [hbm4b:s8+s1], $0x80, v3, vm0, $0xb8;
	[tilespmem:$0x12100] =	vst v63  }
0x81: {  	_ = 	snop  }
0x82: {  	[tilespmem:s31], [sflag:$0x1] =	stream.indirect_vreg.gather [hbm4b:s9+s1], $0x80, v3, vm0, $0xb8;
	[tilespmem:$0x12100] =	vst v63  }
0x83: {  	_ = 	snop  }
0x84: {  	[tilespmem:s0], [sflag:$0x1] =	stream.indirect_vreg.gather [hbm4b:s10+s1], $0x80, v3, vm0, $0xb8;
	[tilespmem:$0x12100] =	vst v63  }
0x85: {  	_ =	swait.ge [sflag:s7], $0x8000  }
0x86: {  	s4 =	simm.s32 $0x0;
	[sflag:s7] =	ssyncset.done $0x0  }
0x87: {  	s5 =	simm.s32 $0x0;
	s17 =	simm.s32 $0x0;
	[sflag:s7] =	ssyncadd.s32 $0xFFFF8000  }
.LBB2_2:
0x88: {  	v3 =	vld [tilespmem:s2+$0x0];
	s6 =	sand.u32 $0x6000, s17;
	s19 =	sand.u32 $0x380, s5  }
0x89: {  	v4 =	vld [tilespmem:s16+$0x0];
	s6 =	sor.u32 s19, s6  }
0x8a: {  	v6 =	vld [tilespmem:s6+$0x2100]  }
0x8b: {  	v7 =	vld [tilespmem:s6+$0xA100]  }
0x8c: {  	v10 =	vld [tilespmem:s6+$0x2110]  }
0x8d: {  	v11 =	vld [tilespmem:s6+$0xA110]  }
0x8e: {  	v14 =	vld [tilespmem:s6+$0x2120]  }
0x8f: {  	v17 =	vld [tilespmem:s6+$0xA120]  }
0x90: {  	v20 =	vld [tilespmem:s6+$0x2130]  }
0x91: {  	v21 =	vld [tilespmem:s6+$0xA130]  }
0x92: {  	v26 =	vld [tilespmem:s6+$0x2140]  }
0x93: {  	v27 =	vld [tilespmem:s6+$0xA140]  }
0x94: {  	v28 =	vld [tilespmem:s6+$0x2150]  }
0x95: {  	v29 =	vld [tilespmem:s6+$0xA150]  }
0x96: {  	v30 =	vld [tilespmem:s6+$0x2160]  }
0x97: {  	v31 =	vld [tilespmem:s6+$0xA160]  }
0x98: {  	v32 =	vld [tilespmem:s6+$0x2170]  }
0x99: {  	v33 =	vld [tilespmem:s6+$0xA170]  }
0x9a: {  	v34 =	vld [tilespmem:s6+$0x2500]  }
0x9b: {  	v35 =	vld [tilespmem:s6+$0xA500]  }
0x9c: {  	v36 =	vld [tilespmem:s6+$0x2510]  }
0x9d: {  	v37 =	vld [tilespmem:s6+$0xA510]  }
0x9e: {  	v38 =	vld [tilespmem:s6+$0x2520]  }
0x9f: {  	v39 =	vld [tilespmem:s6+$0xA520]  }
0xa0: {  	v40 =	vld [tilespmem:s6+$0x2530]  }
0xa1: {  	v41 =	vld [tilespmem:s6+$0xA530]  }
0xa2: {  	v42 =	vld [tilespmem:s6+$0x2540]  }
0xa3: {  	v43 =	vld [tilespmem:s6+$0xA540]  }
0xa4: {  	v44 =	vld [tilespmem:s6+$0x2550]  }
0xa5: {  	v45 =	vld [tilespmem:s6+$0xA550]  }
0xa6: {  	v46 =	vld [tilespmem:s6+$0x2560]  }
0xa7: {  	v47 =	vld [tilespmem:s6+$0xA560]  }
0xa8: {  	v48 =	vld [tilespmem:s6+$0x2570]  }
0xa9: {  	v49 =	vld [tilespmem:s6+$0xA570]  }
0xaa: {  	v50 =	vld [tilespmem:s6+$0x2900]  }
0xab: {  	v51 =	vld [tilespmem:s6+$0xA900]  }
0xac: {  	v52 =	vld [tilespmem:s6+$0x2910]  }
0xad: {  	v53 =	vld [tilespmem:s6+$0xA910]  }
0xae: {  	v54 =	vld [tilespmem:s6+$0x2920]  }
0xaf: {  	v55 =	vld [tilespmem:s6+$0xA920]  }
0xb0: {  	v56 =	vld [tilespmem:s6+$0x2930]  }
0xb1: {  	v57 =	vld [tilespmem:s6+$0xA930]  }
0xb2: {  	v58 =	vld [tilespmem:s6+$0x2940]  }
0xb3: {  	v59 =	vld [tilespmem:s6+$0xA940]  }
0xb4: {  	v60 =	vld [tilespmem:s6+$0x2950]  }
0xb5: {  	v61 =	vld [tilespmem:s6+$0xA950]  }
0xb6: {  	v62 =	vld [tilespmem:s6+$0x2960]  }
0xb7: {  	v63 =	vld [tilespmem:s6+$0xA960]  }
0xb8: {  	v5 =	vld [tilespmem:s6+$0x2970]  }
0xb9: {  	v2 =	vld [tilespmem:s6+$0xA970]  }
0xba: {  	v24 =	vld [tilespmem:s6+$0x2D00]  }
0xbb: {  	v25 =	vld [tilespmem:s6+$0xAD00]  }
0xbc: {  	v22 =	vld [tilespmem:s6+$0x2D10]  }
0xbd: {  	v23 =	vld [tilespmem:s6+$0xAD10]  }
0xbe: {  	v18 =	vld [tilespmem:s6+$0x2D20]  }
0xbf: {  	v0 =	vld [tilespmem:s6+$0x2D60]  }
0xc0: {  	v19 =	vld [tilespmem:s6+$0xAD20]  }
0xc1: {  	v15 =	vld [tilespmem:s6+$0x2D30]  }
0xc2: {  	v16 =	vld [tilespmem:s6+$0xAD30]  }
0xc3: {  	v12 =	vld [tilespmem:s6+$0x2D40];
	v1 =	vmul.f32 v6, v3  }
0xc4: {  	v13 =	vld [tilespmem:s6+$0xAD40];
	[tilespmem:$0x1FFC0] =	vst v0;
	v0 =	vmul.f32 v7, v4;
	v10 =	vmul.f32 v10, v3  }
0xc5: {  	v8 =	vld [tilespmem:s6+$0x2D50];
	v11 =	vmul.f32 v11, v4;
	v14 =	vmul.f32 v14, v3  }
0xc6: {  	v9 =	vld [tilespmem:s6+$0xAD50];
	v17 =	vmul.f32 v17, v4;
	v20 =	vmul.f32 v20, v3  }
0xc7: {  	v7 =	vld [tilespmem:s6+$0xAD60];
	v21 =	vmul.f32 v21, v4;
	v26 =	vmul.f32 v26, v3  }
0xc8: {  	v6 =	vld [tilespmem:s6+$0x2D70];
	v27 =	vmul.f32 v27, v4;
	v34 =	vmul.f32 v34, v3  }
0xc9: {  	v35 =	vmul.f32 v35, v4;
	v38 =	vmul.f32 v38, v3;
	v1 =	vadd.f32 v0, v1;
	v0 =	vld [tilespmem:s6+$0xAD70]  }
0xca: {  	v39 =	vmul.f32 v39, v4;
	v40 =	vmul.f32 v40, v3;
	v10 =	vadd.f32 v11, v10;
	v11 =	vld [tilespmem:s6+$0x3100]  }
0xcb: {  	v5 =	vmul.f32 v5, v3;
	v2 =	vmul.f32 v2, v4;
	[tilespmem:s6+$0x2100] =	vst v1;
	v1 =	vadd.f32 v17, v14;
	v14 =	vld [tilespmem:s6+$0xB100]  }
0xcc: {  	[tilespmem:s6+$0x2110] =	vst v10;
	v10 =	vadd.f32 v21, v20;
	v21 =	vmul.f32 v28, v3;
	v28 =	vmul.f32 v29, v4;
	v17 =	vld [tilespmem:s6+$0x3110]  }
0xcd: {  	v52 =	vmul.f32 v52, v3;
	v2 =	vadd.f32 v2, v5;
	v20 =	vld [tilespmem:s6+$0xB110];
	v29 =	vmul.f32 v33, v4;
	[tilespmem:s6+$0x2120] =	vst v1  }
0xce: {  	v1 =	vadd.f32 v27, v26;
	v26 =	vmul.f32 v30, v3;
	[tilespmem:s6+$0x2130] =	vst v10;
	v10 =	vadd.f32 v28, v21;
	v21 =	vld [tilespmem:s6+$0x3120]  }
0xcf: {  	v27 =	vmul.f32 v31, v4;
	v28 =	vmul.f32 v32, v3;
	v31 =	vld [tilespmem:s6+$0x3130]  }
0xd0: {  	v24 =	vmul.f32 v24, v3;
	v25 =	vmul.f32 v25, v4;
	[tilespmem:s6+$0x2970] =	vst v2;
	v32 =	vld [tilespmem:s6+$0xB130]  }
0xd1: {  	v18 =	vmul.f32 v18, v3;
	v33 =	vadd.f32 v27, v26;
	v26 =	vld [tilespmem:s6+$0xB120];
	[tilespmem:s6+$0x2150] =	vst v10;
	v10 =	vadd.f32 v29, v28  }
0xd2: {  	[tilespmem:s6+$0x2140] =	vst v1;
	v28 =	vmul.f32 v36, v3;
	v36 =	vmul.f32 v37, v4;
	v37 =	vadd.f32 v35, v34;
	v34 =	vld [tilespmem:s6+$0xB140]  }
0xd3: {  	v19 =	vmul.f32 v19, v4;
	v12 =	vmul.f32 v12, v3;
	v35 =	vld [tilespmem:s6+$0x3150];
	[tilespmem:s6+$0x2160] =	vst v33  }
0xd4: {  	v13 =	vmul.f32 v13, v4;
	v27 =	vld [tilespmem:s6+$0xB520];
	v29 =	vadd.f32 v25, v24;
	[tilespmem:s6+$0x2170] =	vst v10;
	v10 =	vadd.f32 v36, v28  }
0xd5: {  	v36 =	vmul.f32 v41, v4;
	v33 =	vld [tilespmem:s6+$0x3140];
	[tilespmem:s6+$0x2500] =	vst v37;
	v37 =	vadd.f32 v39, v38;
	v38 =	vmul.f32 v42, v3  }
0xd6: {  	v39 =	vmul.f32 v43, v4;
	v41 =	vmul.f32 v45, v4;
	v28 =	vld [tilespmem:s6+$0x3520];
	[tilespmem:s6+$0x2D00] =	vst v29  }
0xd7: {  	v43 =	vmul.f32 v46, v3;
	[tilespmem:s6+$0x2510] =	vst v10;
	v10 =	vadd.f32 v36, v40;
	v40 =	vmul.f32 v44, v3;
	v36 =	vld [tilespmem:s6+$0xB150]  }
0xd8: {  	v46 =	vmul.f32 v48, v3;
	[tilespmem:s6+$0x2520] =	vst v37;
	v42 =	vadd.f32 v39, v38;
	v44 =	vmul.f32 v47, v4;
	v37 =	vld [tilespmem:s6+$0x3160]  }
0xd9: {  	v47 =	vmul.f32 v49, v4;
	v49 =	vmul.f32 v50, v3;
	v38 =	vld [tilespmem:s6+$0xB160];
	[tilespmem:s6+$0x2530] =	vst v10;
	v45 =	vadd.f32 v41, v40  }
0xda: {  	v50 =	vmul.f32 v51, v4;
	v39 =	vld [tilespmem:s6+$0x3170];
	[tilespmem:s6+$0x2540] =	vst v42;
	v48 =	vadd.f32 v44, v43;
	v44 =	vmul.f32 v53, v4  }
0xdb: {  	v51 =	vadd.f32 v47, v46;
	v46 =	vmul.f32 v54, v3;
	v47 =	vmul.f32 v55, v4;
	v40 =	vld [tilespmem:s6+$0xB170];
	[tilespmem:s6+$0x2550] =	vst v45  }
0xdc: {  	v41 =	vld [tilespmem:s6+$0x3500];
	v53 =	vmul.f32 v59, v4;
	v55 =	vmul.f32 v60, v3;
	[tilespmem:s6+$0x2560] =	vst v48;
	v45 =	vadd.f32 v50, v49  }
0xdd: {  	v42 =	vld [tilespmem:s6+$0xB500];
	v59 =	vmul.f32 v63, v4;
	v63 =	vmul.f32 v23, v4;
	[tilespmem:s6+$0x2570] =	vst v51;
	v48 =	vadd.f32 v44, v52  }
0xde: {  	v43 =	vld [tilespmem:s6+$0x3510];
	v49 =	vmul.f32 v56, v3;
	v50 =	vmul.f32 v57, v4;
	v51 =	vadd.f32 v47, v46;
	[tilespmem:s6+$0x2900] =	vst v45  }
0xdf: {  	v23 =	vld [tilespmem:s6+$0xB530];
	v25 =	vmul.f32 v33, v3;
	v52 =	vmul.f32 v58, v3;
	v47 =	vadd.f32 v19, v18;
	[tilespmem:s6+$0x2910] =	vst v48  }
0xe0: {  	v56 =	vmul.f32 v61, v4;
	v58 =	vmul.f32 v62, v3;
	v44 =	vld [tilespmem:s6+$0xB510];
	v54 =	vadd.f32 v50, v49;
	[tilespmem:s6+$0x2920] =	vst v51  }
0xe1: {  	v62 =	vmul.f32 v22, v3;
	v22 =	vld [tilespmem:s6+$0x3530];
	v46 =	vmul.f32 v16, v4;
	v57 =	vadd.f32 v53, v52;
	[tilespmem:s6+$0x2D20] =	vst v47  }
0xe2: {  	v16 =	vld [tilespmem:s6+$0xB540];
	v33 =	vmul.f32 v37, v3;
	v60 =	vadd.f32 v56, v55;
	v45 =	vmul.f32 v15, v3;
	[tilespmem:s6+$0x2930] =	vst v54  }
0xe3: {  	v18 =	vld [tilespmem:s6+$0x3910];
	v61 =	vadd.f32 v59, v58;
	v49 =	vmul.f32 v8, v3;
	v50 =	vmul.f32 v9, v4;
	[tilespmem:s6+$0x2940] =	vst v57  }
0xe4: {  	v19 =	vld [tilespmem:s6+$0xB910];
	v30 =	vadd.f32 v63, v62;
	v56 =	vmul.f32 v11, v3;
	v58 =	vmul.f32 v17, v3;
	[tilespmem:s6+$0x2950] =	vst v60  }
0xe5: {  	v15 =	vld [tilespmem:s6+$0x3540];
	v51 =	vadd.f32 v13, v12;
	v59 =	vmul.f32 v20, v4;
	v62 =	vmul.f32 v26, v4;
	[tilespmem:s6+$0x2960] =	vst v61  }
0xe6: {  	v9 =	vld [tilespmem:s6+$0x3550];
	v20 =	vmul.f32 v31, v3;
	v26 =	vmul.f32 v34, v4;
	[tilespmem:s6+$0x2D10] =	vst v30;
	v48 =	vadd.f32 v46, v45  }
0xe7: {  	v52 =	vld [tilespmem:$0x1FFC0];
	v31 =	vmul.f32 v36, v4;
	v34 =	vmul.f32 v38, v4;
	v53 =	vadd.f32 v50, v49;
	[tilespmem:s6+$0x2D40] =	vst v51  }
0xe8: {  	v12 =	vld [tilespmem:s6+$0xB550];
	v36 =	vmul.f32 v39, v3;
	v37 =	vmul.f32 v40, v4;
	v63 =	vadd.f32 v59, v58;
	[tilespmem:s6+$0x2D30] =	vst v48  }
0xe9: {  	v11 =	vld [tilespmem:s6+$0x3570];
	v61 =	vmul.f32 v21, v3;
	v21 =	vmul.f32 v32, v4;
	v32 =	vadd.f32 v26, v25;
	[tilespmem:s6+$0x2D50] =	vst v53  }
0xea: {  	v13 =	vld [tilespmem:s6+$0xB570];
	v39 =	vmul.f32 v41, v3;
	v40 =	vmul.f32 v42, v4;
	v38 =	vadd.f32 v34, v33;
	[tilespmem:s6+$0x3110] =	vst v63  }
0xeb: {  	v0 =	vmul.f32 v0, v4;
	v17 =	vld [tilespmem:s6+$0xB900];
	v54 =	vmul.f32 v6, v3;
	v42 =	vadd.f32 v37, v36;
	[tilespmem:s6+$0x3140] =	vst v32  }
0xec: {  	v41 =	vld [tilespmem:s6+$0xB920];
	v57 =	vmul.f32 v14, v4;
	v47 =	vadd.f32 v40, v39;
	[tilespmem:s6+$0x3160] =	vst v38  }
0xed: {  	v6 =	vld [tilespmem:s6+$0x3560];
	v0 =	vadd.f32 v0, v54;
	[tilespmem:s6+$0x3170] =	vst v42  }
0xee: {  	v14 =	vld [tilespmem:s6+$0x3900];
	v60 =	vadd.f32 v57, v56;
	[tilespmem:s6+$0x3500] =	vst v47  }
0xef: {  	v7 =	vmul.f32 v7, v4;
	v30 =	vmul.f32 v35, v3;
	v46 =	vld [tilespmem:s6+$0x3930];
	v24 =	vadd.f32 v62, v61;
	[tilespmem:s6+$0x2D70] =	vst v0  }
0xf0: {  	v43 =	vmul.f32 v43, v3;
	v50 =	vld [tilespmem:s6+$0xB930];
	v45 =	vmul.f32 v44, v4;
	v29 =	vadd.f32 v21, v20;
	[tilespmem:s6+$0x3100] =	vst v60  }
0xf1: {  	v49 =	vmul.f32 v27, v4;
	v58 =	vld [tilespmem:s6+$0x3950];
	v35 =	vadd.f32 v31, v30;
	v10 =	vmul.f32 v52, v3;
	[tilespmem:s6+$0x3120] =	vst v24  }
0xf2: {  	v36 =	vld [tilespmem:s6+$0xB970];
	v53 =	vmul.f32 v23, v4;
	v51 =	vadd.f32 v45, v43;
	v52 =	vmul.f32 v22, v3;
	[tilespmem:s6+$0x3130] =	vst v29  }
0xf3: {  	v40 =	vld [tilespmem:s6+$0xB940];
	v57 =	vmul.f32 v16, v4;
	v56 =	vmul.f32 v15, v3;
	[tilespmem:s6+$0x3150] =	vst v35;
	v55 =	vadd.f32 v7, v10  }
0xf4: {  	v20 =	vld [tilespmem:s6+$0x3920];
	v26 =	vmul.f32 v11, v3;
	v27 =	vmul.f32 v13, v4;
	[tilespmem:s6+$0x3510] =	vst v51;
	v59 =	vadd.f32 v53, v52  }
0xf5: {  	v62 =	vld [tilespmem:s6+$0xB950];
	v61 =	vmul.f32 v12, v4;
	v60 =	vmul.f32 v9, v3;
	v63 =	vadd.f32 v57, v56;
	[tilespmem:s6+$0x2D60] =	vst v55  }
0xf6: {  	v34 =	vmul.f32 v18, v3;
	v16 =	vld [tilespmem:s6+$0x3960];
	v35 =	vmul.f32 v19, v4;
	v33 =	vadd.f32 v27, v26;
	[tilespmem:s6+$0x3530] =	vst v59  }
0xf7: {  	v48 =	vmul.f32 v28, v3;
	v28 =	vld [tilespmem:s6+$0xB960];
	v31 =	vmul.f32 v17, v4;
	v23 =	vadd.f32 v61, v60;
	[tilespmem:s6+$0x3540] =	vst v63  }
0xf8: {  	v32 =	vld [tilespmem:s6+$0x3970];
	v39 =	vmul.f32 v41, v4;
	v30 =	vmul.f32 v14, v3;
	v41 =	vadd.f32 v35, v34;
	[tilespmem:s6+$0x3570] =	vst v33  }
0xf9: {  	v10 =	vld [tilespmem:s6+$0xB560];
	v42 =	vmul.f32 v46, v3;
	v43 =	vmul.f32 v50, v4;
	v55 =	vadd.f32 v49, v48;
	[tilespmem:s6+$0x3550] =	vst v23  }
0xfa: {  	v54 =	vld [tilespmem:s6+$0x3940];
	v37 =	vadd.f32 v31, v30;
	v38 =	vmul.f32 v20, v3;
	[tilespmem:s6+$0x3910] =	vst v41  }
0xfb: {  	v45 =	vmul.f32 v58, v3;
	v46 =	vmul.f32 v62, v4;
	v47 =	vadd.f32 v43, v42;
	[tilespmem:s6+$0x3520] =	vst v55  }
0xfc: {  	v48 =	vmul.f32 v16, v3;
	v49 =	vmul.f32 v28, v4;
	[tilespmem:s6+$0x3900] =	vst v37;
	v44 =	vadd.f32 v39, v38  }
0xfd: {  	v52 =	vmul.f32 v36, v4;
	v51 =	vmul.f32 v32, v3;
	v50 =	vadd.f32 v46, v45;
	[tilespmem:s6+$0x3930] =	vst v47  }
0xfe: {  	v6 =	vmul.f32 v6, v3;
	v53 =	vadd.f32 v49, v48;
	v12 =	vmul.f32 v10, v4;
	[tilespmem:s6+$0x3920] =	vst v44  }
0xff: {  	s21 =	sand.u32 $0x7, s4;
	v54 =	vmul.f32 v54, v3;
	v55 =	vmul.f32 v40, v4;
	v56 =	vadd.f32 v52, v51;
	[tilespmem:s6+$0x3950] =	vst v50  }
0x100: {  	s19 =	sshll.u32 s21, $0x7;
	[tilespmem:s6+$0x3960] =	vst v53;
	v29 =	vadd.f32 v12, v6  }
0x101: {  	s19 =	sadd.s32 s19, s17;
	v2 =	vadd.f32 v55, v54;
	[tilespmem:s6+$0x3970] =	vst v56  }
0x102: {  	s21 =	sor.u32 $0x1C00, s19;
	[tilespmem:s6+$0x3560] =	vst v29  }
0x103: {  	[tilespmem:s6+$0x3940] =	vst v2;
	v0 =	vld [tilespmem:s21+$0x2100]  }
0x104: {  	v1 =	vld [tilespmem:s21+$0xA100];
	_ =	sdelay $0x4  }
0x105: {  	v0 =	vmul.f32 v0, v3;
	v1 =	vmul.f32 v1, v4;
	_ =	sdelay $0x1  }
0x106: {  	v0 =	vadd.f32 v1, v0;
	_ =	sdelay $0x1  }
0x107: {  	[tilespmem:s21+$0x2100] =	vst v0;
	s21 =	sor.u32 $0x1C10, s19  }
0x108: {  	v0 =	vld [tilespmem:s21+$0x2100]  }
0x109: {  	v57 =	vld [tilespmem:s21+$0xA100];
	_ =	sdelay $0x4  }
0x10a: {  	v0 =	vmul.f32 v0, v3;
	v1 =	vmul.f32 v57, v4;
	_ =	sdelay $0x1  }
0x10b: {  	v0 =	vadd.f32 v1, v0;
	_ =	sdelay $0x1  }
0x10c: {  	[tilespmem:s21+$0x2100] =	vst v0;
	s21 =	sor.u32 $0x1C20, s19  }
0x10d: {  	v0 =	vld [tilespmem:s21+$0x2100]  }
0x10e: {  	v58 =	vld [tilespmem:s21+$0xA100];
	_ =	sdelay $0x4  }
0x10f: {  	v0 =	vmul.f32 v0, v3;
	v1 =	vmul.f32 v58, v4;
	_ =	sdelay $0x1  }
0x110: {  	v0 =	vadd.f32 v1, v0;
	_ =	sdelay $0x1  }
0x111: {  	[tilespmem:s21+$0x2100] =	vst v0;
	s21 =	sor.u32 $0x1C30, s19  }
0x112: {  	v0 =	vld [tilespmem:s21+$0x2100]  }
0x113: {  	v59 =	vld [tilespmem:s21+$0xA100];
	_ =	sdelay $0x4  }
0x114: {  	v0 =	vmul.f32 v0, v3;
	v1 =	vmul.f32 v59, v4;
	_ =	sdelay $0x1  }
0x115: {  	v0 =	vadd.f32 v1, v0;
	_ =	sdelay $0x1  }
0x116: {  	[tilespmem:s21+$0x2100] =	vst v0;
	s21 =	sor.u32 $0x1C40, s19  }
0x117: {  	v0 =	vld [tilespmem:s21+$0x2100]  }
0x118: {  	v60 =	vld [tilespmem:s21+$0xA100];
	_ =	sdelay $0x4  }
0x119: {  	v0 =	vmul.f32 v0, v3;
	v1 =	vmul.f32 v60, v4;
	_ =	sdelay $0x1  }
0x11a: {  	v0 =	vadd.f32 v1, v0;
	_ =	sdelay $0x1  }
0x11b: {  	[tilespmem:s21+$0x2100] =	vst v0;
	s21 =	sor.u32 $0x1C50, s19  }
0x11c: {  	v0 =	vld [tilespmem:s21+$0x2100]  }
0x11d: {  	v61 =	vld [tilespmem:s21+$0xA100];
	_ =	sdelay $0x4  }
0x11e: {  	v0 =	vmul.f32 v0, v3;
	v1 =	vmul.f32 v61, v4;
	_ =	sdelay $0x1  }
0x11f: {  	v0 =	vadd.f32 v1, v0;
	_ =	sdelay $0x1  }
0x120: {  	[tilespmem:s21+$0x2100] =	vst v0;
	s21 =	sor.u32 $0x1C60, s19  }
0x121: {  	v0 =	vld [tilespmem:s21+$0x2100]  }
0x122: {  	v62 =	vld [tilespmem:s21+$0xA100];
	_ =	sdelay $0x4  }
0x123: {  	v0 =	vmul.f32 v0, v3;
	v1 =	vmul.f32 v62, v4;
	_ =	sdelay $0x1  }
0x124: {  	v0 =	vadd.f32 v1, v0;
	_ =	sdelay $0x1  }
0x125: {  	[tilespmem:s21+$0x2100] =	vst v0;
	s21 =	sor.u32 $0x1C70, s19  }
0x126: {  	v0 =	vld [tilespmem:s21+$0x2100]  }
0x127: {  	v63 =	vld [tilespmem:s21+$0xA100];
	_ =	sdelay $0x3  }
0x128: {  	p0 =	sne.s32 s5, $0xF80  }
.Ltmp0:
0x129: {  	v0 =	vmul.f32 v0, v3;
	v1 =	vmul.f32 v63, v4;
	(pc) =	sbr.rel @p0 .LBB2_2-.Ltmp0, $4  }
0x12a: {  	_ = 	snop  }
0x12b: {  	v0 =	vadd.f32 v1, v0  }
0x12c: {  	s4 =	sadd.s32 $0x1, s4;
	s2 =	sadd.s32 $0x80, s2  }
0x12d: {  	s16 =	sadd.s32 $0x80, s16;
	s5 =	sadd.s32 $0x80, s5;
	s17 =	sadd.s32 $0x400, s17;
	[tilespmem:s21+$0x2100] =	vst v0  }
0x12e: {  	s2 =	simm.s32 $0x0;
	s4 =	rddreg [dreg:$0x7]  }
0x12f: {  	[hbm4b:s4+s2] =	stream.linear.scatter [tilespmem:s20], [sflag:$0x2], $0x8000, $0x38;
	[tilespmem:$0x12100] =	vst v63  }
0x130: {  	_ =	swait.ge [sflag:s18], $0x8000  }
0x131: {  	[sflag:s18] =	ssyncset.done $0x0  }
0x132: {  	s6 =	rddreg [dreg:$0x8];
	[sflag:s18] =	ssyncadd.s32 $0xFFFF8000  }
0x133: {  	[tilespmem:s2], [sflag:$0x2] =	stream.linear.gather [hbm4b:s6+s2], $0x20, $0x38;
	[tilespmem:$0x12100] =	vst v63  }
0x134: {  	_ =	swait.ge [sflag:s18], $0x20  }
0x135: {  	[sflag:s18] =	ssyncset.done $0x0  }
0x136: {  	s5 =	simm.s32 $0x80;
	s16 =	rddreg [dreg:$0x9];
	[sflag:s18] =	ssyncadd.s32 $0xFFFFFFE0  }
0x137: {  	[tilespmem:s5], [sflag:$0x2] =	stream.linear.gather [hbm4b:s16+s2], $0x20, $0x38;
	[tilespmem:$0x12100] =	vst v63  }
0x138: {  	_ =	swait.ge [sflag:s18], $0x20  }
0x139: {  	[sflag:s18] =	ssyncset.done $0x0  }
0x13a: {  	s16 =	simm.s32 $0x100;
	s17 =	rddreg [dreg:$0xa];
	[sflag:s18] =	ssyncadd.s32 $0xFFFFFFE0  }
0x13b: {  	[tilespmem:s16], [sflag:$0x2] =	stream.linear.gather [hbm4b:s17+s2], $0x1000, $0x38;
	[tilespmem:$0x12100] =	vst v63  }
0x13c: {  	_ =	swait.ge [sflag:s18], $0x1000  }
0x13d: {  	[sflag:s18] =	ssyncset.done $0x0  }
0x13e: {  	s4 =	simm.s32 $0x1100;
	s19 =	rddreg [dreg:$0xb];
	[sflag:s18] =	ssyncadd.s32 $0xFFFFF000  }
0x13f: {  	[tilespmem:s4], [sflag:$0x2] =	stream.linear.gather [hbm4b:s19+s2], $0x1000, $0x38;
	[tilespmem:$0x12100] =	vst v63  }
0x140: {  	_ =	swait.ge [sflag:s18], $0x1000  }
0x141: {  	[sflag:s18] =	ssyncset.done $0x0  }
0x142: {  	[sflag:s18] =	ssyncadd.s32 $0xFFFFF000  }
0x143: {  	v0 =	vld [tilespmem:$0x0];
	_ =	sdelay $0x2  }
0x144: {  	v2 =	vld [tilespmem:$0x1FFD0];
	_ =	sdelay $0x1  }
0x145: {  	v3 =	vld [tilespmem:$0x1FFE0];
	v1 =	vshll.u32 v0, $0x3  }
0x146: {  	v0 =	vand.u32 $0x7, v0;
	v1 =	vand.u32 $0xFFFFFFC0, v1  }
0x147: {  	v0 =	vor.u32 v0, v1  }
0x148: {  	v1 =	vperm.xlane v0, v2;
	_ =	sdelay $0x1  }
0x149: {  	v1 =	vadd.s32 v3, v1  }
0x14a: {  	v4 =	vld [tilespmem:$0x1FFF0];
	_ =	sdelay $0x3  }
0x14b: {  	[tilespmem:s20], [sflag:$0x1] =	stream.indirect_vreg.gather [hbm4b:s3+s2], $0x80, v1, vm0, $0xb8;
	[tilespmem:$0x12100] =	vst v63  }
0x14c: {  	s21 =	simm.s32 $0x2900;
	v0 =	vperm.xlane v0, v4  }
0x14d: {  	[tilespmem:s21], [sflag:$0x1] =	stream.indirect_vreg.gather [hbm4b:s8+s2], $0x80, v1, vm0, $0xb8;
	[tilespmem:$0x12100] =	vst v63  }
0x14e: {  	s6 =	simm.s32 $0x3100;
	v0 =	vadd.s32 v3, v0  }
0x14f: {  	[tilespmem:s6], [sflag:$0x1] =	stream.indirect_vreg.gather [hbm4b:s9+s2], $0x80, v1, vm0, $0xb8;
	[tilespmem:$0x12100] =	vst v63  }
0x150: {  	s17 =	simm.s32 $0x3900  }
0x151: {  	[tilespmem:s17], [sflag:$0x1] =	stream.indirect_vreg.gather [hbm4b:s10+s2], $0x80, v1, vm0, $0xb8;
	[tilespmem:$0x12100] =	vst v63  }
0x152: {  	s19 =	simm.s32 $0x4100  }
0x153: {  	[tilespmem:s19], [sflag:$0x1] =	stream.indirect_vreg.gather [hbm4b:s3+s2], $0x80, v0, vm0, $0xb8;
	[tilespmem:$0x12100] =	vst v63  }
0x154: {  	s21 =	simm.s32 $0x4900  }
0x155: {  	[tilespmem:s21], [sflag:$0x1] =	stream.indirect_vreg.gather [hbm4b:s8+s2], $0x80, v0, vm0, $0xb8;
	[tilespmem:$0x12100] =	vst v63  }
0x156: {  	s6 =	simm.s32 $0x5100  }
0x157: {  	[tilespmem:s6], [sflag:$0x1] =	stream.indirect_vreg.gather [hbm4b:s9+s2], $0x80, v0, vm0, $0xb8;
	[tilespmem:$0x12100] =	vst v63  }
0x158: {  	s17 =	simm.s32 $0x5900  }
0x159: {  	[tilespmem:s17], [sflag:$0x1] =	stream.indirect_vreg.gather [hbm4b:s10+s2], $0x80, v0, vm0, $0xb8;
	[tilespmem:$0x12100] =	vst v63  }
0x15a: {  	v0 =	vld [tilespmem:$0x10];
	_ =	sdelay $0x4  }
0x15b: {  	v60 =	vshll.u32 v0, $0x3  }
0x15c: {  	v0 =	vand.u32 $0x7, v0;
	v1 =	vand.u32 $0xFFFFFFC0, v60  }
0x15d: {  	v0 =	vor.u32 v0, v1  }
0x15e: {  	v1 =	vperm.xlane v0, v2;
	_ =	sdelay $0x1  }
0x15f: {  	v1 =	vadd.s32 v3, v1;
	_ =	sdelay $0x3  }
0x160: {  	s19 =	simm.s32 $0x6100  }
0x161: {  	[tilespmem:s19], [sflag:$0x1] =	stream.indirect_vreg.gather [hbm4b:s3+s2], $0x80, v1, vm0, $0xb8;
	[tilespmem:$0x12100] =	vst v63  }
0x162: {  	s21 =	simm.s32 $0x6900;
	v0 =	vperm.xlane v0, v4  }
0x163: {  	[tilespmem:s21], [sflag:$0x1] =	stream.indirect_vreg.gather [hbm4b:s8+s2], $0x80, v1, vm0, $0xb8;
	[tilespmem:$0x12100] =	vst v63  }
0x164: {  	s6 =	simm.s32 $0x7100;
	v0 =	vadd.s32 v3, v0  }
0x165: {  	[tilespmem:s6], [sflag:$0x1] =	stream.indirect_vreg.gather [hbm4b:s9+s2], $0x80, v1, vm0, $0xb8;
	[tilespmem:$0x12100] =	vst v63  }
0x166: {  	s17 =	simm.s32 $0x7900  }
0x167: {  	[tilespmem:s17], [sflag:$0x1] =	stream.indirect_vreg.gather [hbm4b:s10+s2], $0x80, v1, vm0, $0xb8;
	[tilespmem:$0x12100] =	vst v63  }
0x168: {  	s19 =	simm.s32 $0x8100  }
0x169: {  	[tilespmem:s19], [sflag:$0x1] =	stream.indirect_vreg.gather [hbm4b:s3+s2], $0x80, v0, vm0, $0xb8;
	[tilespmem:$0x12100] =	vst v63  }
0x16a: {  	s21 =	simm.s32 $0x8900  }
0x16b: {  	[tilespmem:s21], [sflag:$0x1] =	stream.indirect_vreg.gather [hbm4b:s8+s2], $0x80, v0, vm0, $0xb8;
	[tilespmem:$0x12100] =	vst v63  }
0x16c: {  	s6 =	simm.s32 $0x9100  }
0x16d: {  	[tilespmem:s6], [sflag:$0x1] =	stream.indirect_vreg.gather [hbm4b:s9+s2], $0x80, v0, vm0, $0xb8;
	[tilespmem:$0x12100] =	vst v63  }
0x16e: {  	s17 =	simm.s32 $0x9900  }
0x16f: {  	[tilespmem:s17], [sflag:$0x1] =	stream.indirect_vreg.gather [hbm4b:s10+s2], $0x80, v0, vm0, $0xb8;
	[tilespmem:$0x12100] =	vst v63  }
0x170: {  	_ =	swait.ge [sflag:s7], $0x8000  }
0x171: {  	[sflag:s7] =	ssyncset.done $0x0  }
0x172: {  	[sflag:s7] =	ssyncadd.s32 $0xFFFF8000  }
0x173: {  	v61 =	vld [tilespmem:$0x80];
	_ =	sdelay $0x4  }
0x174: {  	v62 =	vshll.u32 v61, $0x3  }
0x175: {  	v0 =	vand.u32 $0x7, v61;
	v1 =	vand.u32 $0xFFFFFFC0, v62  }
0x176: {  	v0 =	vor.u32 v0, v1  }
0x177: {  	v1 =	vperm.xlane v0, v2;
	_ =	sdelay $0x1  }
0x178: {  	v1 =	vadd.s32 v3, v1;
	_ =	sdelay $0x3  }
0x179: {  	s19 =	simm.s32 $0xA100  }
0x17a: {  	[tilespmem:s19], [sflag:$0x1] =	stream.indirect_vreg.gather [hbm4b:s3+s2], $0x80, v1, vm0, $0xb8;
	[tilespmem:$0x12100] =	vst v63  }
0x17b: {  	s21 =	simm.s32 $0xA900;
	v0 =	vperm.xlane v0, v4  }
0x17c: {  	[tilespmem:s21], [sflag:$0x1] =	stream.indirect_vreg.gather [hbm4b:s8+s2], $0x80, v1, vm0, $0xb8;
	[tilespmem:$0x12100] =	vst v63  }
0x17d: {  	v0 =	vadd.s32 v3, v0  }
0x17e: {  	[tilespmem:s22], [sflag:$0x1] =	stream.indirect_vreg.gather [hbm4b:s9+s2], $0x80, v1, vm0, $0xb8;
	[tilespmem:$0x12100] =	vst v63  }
0x17f: {  	_ = 	snop  }
0x180: {  	[tilespmem:s23], [sflag:$0x1] =	stream.indirect_vreg.gather [hbm4b:s10+s2], $0x80, v1, vm0, $0xb8;
	[tilespmem:$0x12100] =	vst v63  }
0x181: {  	_ = 	snop  }
0x182: {  	[tilespmem:s24], [sflag:$0x1] =	stream.indirect_vreg.gather [hbm4b:s3+s2], $0x80, v0, vm0, $0xb8;
	[tilespmem:$0x12100] =	vst v63  }
0x183: {  	_ = 	snop  }
0x184: {  	[tilespmem:s25], [sflag:$0x1] =	stream.indirect_vreg.gather [hbm4b:s8+s2], $0x80, v0, vm0, $0xb8;
	[tilespmem:$0x12100] =	vst v63  }
0x185: {  	_ = 	snop  }
0x186: {  	[tilespmem:s11], [sflag:$0x1] =	stream.indirect_vreg.gather [hbm4b:s9+s2], $0x80, v0, vm0, $0xb8;
	[tilespmem:$0x12100] =	vst v63  }
0x187: {  	_ = 	snop  }
0x188: {  	[tilespmem:s26], [sflag:$0x1] =	stream.indirect_vreg.gather [hbm4b:s10+s2], $0x80, v0, vm0, $0xb8;
	[tilespmem:$0x12100] =	vst v63  }
0x189: {  	v0 =	vld [tilespmem:$0x90];
	_ =	sdelay $0x4  }
0x18a: {  	v63 =	vshll.u32 v0, $0x3  }
0x18b: {  	v0 =	vand.u32 $0x7, v0;
	v1 =	vand.u32 $0xFFFFFFC0, v63  }
0x18c: {  	v0 =	vor.u32 v0, v1  }
0x18d: {  	v1 =	vperm.xlane v0, v2;
	_ =	sdelay $0x1  }
0x18e: {  	v1 =	vadd.s32 v3, v1;
	_ =	sdelay $0x4  }
0x18f: {  	[tilespmem:s12], [sflag:$0x1] =	stream.indirect_vreg.gather [hbm4b:s3+s2], $0x80, v1, vm0, $0xb8;
	[tilespmem:$0x12100] =	vst v63  }
0x190: {  	v0 =	vperm.xlane v0, v4  }
0x191: {  	[tilespmem:s28], [sflag:$0x1] =	stream.indirect_vreg.gather [hbm4b:s8+s2], $0x80, v1, vm0, $0xb8;
	[tilespmem:$0x12100] =	vst v63  }
0x192: {  	v0 =	vadd.s32 v3, v0  }
0x193: {  	[tilespmem:s29], [sflag:$0x1] =	stream.indirect_vreg.gather [hbm4b:s9+s2], $0x80, v1, vm0, $0xb8;
	[tilespmem:$0x12100] =	vst v63  }
0x194: {  	_ = 	snop  }
0x195: {  	[tilespmem:s13], [sflag:$0x1] =	stream.indirect_vreg.gather [hbm4b:s10+s2], $0x80, v1, vm0, $0xb8;
	[tilespmem:$0x12100] =	vst v63  }
0x196: {  	_ = 	snop  }
0x197: {  	[tilespmem:s30], [sflag:$0x1] =	stream.indirect_vreg.gather [hbm4b:s3+s2], $0x80, v0, vm0, $0xb8;
	[tilespmem:$0x12100] =	vst v63  }
0x198: {  	_ = 	snop  }
0x199: {  	[tilespmem:s14], [sflag:$0x1] =	stream.indirect_vreg.gather [hbm4b:s8+s2], $0x80, v0, vm0, $0xb8;
	[tilespmem:$0x12100] =	vst v63  }
0x19a: {  	_ = 	snop  }
0x19b: {  	[tilespmem:s31], [sflag:$0x1] =	stream.indirect_vreg.gather [hbm4b:s9+s2], $0x80, v0, vm0, $0xb8;
	[tilespmem:$0x12100] =	vst v63  }
0x19c: {  	_ = 	snop  }
0x19d: {  	[tilespmem:s0], [sflag:$0x1] =	stream.indirect_vreg.gather [hbm4b:s10+s2], $0x80, v0, vm0, $0xb8;
	[tilespmem:$0x12100] =	vst v63  }
0x19e: {  	_ =	swait.ge [sflag:s7], $0x8000  }
0x19f: {  	[sflag:s7] =	ssyncset.done $0x0  }
0x1a0: {  	s5 =	simm.s32 $0x0;
	s17 =	simm.s32 $0x0;
	[sflag:s7] =	ssyncadd.s32 $0xFFFF8000  }
.LBB2_4:
0x1a1: {  	v3 =	vld [tilespmem:s16+$0x0];
	s6 =	sand.u32 $0x6000, s17;
	s19 =	sand.u32 $0x380, s5  }
0x1a2: {  	v4 =	vld [tilespmem:s4+$0x0];
	s6 =	sor.u32 s19, s6  }
0x1a3: {  	v0 =	vld [tilespmem:s6+$0x2100]  }
0x1a4: {  	v1 =	vld [tilespmem:s6+$0xA100]  }
0x1a5: {  	v2 =	vld [tilespmem:s6+$0x2110]  }
0x1a6: {  	v6 =	vld [tilespmem:s6+$0xA110]  }
0x1a7: {  	v10 =	vld [tilespmem:s6+$0x2120]  }
0x1a8: {  	v11 =	vld [tilespmem:s6+$0xA120]  }
0x1a9: {  	v14 =	vld [tilespmem:s6+$0x2130]  }
0x1aa: {  	v17 =	vld [tilespmem:s6+$0xA130]  }
0x1ab: {  	v20 =	vld [tilespmem:s6+$0x2140]  }
0x1ac: {  	v21 =	vld [tilespmem:s6+$0xA140]  }
0x1ad: {  	v26 =	vld [tilespmem:s6+$0x2150]  }
0x1ae: {  	v27 =	vld [tilespmem:s6+$0xA150]  }
0x1af: {  	v28 =	vld [tilespmem:s6+$0x2160]  }
0x1b0: {  	v29 =	vld [tilespmem:s6+$0xA160]  }
0x1b1: {  	v30 =	vld [tilespmem:s6+$0x2170]  }
0x1b2: {  	v31 =	vld [tilespmem:s6+$0xA170]  }
0x1b3: {  	v32 =	vld [tilespmem:s6+$0x2500]  }
0x1b4: {  	v33 =	vld [tilespmem:s6+$0xA500]  }
0x1b5: {  	v34 =	vld [tilespmem:s6+$0x2510]  }
0x1b6: {  	v35 =	vld [tilespmem:s6+$0xA510]  }
0x1b7: {  	v36 =	vld [tilespmem:s6+$0x2520]  }
0x1b8: {  	v37 =	vld [tilespmem:s6+$0xA520]  }
0x1b9: {  	v38 =	vld [tilespmem:s6+$0x2530]  }
0x1ba: {  	v39 =	vld [tilespmem:s6+$0xA530]  }
0x1bb: {  	v40 =	vld [tilespmem:s6+$0x2540]  }
0x1bc: {  	v41 =	vld [tilespmem:s6+$0xA540]  }
0x1bd: {  	v42 =	vld [tilespmem:s6+$0x2550]  }
0x1be: {  	v43 =	vld [tilespmem:s6+$0xA550]  }
0x1bf: {  	v44 =	vld [tilespmem:s6+$0x2560]  }
0x1c0: {  	v45 =	vld [tilespmem:s6+$0xA560]  }
0x1c1: {  	v46 =	vld [tilespmem:s6+$0x2570]  }
0x1c2: {  	v47 =	vld [tilespmem:s6+$0xA570]  }
0x1c3: {  	v48 =	vld [tilespmem:s6+$0x2900]  }
0x1c4: {  	v49 =	vld [tilespmem:s6+$0xA900]  }
0x1c5: {  	v50 =	vld [tilespmem:s6+$0x2910]  }
0x1c6: {  	v51 =	vld [tilespmem:s6+$0xA910]  }
0x1c7: {  	v52 =	vld [tilespmem:s6+$0x2920]  }
0x1c8: {  	v53 =	vld [tilespmem:s6+$0xA920]  }
0x1c9: {  	v54 =	vld [tilespmem:s6+$0x2930]  }
0x1ca: {  	v55 =	vld [tilespmem:s6+$0xA930]  }
0x1cb: {  	v56 =	vld [tilespmem:s6+$0x2940]  }
0x1cc: {  	v57 =	vld [tilespmem:s6+$0xA940]  }
0x1cd: {  	v58 =	vld [tilespmem:s6+$0x2950]  }
0x1ce: {  	v59 =	vld [tilespmem:s6+$0xA950]  }
0x1cf: {  	v60 =	vld [tilespmem:s6+$0x2960]  }
0x1d0: {  	v61 =	vld [tilespmem:s6+$0xA960]  }
0x1d1: {  	v62 =	vld [tilespmem:s6+$0x2970]  }
0x1d2: {  	v63 =	vld [tilespmem:s6+$0xA970]  }
0x1d3: {  	v24 =	vld [tilespmem:s6+$0x2D00]  }
0x1d4: {  	v25 =	vld [tilespmem:s6+$0xAD00]  }
0x1d5: {  	v22 =	vld [tilespmem:s6+$0x2D10]  }
0x1d6: {  	v23 =	vld [tilespmem:s6+$0xAD10]  }
0x1d7: {  	v18 =	vld [tilespmem:s6+$0x2D20]  }
0x1d8: {  	v19 =	vld [tilespmem:s6+$0xAD20]  }
0x1d9: {  	v15 =	vld [tilespmem:s6+$0x2D30]  }
0x1da: {  	v16 =	vld [tilespmem:s6+$0xAD30]  }
0x1db: {  	v5 =	vld [tilespmem:s6+$0x2D60]  }
0x1dc: {  	v12 =	vld [tilespmem:s6+$0x2D40]  }
0x1dd: {  	v13 =	vld [tilespmem:s6+$0xAD40]  }
0x1de: {  	v8 =	vld [tilespmem:s6+$0x2D50]  }
0x1df: {  	v9 =	vld [tilespmem:s6+$0xAD50];
	v0 =	vmul.f32 v0, v3;
	v1 =	vmul.f32 v1, v4  }
0x1e0: {  	v7 =	vld [tilespmem:s6+$0xAD60];
	[tilespmem:$0x1FFA0] =	vst v5;
	v5 =	vmul.f32 v2, v3;
	v2 =	vmul.f32 v6, v4  }
0x1e1: {  	v6 =	vld [tilespmem:s6+$0x2D70];
	v17 =	vmul.f32 v17, v4;
	v0 =	vadd.f32 v1, v0  }
0x1e2: {  	v1 =	vmul.f32 v10, v3;
	v10 =	vld [tilespmem:s6+$0xAD70];
	v5 =	vadd.f32 v2, v5;
	v2 =	vmul.f32 v14, v3  }
0x1e3: {  	v11 =	vmul.f32 v11, v4;
	v14 =	vld [tilespmem:s6+$0xB100]  }
0x1e4: {  	v26 =	vmul.f32 v26, v3;
	v2 =	vadd.f32 v17, v2;
	v17 =	vld [tilespmem:s6+$0x3110]  }
0x1e5: {  	[tilespmem:s6+$0x2100] =	vst v0;
	v0 =	vadd.f32 v11, v1;
	v1 =	vmul.f32 v20, v3;
	v11 =	vmul.f32 v21, v4;
	v20 =	vld [tilespmem:s6+$0xB110]  }
0x1e6: {  	v27 =	vmul.f32 v27, v4;
	v30 =	vmul.f32 v30, v3;
	v21 =	vld [tilespmem:s6+$0x3120];
	[tilespmem:$0x1FFB0] =	vst v6  }
0x1e7: {  	v31 =	vmul.f32 v31, v4;
	v33 =	vmul.f32 v33, v4;
	v6 =	vld [tilespmem:s6+$0x3100];
	[tilespmem:s6+$0x2120] =	vst v0;
	v0 =	vadd.f32 v11, v1  }
0x1e8: {  	v1 =	vmul.f32 v28, v3;
	v11 =	vmul.f32 v29, v4;
	[tilespmem:s6+$0x2130] =	vst v2;
	v2 =	vadd.f32 v27, v26;
	v26 =	vld [tilespmem:s6+$0xB120]  }
0x1e9: {  	v42 =	vmul.f32 v42, v3;
	[tilespmem:s6+$0x2110] =	vst v5;
	v5 =	vmul.f32 v34, v3;
	v28 =	vld [tilespmem:s6+$0x3130]  }
0x1ea: {  	v34 =	vmul.f32 v37, v4;
	v29 =	vld [tilespmem:s6+$0xB130];
	[tilespmem:s6+$0x2140] =	vst v0;
	v0 =	vadd.f32 v11, v1;
	v1 =	vmul.f32 v32, v3  }
0x1eb: {  	v37 =	vmul.f32 v39, v4;
	[tilespmem:s6+$0x2150] =	vst v2;
	v2 =	vadd.f32 v31, v30;
	v32 =	vmul.f32 v35, v4;
	v30 =	vld [tilespmem:s6+$0x3140]  }
0x1ec: {  	v31 =	vld [tilespmem:s6+$0xB140];
	[tilespmem:s6+$0x2160] =	vst v0;
	v0 =	vadd.f32 v33, v1;
	v33 =	vmul.f32 v36, v3;
	v36 =	vmul.f32 v38, v3  }
0x1ed: {  	v39 =	vmul.f32 v40, v3;
	v40 =	vmul.f32 v41, v4;
	v11 =	vld [tilespmem:s6+$0xB550];
	[tilespmem:s6+$0x2170] =	vst v2;
	v35 =	vadd.f32 v32, v5  }
0x1ee: {  	v56 =	vmul.f32 v56, v3;
	v32 =	vld [tilespmem:s6+$0x3150];
	[tilespmem:s6+$0x2500] =	vst v0;
	v38 =	vadd.f32 v34, v33;
	v41 =	vadd.f32 v37, v36  }
0x1ef: {  	[tilespmem:s6+$0x2510] =	vst v35;
	v36 =	vmul.f32 v43, v4;
	v37 =	vadd.f32 v40, v39;
	v39 =	vmul.f32 v45, v4;
	v33 =	vld [tilespmem:s6+$0xB150]  }
0x1f0: {  	v34 =	vld [tilespmem:s6+$0x3160];
	v45 =	vmul.f32 v49, v4;
	[tilespmem:s6+$0x2520] =	vst v38;
	v38 =	vmul.f32 v44, v3  }
0x1f1: {  	v35 =	vld [tilespmem:s6+$0xB160];
	[tilespmem:s6+$0x2530] =	vst v41;
	v40 =	vadd.f32 v36, v42;
	v41 =	vmul.f32 v46, v3;
	v42 =	vmul.f32 v47, v4  }
0x1f2: {  	[tilespmem:s6+$0x2540] =	vst v37;
	v44 =	vmul.f32 v48, v3;
	v47 =	vmul.f32 v50, v3;
	v36 =	vld [tilespmem:s6+$0x3170];
	v43 =	vadd.f32 v39, v38  }
0x1f3: {  	v48 =	vmul.f32 v51, v4;
	v50 =	vmul.f32 v52, v3;
	v37 =	vld [tilespmem:s6+$0xB170];
	[tilespmem:s6+$0x2550] =	vst v40;
	v46 =	vadd.f32 v42, v41  }
0x1f4: {  	v51 =	vmul.f32 v53, v4;
	v53 =	vmul.f32 v54, v3;
	v49 =	vadd.f32 v45, v44;
	v38 =	vld [tilespmem:s6+$0x3500];
	[tilespmem:s6+$0x2560] =	vst v43  }
0x1f5: {  	v54 =	vmul.f32 v55, v4;
	v52 =	vadd.f32 v48, v47;
	v44 =	vmul.f32 v57, v4;
	v39 =	vld [tilespmem:s6+$0xB500];
	[tilespmem:s6+$0x2570] =	vst v46  }
0x1f6: {  	v55 =	vadd.f32 v51, v50;
	v47 =	vmul.f32 v59, v4;
	v40 =	vld [tilespmem:s6+$0x3510];
	v50 =	vmul.f32 v61, v4;
	[tilespmem:s6+$0x2900] =	vst v49  }
0x1f7: {  	v45 =	vadd.f32 v54, v53;
	v41 =	vld [tilespmem:s6+$0xB510];
	v53 =	vmul.f32 v63, v4;
	[tilespmem:s6+$0x2910] =	vst v52;
	v46 =	vmul.f32 v58, v3  }
0x1f8: {  	v42 =	vld [tilespmem:s6+$0x3520];
	v59 =	vmul.f32 v23, v4;
	[tilespmem:s6+$0x2920] =	vst v55;
	v48 =	vadd.f32 v44, v56;
	v49 =	vmul.f32 v60, v3  }
0x1f9: {  	v23 =	vld [tilespmem:s6+$0x3530];
	v61 =	vmul.f32 v18, v3;
	[tilespmem:s6+$0x2930] =	vst v45;
	v52 =	vmul.f32 v62, v3;
	v51 =	vadd.f32 v47, v46  }
0x1fa: {  	v18 =	vld [tilespmem:s6+$0xB530];
	v55 =	vmul.f32 v24, v3;
	v56 =	vmul.f32 v25, v4;
	[tilespmem:s6+$0x2940] =	vst v48;
	v54 =	vadd.f32 v50, v49  }
0x1fb: {  	v24 =	vld [tilespmem:s6+$0xB520];
	v58 =	vmul.f32 v22, v3;
	v62 =	vmul.f32 v19, v4;
	v57 =	vadd.f32 v53, v52;
	[tilespmem:s6+$0x2950] =	vst v51  }
0x1fc: {  	v22 =	vmul.f32 v15, v3;
	v25 =	vmul.f32 v16, v4;
	v16 =	vld [tilespmem:s6+$0x3540];
	v60 =	vadd.f32 v56, v55;
	[tilespmem:s6+$0x2960] =	vst v54  }
0x1fd: {  	v43 =	vmul.f32 v12, v3;
	v44 =	vmul.f32 v13, v4;
	v12 =	vld [tilespmem:s6+$0xB540];
	v63 =	vadd.f32 v59, v58;
	[tilespmem:s6+$0x2970] =	vst v57  }
0x1fe: {  	v13 =	vld [tilespmem:s6+$0x3570];
	v27 =	vadd.f32 v62, v61;
	v46 =	vmul.f32 v8, v3;
	v47 =	vmul.f32 v9, v4;
	[tilespmem:s6+$0x2D00] =	vst v60  }
0x1ff: {  	v15 =	vld [tilespmem:s6+$0x3900];
	v45 =	vadd.f32 v25, v22;
	v55 =	vmul.f32 v14, v4;
	v58 =	vmul.f32 v20, v4;
	[tilespmem:s6+$0x2D10] =	vst v63  }
0x200: {  	v19 =	vld [tilespmem:s6+$0x3910];
	v48 =	vadd.f32 v44, v43;
	v22 =	vmul.f32 v30, v3;
	v25 =	vmul.f32 v31, v4;
	[tilespmem:s6+$0x2D20] =	vst v27  }
0x201: {  	v9 =	vld [tilespmem:s6+$0x3550];
	v30 =	vmul.f32 v34, v3;
	v31 =	vmul.f32 v35, v4;
	[tilespmem:s6+$0x2D30] =	vst v45;
	v50 =	vadd.f32 v47, v46  }
0x202: {  	v49 =	vld [tilespmem:$0x1FFA0];
	v20 =	vmul.f32 v29, v4;
	[tilespmem:s6+$0x2D40] =	vst v48;
	v54 =	vmul.f32 v6, v3;
	v29 =	vadd.f32 v25, v22  }
0x203: {  	v52 =	vmul.f32 v10, v4;
	v10 =	vld [tilespmem:s6+$0x3560];
	v57 =	vmul.f32 v17, v3;
	v35 =	vadd.f32 v31, v30;
	[tilespmem:s6+$0x2D50] =	vst v50  }
0x204: {  	v61 =	vmul.f32 v26, v4;
	v14 =	vld [tilespmem:s6+$0xB570];
	v60 =	vmul.f32 v21, v3;
	v59 =	vadd.f32 v55, v54;
	[tilespmem:s6+$0x3140] =	vst v29  }
0x205: {  	v7 =	vmul.f32 v7, v4;
	v44 =	vld [tilespmem:s6+$0x3930];
	v63 =	vmul.f32 v28, v3;
	v62 =	vadd.f32 v58, v57;
	[tilespmem:s6+$0x3160] =	vst v35  }
0x206: {  	v51 =	vld [tilespmem:$0x1FFB0];
	v27 =	vmul.f32 v32, v3;
	v28 =	vmul.f32 v33, v4;
	v21 =	vadd.f32 v61, v60;
	[tilespmem:s6+$0x3100] =	vst v59  }
0x207: {  	v34 =	vmul.f32 v37, v4;
	v17 =	vld [tilespmem:s6+$0xB900];
	v33 =	vmul.f32 v36, v3;
	v26 =	vadd.f32 v20, v63;
	[tilespmem:s6+$0x3110] =	vst v62  }
0x208: {  	v37 =	vmul.f32 v39, v4;
	v36 =	vmul.f32 v38, v3;
	v38 =	vld [tilespmem:s6+$0xB920];
	v32 =	vadd.f32 v28, v27;
	[tilespmem:s6+$0x3120] =	vst v21  }
0x209: {  	v40 =	vmul.f32 v40, v3;
	v43 =	vmul.f32 v41, v4;
	v48 =	vld [tilespmem:s6+$0xB930];
	v39 =	vadd.f32 v34, v33;
	[tilespmem:s6+$0x3130] =	vst v26  }
0x20a: {  	v31 =	vld [tilespmem:s6+$0x3970];
	v45 =	vadd.f32 v37, v36;
	v50 =	vmul.f32 v23, v3;
	v1 =	vmul.f32 v49, v3;
	[tilespmem:s6+$0x3150] =	vst v32  }
0x20b: {  	v20 =	vld [tilespmem:s6+$0xB910];
	v23 =	vmul.f32 v13, v3;
	v49 =	vadd.f32 v43, v40;
	[tilespmem:s6+$0x3170] =	vst v39;
	v26 =	vmul.f32 v14, v4  }
0x20c: {  	v46 =	vmul.f32 v42, v3;
	v55 =	vld [tilespmem:s6+$0x3950];
	[tilespmem:s6+$0x3500] =	vst v45;
	v5 =	vmul.f32 v51, v3;
	v53 =	vadd.f32 v7, v1  }
0x20d: {  	v47 =	vmul.f32 v24, v4;
	v58 =	vmul.f32 v11, v4;
	v63 =	vld [tilespmem:s6+$0x3960];
	[tilespmem:s6+$0x3510] =	vst v49;
	v32 =	vadd.f32 v26, v23  }
0x20e: {  	v27 =	vld [tilespmem:s6+$0xB960];
	v29 =	vmul.f32 v15, v3;
	v57 =	vmul.f32 v9, v3;
	v56 =	vadd.f32 v52, v5;
	[tilespmem:s6+$0x2D60] =	vst v53  }
0x20f: {  	v35 =	vld [tilespmem:s6+$0xB970];
	v41 =	vmul.f32 v44, v3;
	v30 =	vmul.f32 v17, v4;
	v52 =	vadd.f32 v47, v46;
	[tilespmem:s6+$0x3570] =	vst v32  }
0x210: {  	v21 =	vld [tilespmem:s6+$0x3920];
	v42 =	vmul.f32 v48, v4;
	v53 =	vmul.f32 v16, v3;
	v16 =	vadd.f32 v58, v57;
	[tilespmem:s6+$0x2D70] =	vst v56  }
0x211: {  	v59 =	vld [tilespmem:s6+$0xB950];
	v51 =	vmul.f32 v18, v4;
	v36 =	vadd.f32 v30, v29;
	[tilespmem:s6+$0x3520] =	vst v52  }
0x212: {  	v54 =	vmul.f32 v12, v4;
	v39 =	vld [tilespmem:s6+$0xB940];
	v46 =	vadd.f32 v42, v41;
	[tilespmem:s6+$0x3550] =	vst v16  }
0x213: {  	v33 =	vmul.f32 v19, v3;
	v7 =	vld [tilespmem:s6+$0xB560];
	v34 =	vmul.f32 v20, v4;
	v56 =	vadd.f32 v51, v50;
	[tilespmem:s6+$0x3900] =	vst v36  }
0x214: {  	v18 =	vld [tilespmem:s6+$0x3940];
	v47 =	vmul.f32 v63, v3;
	v48 =	vmul.f32 v27, v4;
	v60 =	vadd.f32 v54, v53;
	[tilespmem:s6+$0x3930] =	vst v46  }
0x215: {  	v38 =	vmul.f32 v38, v4;
	v37 =	vmul.f32 v21, v3;
	v40 =	vadd.f32 v34, v33;
	[tilespmem:s6+$0x3530] =	vst v56  }
0x216: {  	v44 =	vmul.f32 v55, v3;
	v45 =	vmul.f32 v59, v4;
	v52 =	vadd.f32 v48, v47;
	[tilespmem:s6+$0x3540] =	vst v60  }
0x217: {  	v50 =	vmul.f32 v31, v3;
	v51 =	vmul.f32 v35, v4;
	v43 =	vadd.f32 v38, v37;
	[tilespmem:s6+$0x3910] =	vst v40  }
0x218: {  	v61 =	vmul.f32 v10, v3;
	v62 =	vmul.f32 v7, v4;
	v49 =	vadd.f32 v45, v44;
	[tilespmem:s6+$0x3960] =	vst v52  }
0x219: {  	s21 =	sand.u32 $0x7, s2;
	v54 =	vmul.f32 v39, v4;
	v53 =	vmul.f32 v18, v3;
	v55 =	vadd.f32 v51, v50;
	[tilespmem:s6+$0x3920] =	vst v43  }
0x21a: {  	s19 =	sshll.u32 s21, $0x7;
	v28 =	vadd.f32 v62, v61;
	[tilespmem:s6+$0x3950] =	vst v49  }
0x21b: {  	s19 =	sadd.s32 s19, s17;
	v56 =	vadd.f32 v54, v53;
	[tilespmem:s6+$0x3970] =	vst v55  }
0x21c: {  	s21 =	sor.u32 $0x1C00, s19;
	[tilespmem:s6+$0x3560] =	vst v28  }
0x21d: {  	[tilespmem:s6+$0x3940] =	vst v56;
	v0 =	vld [tilespmem:s21+$0x2100]  }
0x21e: {  	v1 =	vld [tilespmem:s21+$0xA100];
	_ =	sdelay $0x4  }
0x21f: {  	v0 =	vmul.f32 v0, v3;
	v1 =	vmul.f32 v1, v4;
	_ =	sdelay $0x1  }
0x220: {  	v0 =	vadd.f32 v1, v0;
	_ =	sdelay $0x1  }
0x221: {  	[tilespmem:s21+$0x2100] =	vst v0;
	s21 =	sor.u32 $0x1C10, s19  }
0x222: {  	v0 =	vld [tilespmem:s21+$0x2100]  }
0x223: {  	v57 =	vld [tilespmem:s21+$0xA100];
	_ =	sdelay $0x4  }
0x224: {  	v0 =	vmul.f32 v0, v3;
	v1 =	vmul.f32 v57, v4;
	_ =	sdelay $0x1  }
0x225: {  	v0 =	vadd.f32 v1, v0;
	_ =	sdelay $0x1  }
0x226: {  	[tilespmem:s21+$0x2100] =	vst v0;
	s21 =	sor.u32 $0x1C20, s19  }
0x227: {  	v0 =	vld [tilespmem:s21+$0x2100]  }
0x228: {  	v58 =	vld [tilespmem:s21+$0xA100];
	_ =	sdelay $0x4  }
0x229: {  	v0 =	vmul.f32 v0, v3;
	v1 =	vmul.f32 v58, v4;
	_ =	sdelay $0x1  }
0x22a: {  	v0 =	vadd.f32 v1, v0;
	_ =	sdelay $0x1  }
0x22b: {  	[tilespmem:s21+$0x2100] =	vst v0;
	s21 =	sor.u32 $0x1C30, s19  }
0x22c: {  	v0 =	vld [tilespmem:s21+$0x2100]  }
0x22d: {  	v59 =	vld [tilespmem:s21+$0xA100];
	_ =	sdelay $0x4  }
0x22e: {  	v0 =	vmul.f32 v0, v3;
	v1 =	vmul.f32 v59, v4;
	_ =	sdelay $0x1  }
0x22f: {  	v0 =	vadd.f32 v1, v0;
	_ =	sdelay $0x1  }
0x230: {  	[tilespmem:s21+$0x2100] =	vst v0;
	s21 =	sor.u32 $0x1C40, s19  }
0x231: {  	v0 =	vld [tilespmem:s21+$0x2100]  }
0x232: {  	v60 =	vld [tilespmem:s21+$0xA100];
	_ =	sdelay $0x4  }
0x233: {  	v0 =	vmul.f32 v0, v3;
	v1 =	vmul.f32 v60, v4;
	_ =	sdelay $0x1  }
0x234: {  	v0 =	vadd.f32 v1, v0;
	_ =	sdelay $0x1  }
0x235: {  	[tilespmem:s21+$0x2100] =	vst v0;
	s21 =	sor.u32 $0x1C50, s19  }
0x236: {  	v0 =	vld [tilespmem:s21+$0x2100]  }
0x237: {  	v61 =	vld [tilespmem:s21+$0xA100];
	_ =	sdelay $0x4  }
0x238: {  	v0 =	vmul.f32 v0, v3;
	v1 =	vmul.f32 v61, v4;
	_ =	sdelay $0x1  }
0x239: {  	v0 =	vadd.f32 v1, v0;
	_ =	sdelay $0x1  }
0x23a: {  	[tilespmem:s21+$0x2100] =	vst v0;
	s21 =	sor.u32 $0x1C60, s19  }
0x23b: {  	v0 =	vld [tilespmem:s21+$0x2100]  }
0x23c: {  	v62 =	vld [tilespmem:s21+$0xA100];
	_ =	sdelay $0x4  }
0x23d: {  	v0 =	vmul.f32 v0, v3;
	v1 =	vmul.f32 v62, v4;
	_ =	sdelay $0x1  }
0x23e: {  	v0 =	vadd.f32 v1, v0;
	_ =	sdelay $0x1  }
0x23f: {  	[tilespmem:s21+$0x2100] =	vst v0;
	s21 =	sor.u32 $0x1C70, s19  }
0x240: {  	v0 =	vld [tilespmem:s21+$0x2100]  }
0x241: {  	v63 =	vld [tilespmem:s21+$0xA100];
	_ =	sdelay $0x3  }
0x242: {  	p0 =	sne.s32 s5, $0xF80  }
.Ltmp1:
0x243: {  	v0 =	vmul.f32 v0, v3;
	v1 =	vmul.f32 v63, v4;
	(pc) =	sbr.rel @p0 .LBB2_4-.Ltmp1, $4  }
0x244: {  	_ = 	snop  }
0x245: {  	v0 =	vadd.f32 v1, v0  }
0x246: {  	s2 =	sadd.s32 $0x1, s2;
	s16 =	sadd.s32 $0x80, s16  }
0x247: {  	s4 =	sadd.s32 $0x80, s4;
	s5 =	sadd.s32 $0x80, s5;
	s17 =	sadd.s32 $0x400, s17;
	[tilespmem:s21+$0x2100] =	vst v0  }
0x248: {  	s2 =	rddreg [dreg:$0xc]  }
0x249: {  	[hbm4b:s2+s1] =	stream.linear.scatter [tilespmem:s20], [sflag:$0x2], $0x8000, $0x38;
	[tilespmem:$0x12100] =	vst v63  }
0x24a: {  	_ =	swait.ge [sflag:s18], $0x8000  }
0x24b: {  	s15 =	sadd.s32 $0x1, s15;
	s21 =	rddreg [dreg:$0xd]  }
0x24c: {  	p0 =	sne.s32 s15, s21  }
.Ltmp2:
0x24d: {  	_ = 	snop;
	(pc) =	sbr.rel @p0 .LBB2_1-.Ltmp2, $3  }
0x24e: {  	_ =	sdelay $0x1  }
0x24f: {  	[sflag:s18] =	ssyncset.done $0x0  }
0x250: {  	[sflag:s18] =	ssyncadd.s32 $0xFFFF8000  }
0x251: {  	_ =	sfence.sel $0x180000  }
0x252: {  	[bflag:$0x0] =	sbarrier.arrive $0xFFFF  }
0x253: {  	_ =	strace $0x9000004A  }
0x254: {  	s0 =	stileid.u32;
	[bflag:$0x2] =	sbarrier.arrive $0xFFFF  }
0x255: {  	p0 =	sne.s32 s0, $0x0;
	s0 =	rddreg [dreg:$0x2]  }
0x256: {  	s0 =	sadd.s32 @!p0 $0x100000, s0  }
0x257: {  	[sflag:s0] =	ssyncadd.tile.s32 @!p0 $0x1;
	_ =	shalt  }
.Lfunc_end2:
_tile_overlayer_lowered:
.L_overlay_start_2:
0x258: {  	(tag) =	ssettag $0x2  }
0x259: {  	s0 =	rddreg [dreg:$0x0];
	s2 =	stileid.u32  }
0x25a: {  	s1 =	rddreg [dreg:$0x1];
	p0 =	sne.s32 s2, $0x0  }
0x25b: {  	s3 =	rddreg [dreg:$0x2];
	[bflag:$0x3] =	sbarrier.arrive $0xFFFF;
	s2 =	simm.s32 @!p0 $0x1C02  }
0x25c: {  	[timem:s3], [sflag:s2] =	dma.local @!p0 [hbm:s0], s1  }
0x25d: {  	s0 =	simm.s32 @!p0 $0x2  }
0x25e: {  	_ =	swait.ge @!p0 [sflag:s0], s1  }
0x25f: {  	s1 =	ssub.s32 @!p0 $0x0, s1;
	[sflag:s0] =	ssyncset.done @!p0 $0x0  }
0x260: {  	[sflag:s0] =	ssyncadd.s32 @!p0 s1  }
0x261: {  	[bflag:$0x3] =	sbarrier.arrive $0xFFFF  }
0x262: {  	_ =	shalt  }

</sc_bundles>
